<compile_context>
chip_gen: v7x
topology: tpu7x:2x2x1
jax: 0.10.2.dev20260603
libtpu: 0.0.44.dev20260713+nightly
codegen_flags: <defaults>
</compile_context>

<pallas_src>
import functools

import jax
import jax.numpy as jnp
from jax import lax
from jax.experimental import pallas as pl
from jax.experimental.pallas import tpu as pltpu
from jax.experimental.pallas import tpu_sc as plsc

Q = 1024
D = 128
K_REAL = 100000
KB = 2048
NBLK = 49
KPAD = NBLK * KB
NGRP = NBLK * 128
NSEL = 112
NCAND = NSEL * 16
TOPK = 100
NEG = -3.0e38
BIGI = 2**30


def _k1_body(q_ref, k_ref, s_ref, gm_ref):
    i = pl.program_id(0)
    s = jax.lax.dot_general(
        q_ref[...], k_ref[...],
        dimension_numbers=(((1,), (1,)), ((), ())),
        preferred_element_type=jnp.float32,
    )
    col = jax.lax.broadcasted_iota(jnp.int32, (Q, KB), 1) + i * KB
    s = jnp.where(col < K_REAL, s, NEG)
    s_ref[...] = s
    gm = s[:, 0:128]
    for t in range(1, 16):
        gm = jnp.maximum(gm, s[:, t * 128:(t + 1) * 128])
    gm_ref[...] = gm


def _k2_body(gm_ref, j_ref, scr_ref):
    scr_ref[...] = gm_ref[...]
    qt = scr_ref.shape[0]
    giota = jax.lax.broadcasted_iota(jnp.int32, (qt, NGRP), 1)
    lane = jax.lax.broadcasted_iota(jnp.int32, (qt, NSEL), 1)

    def body(i, iacc):
        cur = scr_ref[...]
        am = jnp.argmax(cur, axis=1)
        scr_ref[...] = jnp.where(giota == am[:, None], NEG, cur)
        return jnp.where(lane == i, am[:, None], iacc)

    j_ref[...] = lax.fori_loop(0, NSEL, body, jnp.zeros((qt, NSEL), jnp.int32))


def _k4_body(c_ref, ci_ref, v_ref, i_ref, scr_ref):
    scr_ref[...] = c_ref[...]
    qt = scr_ref.shape[0]
    idx = ci_ref[...]
    lane = jax.lax.broadcasted_iota(jnp.int32, (qt, NSEL), 1)

    def body(i, acc):
        vacc, iacc = acc
        cur = scr_ref[...]
        m = jnp.max(cur, axis=1, keepdims=True)
        cand = jnp.where(cur == m, idx, BIGI)
        g = jnp.min(cand, axis=1, keepdims=True)
        scr_ref[...] = jnp.where(cand == g, NEG, cur)
        vacc = jnp.where(lane == i, m, vacc)
        iacc = jnp.where(lane == i, g, iacc)
        return (vacc, iacc)

    vacc, iacc = lax.fori_loop(
        0, TOPK, body,
        (jnp.zeros((qt, NSEL), jnp.float32), jnp.zeros((qt, NSEL), jnp.int32)),
    )
    v_ref[...] = vacc
    i_ref[...] = iacc


def _sc_body(j_hbm, s_hbm, c_hbm, cidx_hbm, jbuf, idxbuf, colbuf, databuf, sem):
    wid = lax.axis_index("s") * 2 + lax.axis_index("c")
    q0 = wid * 32
    pltpu.sync_copy(j_hbm.at[pl.ds(q0, 32)], jbuf)

    def per_q(q, carry):
        qg = q0 + q
        for c0 in range(0, NSEL, 16):
            g16 = jbuf[q, pl.ds(c0, 16)]
            col0 = (g16 >> 7) * KB + (g16 & 127)
            for t in range(16):
                colv = col0 + (128 * t)
                colbuf[t, pl.ds(c0, 16)] = colv
                idxbuf[t, pl.ds(c0, 16)] = colv + qg * KPAD
        copies = [
            pltpu.async_copy(s_hbm.at[idxbuf.at[ch]], databuf.at[ch], sem)
            for ch in range(16)
        ]
        for cp in copies:
            cp.wait()
        pltpu.sync_copy(databuf, c_hbm.at[qg])
        pltpu.sync_copy(colbuf, cidx_hbm.at[qg])
        return carry

    lax.fori_loop(0, 32, per_q, 0)


def kernel(queries, keys, k):
    keys_p = jnp.pad(keys, ((0, KPAD - K_REAL), (0, 0)))

    s_full, gm = pl.pallas_call(
        _k1_body,
        grid=(NBLK,),
        in_specs=[
            pl.BlockSpec((Q, D), lambda i: (0, 0)),
            pl.BlockSpec((KB, D), lambda i: (i, 0)),
        ],
        out_specs=[
            pl.BlockSpec((Q, KB), lambda i: (0, i)),
            pl.BlockSpec((Q, 128), lambda i: (0, i)),
        ],
        out_shape=[
            jax.ShapeDtypeStruct((Q, KPAD), jnp.float32),
            jax.ShapeDtypeStruct((Q, NGRP), jnp.float32),
        ],
    )(queries, keys_p)

    jsel = pl.pallas_call(
        _k2_body,
        grid=(4,),
        in_specs=[pl.BlockSpec((Q // 4, NGRP), lambda i: (i, 0))],
        out_specs=pl.BlockSpec((Q // 4, NSEL), lambda i: (i, 0)),
        out_shape=jax.ShapeDtypeStruct((Q, NSEL), jnp.int32),
        scratch_shapes=[pltpu.VMEM((Q // 4, NGRP), jnp.float32)],
    )(gm)

    s_flat = jnp.reshape(s_full, (Q * KPAD,))

    mesh = plsc.VectorSubcoreMesh(core_axis_name="c", subcore_axis_name="s")
    sc_gather = functools.partial(
        pl.kernel,
        mesh=mesh,
        out_type=[
            jax.ShapeDtypeStruct((Q, 16, NSEL), jnp.float32),
            jax.ShapeDtypeStruct((Q, 16, NSEL), jnp.int32),
        ],
        scratch_types=[
            pltpu.VMEM((32, NSEL), jnp.int32),
            pltpu.VMEM((16, NSEL), jnp.int32),
            pltpu.VMEM((16, NSEL), jnp.int32),
            pltpu.VMEM((16, NSEL), jnp.float32),
            pltpu.SemaphoreType.DMA,
        ],
    )(_sc_body)
    cand, candidx = sc_gather(jsel, s_flat)

    cand = jnp.reshape(cand, (Q, NCAND))
    candidx = jnp.reshape(candidx, (Q, NCAND))

    vals, idxs = pl.pallas_call(
        _k4_body,
        grid=(8,),
        in_specs=[
            pl.BlockSpec((Q // 8, NCAND), lambda i: (i, 0)),
            pl.BlockSpec((Q // 8, NCAND), lambda i: (i, 0)),
        ],
        out_specs=[
            pl.BlockSpec((Q // 8, NSEL), lambda i: (i, 0)),
            pl.BlockSpec((Q // 8, NSEL), lambda i: (i, 0)),
        ],
        out_shape=[
            jax.ShapeDtypeStruct((Q, NSEL), jnp.float32),
            jax.ShapeDtypeStruct((Q, NSEL), jnp.int32),
        ],
        scratch_shapes=[pltpu.VMEM((Q // 8, NCAND), jnp.float32)],
    )(cand, candidx)

    k_zero = jnp.asarray(k) * 0
    values = vals[:, :TOPK] + k_zero.astype(jnp.float32)
    indices = idxs[:, :TOPK] + k_zero.astype(jnp.int32)
    return values, indices

# --- scband reference (transcript-rebuilt; emitter-appended) ---
"""Pipeline reference for scband-left-75600014344429 (READ-ONLY COPY).

The authoritative reference and input builder live on the scoring server;
editing this copy changes nothing except your own understanding.
"""

import jax, jax.numpy as jnp
import numpy as np


def setup_inputs(seed: int = 0) -> dict:
    key = jax.random.key(seed)
    k1, k2 = jax.random.split(key)
    queries = jax.random.normal(k1, (1024, 128), dtype=jnp.float32)
    keys = jax.random.normal(k2, (100000, 128), dtype=jnp.float32)
    return {"queries": queries, "keys": keys, "k": 100}


def reference(queries, keys, k):
    # Core retrieval step of LEFT's beam search: score all candidate leaf
    # embeddings against the query embedding (inner-product scoring used by
    # meta_tcom.get_score), then rank candidates descending and keep the top
    # beam (argsort(scores, descending=True)[:beam] == top_k).
    scores = queries @ keys.T  # [Q, K] dense scoring matmul (compute-bound)
    beam = 100  # static beam width; setup_inputs always passes k=100
    values, indices = jax.lax.top_k(scores, beam)  # beam selection / final ranking
    k_zero = jnp.asarray(k) * 0
    values = values + k_zero.astype(values.dtype)
    indices = indices + k_zero.astype(indices.dtype)
    return values, indices

if __name__ == "__main__":
    import jax
    _d = setup_inputs()
    print(jax.jit(kernel)(*tuple(_d.values())))

</pallas_src>

<mosaic_0001>
#map = affine_map<(d0, d1) -> (0, 0)>
#map1 = affine_map<(d0, d1) -> (0)>
#map2 = affine_map<(d0, d1) -> (0, 0, 0)>
module attributes {stable_mosaic.version = 14 : i64} {
  func.func @_sc_body(%arg0: i32, %arg1: i32, %arg2: memref<1024x112xi32, #tpu.memory_space<hbm>>, %arg3: memref<102760448xf32, #tpu.memory_space<hbm>>, %arg4: memref<1024x16x112xf32, #tpu.memory_space<hbm>>, %arg5: memref<1024x16x112xi32, #tpu.memory_space<hbm>>, %arg6: memref<32x112xi32, #tpu.memory_space<vmem>>, %arg7: memref<16x112xi32, #tpu.memory_space<vmem>>, %arg8: memref<16x112xi32, #tpu.memory_space<vmem>>, %arg9: memref<16x112xf32, #tpu.memory_space<vmem>>, %arg10: memref<!tpu.dma_semaphore, #tpu.memory_space<semaphore_mem>>) attributes {dimension_semantics = [#tpu.dimension_semantics<core_parallel>, #tpu.dimension_semantics<subcore_parallel>], iteration_bounds = array<i64: 2, 16>, scalar_prefetch = 0 : i64, scratch_operands = 5 : i64, tpu.core_type = #tpu.core_type<sc_vector_subcore>, window_params = [{transform_indices = #map}, {transform_indices = #map1}, {transform_indices = #map2}, {transform_indices = #map2}]} {
    %mul3A = arith.constant 2 : i32
    %mul3A_0 = arith.muli %arg1, %mul3A : i32
    %add3A = arith.addi %mul3A_0, %arg0 : i32
    %mul3A_1 = arith.constant 32 : i32
    %mul3A_2 = arith.muli %add3A, %mul3A_1 : i32
    "tpu.region"() ({
      %run_scoped3A = tpu.sem_alloc : memref<!tpu.dma_semaphore, #tpu.memory_space<semaphore_mem>>
      %dma_start3A = arith.constant 0 : i32
      %dma_start3A_8 = tpu.memref_slice %arg2[%mul3A_2, %dma_start3A] : memref<1024x112xi32, #tpu.memory_space<hbm>> -> memref<32x112xi32, #tpu.memory_space<hbm>>
      %dma_start3A_9 = arith.constant 0 : i32
      %dma_start3A_10 = tpu.memref_slice %arg2[%mul3A_2, %dma_start3A_9] : memref<1024x112xi32, #tpu.memory_space<hbm>> -> memref<32x112xi32, #tpu.memory_space<hbm>>
      tpu.enqueue_dma source(%dma_start3A_10 : memref<32x112xi32, #tpu.memory_space<hbm>>) target(%arg6 : memref<32x112xi32, #tpu.memory_space<vmem>>) target_semaphore(%run_scoped3A : memref<!tpu.dma_semaphore, #tpu.memory_space<semaphore_mem>>)
      %dma_wait3A = arith.constant 0 : i32
      %dma_wait3A_11 = tpu.memref_slice %arg2[%mul3A_2, %dma_wait3A] : memref<1024x112xi32, #tpu.memory_space<hbm>> -> memref<32x112xi32, #tpu.memory_space<hbm>>
      %dma_wait3A_12 = arith.constant 0 : i32
      %dma_wait3A_13 = tpu.memref_slice %arg2[%mul3A_2, %dma_wait3A_12] : memref<1024x112xi32, #tpu.memory_space<hbm>> -> memref<32x112xi32, #tpu.memory_space<hbm>>
      tpu.wait_dma2 semaphore(%run_scoped3A : memref<!tpu.dma_semaphore, #tpu.memory_space<semaphore_mem>>) src(%dma_wait3A_13 : memref<32x112xi32, #tpu.memory_space<hbm>>) dst(%arg6 : memref<32x112xi32, #tpu.memory_space<vmem>>)
      tpu.yield
    }) : () -> ()
    %scan3A = arith.constant 0 : i32
    %scan3A_3 = arith.constant 0 : i32
    %scan3A_4 = arith.constant 32 : i32
    %scan3A_5 = arith.addi %scan3A_3, %scan3A_4 : i32
    %scan3A_6 = arith.constant 1 : i32
    scf.for %scan3A_8 = %scan3A_3 to %scan3A_5 step %scan3A_6  : i32 {
      %add3A_9 = arith.addi %mul3A_2, %scan3A_8 : i32
      %get3A = arith.index_cast %scan3A_8 : i32 to index
      %get3A_10 = arith.constant 0 : index
      %get3A_11 = tpu.vector_load %arg6[%get3A, %get3A_10] {strides = array<i32>} : memref<32x112xi32, #tpu.memory_space<vmem>>, vector<1x16xi32>,
      %get3A_12 = vector.shape_cast %get3A_11 : vector<1x16xi32> to vector<16xi32>
      %shift_right_arithmetic3A = arith.constant 7 : i32
      %shift_right_arithmetic3A_13 = vector.broadcast %shift_right_arithmetic3A : i32 to vector<16xi32>
      %shift_right_arithmetic3A_14 = arith.shrsi %get3A_12, %shift_right_arithmetic3A_13 : vector<16xi32>
      %mul3A_15 = arith.constant 2048 : i32
      %mul3A_16 = vector.broadcast %mul3A_15 : i32 to vector<16xi32>
      %mul3A_17 = arith.muli %shift_right_arithmetic3A_14, %mul3A_16 : vector<16xi32>
      %and3A = arith.constant 127 : i32
      %and3A_18 = vector.broadcast %and3A : i32 to vector<16xi32>
      %and3A_19 = arith.andi %get3A_12, %and3A_18 : vector<16xi32>
      %add3A_20 = arith.addi %mul3A_17, %and3A_19 : vector<16xi32>
      %add3A_21 = arith.constant 0 : i32
      %add3A_22 = vector.broadcast %add3A_21 : i32 to vector<16xi32>
      %add3A_23 = arith.addi %add3A_20, %add3A_22 : vector<16xi32>
      %swap3A = arith.constant 0 : i32
      %swap3A_24 = arith.index_cast %swap3A : i32 to index
      %swap3A_25 = arith.constant 0 : index
      %swap3A_26 = tpu.vector_load %arg8[%swap3A_24, %swap3A_25] {strides = array<i32>} : memref<16x112xi32, #tpu.memory_space<vmem>>, vector<1x16xi32>,
      %swap3A_27 = vector.shape_cast %swap3A_26 : vector<1x16xi32> to vector<16xi32>
      %swap3A_28 = vector.shape_cast %add3A_23 : vector<16xi32> to vector<1x16xi32>
      tpu.vector_store %arg8[%swap3A_24, %swap3A_25], %swap3A_28 {strides = array<i32>} : memref<16x112xi32, #tpu.memory_space<vmem>>, vector<1x16xi32>,
      %mul3A_29 = arith.constant 100352 : i32
      %mul3A_30 = arith.muli %add3A_9, %mul3A_29 : i32
      %add3A_31 = vector.broadcast %mul3A_30 : i32 to vector<16xi32>
      %add3A_32 = arith.addi %add3A_23, %add3A_31 : vector<16xi32>
      %swap3A_33 = arith.constant 0 : i32
      %swap3A_34 = arith.index_cast %swap3A_33 : i32 to index
      %swap3A_35 = arith.constant 0 : index
      %swap3A_36 = tpu.vector_load %arg7[%swap3A_34, %swap3A_35] {strides = array<i32>} : memref<16x112xi32, #tpu.memory_space<vmem>>, vector<1x16xi32>,
      %swap3A_37 = vector.shape_cast %swap3A_36 : vector<1x16xi32> to vector<16xi32>
      %swap3A_38 = vector.shape_cast %add3A_32 : vector<16xi32> to vector<1x16xi32>
      tpu.vector_store %arg7[%swap3A_34, %swap3A_35], %swap3A_38 {strides = array<i32>} : memref<16x112xi32, #tpu.memory_space<vmem>>, vector<1x16xi32>,
      %add3A_39 = arith.constant 128 : i32
      %add3A_40 = vector.broadcast %add3A_39 : i32 to vector<16xi32>
      %add3A_41 = arith.addi %add3A_20, %add3A_40 : vector<16xi32>
      %swap3A_42 = arith.constant 1 : i32
      %swap3A_43 = arith.index_cast %swap3A_42 : i32 to index
      %swap3A_44 = arith.constant 0 : index
      %swap3A_45 = tpu.vector_load %arg8[%swap3A_43, %swap3A_44] {strides = array<i32>} : memref<16x112xi32, #tpu.memory_space<vmem>>, vector<1x16xi32>,
      %swap3A_46 = vector.shape_cast %swap3A_45 : vector<1x16xi32> to vector<16xi32>
      %swap3A_47 = vector.shape_cast %add3A_41 : vector<16xi32> to vector<1x16xi32>
      tpu.vector_store %arg8[%swap3A_43, %swap3A_44], %swap3A_47 {strides = array<i32>} : memref<16x112xi32, #tpu.memory_space<vmem>>, vector<1x16xi32>,
      %mul3A_48 = arith.constant 100352 : i32
      %mul3A_49 = arith.muli %add3A_9, %mul3A_48 : i32
      %add3A_50 = vector.broadcast %mul3A_49 : i32 to vector<16xi32>
      %add3A_51 = arith.addi %add3A_41, %add3A_50 : vector<16xi32>
      %swap3A_52 = arith.constant 1 : i32
      %swap3A_53 = arith.index_cast %swap3A_52 : i32 to index
      %swap3A_54 = arith.constant 0 : index
      %swap3A_55 = tpu.vector_load %arg7[%swap3A_53, %swap3A_54] {strides = array<i32>} : memref<16x112xi32, #tpu.memory_space<vmem>>, vector<1x16xi32>,
      %swap3A_56 = vector.shape_cast %swap3A_55 : vector<1x16xi32> to vector<16xi32>
      %swap3A_57 = vector.shape_cast %add3A_51 : vector<16xi32> to vector<1x16xi32>
      tpu.vector_store %arg7[%swap3A_53, %swap3A_54], %swap3A_57 {strides = array<i32>} : memref<16x112xi32, #tpu.memory_space<vmem>>, vector<1x16xi32>,
      %add3A_58 = arith.constant 256 : i32
      %add3A_59 = vector.broadcast %add3A_58 : i32 to vector<16xi32>
      %add3A_60 = arith.addi %add3A_20, %add3A_59 : vector<16xi32>
      %swap3A_61 = arith.constant 2 : i32
      %swap3A_62 = arith.index_cast %swap3A_61 : i32 to index
      %swap3A_63 = arith.constant 0 : index
      %swap3A_64 = tpu.vector_load %arg8[%swap3A_62, %swap3A_63] {strides = array<i32>} : memref<16x112xi32, #tpu.memory_space<vmem>>, vector<1x16xi32>,
      %swap3A_65 = vector.shape_cast %swap3A_64 : vector<1x16xi32> to vector<16xi32>
      %swap3A_66 = vector.shape_cast %add3A_60 : vector<16xi32> to vector<1x16xi32>
      tpu.vector_store %arg8[%swap3A_62, %swap3A_63], %swap3A_66 {strides = array<i32>} : memref<16x112xi32, #tpu.memory_space<vmem>>, vector<1x16xi32>,
      %mul3A_67 = arith.constant 100352 : i32
      %mul3A_68 = arith.muli %add3A_9, %mul3A_67 : i32
      %add3A_69 = vector.broadcast %mul3A_68 : i32 to vector<16xi32>
      %add3A_70 = arith.addi %add3A_60, %add3A_69 : vector<16xi32>
      %swap3A_71 = arith.constant 2 : i32
      %swap3A_72 = arith.index_cast %swap3A_71 : i32 to index
      %swap3A_73 = arith.constant 0 : index
      %swap3A_74 = tpu.vector_load %arg7[%swap3A_72, %swap3A_73] {strides = array<i32>} : memref<16x112xi32, #tpu.memory_space<vmem>>, vector<1x16xi32>,
      %swap3A_75 = vector.shape_cast %swap3A_74 : vector<1x16xi32> to vector<16xi32>
      %swap3A_76 = vector.shape_cast %add3A_70 : vector<16xi32> to vector<1x16xi32>
      tpu.vector_store %arg7[%swap3A_72, %swap3A_73], %swap3A_76 {strides = array<i32>} : memref<16x112xi32, #tpu.memory_space<vmem>>, vector<1x16xi32>,
      %add3A_77 = arith.constant 384 : i32
      %add3A_78 = vector.broadcast %add3A_77 : i32 to vector<16xi32>
      %add3A_79 = arith.addi %add3A_20, %add3A_78 : vector<16xi32>
      %swap3A_80 = arith.constant 3 : i32
      %swap3A_81 = arith.index_cast %swap3A_80 : i32 to index
      %swap3A_82 = arith.constant 0 : index
      %swap3A_83 = tpu.vector_load %arg8[%swap3A_81, %swap3A_82] {strides = array<i32>} : memref<16x112xi32, #tpu.memory_space<vmem>>, vector<1x16xi32>,
      %swap3A_84 = vector.shape_cast %swap3A_83 : vector<1x16xi32> to vector<16xi32>
      %swap3A_85 = vector.shape_cast %add3A_79 : vector<16xi32> to vector<1x16xi32>
      tpu.vector_store %arg8[%swap3A_81, %swap3A_82], %swap3A_85 {strides = array<i32>} : memref<16x112xi32, #tpu.memory_space<vmem>>, vector<1x16xi32>,
      %mul3A_86 = arith.constant 100352 : i32
      %mul3A_87 = arith.muli %add3A_9, %mul3A_86 : i32
      %add3A_88 = vector.broadcast %mul3A_87 : i32 to vector<16xi32>
      %add3A_89 = arith.addi %add3A_79, %add3A_88 : vector<16xi32>
      %swap3A_90 = arith.constant 3 : i32
      %swap3A_91 = arith.index_cast %swap3A_90 : i32 to index
      %swap3A_92 = arith.constant 0 : index
      %swap3A_93 = tpu.vector_load %arg7[%swap3A_91, %swap3A_92] {strides = array<i32>} : memref<16x112xi32, #tpu.memory_space<vmem>>, vector<1x16xi32>,
      %swap3A_94 = vector.shape_cast %swap3A_93 : vector<1x16xi32> to vector<16xi32>
      %swap3A_95 = vector.shape_cast %add3A_89 : vector<16xi32> to vector<1x16xi32>
      tpu.vector_store %arg7[%swap3A_91, %swap3A_92], %swap3A_95 {strides = array<i32>} : memref<16x112xi32, #tpu.memory_space<vmem>>, vector<1x16xi32>,
      %add3A_96 = arith.constant 512 : i32
      %add3A_97 = vector.broadcast %add3A_96 : i32 to vector<16xi32>
      %add3A_98 = arith.addi %add3A_20, %add3A_97 : vector<16xi32>
      %swap3A_99 = arith.constant 4 : i32
      %swap3A_100 = arith.index_cast %swap3A_99 : i32 to index
      %swap3A_101 = arith.constant 0 : index
      %swap3A_102 = tpu.vector_load %arg8[%swap3A_100, %swap3A_101] {strides = array<i32>} : memref<16x112xi32, #tpu.memory_space<vmem>>, vector<1x16xi32>,
      %swap3A_103 = vector.shape_cast %swap3A_102 : vector<1x16xi32> to vector<16xi32>
      %swap3A_104 = vector.shape_cast %add3A_98 : vector<16xi32> to vector<1x16xi32>
      tpu.vector_store %arg8[%swap3A_100, %swap3A_101], %swap3A_104 {strides = array<i32>} : memref<16x112xi32, #tpu.memory_space<vmem>>, vector<1x16xi32>,
      %mul3A_105 = arith.constant 100352 : i32
      %mul3A_106 = arith.muli %add3A_9, %mul3A_105 : i32
      %add3A_107 = vector.broadcast %mul3A_106 : i32 to vector<16xi32>
      %add3A_108 = arith.addi %add3A_98, %add3A_107 : vector<16xi32>
      %swap3A_109 = arith.constant 4 : i32
      %swap3A_110 = arith.index_cast %swap3A_109 : i32 to index
      %swap3A_111 = arith.constant 0 : index
      %swap3A_112 = tpu.vector_load %arg7[%swap3A_110, %swap3A_111] {strides = array<i32>} : memref<16x112xi32, #tpu.memory_space<vmem>>, vector<1x16xi32>,
      %swap3A_113 = vector.shape_cast %swap3A_112 : vector<1x16xi32> to vector<16xi32>
      %swap3A_114 = vector.shape_cast %add3A_108 : vector<16xi32> to vector<1x16xi32>
      tpu.vector_store %arg7[%swap3A_110, %swap3A_111], %swap3A_114 {strides = array<i32>} : memref<16x112xi32, #tpu.memory_space<vmem>>, vector<1x16xi32>,
      %add3A_115 = arith.constant 640 : i32
      %add3A_116 = vector.broadcast %add3A_115 : i32 to vector<16xi32>
      %add3A_117 = arith.addi %add3A_20, %add3A_116 : vector<16xi32>
      %swap3A_118 = arith.constant 5 : i32
      %swap3A_119 = arith.index_cast %swap3A_118 : i32 to index
      %swap3A_120 = arith.constant 0 : index
      %swap3A_121 = tpu.vector_load %arg8[%swap3A_119, %swap3A_120] {strides = array<i32>} : memref<16x112xi32, #tpu.memory_space<vmem>>, vector<1x16xi32>,
      %swap3A_122 = vector.shape_cast %swap3A_121 : vector<1x16xi32> to vector<16xi32>
      %swap3A_123 = vector.shape_cast %add3A_117 : vector<16xi32> to vector<1x16xi32>
      tpu.vector_store %arg8[%swap3A_119, %swap3A_120], %swap3A_123 {strides = array<i32>} : memref<16x112xi32, #tpu.memory_space<vmem>>, vector<1x16xi32>,
      %mul3A_124 = arith.constant 100352 : i32
      %mul3A_125 = arith.muli %add3A_9, %mul3A_124 : i32
      %add3A_126 = vector.broadcast %mul3A_125 : i32 to vector<16xi32>
      %add3A_127 = arith.addi %add3A_117, %add3A_126 : vector<16xi32>
      %swap3A_128 = arith.constant 5 : i32
      %swap3A_129 = arith.index_cast %swap3A_128 : i32 to index
      %swap3A_130 = arith.constant 0 : index
      %swap3A_131 = tpu.vector_load %arg7[%swap3A_129, %swap3A_130] {strides = array<i32>} : memref<16x112xi32, #tpu.memory_space<vmem>>, vector<1x16xi32>,
      %swap3A_132 = vector.shape_cast %swap3A_131 : vector<1x16xi32> to vector<16xi32>
      %swap3A_133 = vector.shape_cast %add3A_127 : vector<16xi32> to vector<1x16xi32>
      tpu.vector_store %arg7[%swap3A_129, %swap3A_130], %swap3A_133 {strides = array<i32>} : memref<16x112xi32, #tpu.memory_space<vmem>>, vector<1x16xi32>,
      %add3A_134 = arith.constant 768 : i32
      %add3A_135 = vector.broadcast %add3A_134 : i32 to vector<16xi32>
      %add3A_136 = arith.addi %add3A_20, %add3A_135 : vector<16xi32>
      %swap3A_137 = arith.constant 6 : i32
      %swap3A_138 = arith.index_cast %swap3A_137 : i32 to index
      %swap3A_139 = arith.constant 0 : index
      %swap3A_140 = tpu.vector_load %arg8[%swap3A_138, %swap3A_139] {strides = array<i32>} : memref<16x112xi32, #tpu.memory_space<vmem>>, vector<1x16xi32>,
      %swap3A_141 = vector.shape_cast %swap3A_140 : vector<1x16xi32> to vector<16xi32>
      %swap3A_142 = vector.shape_cast %add3A_136 : vector<16xi32> to vector<1x16xi32>
      tpu.vector_store %arg8[%swap3A_138, %swap3A_139], %swap3A_142 {strides = array<i32>} : memref<16x112xi32, #tpu.memory_space<vmem>>, vector<1x16xi32>,
      %mul3A_143 = arith.constant 100352 : i32
      %mul3A_144 = arith.muli %add3A_9, %mul3A_143 : i32
      %add3A_145 = vector.broadcast %mul3A_144 : i32 to vector<16xi32>
      %add3A_146 = arith.addi %add3A_136, %add3A_145 : vector<16xi32>
      %swap3A_147 = arith.constant 6 : i32
      %swap3A_148 = arith.index_cast %swap3A_147 : i32 to index
      %swap3A_149 = arith.constant 0 : index
      %swap3A_150 = tpu.vector_load %arg7[%swap3A_148, %swap3A_149] {strides = array<i32>} : memref<16x112xi32, #tpu.memory_space<vmem>>, vector<1x16xi32>,
      %swap3A_151 = vector.shape_cast %swap3A_150 : vector<1x16xi32> to vector<16xi32>
      %swap3A_152 = vector.shape_cast %add3A_146 : vector<16xi32> to vector<1x16xi32>
      tpu.vector_store %arg7[%swap3A_148, %swap3A_149], %swap3A_152 {strides = array<i32>} : memref<16x112xi32, #tpu.memory_space<vmem>>, vector<1x16xi32>,
      %add3A_153 = arith.constant 896 : i32
      %add3A_154 = vector.broadcast %add3A_153 : i32 to vector<16xi32>
      %add3A_155 = arith.addi %add3A_20, %add3A_154 : vector<16xi32>
      %swap3A_156 = arith.constant 7 : i32
      %swap3A_157 = arith.index_cast %swap3A_156 : i32 to index
      %swap3A_158 = arith.constant 0 : index
      %swap3A_159 = tpu.vector_load %arg8[%swap3A_157, %swap3A_158] {strides = array<i32>} : memref<16x112xi32, #tpu.memory_space<vmem>>, vector<1x16xi32>,
      %swap3A_160 = vector.shape_cast %swap3A_159 : vector<1x16xi32> to vector<16xi32>
      %swap3A_161 = vector.shape_cast %add3A_155 : vector<16xi32> to vector<1x16xi32>
      tpu.vector_store %arg8[%swap3A_157, %swap3A_158], %swap3A_161 {strides = array<i32>} : memref<16x112xi32, #tpu.memory_space<vmem>>, vector<1x16xi32>,
      %mul3A_162 = arith.constant 100352 : i32
      %mul3A_163 = arith.muli %add3A_9, %mul3A_162 : i32
      %add3A_164 = vector.broadcast %mul3A_163 : i32 to vector<16xi32>
      %add3A_165 = arith.addi %add3A_155, %add3A_164 : vector<16xi32>
      %swap3A_166 = arith.constant 7 : i32
      %swap3A_167 = arith.index_cast %swap3A_166 : i32 to index
      %swap3A_168 = arith.constant 0 : index
      %swap3A_169 = tpu.vector_load %arg7[%swap3A_167, %swap3A_168] {strides = array<i32>} : memref<16x112xi32, #tpu.memory_space<vmem>>, vector<1x16xi32>,
      %swap3A_170 = vector.shape_cast %swap3A_169 : vector<1x16xi32> to vector<16xi32>
      %swap3A_171 = vector.shape_cast %add3A_165 : vector<16xi32> to vector<1x16xi32>
      tpu.vector_store %arg7[%swap3A_167, %swap3A_168], %swap3A_171 {strides = array<i32>} : memref<16x112xi32, #tpu.memory_space<vmem>>, vector<1x16xi32>,
      %add3A_172 = arith.constant 1024 : i32
      %add3A_173 = vector.broadcast %add3A_172 : i32 to vector<16xi32>
      %add3A_174 = arith.addi %add3A_20, %add3A_173 : vector<16xi32>
      %swap3A_175 = arith.constant 8 : i32
      %swap3A_176 = arith.index_cast %swap3A_175 : i32 to index
      %swap3A_177 = arith.constant 0 : index
      %swap3A_178 = tpu.vector_load %arg8[%swap3A_176, %swap3A_177] {strides = array<i32>} : memref<16x112xi32, #tpu.memory_space<vmem>>, vector<1x16xi32>,
      %swap3A_179 = vector.shape_cast %swap3A_178 : vector<1x16xi32> to vector<16xi32>
      %swap3A_180 = vector.shape_cast %add3A_174 : vector<16xi32> to vector<1x16xi32>
      tpu.vector_store %arg8[%swap3A_176, %swap3A_177], %swap3A_180 {strides = array<i32>} : memref<16x112xi32, #tpu.memory_space<vmem>>, vector<1x16xi32>,
      %mul3A_181 = arith.constant 100352 : i32
      %mul3A_182 = arith.muli %add3A_9, %mul3A_181 : i32
      %add3A_183 = vector.broadcast %mul3A_182 : i32 to vector<16xi32>
      %add3A_184 = arith.addi %add3A_174, %add3A_183 : vector<16xi32>
      %swap3A_185 = arith.constant 8 : i32
      %swap3A_186 = arith.index_cast %swap3A_185 : i32 to index
      %swap3A_187 = arith.constant 0 : index
      %swap3A_188 = tpu.vector_load %arg7[%swap3A_186, %swap3A_187] {strides = array<i32>} : memref<16x112xi32, #tpu.memory_space<vmem>>, vector<1x16xi32>,
      %swap3A_189 = vector.shape_cast %swap3A_188 : vector<1x16xi32> to vector<16xi32>
      %swap3A_190 = vector.shape_cast %add3A_184 : vector<16xi32> to vector<1x16xi32>
      tpu.vector_store %arg7[%swap3A_186, %swap3A_187], %swap3A_190 {strides = array<i32>} : memref<16x112xi32, #tpu.memory_space<vmem>>, vector<1x16xi32>,
      %add3A_191 = arith.constant 1152 : i32
      %add3A_192 = vector.broadcast %add3A_191 : i32 to vector<16xi32>
      %add3A_193 = arith.addi %add3A_20, %add3A_192 : vector<16xi32>
      %swap3A_194 = arith.constant 9 : i32
      %swap3A_195 = arith.index_cast %swap3A_194 : i32 to index
      %swap3A_196 = arith.constant 0 : index
      %swap3A_197 = tpu.vector_load %arg8[%swap3A_195, %swap3A_196] {strides = array<i32>} : memref<16x112xi32, #tpu.memory_space<vmem>>, vector<1x16xi32>,
      %swap3A_198 = vector.shape_cast %swap3A_197 : vector<1x16xi32> to vector<16xi32>
      %swap3A_199 = vector.shape_cast %add3A_193 : vector<16xi32> to vector<1x16xi32>
      tpu.vector_store %arg8[%swap3A_195, %swap3A_196], %swap3A_199 {strides = array<i32>} : memref<16x112xi32, #tpu.memory_space<vmem>>, vector<1x16xi32>,
      %mul3A_200 = arith.constant 100352 : i32
      %mul3A_201 = arith.muli %add3A_9, %mul3A_200 : i32
      %add3A_202 = vector.broadcast %mul3A_201 : i32 to vector<16xi32>
      %add3A_203 = arith.addi %add3A_193, %add3A_202 : vector<16xi32>
      %swap3A_204 = arith.constant 9 : i32
      %swap3A_205 = arith.index_cast %swap3A_204 : i32 to index
      %swap3A_206 = arith.constant 0 : index
      %swap3A_207 = tpu.vector_load %arg7[%swap3A_205, %swap3A_206] {strides = array<i32>} : memref<16x112xi32, #tpu.memory_space<vmem>>, vector<1x16xi32>,
      %swap3A_208 = vector.shape_cast %swap3A_207 : vector<1x16xi32> to vector<16xi32>
      %swap3A_209 = vector.shape_cast %add3A_203 : vector<16xi32> to vector<1x16xi32>
      tpu.vector_store %arg7[%swap3A_205, %swap3A_206], %swap3A_209 {strides = array<i32>} : memref<16x112xi32, #tpu.memory_space<vmem>>, vector<1x16xi32>,
      %add3A_210 = arith.constant 1280 : i32
      %add3A_211 = vector.broadcast %add3A_210 : i32 to vector<16xi32>
      %add3A_212 = arith.addi %add3A_20, %add3A_211 : vector<16xi32>
      %swap3A_213 = arith.constant 10 : i32
      %swap3A_214 = arith.index_cast %swap3A_213 : i32 to index
      %swap3A_215 = arith.constant 0 : index
      %swap3A_216 = tpu.vector_load %arg8[%swap3A_214, %swap3A_215] {strides = array<i32>} : memref<16x112xi32, #tpu.memory_space<vmem>>, vector<1x16xi32>,
      %swap3A_217 = vector.shape_cast %swap3A_216 : vector<1x16xi32> to vector<16xi32>
      %swap3A_218 = vector.shape_cast %add3A_212 : vector<16xi32> to vector<1x16xi32>
      tpu.vector_store %arg8[%swap3A_214, %swap3A_215], %swap3A_218 {strides = array<i32>} : memref<16x112xi32, #tpu.memory_space<vmem>>, vector<1x16xi32>,
      %mul3A_219 = arith.constant 100352 : i32
      %mul3A_220 = arith.muli %add3A_9, %mul3A_219 : i32
      %add3A_221 = vector.broadcast %mul3A_220 : i32 to vector<16xi32>
      %add3A_222 = arith.addi %add3A_212, %add3A_221 : vector<16xi32>
      %swap3A_223 = arith.constant 10 : i32
      %swap3A_224 = arith.index_cast %swap3A_223 : i32 to index
      %swap3A_225 = arith.constant 0 : index
      %swap3A_226 = tpu.vector_load %arg7[%swap3A_224, %swap3A_225] {strides = array<i32>} : memref<16x112xi32, #tpu.memory_space<vmem>>, vector<1x16xi32>,
      %swap3A_227 = vector.shape_cast %swap3A_226 : vector<1x16xi32> to vector<16xi32>
      %swap3A_228 = vector.shape_cast %add3A_222 : vector<16xi32> to vector<1x16xi32>
      tpu.vector_store %arg7[%swap3A_224, %swap3A_225], %swap3A_228 {strides = array<i32>} : memref<16x112xi32, #tpu.memory_space<vmem>>, vector<1x16xi32>,
      %add3A_229 = arith.constant 1408 : i32
      %add3A_230 = vector.broadcast %add3A_229 : i32 to vector<16xi32>
      %add3A_231 = arith.addi %add3A_20, %add3A_230 : vector<16xi32>
      %swap3A_232 = arith.constant 11 : i32
      %swap3A_233 = arith.index_cast %swap3A_232 : i32 to index
      %swap3A_234 = arith.constant 0 : index
      %swap3A_235 = tpu.vector_load %arg8[%swap3A_233, %swap3A_234] {strides = array<i32>} : memref<16x112xi32, #tpu.memory_space<vmem>>, vector<1x16xi32>,
      %swap3A_236 = vector.shape_cast %swap3A_235 : vector<1x16xi32> to vector<16xi32>
      %swap3A_237 = vector.shape_cast %add3A_231 : vector<16xi32> to vector<1x16xi32>
      tpu.vector_store %arg8[%swap3A_233, %swap3A_234], %swap3A_237 {strides = array<i32>} : memref<16x112xi32, #tpu.memory_space<vmem>>, vector<1x16xi32>,
      %mul3A_238 = arith.constant 100352 : i32
      %mul3A_239 = arith.muli %add3A_9, %mul3A_238 : i32
      %add3A_240 = vector.broadcast %mul3A_239 : i32 to vector<16xi32>
      %add3A_241 = arith.addi %add3A_231, %add3A_240 : vector<16xi32>
      %swap3A_242 = arith.constant 11 : i32
      %swap3A_243 = arith.index_cast %swap3A_242 : i32 to index
      %swap3A_244 = arith.constant 0 : index
      %swap3A_245 = tpu.vector_load %arg7[%swap3A_243, %swap3A_244] {strides = array<i32>} : memref<16x112xi32, #tpu.memory_space<vmem>>, vector<1x16xi32>,
      %swap3A_246 = vector.shape_cast %swap3A_245 : vector<1x16xi32> to vector<16xi32>
      %swap3A_247 = vector.shape_cast %add3A_241 : vector<16xi32> to vector<1x16xi32>
      tpu.vector_store %arg7[%swap3A_243, %swap3A_244], %swap3A_247 {strides = array<i32>} : memref<16x112xi32, #tpu.memory_space<vmem>>, vector<1x16xi32>,
      %add3A_248 = arith.constant 1536 : i32
      %add3A_249 = vector.broadcast %add3A_248 : i32 to vector<16xi32>
      %add3A_250 = arith.addi %add3A_20, %add3A_249 : vector<16xi32>
      %swap3A_251 = arith.constant 12 : i32
      %swap3A_252 = arith.index_cast %swap3A_251 : i32 to index
      %swap3A_253 = arith.constant 0 : index
      %swap3A_254 = tpu.vector_load %arg8[%swap3A_252, %swap3A_253] {strides = array<i32>} : memref<16x112xi32, #tpu.memory_space<vmem>>, vector<1x16xi32>,
      %swap3A_255 = vector.shape_cast %swap3A_254 : vector<1x16xi32> to vector<16xi32>
      %swap3A_256 = vector.shape_cast %add3A_250 : vector<16xi32> to vector<1x16xi32>
      tpu.vector_store %arg8[%swap3A_252, %swap3A_253], %swap3A_256 {strides = array<i32>} : memref<16x112xi32, #tpu.memory_space<vmem>>, vector<1x16xi32>,
      %mul3A_257 = arith.constant 100352 : i32
      %mul3A_258 = arith.muli %add3A_9, %mul3A_257 : i32
      %add3A_259 = vector.broadcast %mul3A_258 : i32 to vector<16xi32>
      %add3A_260 = arith.addi %add3A_250, %add3A_259 : vector<16xi32>
      %swap3A_261 = arith.constant 12 : i32
      %swap3A_262 = arith.index_cast %swap3A_261 : i32 to index
      %swap3A_263 = arith.constant 0 : index
      %swap3A_264 = tpu.vector_load %arg7[%swap3A_262, %swap3A_263] {strides = array<i32>} : memref<16x112xi32, #tpu.memory_space<vmem>>, vector<1x16xi32>,
      %swap3A_265 = vector.shape_cast %swap3A_264 : vector<1x16xi32> to vector<16xi32>
      %swap3A_266 = vector.shape_cast %add3A_260 : vector<16xi32> to vector<1x16xi32>
      tpu.vector_store %arg7[%swap3A_262, %swap3A_263], %swap3A_266 {strides = array<i32>} : memref<16x112xi32, #tpu.memory_space<vmem>>, vector<1x16xi32>,
      %add3A_267 = arith.constant 1664 : i32
      %add3A_268 = vector.broadcast %add3A_267 : i32 to vector<16xi32>
      %add3A_269 = arith.addi %add3A_20, %add3A_268 : vector<16xi32>
      %swap3A_270 = arith.constant 13 : i32
      %swap3A_271 = arith.index_cast %swap3A_270 : i32 to index
      %swap3A_272 = arith.constant 0 : index
      %swap3A_273 = tpu.vector_load %arg8[%swap3A_271, %swap3A_272] {strides = array<i32>} : memref<16x112xi32, #tpu.memory_space<vmem>>, vector<1x16xi32>,
      %swap3A_274 = vector.shape_cast %swap3A_273 : vector<1x16xi32> to vector<16xi32>
      %swap3A_275 = vector.shape_cast %add3A_269 : vector<16xi32> to vector<1x16xi32>
      tpu.vector_store %arg8[%swap3A_271, %swap3A_272], %swap3A_275 {strides = array<i32>} : memref<16x112xi32, #tpu.memory_space<vmem>>, vector<1x16xi32>,
      %mul3A_276 = arith.constant 100352 : i32
      %mul3A_277 = arith.muli %add3A_9, %mul3A_276 : i32
      %add3A_278 = vector.broadcast %mul3A_277 : i32 to vector<16xi32>
      %add3A_279 = arith.addi %add3A_269, %add3A_278 : vector<16xi32>
      %swap3A_280 = arith.constant 13 : i32
      %swap3A_281 = arith.index_cast %swap3A_280 : i32 to index
      %swap3A_282 = arith.constant 0 : index
      %swap3A_283 = tpu.vector_load %arg7[%swap3A_281, %swap3A_282] {strides = array<i32>} : memref<16x112xi32, #tpu.memory_space<vmem>>, vector<1x16xi32>,
      %swap3A_284 = vector.shape_cast %swap3A_283 : vector<1x16xi32> to vector<16xi32>
      %swap3A_285 = vector.shape_cast %add3A_279 : vector<16xi32> to vector<1x16xi32>
      tpu.vector_store %arg7[%swap3A_281, %swap3A_282], %swap3A_285 {strides = array<i32>} : memref<16x112xi32, #tpu.memory_space<vmem>>, vector<1x16xi32>,
      %add3A_286 = arith.constant 1792 : i32
      %add3A_287 = vector.broadcast %add3A_286 : i32 to vector<16xi32>
      %add3A_288 = arith.addi %add3A_20, %add3A_287 : vector<16xi32>
      %swap3A_289 = arith.constant 14 : i32
      %swap3A_290 = arith.index_cast %swap3A_289 : i32 to index
      %swap3A_291 = arith.constant 0 : index
      %swap3A_292 = tpu.vector_load %arg8[%swap3A_290, %swap3A_291] {strides = array<i32>} : memref<16x112xi32, #tpu.memory_space<vmem>>, vector<1x16xi32>,
      %swap3A_293 = vector.shape_cast %swap3A_292 : vector<1x16xi32> to vector<16xi32>
      %swap3A_294 = vector.shape_cast %add3A_288 : vector<16xi32> to vector<1x16xi32>
      tpu.vector_store %arg8[%swap3A_290, %swap3A_291], %swap3A_294 {strides = array<i32>} : memref<16x112xi32, #tpu.memory_space<vmem>>, vector<1x16xi32>,
      %mul3A_295 = arith.constant 100352 : i32
      %mul3A_296 = arith.muli %add3A_9, %mul3A_295 : i32
      %add3A_297 = vector.broadcast %mul3A_296 : i32 to vector<16xi32>
      %add3A_298 = arith.addi %add3A_288, %add3A_297 : vector<16xi32>
      %swap3A_299 = arith.constant 14 : i32
      %swap3A_300 = arith.index_cast %swap3A_299 : i32 to index
      %swap3A_301 = arith.constant 0 : index
      %swap3A_302 = tpu.vector_load %arg7[%swap3A_300, %swap3A_301] {strides = array<i32>} : memref<16x112xi32, #tpu.memory_space<vmem>>, vector<1x16xi32>,
      %swap3A_303 = vector.shape_cast %swap3A_302 : vector<1x16xi32> to vector<16xi32>
      %swap3A_304 = vector.shape_cast %add3A_298 : vector<16xi32> to vector<1x16xi32>
      tpu.vector_store %arg7[%swap3A_300, %swap3A_301], %swap3A_304 {strides = array<i32>} : memref<16x112xi32, #tpu.memory_space<vmem>>, vector<1x16xi32>,
      %add3A_305 = arith.constant 1920 : i32
      %add3A_306 = vector.broadcast %add3A_305 : i32 to vector<16xi32>
      %add3A_307 = arith.addi %add3A_20, %add3A_306 : vector<16xi32>
      %swap3A_308 = arith.constant 15 : i32
      %swap3A_309 = arith.index_cast %swap3A_308 : i32 to index
      %swap3A_310 = arith.constant 0 : index
      %swap3A_311 = tpu.vector_load %arg8[%swap3A_309, %swap3A_310] {strides = array<i32>} : memref<16x112xi32, #tpu.memory_space<vmem>>, vector<1x16xi32>,
      %swap3A_312 = vector.shape_cast %swap3A_311 : vector<1x16xi32> to vector<16xi32>
      %swap3A_313 = vector.shape_cast %add3A_307 : vector<16xi32> to vector<1x16xi32>
      tpu.vector_store %arg8[%swap3A_309, %swap3A_310], %swap3A_313 {strides = array<i32>} : memref<16x112xi32, #tpu.memory_space<vmem>>, vector<1x16xi32>,
      %mul3A_314 = arith.constant 100352 : i32
      %mul3A_315 = arith.muli %add3A_9, %mul3A_314 : i32
      %add3A_316 = vector.broadcast %mul3A_315 : i32 to vector<16xi32>
      %add3A_317 = arith.addi %add3A_307, %add3A_316 : vector<16xi32>
      %swap3A_318 = arith.constant 15 : i32
      %swap3A_319 = arith.index_cast %swap3A_318 : i32 to index
      %swap3A_320 = arith.constant 0 : index
      %swap3A_321 = tpu.vector_load %arg7[%swap3A_319, %swap3A_320] {strides = array<i32>} : memref<16x112xi32, #tpu.memory_space<vmem>>, vector<1x16xi32>,
      %swap3A_322 = vector.shape_cast %swap3A_321 : vector<1x16xi32> to vector<16xi32>
      %swap3A_323 = vector.shape_cast %add3A_317 : vector<16xi32> to vector<1x16xi32>
      tpu.vector_store %arg7[%swap3A_319, %swap3A_320], %swap3A_323 {strides = array<i32>} : memref<16x112xi32, #tpu.memory_space<vmem>>, vector<1x16xi32>,
      %get3A_324 = arith.index_cast %scan3A_8 : i32 to index
      %get3A_325 = arith.constant 16 : index
      %get3A_326 = tpu.vector_load %arg6[%get3A_324, %get3A_325] {strides = array<i32>} : memref<32x112xi32, #tpu.memory_space<vmem>>, vector<1x16xi32>,
      %get3A_327 = vector.shape_cast %get3A_326 : vector<1x16xi32> to vector<16xi32>
      %shift_right_arithmetic3A_328 = arith.constant 7 : i32
      %shift_right_arithmetic3A_329 = vector.broadcast %shift_right_arithmetic3A_328 : i32 to vector<16xi32>
      %shift_right_arithmetic3A_330 = arith.shrsi %get3A_327, %shift_right_arithmetic3A_329 : vector<16xi32>
      %mul3A_331 = arith.constant 2048 : i32
      %mul3A_332 = vector.broadcast %mul3A_331 : i32 to vector<16xi32>
      %mul3A_333 = arith.muli %shift_right_arithmetic3A_330, %mul3A_332 : vector<16xi32>
      %and3A_334 = arith.constant 127 : i32
      %and3A_335 = vector.broadcast %and3A_334 : i32 to vector<16xi32>
      %and3A_336 = arith.andi %get3A_327, %and3A_335 : vector<16xi32>
      %add3A_337 = arith.addi %mul3A_333, %and3A_336 : vector<16xi32>
      %add3A_338 = arith.constant 0 : i32
      %add3A_339 = vector.broadcast %add3A_338 : i32 to vector<16xi32>
      %add3A_340 = arith.addi %add3A_337, %add3A_339 : vector<16xi32>
      %swap3A_341 = arith.constant 0 : i32
      %swap3A_342 = arith.index_cast %swap3A_341 : i32 to index
      %swap3A_343 = arith.constant 16 : index
      %swap3A_344 = tpu.vector_load %arg8[%swap3A_342, %swap3A_343] {strides = array<i32>} : memref<16x112xi32, #tpu.memory_space<vmem>>, vector<1x16xi32>,
      %swap3A_345 = vector.shape_cast %swap3A_344 : vector<1x16xi32> to vector<16xi32>
      %swap3A_346 = vector.shape_cast %add3A_340 : vector<16xi32> to vector<1x16xi32>
      tpu.vector_store %arg8[%swap3A_342, %swap3A_343], %swap3A_346 {strides = array<i32>} : memref<16x112xi32, #tpu.memory_space<vmem>>, vector<1x16xi32>,
      %mul3A_347 = arith.constant 100352 : i32
      %mul3A_348 = arith.muli %add3A_9, %mul3A_347 : i32
      %add3A_349 = vector.broadcast %mul3A_348 : i32 to vector<16xi32>
      %add3A_350 = arith.addi %add3A_340, %add3A_349 : vector<16xi32>
      %swap3A_351 = arith.constant 0 : i32
      %swap3A_352 = arith.index_cast %swap3A_351 : i32 to index
      %swap3A_353 = arith.constant 16 : index
      %swap3A_354 = tpu.vector_load %arg7[%swap3A_352, %swap3A_353] {strides = array<i32>} : memref<16x112xi32, #tpu.memory_space<vmem>>, vector<1x16xi32>,
      %swap3A_355 = vector.shape_cast %swap3A_354 : vector<1x16xi32> to vector<16xi32>
      %swap3A_356 = vector.shape_cast %add3A_350 : vector<16xi32> to vector<1x16xi32>
      tpu.vector_store %arg7[%swap3A_352, %swap3A_353], %swap3A_356 {strides = array<i32>} : memref<16x112xi32, #tpu.memory_space<vmem>>, vector<1x16xi32>,
      %add3A_357 = arith.constant 128 : i32
      %add3A_358 = vector.broadcast %add3A_357 : i32 to vector<16xi32>
      %add3A_359 = arith.addi %add3A_337, %add3A_358 : vector<16xi32>
      %swap3A_360 = arith.constant 1 : i32
      %swap3A_361 = arith.index_cast %swap3A_360 : i32 to index
      %swap3A_362 = arith.constant 16 : index
      %swap3A_363 = tpu.vector_load %arg8[%swap3A_361, %swap3A_362] {strides = array<i32>} : memref<16x112xi32, #tpu.memory_space<vmem>>, vector<1x16xi32>,
      %swap3A_364 = vector.shape_cast %swap3A_363 : vector<1x16xi32> to vector<16xi32>
      %swap3A_365 = vector.shape_cast %add3A_359 : vector<16xi32> to vector<1x16xi32>
      tpu.vector_store %arg8[%swap3A_361, %swap3A_362], %swap3A_365 {strides = array<i32>} : memref<16x112xi32, #tpu.memory_space<vmem>>, vector<1x16xi32>,
      %mul3A_366 = arith.constant 100352 : i32
      %mul3A_367 = arith.muli %add3A_9, %mul3A_366 : i32
      %add3A_368 = vector.broadcast %mul3A_367 : i32 to vector<16xi32>
      %add3A_369 = arith.addi %add3A_359, %add3A_368 : vector<16xi32>
      %swap3A_370 = arith.constant 1 : i32
      %swap3A_371 = arith.index_cast %swap3A_370 : i32 to index
      %swap3A_372 = arith.constant 16 : index
      %swap3A_373 = tpu.vector_load %arg7[%swap3A_371, %swap3A_372] {strides = array<i32>} : memref<16x112xi32, #tpu.memory_space<vmem>>, vector<1x16xi32>,
      %swap3A_374 = vector.shape_cast %swap3A_373 : vector<1x16xi32> to vector<16xi32>
      %swap3A_375 = vector.shape_cast %add3A_369 : vector<16xi32> to vector<1x16xi32>
      tpu.vector_store %arg7[%swap3A_371, %swap3A_372], %swap3A_375 {strides = array<i32>} : memref<16x112xi32, #tpu.memory_space<vmem>>, vector<1x16xi32>,
      %add3A_376 = arith.constant 256 : i32
      %add3A_377 = vector.broadcast %add3A_376 : i32 to vector<16xi32>
      %add3A_378 = arith.addi %add3A_337, %add3A_377 : vector<16xi32>
      %swap3A_379 = arith.constant 2 : i32
      %swap3A_380 = arith.index_cast %swap3A_379 : i32 to index
      %swap3A_381 = arith.constant 16 : index
      %swap3A_382 = tpu.vector_load %arg8[%swap3A_380, %swap3A_381] {strides = array<i32>} : memref<16x112xi32, #tpu.memory_space<vmem>>, vector<1x16xi32>,
      %swap3A_383 = vector.shape_cast %swap3A_382 : vector<1x16xi32> to vector<16xi32>
      %swap3A_384 = vector.shape_cast %add3A_378 : vector<16xi32> to vector<1x16xi32>
      tpu.vector_store %arg8[%swap3A_380, %swap3A_381], %swap3A_384 {strides = array<i32>} : memref<16x112xi32, #tpu.memory_space<vmem>>, vector<1x16xi32>,
      %mul3A_385 = arith.constant 100352 : i32
      %mul3A_386 = arith.muli %add3A_9, %mul3A_385 : i32
      %add3A_387 = vector.broadcast %mul3A_386 : i32 to vector<16xi32>
      %add3A_388 = arith.addi %add3A_378, %add3A_387 : vector<16xi32>
      %swap3A_389 = arith.constant 2 : i32
      %swap3A_390 = arith.index_cast %swap3A_389 : i32 to index
      %swap3A_391 = arith.constant 16 : index
      %swap3A_392 = tpu.vector_load %arg7[%swap3A_390, %swap3A_391] {strides = array<i32>} : memref<16x112xi32, #tpu.memory_space<vmem>>, vector<1x16xi32>,
      %swap3A_393 = vector.shape_cast %swap3A_392 : vector<1x16xi32> to vector<16xi32>
      %swap3A_394 = vector.shape_cast %add3A_388 : vector<16xi32> to vector<1x16xi32>
      tpu.vector_store %arg7[%swap3A_390, %swap3A_391], %swap3A_394 {strides = array<i32>} : memref<16x112xi32, #tpu.memory_space<vmem>>, vector<1x16xi32>,
      %add3A_395 = arith.constant 384 : i32
      %add3A_396 = vector.broadcast %add3A_395 : i32 to vector<16xi32>
      %add3A_397 = arith.addi %add3A_337, %add3A_396 : vector<16xi32>
      %swap3A_398 = arith.constant 3 : i32
      %swap3A_399 = arith.index_cast %swap3A_398 : i32 to index
      %swap3A_400 = arith.constant 16 : index
      %swap3A_401 = tpu.vector_load %arg8[%swap3A_399, %swap3A_400] {strides = array<i32>} : memref<16x112xi32, #tpu.memory_space<vmem>>, vector<1x16xi32>,
      %swap3A_402 = vector.shape_cast %swap3A_401 : vector<1x16xi32> to vector<16xi32>
      %swap3A_403 = vector.shape_cast %add3A_397 : vector<16xi32> to vector<1x16xi32>
      tpu.vector_store %arg8[%swap3A_399, %swap3A_400], %swap3A_403 {strides = array<i32>} : memref<16x112xi32, #tpu.memory_space<vmem>>, vector<1x16xi32>,
      %mul3A_404 = arith.constant 100352 : i32
      %mul3A_405 = arith.muli %add3A_9, %mul3A_404 : i32
      %add3A_406 = vector.broadcast %mul3A_405 : i32 to vector<16xi32>
      %add3A_407 = arith.addi %add3A_397, %add3A_406 : vector<16xi32>
      %swap3A_408 = arith.constant 3 : i32
      %swap3A_409 = arith.index_cast %swap3A_408 : i32 to index
      %swap3A_410 = arith.constant 16 : index
      %swap3A_411 = tpu.vector_load %arg7[%swap3A_409, %swap3A_410] {strides = array<i32>} : memref<16x112xi32, #tpu.memory_space<vmem>>, vector<1x16xi32>,
      %swap3A_412 = vector.shape_cast %swap3A_411 : vector<1x16xi32> to vector<16xi32>
      %swap3A_413 = vector.shape_cast %add3A_407 : vector<16xi32> to vector<1x16xi32>
      tpu.vector_store %arg7[%swap3A_409, %swap3A_410], %swap3A_413 {strides = array<i32>} : memref<16x112xi32, #tpu.memory_space<vmem>>, vector<1x16xi32>,
      %add3A_414 = arith.constant 512 : i32
      %add3A_415 = vector.broadcast %add3A_414 : i32 to vector<16xi32>
      %add3A_416 = arith.addi %add3A_337, %add3A_415 : vector<16xi32>
      %swap3A_417 = arith.constant 4 : i32
      %swap3A_418 = arith.index_cast %swap3A_417 : i32 to index
      %swap3A_419 = arith.constant 16 : index
      %swap3A_420 = tpu.vector_load %arg8[%swap3A_418, %swap3A_419] {strides = array<i32>} : memref<16x112xi32, #tpu.memory_space<vmem>>, vector<1x16xi32>,
      %swap3A_421 = vector.shape_cast %swap3A_420 : vector<1x16xi32> to vector<16xi32>
      %swap3A_422 = vector.shape_cast %add3A_416 : vector<16xi32> to vector<1x16xi32>
      tpu.vector_store %arg8[%swap3A_418, %swap3A_419], %swap3A_422 {strides = array<i32>} : memref<16x112xi32, #tpu.memory_space<vmem>>, vector<1x16xi32>,
      %mul3A_423 = arith.constant 100352 : i32
      %mul3A_424 = arith.muli %add3A_9, %mul3A_423 : i32
      %add3A_425 = vector.broadcast %mul3A_424 : i32 to vector<16xi32>
      %add3A_426 = arith.addi %add3A_416, %add3A_425 : vector<16xi32>
      %swap3A_427 = arith.constant 4 : i32
      %swap3A_428 = arith.index_cast %swap3A_427 : i32 to index
      %swap3A_429 = arith.constant 16 : index
      %swap3A_430 = tpu.vector_load %arg7[%swap3A_428, %swap3A_429] {strides = array<i32>} : memref<16x112xi32, #tpu.memory_space<vmem>>, vector<1x16xi32>,
      %swap3A_431 = vector.shape_cast %swap3A_430 : vector<1x16xi32> to vector<16xi32>
      %swap3A_432 = vector.shape_cast %add3A_426 : vector<16xi32> to vector<1x16xi32>
      tpu.vector_store %arg7[%swap3A_428, %swap3A_429], %swap3A_432 {strides = array<i32>} : memref<16x112xi32, #tpu.memory_space<vmem>>, vector<1x16xi32>,
      %add3A_433 = arith.constant 640 : i32
      %add3A_434 = vector.broadcast %add3A_433 : i32 to vector<16xi32>
      %add3A_435 = arith.addi %add3A_337, %add3A_434 : vector<16xi32>
      %swap3A_436 = arith.constant 5 : i32
      %swap3A_437 = arith.index_cast %swap3A_436 : i32 to index
      %swap3A_438 = arith.constant 16 : index
      %swap3A_439 = tpu.vector_load %arg8[%swap3A_437, %swap3A_438] {strides = array<i32>} : memref<16x112xi32, #tpu.memory_space<vmem>>, vector<1x16xi32>,
      %swap3A_440 = vector.shape_cast %swap3A_439 : vector<1x16xi32> to vector<16xi32>
      %swap3A_441 = vector.shape_cast %add3A_435 : vector<16xi32> to vector<1x16xi32>
      tpu.vector_store %arg8[%swap3A_437, %swap3A_438], %swap3A_441 {strides = array<i32>} : memref<16x112xi32, #tpu.memory_space<vmem>>, vector<1x16xi32>,
      %mul3A_442 = arith.constant 100352 : i32
      %mul3A_443 = arith.muli %add3A_9, %mul3A_442 : i32
      %add3A_444 = vector.broadcast %mul3A_443 : i32 to vector<16xi32>
      %add3A_445 = arith.addi %add3A_435, %add3A_444 : vector<16xi32>
      %swap3A_446 = arith.constant 5 : i32
      %swap3A_447 = arith.index_cast %swap3A_446 : i32 to index
      %swap3A_448 = arith.constant 16 : index
      %swap3A_449 = tpu.vector_load %arg7[%swap3A_447, %swap3A_448] {strides = array<i32>} : memref<16x112xi32, #tpu.memory_space<vmem>>, vector<1x16xi32>,
      %swap3A_450 = vector.shape_cast %swap3A_449 : vector<1x16xi32> to vector<16xi32>
      %swap3A_451 = vector.shape_cast %add3A_445 : vector<16xi32> to vector<1x16xi32>
      tpu.vector_store %arg7[%swap3A_447, %swap3A_448], %swap3A_451 {strides = array<i32>} : memref<16x112xi32, #tpu.memory_space<vmem>>, vector<1x16xi32>,
      %add3A_452 = arith.constant 768 : i32
      %add3A_453 = vector.broadcast %add3A_452 : i32 to vector<16xi32>
      %add3A_454 = arith.addi %add3A_337, %add3A_453 : vector<16xi32>
      %swap3A_455 = arith.constant 6 : i32
      %swap3A_456 = arith.index_cast %swap3A_455 : i32 to index
      %swap3A_457 = arith.constant 16 : index
      %swap3A_458 = tpu.vector_load %arg8[%swap3A_456, %swap3A_457] {strides = array<i32>} : memref<16x112xi32, #tpu.memory_space<vmem>>, vector<1x16xi32>,
      %swap3A_459 = vector.shape_cast %swap3A_458 : vector<1x16xi32> to vector<16xi32>
      %swap3A_460 = vector.shape_cast %add3A_454 : vector<16xi32> to vector<1x16xi32>
      tpu.vector_store %arg8[%swap3A_456, %swap3A_457], %swap3A_460 {strides = array<i32>} : memref<16x112xi32, #tpu.memory_space<vmem>>, vector<1x16xi32>,
      %mul3A_461 = arith.constant 100352 : i32
      %mul3A_462 = arith.muli %add3A_9, %mul3A_461 : i32
      %add3A_463 = vector.broadcast %mul3A_462 : i32 to vector<16xi32>
      %add3A_464 = arith.addi %add3A_454, %add3A_463 : vector<16xi32>
      %swap3A_465 = arith.constant 6 : i32
      %swap3A_466 = arith.index_cast %swap3A_465 : i32 to index
      %swap3A_467 = arith.constant 16 : index
      %swap3A_468 = tpu.vector_load %arg7[%swap3A_466, %swap3A_467] {strides = array<i32>} : memref<16x112xi32, #tpu.memory_space<vmem>>, vector<1x16xi32>,
      %swap3A_469 = vector.shape_cast %swap3A_468 : vector<1x16xi32> to vector<16xi32>
      %swap3A_470 = vector.shape_cast %add3A_464 : vector<16xi32> to vector<1x16xi32>
      tpu.vector_store %arg7[%swap3A_466, %swap3A_467], %swap3A_470 {strides = array<i32>} : memref<16x112xi32, #tpu.memory_space<vmem>>, vector<1x16xi32>,
      %add3A_471 = arith.constant 896 : i32
      %add3A_472 = vector.broadcast %add3A_471 : i32 to vector<16xi32>
      %add3A_473 = arith.addi %add3A_337, %add3A_472 : vector<16xi32>
      %swap3A_474 = arith.constant 7 : i32
      %swap3A_475 = arith.index_cast %swap3A_474 : i32 to index
      %swap3A_476 = arith.constant 16 : index
      %swap3A_477 = tpu.vector_load %arg8[%swap3A_475, %swap3A_476] {strides = array<i32>} : memref<16x112xi32, #tpu.memory_space<vmem>>, vector<1x16xi32>,
      %swap3A_478 = vector.shape_cast %swap3A_477 : vector<1x16xi32> to vector<16xi32>
      %swap3A_479 = vector.shape_cast %add3A_473 : vector<16xi32> to vector<1x16xi32>
      tpu.vector_store %arg8[%swap3A_475, %swap3A_476], %swap3A_479 {strides = array<i32>} : memref<16x112xi32, #tpu.memory_space<vmem>>, vector<1x16xi32>,
      %mul3A_480 = arith.constant 100352 : i32
      %mul3A_481 = arith.muli %add3A_9, %mul3A_480 : i32
      %add3A_482 = vector.broadcast %mul3A_481 : i32 to vector<16xi32>
      %add3A_483 = arith.addi %add3A_473, %add3A_482 : vector<16xi32>
      %swap3A_484 = arith.constant 7 : i32
      %swap3A_485 = arith.index_cast %swap3A_484 : i32 to index
      %swap3A_486 = arith.constant 16 : index
      %swap3A_487 = tpu.vector_load %arg7[%swap3A_485, %swap3A_486] {strides = array<i32>} : memref<16x112xi32, #tpu.memory_space<vmem>>, vector<1x16xi32>,
      %swap3A_488 = vector.shape_cast %swap3A_487 : vector<1x16xi32> to vector<16xi32>
      %swap3A_489 = vector.shape_cast %add3A_483 : vector<16xi32> to vector<1x16xi32>
      tpu.vector_store %arg7[%swap3A_485, %swap3A_486], %swap3A_489 {strides = array<i32>} : memref<16x112xi32, #tpu.memory_space<vmem>>, vector<1x16xi32>,
      %add3A_490 = arith.constant 1024 : i32
      %add3A_491 = vector.broadcast %add3A_490 : i32 to vector<16xi32>
      %add3A_492 = arith.addi %add3A_337, %add3A_491 : vector<16xi32>
      %swap3A_493 = arith.constant 8 : i32
      %swap3A_494 = arith.index_cast %swap3A_493 : i32 to index
      %swap3A_495 = arith.constant 16 : index
      %swap3A_496 = tpu.vector_load %arg8[%swap3A_494, %swap3A_495] {strides = array<i32>} : memref<16x112xi32, #tpu.memory_space<vmem>>, vector<1x16xi32>,
      %swap3A_497 = vector.shape_cast %swap3A_496 : vector<1x16xi32> to vector<16xi32>
      %swap3A_498 = vector.shape_cast %add3A_492 : vector<16xi32> to vector<1x16xi32>
      tpu.vector_store %arg8[%swap3A_494, %swap3A_495], %swap3A_498 {strides = array<i32>} : memref<16x112xi32, #tpu.memory_space<vmem>>, vector<1x16xi32>,
      %mul3A_499 = arith.constant 100352 : i32
      %mul3A_500 = arith.muli %add3A_9, %mul3A_499 : i32
      %add3A_501 = vector.broadcast %mul3A_500 : i32 to vector<16xi32>
      %add3A_502 = arith.addi %add3A_492, %add3A_501 : vector<16xi32>
      %swap3A_503 = arith.constant 8 : i32
      %swap3A_504 = arith.index_cast %swap3A_503 : i32 to index
      %swap3A_505 = arith.constant 16 : index
      %swap3A_506 = tpu.vector_load %arg7[%swap3A_504, %swap3A_505] {strides = array<i32>} : memref<16x112xi32, #tpu.memory_space<vmem>>, vector<1x16xi32>,
      %swap3A_507 = vector.shape_cast %swap3A_506 : vector<1x16xi32> to vector<16xi32>
      %swap3A_508 = vector.shape_cast %add3A_502 : vector<16xi32> to vector<1x16xi32>
      tpu.vector_store %arg7[%swap3A_504, %swap3A_505], %swap3A_508 {strides = array<i32>} : memref<16x112xi32, #tpu.memory_space<vmem>>, vector<1x16xi32>,
      %add3A_509 = arith.constant 1152 : i32
      %add3A_510 = vector.broadcast %add3A_509 : i32 to vector<16xi32>
      %add3A_511 = arith.addi %add3A_337, %add3A_510 : vector<16xi32>
      %swap3A_512 = arith.constant 9 : i32
      %swap3A_513 = arith.index_cast %swap3A_512 : i32 to index
      %swap3A_514 = arith.constant 16 : index
      %swap3A_515 = tpu.vector_load %arg8[%swap3A_513, %swap3A_514] {strides = array<i32>} : memref<16x112xi32, #tpu.memory_space<vmem>>, vector<1x16xi32>,
      %swap3A_516 = vector.shape_cast %swap3A_515 : vector<1x16xi32> to vector<16xi32>
      %swap3A_517 = vector.shape_cast %add3A_511 : vector<16xi32> to vector<1x16xi32>
      tpu.vector_store %arg8[%swap3A_513, %swap3A_514], %swap3A_517 {strides = array<i32>} : memref<16x112xi32, #tpu.memory_space<vmem>>, vector<1x16xi32>,
      %mul3A_518 = arith.constant 100352 : i32
      %mul3A_519 = arith.muli %add3A_9, %mul3A_518 : i32
      %add3A_520 = vector.broadcast %mul3A_519 : i32 to vector<16xi32>
      %add3A_521 = arith.addi %add3A_511, %add3A_520 : vector<16xi32>
      %swap3A_522 = arith.constant 9 : i32
      %swap3A_523 = arith.index_cast %swap3A_522 : i32 to index
      %swap3A_524 = arith.constant 16 : index
      %swap3A_525 = tpu.vector_load %arg7[%swap3A_523, %swap3A_524] {strides = array<i32>} : memref<16x112xi32, #tpu.memory_space<vmem>>, vector<1x16xi32>,
      %swap3A_526 = vector.shape_cast %swap3A_525 : vector<1x16xi32> to vector<16xi32>
      %swap3A_527 = vector.shape_cast %add3A_521 : vector<16xi32> to vector<1x16xi32>
      tpu.vector_store %arg7[%swap3A_523, %swap3A_524], %swap3A_527 {strides = array<i32>} : memref<16x112xi32, #tpu.memory_space<vmem>>, vector<1x16xi32>,
      %add3A_528 = arith.constant 1280 : i32
      %add3A_529 = vector.broadcast %add3A_528 : i32 to vector<16xi32>
      %add3A_530 = arith.addi %add3A_337, %add3A_529 : vector<16xi32>
      %swap3A_531 = arith.constant 10 : i32
      %swap3A_532 = arith.index_cast %swap3A_531 : i32 to index
      %swap3A_533 = arith.constant 16 : index
      %swap3A_534 = tpu.vector_load %arg8[%swap3A_532, %swap3A_533] {strides = array<i32>} : memref<16x112xi32, #tpu.memory_space<vmem>>, vector<1x16xi32>,
      %swap3A_535 = vector.shape_cast %swap3A_534 : vector<1x16xi32> to vector<16xi32>
      %swap3A_536 = vector.shape_cast %add3A_530 : vector<16xi32> to vector<1x16xi32>
      tpu.vector_store %arg8[%swap3A_532, %swap3A_533], %swap3A_536 {strides = array<i32>} : memref<16x112xi32, #tpu.memory_space<vmem>>, vector<1x16xi32>,
      %mul3A_537 = arith.constant 100352 : i32
      %mul3A_538 = arith.muli %add3A_9, %mul3A_537 : i32
      %add3A_539 = vector.broadcast %mul3A_538 : i32 to vector<16xi32>
      %add3A_540 = arith.addi %add3A_530, %add3A_539 : vector<16xi32>
      %swap3A_541 = arith.constant 10 : i32
      %swap3A_542 = arith.index_cast %swap3A_541 : i32 to index
      %swap3A_543 = arith.constant 16 : index
      %swap3A_544 = tpu.vector_load %arg7[%swap3A_542, %swap3A_543] {strides = array<i32>} : memref<16x112xi32, #tpu.memory_space<vmem>>, vector<1x16xi32>,
      %swap3A_545 = vector.shape_cast %swap3A_544 : vector<1x16xi32> to vector<16xi32>
      %swap3A_546 = vector.shape_cast %add3A_540 : vector<16xi32> to vector<1x16xi32>
      tpu.vector_store %arg7[%swap3A_542, %swap3A_543], %swap3A_546 {strides = array<i32>} : memref<16x112xi32, #tpu.memory_space<vmem>>, vector<1x16xi32>,
      %add3A_547 = arith.constant 1408 : i32
      %add3A_548 = vector.broadcast %add3A_547 : i32 to vector<16xi32>
      %add3A_549 = arith.addi %add3A_337, %add3A_548 : vector<16xi32>
      %swap3A_550 = arith.constant 11 : i32
      %swap3A_551 = arith.index_cast %swap3A_550 : i32 to index
      %swap3A_552 = arith.constant 16 : index
      %swap3A_553 = tpu.vector_load %arg8[%swap3A_551, %swap3A_552] {strides = array<i32>} : memref<16x112xi32, #tpu.memory_space<vmem>>, vector<1x16xi32>,
      %swap3A_554 = vector.shape_cast %swap3A_553 : vector<1x16xi32> to vector<16xi32>
      %swap3A_555 = vector.shape_cast %add3A_549 : vector<16xi32> to vector<1x16xi32>
      tpu.vector_store %arg8[%swap3A_551, %swap3A_552], %swap3A_555 {strides = array<i32>} : memref<16x112xi32, #tpu.memory_space<vmem>>, vector<1x16xi32>,
      %mul3A_556 = arith.constant 100352 : i32
      %mul3A_557 = arith.muli %add3A_9, %mul3A_556 : i32
      %add3A_558 = vector.broadcast %mul3A_557 : i32 to vector<16xi32>
      %add3A_559 = arith.addi %add3A_549, %add3A_558 : vector<16xi32>
      %swap3A_560 = arith.constant 11 : i32
      %swap3A_561 = arith.index_cast %swap3A_560 : i32 to index
      %swap3A_562 = arith.constant 16 : index
      %swap3A_563 = tpu.vector_load %arg7[%swap3A_561, %swap3A_562] {strides = array<i32>} : memref<16x112xi32, #tpu.memory_space<vmem>>, vector<1x16xi32>,
      %swap3A_564 = vector.shape_cast %swap3A_563 : vector<1x16xi32> to vector<16xi32>
      %swap3A_565 = vector.shape_cast %add3A_559 : vector<16xi32> to vector<1x16xi32>
      tpu.vector_store %arg7[%swap3A_561, %swap3A_562], %swap3A_565 {strides = array<i32>} : memref<16x112xi32, #tpu.memory_space<vmem>>, vector<1x16xi32>,
      %add3A_566 = arith.constant 1536 : i32
      %add3A_567 = vector.broadcast %add3A_566 : i32 to vector<16xi32>
      %add3A_568 = arith.addi %add3A_337, %add3A_567 : vector<16xi32>
      %swap3A_569 = arith.constant 12 : i32
      %swap3A_570 = arith.index_cast %swap3A_569 : i32 to index
      %swap3A_571 = arith.constant 16 : index
      %swap3A_572 = tpu.vector_load %arg8[%swap3A_570, %swap3A_571] {strides = array<i32>} : memref<16x112xi32, #tpu.memory_space<vmem>>, vector<1x16xi32>,
      %swap3A_573 = vector.shape_cast %swap3A_572 : vector<1x16xi32> to vector<16xi32>
      %swap3A_574 = vector.shape_cast %add3A_568 : vector<16xi32> to vector<1x16xi32>
      tpu.vector_store %arg8[%swap3A_570, %swap3A_571], %swap3A_574 {strides = array<i32>} : memref<16x112xi32, #tpu.memory_space<vmem>>, vector<1x16xi32>,
      %mul3A_575 = arith.constant 100352 : i32
      %mul3A_576 = arith.muli %add3A_9, %mul3A_575 : i32
      %add3A_577 = vector.broadcast %mul3A_576 : i32 to vector<16xi32>
      %add3A_578 = arith.addi %add3A_568, %add3A_577 : vector<16xi32>
      %swap3A_579 = arith.constant 12 : i32
      %swap3A_580 = arith.index_cast %swap3A_579 : i32 to index
      %swap3A_581 = arith.constant 16 : index
      %swap3A_582 = tpu.vector_load %arg7[%swap3A_580, %swap3A_581] {strides = array<i32>} : memref<16x112xi32, #tpu.memory_space<vmem>>, vector<1x16xi32>,
      %swap3A_583 = vector.shape_cast %swap3A_582 : vector<1x16xi32> to vector<16xi32>
      %swap3A_584 = vector.shape_cast %add3A_578 : vector<16xi32> to vector<1x16xi32>
      tpu.vector_store %arg7[%swap3A_580, %swap3A_581], %swap3A_584 {strides = array<i32>} : memref<16x112xi32, #tpu.memory_space<vmem>>, vector<1x16xi32>,
      %add3A_585 = arith.constant 1664 : i32
      %add3A_586 = vector.broadcast %add3A_585 : i32 to vector<16xi32>
      %add3A_587 = arith.addi %add3A_337, %add3A_586 : vector<16xi32>
      %swap3A_588 = arith.constant 13 : i32
      %swap3A_589 = arith.index_cast %swap3A_588 : i32 to index
      %swap3A_590 = arith.constant 16 : index
      %swap3A_591 = tpu.vector_load %arg8[%swap3A_589, %swap3A_590] {strides = array<i32>} : memref<16x112xi32, #tpu.memory_space<vmem>>, vector<1x16xi32>,
      %swap3A_592 = vector.shape_cast %swap3A_591 : vector<1x16xi32> to vector<16xi32>
      %swap3A_593 = vector.shape_cast %add3A_587 : vector<16xi32> to vector<1x16xi32>
      tpu.vector_store %arg8[%swap3A_589, %swap3A_590], %swap3A_593 {strides = array<i32>} : memref<16x112xi32, #tpu.memory_space<vmem>>, vector<1x16xi32>,
      %mul3A_594 = arith.constant 100352 : i32
      %mul3A_595 = arith.muli %add3A_9, %mul3A_594 : i32
      %add3A_596 = vector.broadcast %mul3A_595 : i32 to vector<16xi32>
      %add3A_597 = arith.addi %add3A_587, %add3A_596 : vector<16xi32>
      %swap3A_598 = arith.constant 13 : i32
      %swap3A_599 = arith.index_cast %swap3A_598 : i32 to index
      %swap3A_600 = arith.constant 16 : index
      %swap3A_601 = tpu.vector_load %arg7[%swap3A_599, %swap3A_600] {strides = array<i32>} : memref<16x112xi32, #tpu.memory_space<vmem>>, vector<1x16xi32>,
      %swap3A_602 = vector.shape_cast %swap3A_601 : vector<1x16xi32> to vector<16xi32>
      %swap3A_603 = vector.shape_cast %add3A_597 : vector<16xi32> to vector<1x16xi32>
      tpu.vector_store %arg7[%swap3A_599, %swap3A_600], %swap3A_603 {strides = array<i32>} : memref<16x112xi32, #tpu.memory_space<vmem>>, vector<1x16xi32>,
      %add3A_604 = arith.constant 1792 : i32
      %add3A_605 = vector.broadcast %add3A_604 : i32 to vector<16xi32>
      %add3A_606 = arith.addi %add3A_337, %add3A_605 : vector<16xi32>
      %swap3A_607 = arith.constant 14 : i32
      %swap3A_608 = arith.index_cast %swap3A_607 : i32 to index
      %swap3A_609 = arith.constant 16 : index
      %swap3A_610 = tpu.vector_load %arg8[%swap3A_608, %swap3A_609] {strides = array<i32>} : memref<16x112xi32, #tpu.memory_space<vmem>>, vector<1x16xi32>,
      %swap3A_611 = vector.shape_cast %swap3A_610 : vector<1x16xi32> to vector<16xi32>
      %swap3A_612 = vector.shape_cast %add3A_606 : vector<16xi32> to vector<1x16xi32>
      tpu.vector_store %arg8[%swap3A_608, %swap3A_609], %swap3A_612 {strides = array<i32>} : memref<16x112xi32, #tpu.memory_space<vmem>>, vector<1x16xi32>,
      %mul3A_613 = arith.constant 100352 : i32
      %mul3A_614 = arith.muli %add3A_9, %mul3A_613 : i32
      %add3A_615 = vector.broadcast %mul3A_614 : i32 to vector<16xi32>
      %add3A_616 = arith.addi %add3A_606, %add3A_615 : vector<16xi32>
      %swap3A_617 = arith.constant 14 : i32
      %swap3A_618 = arith.index_cast %swap3A_617 : i32 to index
      %swap3A_619 = arith.constant 16 : index
      %swap3A_620 = tpu.vector_load %arg7[%swap3A_618, %swap3A_619] {strides = array<i32>} : memref<16x112xi32, #tpu.memory_space<vmem>>, vector<1x16xi32>,
      %swap3A_621 = vector.shape_cast %swap3A_620 : vector<1x16xi32> to vector<16xi32>
      %swap3A_622 = vector.shape_cast %add3A_616 : vector<16xi32> to vector<1x16xi32>
      tpu.vector_store %arg7[%swap3A_618, %swap3A_619], %swap3A_622 {strides = array<i32>} : memref<16x112xi32, #tpu.memory_space<vmem>>, vector<1x16xi32>,
      %add3A_623 = arith.constant 1920 : i32
      %add3A_624 = vector.broadcast %add3A_623 : i32 to vector<16xi32>
      %add3A_625 = arith.addi %add3A_337, %add3A_624 : vector<16xi32>
      %swap3A_626 = arith.constant 15 : i32
      %swap3A_627 = arith.index_cast %swap3A_626 : i32 to index
      %swap3A_628 = arith.constant 16 : index
      %swap3A_629 = tpu.vector_load %arg8[%swap3A_627, %swap3A_628] {strides = array<i32>} : memref<16x112xi32, #tpu.memory_space<vmem>>, vector<1x16xi32>,
      %swap3A_630 = vector.shape_cast %swap3A_629 : vector<1x16xi32> to vector<16xi32>
      %swap3A_631 = vector.shape_cast %add3A_625 : vector<16xi32> to vector<1x16xi32>
      tpu.vector_store %arg8[%swap3A_627, %swap3A_628], %swap3A_631 {strides = array<i32>} : memref<16x112xi32, #tpu.memory_space<vmem>>, vector<1x16xi32>,
      %mul3A_632 = arith.constant 100352 : i32
      %mul3A_633 = arith.muli %add3A_9, %mul3A_632 : i32
      %add3A_634 = vector.broadcast %mul3A_633 : i32 to vector<16xi32>
      %add3A_635 = arith.addi %add3A_625, %add3A_634 : vector<16xi32>
      %swap3A_636 = arith.constant 15 : i32
      %swap3A_637 = arith.index_cast %swap3A_636 : i32 to index
      %swap3A_638 = arith.constant 16 : index
      %swap3A_639 = tpu.vector_load %arg7[%swap3A_637, %swap3A_638] {strides = array<i32>} : memref<16x112xi32, #tpu.memory_space<vmem>>, vector<1x16xi32>,
      %swap3A_640 = vector.shape_cast %swap3A_639 : vector<1x16xi32> to vector<16xi32>
      %swap3A_641 = vector.shape_cast %add3A_635 : vector<16xi32> to vector<1x16xi32>
      tpu.vector_store %arg7[%swap3A_637, %swap3A_638], %swap3A_641 {strides = array<i32>} : memref<16x112xi32, #tpu.memory_space<vmem>>, vector<1x16xi32>,
      %get3A_642 = arith.index_cast %scan3A_8 : i32 to index
      %get3A_643 = arith.constant 32 : index
      %get3A_644 = tpu.vector_load %arg6[%get3A_642, %get3A_643] {strides = array<i32>} : memref<32x112xi32, #tpu.memory_space<vmem>>, vector<1x16xi32>,
      %get3A_645 = vector.shape_cast %get3A_644 : vector<1x16xi32> to vector<16xi32>
      %shift_right_arithmetic3A_646 = arith.constant 7 : i32
      %shift_right_arithmetic3A_647 = vector.broadcast %shift_right_arithmetic3A_646 : i32 to vector<16xi32>
      %shift_right_arithmetic3A_648 = arith.shrsi %get3A_645, %shift_right_arithmetic3A_647 : vector<16xi32>
      %mul3A_649 = arith.constant 2048 : i32
      %mul3A_650 = vector.broadcast %mul3A_649 : i32 to vector<16xi32>
      %mul3A_651 = arith.muli %shift_right_arithmetic3A_648, %mul3A_650 : vector<16xi32>
      %and3A_652 = arith.constant 127 : i32
      %and3A_653 = vector.broadcast %and3A_652 : i32 to vector<16xi32>
      %and3A_654 = arith.andi %get3A_645, %and3A_653 : vector<16xi32>
      %add3A_655 = arith.addi %mul3A_651, %and3A_654 : vector<16xi32>
      %add3A_656 = arith.constant 0 : i32
      %add3A_657 = vector.broadcast %add3A_656 : i32 to vector<16xi32>
      %add3A_658 = arith.addi %add3A_655, %add3A_657 : vector<16xi32>
      %swap3A_659 = arith.constant 0 : i32
      %swap3A_660 = arith.index_cast %swap3A_659 : i32 to index
      %swap3A_661 = arith.constant 32 : index
      %swap3A_662 = tpu.vector_load %arg8[%swap3A_660, %swap3A_661] {strides = array<i32>} : memref<16x112xi32, #tpu.memory_space<vmem>>, vector<1x16xi32>,
      %swap3A_663 = vector.shape_cast %swap3A_662 : vector<1x16xi32> to vector<16xi32>
      %swap3A_664 = vector.shape_cast %add3A_658 : vector<16xi32> to vector<1x16xi32>
      tpu.vector_store %arg8[%swap3A_660, %swap3A_661], %swap3A_664 {strides = array<i32>} : memref<16x112xi32, #tpu.memory_space<vmem>>, vector<1x16xi32>,
      %mul3A_665 = arith.constant 100352 : i32
      %mul3A_666 = arith.muli %add3A_9, %mul3A_665 : i32
      %add3A_667 = vector.broadcast %mul3A_666 : i32 to vector<16xi32>
      %add3A_668 = arith.addi %add3A_658, %add3A_667 : vector<16xi32>
      %swap3A_669 = arith.constant 0 : i32
      %swap3A_670 = arith.index_cast %swap3A_669 : i32 to index
      %swap3A_671 = arith.constant 32 : index
      %swap3A_672 = tpu.vector_load %arg7[%swap3A_670, %swap3A_671] {strides = array<i32>} : memref<16x112xi32, #tpu.memory_space<vmem>>, vector<1x16xi32>,
      %swap3A_673 = vector.shape_cast %swap3A_672 : vector<1x16xi32> to vector<16xi32>
      %swap3A_674 = vector.shape_cast %add3A_668 : vector<16xi32> to vector<1x16xi32>
      tpu.vector_store %arg7[%swap3A_670, %swap3A_671], %swap3A_674 {strides = array<i32>} : memref<16x112xi32, #tpu.memory_space<vmem>>, vector<1x16xi32>,
      %add3A_675 = arith.constant 128 : i32
      %add3A_676 = vector.broadcast %add3A_675 : i32 to vector<16xi32>
      %add3A_677 = arith.addi %add3A_655, %add3A_676 : vector<16xi32>
      %swap3A_678 = arith.constant 1 : i32
      %swap3A_679 = arith.index_cast %swap3A_678 : i32 to index
      %swap3A_680 = arith.constant 32 : index
      %swap3A_681 = tpu.vector_load %arg8[%swap3A_679, %swap3A_680] {strides = array<i32>} : memref<16x112xi32, #tpu.memory_space<vmem>>, vector<1x16xi32>,
      %swap3A_682 = vector.shape_cast %swap3A_681 : vector<1x16xi32> to vector<16xi32>
      %swap3A_683 = vector.shape_cast %add3A_677 : vector<16xi32> to vector<1x16xi32>
      tpu.vector_store %arg8[%swap3A_679, %swap3A_680], %swap3A_683 {strides = array<i32>} : memref<16x112xi32, #tpu.memory_space<vmem>>, vector<1x16xi32>,
      %mul3A_684 = arith.constant 100352 : i32
      %mul3A_685 = arith.muli %add3A_9, %mul3A_684 : i32
      %add3A_686 = vector.broadcast %mul3A_685 : i32 to vector<16xi32>
      %add3A_687 = arith.addi %add3A_677, %add3A_686 : vector<16xi32>
      %swap3A_688 = arith.constant 1 : i32
      %swap3A_689 = arith.index_cast %swap3A_688 : i32 to index
      %swap3A_690 = arith.constant 32 : index
      %swap3A_691 = tpu.vector_load %arg7[%swap3A_689, %swap3A_690] {strides = array<i32>} : memref<16x112xi32, #tpu.memory_space<vmem>>, vector<1x16xi32>,
      %swap3A_692 = vector.shape_cast %swap3A_691 : vector<1x16xi32> to vector<16xi32>
      %swap3A_693 = vector.shape_cast %add3A_687 : vector<16xi32> to vector<1x16xi32>
      tpu.vector_store %arg7[%swap3A_689, %swap3A_690], %swap3A_693 {strides = array<i32>} : memref<16x112xi32, #tpu.memory_space<vmem>>, vector<1x16xi32>,
      %add3A_694 = arith.constant 256 : i32
      %add3A_695 = vector.broadcast %add3A_694 : i32 to vector<16xi32>
      %add3A_696 = arith.addi %add3A_655, %add3A_695 : vector<16xi32>
      %swap3A_697 = arith.constant 2 : i32
      %swap3A_698 = arith.index_cast %swap3A_697 : i32 to index
      %swap3A_699 = arith.constant 32 : index
      %swap3A_700 = tpu.vector_load %arg8[%swap3A_698, %swap3A_699] {strides = array<i32>} : memref<16x112xi32, #tpu.memory_space<vmem>>, vector<1x16xi32>,
      %swap3A_701 = vector.shape_cast %swap3A_700 : vector<1x16xi32> to vector<16xi32>
      %swap3A_702 = vector.shape_cast %add3A_696 : vector<16xi32> to vector<1x16xi32>
      tpu.vector_store %arg8[%swap3A_698, %swap3A_699], %swap3A_702 {strides = array<i32>} : memref<16x112xi32, #tpu.memory_space<vmem>>, vector<1x16xi32>,
      %mul3A_703 = arith.constant 100352 : i32
      %mul3A_704 = arith.muli %add3A_9, %mul3A_703 : i32
      %add3A_705 = vector.broadcast %mul3A_704 : i32 to vector<16xi32>
      %add3A_706 = arith.addi %add3A_696, %add3A_705 : vector<16xi32>
      %swap3A_707 = arith.constant 2 : i32
      %swap3A_708 = arith.index_cast %swap3A_707 : i32 to index
      %swap3A_709 = arith.constant 32 : index
      %swap3A_710 = tpu.vector_load %arg7[%swap3A_708, %swap3A_709] {strides = array<i32>} : memref<16x112xi32, #tpu.memory_space<vmem>>, vector<1x16xi32>,
      %swap3A_711 = vector.shape_cast %swap3A_710 : vector<1x16xi32> to vector<16xi32>
      %swap3A_712 = vector.shape_cast %add3A_706 : vector<16xi32> to vector<1x16xi32>
      tpu.vector_store %arg7[%swap3A_708, %swap3A_709], %swap3A_712 {strides = array<i32>} : memref<16x112xi32, #tpu.memory_space<vmem>>, vector<1x16xi32>,
      %add3A_713 = arith.constant 384 : i32
      %add3A_714 = vector.broadcast %add3A_713 : i32 to vector<16xi32>
      %add3A_715 = arith.addi %add3A_655, %add3A_714 : vector<16xi32>
      %swap3A_716 = arith.constant 3 : i32
      %swap3A_717 = arith.index_cast %swap3A_716 : i32 to index
      %swap3A_718 = arith.constant 32 : index
      %swap3A_719 = tpu.vector_load %arg8[%swap3A_717, %swap3A_718] {strides = array<i32>} : memref<16x112xi32, #tpu.memory_space<vmem>>, vector<1x16xi32>,
      %swap3A_720 = vector.shape_cast %swap3A_719 : vector<1x16xi32> to vector<16xi32>
      %swap3A_721 = vector.shape_cast %add3A_715 : vector<16xi32> to vector<1x16xi32>
      tpu.vector_store %arg8[%swap3A_717, %swap3A_718], %swap3A_721 {strides = array<i32>} : memref<16x112xi32, #tpu.memory_space<vmem>>, vector<1x16xi32>,
      %mul3A_722 = arith.constant 100352 : i32
      %mul3A_723 = arith.muli %add3A_9, %mul3A_722 : i32
      %add3A_724 = vector.broadcast %mul3A_723 : i32 to vector<16xi32>
      %add3A_725 = arith.addi %add3A_715, %add3A_724 : vector<16xi32>
      %swap3A_726 = arith.constant 3 : i32
      %swap3A_727 = arith.index_cast %swap3A_726 : i32 to index
      %swap3A_728 = arith.constant 32 : index
      %swap3A_729 = tpu.vector_load %arg7[%swap3A_727, %swap3A_728] {strides = array<i32>} : memref<16x112xi32, #tpu.memory_space<vmem>>, vector<1x16xi32>,
      %swap3A_730 = vector.shape_cast %swap3A_729 : vector<1x16xi32> to vector<16xi32>
      %swap3A_731 = vector.shape_cast %add3A_725 : vector<16xi32> to vector<1x16xi32>
      tpu.vector_store %arg7[%swap3A_727, %swap3A_728], %swap3A_731 {strides = array<i32>} : memref<16x112xi32, #tpu.memory_space<vmem>>, vector<1x16xi32>,
      %add3A_732 = arith.constant 512 : i32
      %add3A_733 = vector.broadcast %add3A_732 : i32 to vector<16xi32>
      %add3A_734 = arith.addi %add3A_655, %add3A_733 : vector<16xi32>
      %swap3A_735 = arith.constant 4 : i32
      %swap3A_736 = arith.index_cast %swap3A_735 : i32 to index
      %swap3A_737 = arith.constant 32 : index
      %swap3A_738 = tpu.vector_load %arg8[%swap3A_736, %swap3A_737] {strides = array<i32>} : memref<16x112xi32, #tpu.memory_space<vmem>>, vector<1x16xi32>,
      %swap3A_739 = vector.shape_cast %swap3A_738 : vector<1x16xi32> to vector<16xi32>
      %swap3A_740 = vector.shape_cast %add3A_734 : vector<16xi32> to vector<1x16xi32>
      tpu.vector_store %arg8[%swap3A_736, %swap3A_737], %swap3A_740 {strides = array<i32>} : memref<16x112xi32, #tpu.memory_space<vmem>>, vector<1x16xi32>,
      %mul3A_741 = arith.constant 100352 : i32
      %mul3A_742 = arith.muli %add3A_9, %mul3A_741 : i32
      %add3A_743 = vector.broadcast %mul3A_742 : i32 to vector<16xi32>
      %add3A_744 = arith.addi %add3A_734, %add3A_743 : vector<16xi32>
      %swap3A_745 = arith.constant 4 : i32
      %swap3A_746 = arith.index_cast %swap3A_745 : i32 to index
      %swap3A_747 = arith.constant 32 : index
      %swap3A_748 = tpu.vector_load %arg7[%swap3A_746, %swap3A_747] {strides = array<i32>} : memref<16x112xi32, #tpu.memory_space<vmem>>, vector<1x16xi32>,
      %swap3A_749 = vector.shape_cast %swap3A_748 : vector<1x16xi32> to vector<16xi32>
      %swap3A_750 = vector.shape_cast %add3A_744 : vector<16xi32> to vector<1x16xi32>
      tpu.vector_store %arg7[%swap3A_746, %swap3A_747], %swap3A_750 {strides = array<i32>} : memref<16x112xi32, #tpu.memory_space<vmem>>, vector<1x16xi32>,
      %add3A_751 = arith.constant 640 : i32
      %add3A_752 = vector.broadcast %add3A_751 : i32 to vector<16xi32>
      %add3A_753 = arith.addi %add3A_655, %add3A_752 : vector<16xi32>
      %swap3A_754 = arith.constant 5 : i32
      %swap3A_755 = arith.index_cast %swap3A_754 : i32 to index
      %swap3A_756 = arith.constant 32 : index
      %swap3A_757 = tpu.vector_load %arg8[%swap3A_755, %swap3A_756] {strides = array<i32>} : memref<16x112xi32, #tpu.memory_space<vmem>>, vector<1x16xi32>,
      %swap3A_758 = vector.shape_cast %swap3A_757 : vector<1x16xi32> to vector<16xi32>
      %swap3A_759 = vector.shape_cast %add3A_753 : vector<16xi32> to vector<1x16xi32>
      tpu.vector_store %arg8[%swap3A_755, %swap3A_756], %swap3A_759 {strides = array<i32>} : memref<16x112xi32, #tpu.memory_space<vmem>>, vector<1x16xi32>,
      %mul3A_760 = arith.constant 100352 : i32
      %mul3A_761 = arith.muli %add3A_9, %mul3A_760 : i32
      %add3A_762 = vector.broadcast %mul3A_761 : i32 to vector<16xi32>
      %add3A_763 = arith.addi %add3A_753, %add3A_762 : vector<16xi32>
      %swap3A_764 = arith.constant 5 : i32
      %swap3A_765 = arith.index_cast %swap3A_764 : i32 to index
      %swap3A_766 = arith.constant 32 : index
      %swap3A_767 = tpu.vector_load %arg7[%swap3A_765, %swap3A_766] {strides = array<i32>} : memref<16x112xi32, #tpu.memory_space<vmem>>, vector<1x16xi32>,
      %swap3A_768 = vector.shape_cast %swap3A_767 : vector<1x16xi32> to vector<16xi32>
      %swap3A_769 = vector.shape_cast %add3A_763 : vector<16xi32> to vector<1x16xi32>
      tpu.vector_store %arg7[%swap3A_765, %swap3A_766], %swap3A_769 {strides = array<i32>} : memref<16x112xi32, #tpu.memory_space<vmem>>, vector<1x16xi32>,
      %add3A_770 = arith.constant 768 : i32
      %add3A_771 = vector.broadcast %add3A_770 : i32 to vector<16xi32>
      %add3A_772 = arith.addi %add3A_655, %add3A_771 : vector<16xi32>
      %swap3A_773 = arith.constant 6 : i32
      %swap3A_774 = arith.index_cast %swap3A_773 : i32 to index
      %swap3A_775 = arith.constant 32 : index
      %swap3A_776 = tpu.vector_load %arg8[%swap3A_774, %swap3A_775] {strides = array<i32>} : memref<16x112xi32, #tpu.memory_space<vmem>>, vector<1x16xi32>,
      %swap3A_777 = vector.shape_cast %swap3A_776 : vector<1x16xi32> to vector<16xi32>
      %swap3A_778 = vector.shape_cast %add3A_772 : vector<16xi32> to vector<1x16xi32>
      tpu.vector_store %arg8[%swap3A_774, %swap3A_775], %swap3A_778 {strides = array<i32>} : memref<16x112xi32, #tpu.memory_space<vmem>>, vector<1x16xi32>,
      %mul3A_779 = arith.constant 100352 : i32
      %mul3A_780 = arith.muli %add3A_9, %mul3A_779 : i32
      %add3A_781 = vector.broadcast %mul3A_780 : i32 to vector<16xi32>
      %add3A_782 = arith.addi %add3A_772, %add3A_781 : vector<16xi32>
      %swap3A_783 = arith.constant 6 : i32
      %swap3A_784 = arith.index_cast %swap3A_783 : i32 to index
      %swap3A_785 = arith.constant 32 : index
      %swap3A_786 = tpu.vector_load %arg7[%swap3A_784, %swap3A_785] {strides = array<i32>} : memref<16x112xi32, #tpu.memory_space<vmem>>, vector<1x16xi32>,
      %swap3A_787 = vector.shape_cast %swap3A_786 : vector<1x16xi32> to vector<16xi32>
      %swap3A_788 = vector.shape_cast %add3A_782 : vector<16xi32> to vector<1x16xi32>
      tpu.vector_store %arg7[%swap3A_784, %swap3A_785], %swap3A_788 {strides = array<i32>} : memref<16x112xi32, #tpu.memory_space<vmem>>, vector<1x16xi32>,
      %add3A_789 = arith.constant 896 : i32
      %add3A_790 = vector.broadcast %add3A_789 : i32 to vector<16xi32>
      %add3A_791 = arith.addi %add3A_655, %add3A_790 : vector<16xi32>
      %swap3A_792 = arith.constant 7 : i32
      %swap3A_793 = arith.index_cast %swap3A_792 : i32 to index
      %swap3A_794 = arith.constant 32 : index
      %swap3A_795 = tpu.vector_load %arg8[%swap3A_793, %swap3A_794] {strides = array<i32>} : memref<16x112xi32, #tpu.memory_space<vmem>>, vector<1x16xi32>,
      %swap3A_796 = vector.shape_cast %swap3A_795 : vector<1x16xi32> to vector<16xi32>
      %swap3A_797 = vector.shape_cast %add3A_791 : vector<16xi32> to vector<1x16xi32>
      tpu.vector_store %arg8[%swap3A_793, %swap3A_794], %swap3A_797 {strides = array<i32>} : memref<16x112xi32, #tpu.memory_space<vmem>>, vector<1x16xi32>,
      %mul3A_798 = arith.constant 100352 : i32
      %mul3A_799 = arith.muli %add3A_9, %mul3A_798 : i32
      %add3A_800 = vector.broadcast %mul3A_799 : i32 to vector<16xi32>
      %add3A_801 = arith.addi %add3A_791, %add3A_800 : vector<16xi32>
      %swap3A_802 = arith.constant 7 : i32
      %swap3A_803 = arith.index_cast %swap3A_802 : i32 to index
      %swap3A_804 = arith.constant 32 : index
      %swap3A_805 = tpu.vector_load %arg7[%swap3A_803, %swap3A_804] {strides = array<i32>} : memref<16x112xi32, #tpu.memory_space<vmem>>, vector<1x16xi32>,
      %swap3A_806 = vector.shape_cast %swap3A_805 : vector<1x16xi32> to vector<16xi32>
      %swap3A_807 = vector.shape_cast %add3A_801 : vector<16xi32> to vector<1x16xi32>
      tpu.vector_store %arg7[%swap3A_803, %swap3A_804], %swap3A_807 {strides = array<i32>} : memref<16x112xi32, #tpu.memory_space<vmem>>, vector<1x16xi32>,
      %add3A_808 = arith.constant 1024 : i32
      %add3A_809 = vector.broadcast %add3A_808 : i32 to vector<16xi32>
      %add3A_810 = arith.addi %add3A_655, %add3A_809 : vector<16xi32>
      %swap3A_811 = arith.constant 8 : i32
      %swap3A_812 = arith.index_cast %swap3A_811 : i32 to index
      %swap3A_813 = arith.constant 32 : index
      %swap3A_814 = tpu.vector_load %arg8[%swap3A_812, %swap3A_813] {strides = array<i32>} : memref<16x112xi32, #tpu.memory_space<vmem>>, vector<1x16xi32>,
      %swap3A_815 = vector.shape_cast %swap3A_814 : vector<1x16xi32> to vector<16xi32>
      %swap3A_816 = vector.shape_cast %add3A_810 : vector<16xi32> to vector<1x16xi32>
      tpu.vector_store %arg8[%swap3A_812, %swap3A_813], %swap3A_816 {strides = array<i32>} : memref<16x112xi32, #tpu.memory_space<vmem>>, vector<1x16xi32>,
      %mul3A_817 = arith.constant 100352 : i32
      %mul3A_818 = arith.muli %add3A_9, %mul3A_817 : i32
      %add3A_819 = vector.broadcast %mul3A_818 : i32 to vector<16xi32>
      %add3A_820 = arith.addi %add3A_810, %add3A_819 : vector<16xi32>
      %swap3A_821 = arith.constant 8 : i32
      %swap3A_822 = arith.index_cast %swap3A_821 : i32 to index
      %swap3A_823 = arith.constant 32 : index
      %swap3A_824 = tpu.vector_load %arg7[%swap3A_822, %swap3A_823] {strides = array<i32>} : memref<16x112xi32, #tpu.memory_space<vmem>>, vector<1x16xi32>,
      %swap3A_825 = vector.shape_cast %swap3A_824 : vector<1x16xi32> to vector<16xi32>
      %swap3A_826 = vector.shape_cast %add3A_820 : vector<16xi32> to vector<1x16xi32>
      tpu.vector_store %arg7[%swap3A_822, %swap3A_823], %swap3A_826 {strides = array<i32>} : memref<16x112xi32, #tpu.memory_space<vmem>>, vector<1x16xi32>,
      %add3A_827 = arith.constant 1152 : i32
      %add3A_828 = vector.broadcast %add3A_827 : i32 to vector<16xi32>
      %add3A_829 = arith.addi %add3A_655, %add3A_828 : vector<16xi32>
      %swap3A_830 = arith.constant 9 : i32
      %swap3A_831 = arith.index_cast %swap3A_830 : i32 to index
      %swap3A_832 = arith.constant 32 : index
      %swap3A_833 = tpu.vector_load %arg8[%swap3A_831, %swap3A_832] {strides = array<i32>} : memref<16x112xi32, #tpu.memory_space<vmem>>, vector<1x16xi32>,
      %swap3A_834 = vector.shape_cast %swap3A_833 : vector<1x16xi32> to vector<16xi32>
      %swap3A_835 = vector.shape_cast %add3A_829 : vector<16xi32> to vector<1x16xi32>
      tpu.vector_store %arg8[%swap3A_831, %swap3A_832], %swap3A_835 {strides = array<i32>} : memref<16x112xi32, #tpu.memory_space<vmem>>, vector<1x16xi32>,
      %mul3A_836 = arith.constant 100352 : i32
      %mul3A_837 = arith.muli %add3A_9, %mul3A_836 : i32
      %add3A_838 = vector.broadcast %mul3A_837 : i32 to vector<16xi32>
      %add3A_839 = arith.addi %add3A_829, %add3A_838 : vector<16xi32>
      %swap3A_840 = arith.constant 9 : i32
      %swap3A_841 = arith.index_cast %swap3A_840 : i32 to index
      %swap3A_842 = arith.constant 32 : index
      %swap3A_843 = tpu.vector_load %arg7[%swap3A_841, %swap3A_842] {strides = array<i32>} : memref<16x112xi32, #tpu.memory_space<vmem>>, vector<1x16xi32>,
      %swap3A_844 = vector.shape_cast %swap3A_843 : vector<1x16xi32> to vector<16xi32>
      %swap3A_845 = vector.shape_cast %add3A_839 : vector<16xi32> to vector<1x16xi32>
      tpu.vector_store %arg7[%swap3A_841, %swap3A_842], %swap3A_845 {strides = array<i32>} : memref<16x112xi32, #tpu.memory_space<vmem>>, vector<1x16xi32>,
      %add3A_846 = arith.constant 1280 : i32
      %add3A_847 = vector.broadcast %add3A_846 : i32 to vector<16xi32>
      %add3A_848 = arith.addi %add3A_655, %add3A_847 : vector<16xi32>
      %swap3A_849 = arith.constant 10 : i32
      %swap3A_850 = arith.index_cast %swap3A_849 : i32 to index
      %swap3A_851 = arith.constant 32 : index
      %swap3A_852 = tpu.vector_load %arg8[%swap3A_850, %swap3A_851] {strides = array<i32>} : memref<16x112xi32, #tpu.memory_space<vmem>>, vector<1x16xi32>,
      %swap3A_853 = vector.shape_cast %swap3A_852 : vector<1x16xi32> to vector<16xi32>
      %swap3A_854 = vector.shape_cast %add3A_848 : vector<16xi32> to vector<1x16xi32>
      tpu.vector_store %arg8[%swap3A_850, %swap3A_851], %swap3A_854 {strides = array<i32>} : memref<16x112xi32, #tpu.memory_space<vmem>>, vector<1x16xi32>,
      %mul3A_855 = arith.constant 100352 : i32
      %mul3A_856 = arith.muli %add3A_9, %mul3A_855 : i32
      %add3A_857 = vector.broadcast %mul3A_856 : i32 to vector<16xi32>
      %add3A_858 = arith.addi %add3A_848, %add3A_857 : vector<16xi32>
      %swap3A_859 = arith.constant 10 : i32
      %swap3A_860 = arith.index_cast %swap3A_859 : i32 to index
      %swap3A_861 = arith.constant 32 : index
      %swap3A_862 = tpu.vector_load %arg7[%swap3A_860, %swap3A_861] {strides = array<i32>} : memref<16x112xi32, #tpu.memory_space<vmem>>, vector<1x16xi32>,
      %swap3A_863 = vector.shape_cast %swap3A_862 : vector<1x16xi32> to vector<16xi32>
      %swap3A_864 = vector.shape_cast %add3A_858 : vector<16xi32> to vector<1x16xi32>
      tpu.vector_store %arg7[%swap3A_860, %swap3A_861], %swap3A_864 {strides = array<i32>} : memref<16x112xi32, #tpu.memory_space<vmem>>, vector<1x16xi32>,
      %add3A_865 = arith.constant 1408 : i32
      %add3A_866 = vector.broadcast %add3A_865 : i32 to vector<16xi32>
      %add3A_867 = arith.addi %add3A_655, %add3A_866 : vector<16xi32>
      %swap3A_868 = arith.constant 11 : i32
      %swap3A_869 = arith.index_cast %swap3A_868 : i32 to index
      %swap3A_870 = arith.constant 32 : index
      %swap3A_871 = tpu.vector_load %arg8[%swap3A_869, %swap3A_870] {strides = array<i32>} : memref<16x112xi32, #tpu.memory_space<vmem>>, vector<1x16xi32>,
      %swap3A_872 = vector.shape_cast %swap3A_871 : vector<1x16xi32> to vector<16xi32>
      %swap3A_873 = vector.shape_cast %add3A_867 : vector<16xi32> to vector<1x16xi32>
      tpu.vector_store %arg8[%swap3A_869, %swap3A_870], %swap3A_873 {strides = array<i32>} : memref<16x112xi32, #tpu.memory_space<vmem>>, vector<1x16xi32>,
      %mul3A_874 = arith.constant 100352 : i32
      %mul3A_875 = arith.muli %add3A_9, %mul3A_874 : i32
      %add3A_876 = vector.broadcast %mul3A_875 : i32 to vector<16xi32>
      %add3A_877 = arith.addi %add3A_867, %add3A_876 : vector<16xi32>
      %swap3A_878 = arith.constant 11 : i32
      %swap3A_879 = arith.index_cast %swap3A_878 : i32 to index
      %swap3A_880 = arith.constant 32 : index
      %swap3A_881 = tpu.vector_load %arg7[%swap3A_879, %swap3A_880] {strides = array<i32>} : memref<16x112xi32, #tpu.memory_space<vmem>>, vector<1x16xi32>,
      %swap3A_882 = vector.shape_cast %swap3A_881 : vector<1x16xi32> to vector<16xi32>
      %swap3A_883 = vector.shape_cast %add3A_877 : vector<16xi32> to vector<1x16xi32>
      tpu.vector_store %arg7[%swap3A_879, %swap3A_880], %swap3A_883 {strides = array<i32>} : memref<16x112xi32, #tpu.memory_space<vmem>>, vector<1x16xi32>,
      %add3A_884 = arith.constant 1536 : i32
      %add3A_885 = vector.broadcast %add3A_884 : i32 to vector<16xi32>
      %add3A_886 = arith.addi %add3A_655, %add3A_885 : vector<16xi32>
      %swap3A_887 = arith.constant 12 : i32
      %swap3A_888 = arith.index_cast %swap3A_887 : i32 to index
      %swap3A_889 = arith.constant 32 : index
      %swap3A_890 = tpu.vector_load %arg8[%swap3A_888, %swap3A_889] {strides = array<i32>} : memref<16x112xi32, #tpu.memory_space<vmem>>, vector<1x16xi32>,
      %swap3A_891 = vector.shape_cast %swap3A_890 : vector<1x16xi32> to vector<16xi32>
      %swap3A_892 = vector.shape_cast %add3A_886 : vector<16xi32> to vector<1x16xi32>
      tpu.vector_store %arg8[%swap3A_888, %swap3A_889], %swap3A_892 {strides = array<i32>} : memref<16x112xi32, #tpu.memory_space<vmem>>, vector<1x16xi32>,
      %mul3A_893 = arith.constant 100352 : i32
      %mul3A_894 = arith.muli %add3A_9, %mul3A_893 : i32
      %add3A_895 = vector.broadcast %mul3A_894 : i32 to vector<16xi32>
      %add3A_896 = arith.addi %add3A_886, %add3A_895 : vector<16xi32>
      %swap3A_897 = arith.constant 12 : i32
      %swap3A_898 = arith.index_cast %swap3A_897 : i32 to index
      %swap3A_899 = arith.constant 32 : index
      %swap3A_900 = tpu.vector_load %arg7[%swap3A_898, %swap3A_899] {strides = array<i32>} : memref<16x112xi32, #tpu.memory_space<vmem>>, vector<1x16xi32>,
      %swap3A_901 = vector.shape_cast %swap3A_900 : vector<1x16xi32> to vector<16xi32>
      %swap3A_902 = vector.shape_cast %add3A_896 : vector<16xi32> to vector<1x16xi32>
      tpu.vector_store %arg7[%swap3A_898, %swap3A_899], %swap3A_902 {strides = array<i32>} : memref<16x112xi32, #tpu.memory_space<vmem>>, vector<1x16xi32>,
      %add3A_903 = arith.constant 1664 : i32
      %add3A_904 = vector.broadcast %add3A_903 : i32 to vector<16xi32>
      %add3A_905 = arith.addi %add3A_655, %add3A_904 : vector<16xi32>
      %swap3A_906 = arith.constant 13 : i32
      %swap3A_907 = arith.index_cast %swap3A_906 : i32 to index
      %swap3A_908 = arith.constant 32 : index
      %swap3A_909 = tpu.vector_load %arg8[%swap3A_907, %swap3A_908] {strides = array<i32>} : memref<16x112xi32, #tpu.memory_space<vmem>>, vector<1x16xi32>,
      %swap3A_910 = vector.shape_cast %swap3A_909 : vector<1x16xi32> to vector<16xi32>
      %swap3A_911 = vector.shape_cast %add3A_905 : vector<16xi32> to vector<1x16xi32>
      tpu.vector_store %arg8[%swap3A_907, %swap3A_908], %swap3A_911 {strides = array<i32>} : memref<16x112xi32, #tpu.memory_space<vmem>>, vector<1x16xi32>,
      %mul3A_912 = arith.constant 100352 : i32
      %mul3A_913 = arith.muli %add3A_9, %mul3A_912 : i32
      %add3A_914 = vector.broadcast %mul3A_913 : i32 to vector<16xi32>
      %add3A_915 = arith.addi %add3A_905, %add3A_914 : vector<16xi32>
      %swap3A_916 = arith.constant 13 : i32
      %swap3A_917 = arith.index_cast %swap3A_916 : i32 to index
      %swap3A_918 = arith.constant 32 : index
      %swap3A_919 = tpu.vector_load %arg7[%swap3A_917, %swap3A_918] {strides = array<i32>} : memref<16x112xi32, #tpu.memory_space<vmem>>, vector<1x16xi32>,
      %swap3A_920 = vector.shape_cast %swap3A_919 : vector<1x16xi32> to vector<16xi32>
      %swap3A_921 = vector.shape_cast %add3A_915 : vector<16xi32> to vector<1x16xi32>
      tpu.vector_store %arg7[%swap3A_917, %swap3A_918], %swap3A_921 {strides = array<i32>} : memref<16x112xi32, #tpu.memory_space<vmem>>, vector<1x16xi32>,
      %add3A_922 = arith.constant 1792 : i32
      %add3A_923 = vector.broadcast %add3A_922 : i32 to vector<16xi32>
      %add3A_924 = arith.addi %add3A_655, %add3A_923 : vector<16xi32>
      %swap3A_925 = arith.constant 14 : i32
      %swap3A_926 = arith.index_cast %swap3A_925 : i32 to index
      %swap3A_927 = arith.constant 32 : index
      %swap3A_928 = tpu.vector_load %arg8[%swap3A_926, %swap3A_927] {strides = array<i32>} : memref<16x112xi32, #tpu.memory_space<vmem>>, vector<1x16xi32>,
      %swap3A_929 = vector.shape_cast %swap3A_928 : vector<1x16xi32> to vector<16xi32>
      %swap3A_930 = vector.shape_cast %add3A_924 : vector<16xi32> to vector<1x16xi32>
      tpu.vector_store %arg8[%swap3A_926, %swap3A_927], %swap3A_930 {strides = array<i32>} : memref<16x112xi32, #tpu.memory_space<vmem>>, vector<1x16xi32>,
      %mul3A_931 = arith.constant 100352 : i32
      %mul3A_932 = arith.muli %add3A_9, %mul3A_931 : i32
      %add3A_933 = vector.broadcast %mul3A_932 : i32 to vector<16xi32>
      %add3A_934 = arith.addi %add3A_924, %add3A_933 : vector<16xi32>
      %swap3A_935 = arith.constant 14 : i32
      %swap3A_936 = arith.index_cast %swap3A_935 : i32 to index
      %swap3A_937 = arith.constant 32 : index
      %swap3A_938 = tpu.vector_load %arg7[%swap3A_936, %swap3A_937] {strides = array<i32>} : memref<16x112xi32, #tpu.memory_space<vmem>>, vector<1x16xi32>,
      %swap3A_939 = vector.shape_cast %swap3A_938 : vector<1x16xi32> to vector<16xi32>
      %swap3A_940 = vector.shape_cast %add3A_934 : vector<16xi32> to vector<1x16xi32>
      tpu.vector_store %arg7[%swap3A_936, %swap3A_937], %swap3A_940 {strides = array<i32>} : memref<16x112xi32, #tpu.memory_space<vmem>>, vector<1x16xi32>,
      %add3A_941 = arith.constant 1920 : i32
      %add3A_942 = vector.broadcast %add3A_941 : i32 to vector<16xi32>
      %add3A_943 = arith.addi %add3A_655, %add3A_942 : vector<16xi32>
      %swap3A_944 = arith.constant 15 : i32
      %swap3A_945 = arith.index_cast %swap3A_944 : i32 to index
      %swap3A_946 = arith.constant 32 : index
      %swap3A_947 = tpu.vector_load %arg8[%swap3A_945, %swap3A_946] {strides = array<i32>} : memref<16x112xi32, #tpu.memory_space<vmem>>, vector<1x16xi32>,
      %swap3A_948 = vector.shape_cast %swap3A_947 : vector<1x16xi32> to vector<16xi32>
      %swap3A_949 = vector.shape_cast %add3A_943 : vector<16xi32> to vector<1x16xi32>
      tpu.vector_store %arg8[%swap3A_945, %swap3A_946], %swap3A_949 {strides = array<i32>} : memref<16x112xi32, #tpu.memory_space<vmem>>, vector<1x16xi32>,
      %mul3A_950 = arith.constant 100352 : i32
      %mul3A_951 = arith.muli %add3A_9, %mul3A_950 : i32
      %add3A_952 = vector.broadcast %mul3A_951 : i32 to vector<16xi32>
      %add3A_953 = arith.addi %add3A_943, %add3A_952 : vector<16xi32>
      %swap3A_954 = arith.constant 15 : i32
      %swap3A_955 = arith.index_cast %swap3A_954 : i32 to index
      %swap3A_956 = arith.constant 32 : index
      %swap3A_957 = tpu.vector_load %arg7[%swap3A_955, %swap3A_956] {strides = array<i32>} : memref<16x112xi32, #tpu.memory_space<vmem>>, vector<1x16xi32>,
      %swap3A_958 = vector.shape_cast %swap3A_957 : vector<1x16xi32> to vector<16xi32>
      %swap3A_959 = vector.shape_cast %add3A_953 : vector<16xi32> to vector<1x16xi32>
      tpu.vector_store %arg7[%swap3A_955, %swap3A_956], %swap3A_959 {strides = array<i32>} : memref<16x112xi32, #tpu.memory_space<vmem>>, vector<1x16xi32>,
      %get3A_960 = arith.index_cast %scan3A_8 : i32 to index
      %get3A_961 = arith.constant 48 : index
      %get3A_962 = tpu.vector_load %arg6[%get3A_960, %get3A_961] {strides = array<i32>} : memref<32x112xi32, #tpu.memory_space<vmem>>, vector<1x16xi32>,
      %get3A_963 = vector.shape_cast %get3A_962 : vector<1x16xi32> to vector<16xi32>
      %shift_right_arithmetic3A_964 = arith.constant 7 : i32
      %shift_right_arithmetic3A_965 = vector.broadcast %shift_right_arithmetic3A_964 : i32 to vector<16xi32>
      %shift_right_arithmetic3A_966 = arith.shrsi %get3A_963, %shift_right_arithmetic3A_965 : vector<16xi32>
      %mul3A_967 = arith.constant 2048 : i32
      %mul3A_968 = vector.broadcast %mul3A_967 : i32 to vector<16xi32>
      %mul3A_969 = arith.muli %shift_right_arithmetic3A_966, %mul3A_968 : vector<16xi32>
      %and3A_970 = arith.constant 127 : i32
      %and3A_971 = vector.broadcast %and3A_970 : i32 to vector<16xi32>
      %and3A_972 = arith.andi %get3A_963, %and3A_971 : vector<16xi32>
      %add3A_973 = arith.addi %mul3A_969, %and3A_972 : vector<16xi32>
      %add3A_974 = arith.constant 0 : i32
      %add3A_975 = vector.broadcast %add3A_974 : i32 to vector<16xi32>
      %add3A_976 = arith.addi %add3A_973, %add3A_975 : vector<16xi32>
      %swap3A_977 = arith.constant 0 : i32
      %swap3A_978 = arith.index_cast %swap3A_977 : i32 to index
      %swap3A_979 = arith.constant 48 : index
      %swap3A_980 = tpu.vector_load %arg8[%swap3A_978, %swap3A_979] {strides = array<i32>} : memref<16x112xi32, #tpu.memory_space<vmem>>, vector<1x16xi32>,
      %swap3A_981 = vector.shape_cast %swap3A_980 : vector<1x16xi32> to vector<16xi32>
      %swap3A_982 = vector.shape_cast %add3A_976 : vector<16xi32> to vector<1x16xi32>
      tpu.vector_store %arg8[%swap3A_978, %swap3A_979], %swap3A_982 {strides = array<i32>} : memref<16x112xi32, #tpu.memory_space<vmem>>, vector<1x16xi32>,
      %mul3A_983 = arith.constant 100352 : i32
      %mul3A_984 = arith.muli %add3A_9, %mul3A_983 : i32
      %add3A_985 = vector.broadcast %mul3A_984 : i32 to vector<16xi32>
      %add3A_986 = arith.addi %add3A_976, %add3A_985 : vector<16xi32>
      %swap3A_987 = arith.constant 0 : i32
      %swap3A_988 = arith.index_cast %swap3A_987 : i32 to index
      %swap3A_989 = arith.constant 48 : index
      %swap3A_990 = tpu.vector_load %arg7[%swap3A_988, %swap3A_989] {strides = array<i32>} : memref<16x112xi32, #tpu.memory_space<vmem>>, vector<1x16xi32>,
      %swap3A_991 = vector.shape_cast %swap3A_990 : vector<1x16xi32> to vector<16xi32>
      %swap3A_992 = vector.shape_cast %add3A_986 : vector<16xi32> to vector<1x16xi32>
      tpu.vector_store %arg7[%swap3A_988, %swap3A_989], %swap3A_992 {strides = array<i32>} : memref<16x112xi32, #tpu.memory_space<vmem>>, vector<1x16xi32>,
      %add3A_993 = arith.constant 128 : i32
      %add3A_994 = vector.broadcast %add3A_993 : i32 to vector<16xi32>
      %add3A_995 = arith.addi %add3A_973, %add3A_994 : vector<16xi32>
      %swap3A_996 = arith.constant 1 : i32
      %swap3A_997 = arith.index_cast %swap3A_996 : i32 to index
      %swap3A_998 = arith.constant 48 : index
      %swap3A_999 = tpu.vector_load %arg8[%swap3A_997, %swap3A_998] {strides = array<i32>} : memref<16x112xi32, #tpu.memory_space<vmem>>, vector<1x16xi32>,
      %swap3A_1000 = vector.shape_cast %swap3A_999 : vector<1x16xi32> to vector<16xi32>
      %swap3A_1001 = vector.shape_cast %add3A_995 : vector<16xi32> to vector<1x16xi32>
      tpu.vector_store %arg8[%swap3A_997, %swap3A_998], %swap3A_1001 {strides = array<i32>} : memref<16x112xi32, #tpu.memory_space<vmem>>, vector<1x16xi32>,
      %mul3A_1002 = arith.constant 100352 : i32
      %mul3A_1003 = arith.muli %add3A_9, %mul3A_1002 : i32
      %add3A_1004 = vector.broadcast %mul3A_1003 : i32 to vector<16xi32>
      %add3A_1005 = arith.addi %add3A_995, %add3A_1004 : vector<16xi32>
      %swap3A_1006 = arith.constant 1 : i32
      %swap3A_1007 = arith.index_cast %swap3A_1006 : i32 to index
      %swap3A_1008 = arith.constant 48 : index
      %swap3A_1009 = tpu.vector_load %arg7[%swap3A_1007, %swap3A_1008] {strides = array<i32>} : memref<16x112xi32, #tpu.memory_space<vmem>>, vector<1x16xi32>,
      %swap3A_1010 = vector.shape_cast %swap3A_1009 : vector<1x16xi32> to vector<16xi32>
      %swap3A_1011 = vector.shape_cast %add3A_1005 : vector<16xi32> to vector<1x16xi32>
      tpu.vector_store %arg7[%swap3A_1007, %swap3A_1008], %swap3A_1011 {strides = array<i32>} : memref<16x112xi32, #tpu.memory_space<vmem>>, vector<1x16xi32>,
      %add3A_1012 = arith.constant 256 : i32
      %add3A_1013 = vector.broadcast %add3A_1012 : i32 to vector<16xi32>
      %add3A_1014 = arith.addi %add3A_973, %add3A_1013 : vector<16xi32>
      %swap3A_1015 = arith.constant 2 : i32
      %swap3A_1016 = arith.index_cast %swap3A_1015 : i32 to index
      %swap3A_1017 = arith.constant 48 : index
      %swap3A_1018 = tpu.vector_load %arg8[%swap3A_1016, %swap3A_1017] {strides = array<i32>} : memref<16x112xi32, #tpu.memory_space<vmem>>, vector<1x16xi32>,
      %swap3A_1019 = vector.shape_cast %swap3A_1018 : vector<1x16xi32> to vector<16xi32>
      %swap3A_1020 = vector.shape_cast %add3A_1014 : vector<16xi32> to vector<1x16xi32>
      tpu.vector_store %arg8[%swap3A_1016, %swap3A_1017], %swap3A_1020 {strides = array<i32>} : memref<16x112xi32, #tpu.memory_space<vmem>>, vector<1x16xi32>,
      %mul3A_1021 = arith.constant 100352 : i32
      %mul3A_1022 = arith.muli %add3A_9, %mul3A_1021 : i32
      %add3A_1023 = vector.broadcast %mul3A_1022 : i32 to vector<16xi32>
      %add3A_1024 = arith.addi %add3A_1014, %add3A_1023 : vector<16xi32>
      %swap3A_1025 = arith.constant 2 : i32
      %swap3A_1026 = arith.index_cast %swap3A_1025 : i32 to index
      %swap3A_1027 = arith.constant 48 : index
      %swap3A_1028 = tpu.vector_load %arg7[%swap3A_1026, %swap3A_1027] {strides = array<i32>} : memref<16x112xi32, #tpu.memory_space<vmem>>, vector<1x16xi32>,
      %swap3A_1029 = vector.shape_cast %swap3A_1028 : vector<1x16xi32> to vector<16xi32>
      %swap3A_1030 = vector.shape_cast %add3A_1024 : vector<16xi32> to vector<1x16xi32>
      tpu.vector_store %arg7[%swap3A_1026, %swap3A_1027], %swap3A_1030 {strides = array<i32>} : memref<16x112xi32, #tpu.memory_space<vmem>>, vector<1x16xi32>,
      %add3A_1031 = arith.constant 384 : i32
      %add3A_1032 = vector.broadcast %add3A_1031 : i32 to vector<16xi32>
      %add3A_1033 = arith.addi %add3A_973, %add3A_1032 : vector<16xi32>
      %swap3A_1034 = arith.constant 3 : i32
      %swap3A_1035 = arith.index_cast %swap3A_1034 : i32 to index
      %swap3A_1036 = arith.constant 48 : index
      %swap3A_1037 = tpu.vector_load %arg8[%swap3A_1035, %swap3A_1036] {strides = array<i32>} : memref<16x112xi32, #tpu.memory_space<vmem>>, vector<1x16xi32>,
      %swap3A_1038 = vector.shape_cast %swap3A_1037 : vector<1x16xi32> to vector<16xi32>
      %swap3A_1039 = vector.shape_cast %add3A_1033 : vector<16xi32> to vector<1x16xi32>
      tpu.vector_store %arg8[%swap3A_1035, %swap3A_1036], %swap3A_1039 {strides = array<i32>} : memref<16x112xi32, #tpu.memory_space<vmem>>, vector<1x16xi32>,
      %mul3A_1040 = arith.constant 100352 : i32
      %mul3A_1041 = arith.muli %add3A_9, %mul3A_1040 : i32
      %add3A_1042 = vector.broadcast %mul3A_1041 : i32 to vector<16xi32>
      %add3A_1043 = arith.addi %add3A_1033, %add3A_1042 : vector<16xi32>
      %swap3A_1044 = arith.constant 3 : i32
      %swap3A_1045 = arith.index_cast %swap3A_1044 : i32 to index
      %swap3A_1046 = arith.constant 48 : index
      %swap3A_1047 = tpu.vector_load %arg7[%swap3A_1045, %swap3A_1046] {strides = array<i32>} : memref<16x112xi32, #tpu.memory_space<vmem>>, vector<1x16xi32>,
      %swap3A_1048 = vector.shape_cast %swap3A_1047 : vector<1x16xi32> to vector<16xi32>
      %swap3A_1049 = vector.shape_cast %add3A_1043 : vector<16xi32> to vector<1x16xi32>
      tpu.vector_store %arg7[%swap3A_1045, %swap3A_1046], %swap3A_1049 {strides = array<i32>} : memref<16x112xi32, #tpu.memory_space<vmem>>, vector<1x16xi32>,
      %add3A_1050 = arith.constant 512 : i32
      %add3A_1051 = vector.broadcast %add3A_1050 : i32 to vector<16xi32>
      %add3A_1052 = arith.addi %add3A_973, %add3A_1051 : vector<16xi32>
      %swap3A_1053 = arith.constant 4 : i32
      %swap3A_1054 = arith.index_cast %swap3A_1053 : i32 to index
      %swap3A_1055 = arith.constant 48 : index
      %swap3A_1056 = tpu.vector_load %arg8[%swap3A_1054, %swap3A_1055] {strides = array<i32>} : memref<16x112xi32, #tpu.memory_space<vmem>>, vector<1x16xi32>,
      %swap3A_1057 = vector.shape_cast %swap3A_1056 : vector<1x16xi32> to vector<16xi32>
      %swap3A_1058 = vector.shape_cast %add3A_1052 : vector<16xi32> to vector<1x16xi32>
      tpu.vector_store %arg8[%swap3A_1054, %swap3A_1055], %swap3A_1058 {strides = array<i32>} : memref<16x112xi32, #tpu.memory_space<vmem>>, vector<1x16xi32>,
      %mul3A_1059 = arith.constant 100352 : i32
      %mul3A_1060 = arith.muli %add3A_9, %mul3A_1059 : i32
      %add3A_1061 = vector.broadcast %mul3A_1060 : i32 to vector<16xi32>
      %add3A_1062 = arith.addi %add3A_1052, %add3A_1061 : vector<16xi32>
      %swap3A_1063 = arith.constant 4 : i32
      %swap3A_1064 = arith.index_cast %swap3A_1063 : i32 to index
      %swap3A_1065 = arith.constant 48 : index
      %swap3A_1066 = tpu.vector_load %arg7[%swap3A_1064, %swap3A_1065] {strides = array<i32>} : memref<16x112xi32, #tpu.memory_space<vmem>>, vector<1x16xi32>,
      %swap3A_1067 = vector.shape_cast %swap3A_1066 : vector<1x16xi32> to vector<16xi32>
      %swap3A_1068 = vector.shape_cast %add3A_1062 : vector<16xi32> to vector<1x16xi32>
      tpu.vector_store %arg7[%swap3A_1064, %swap3A_1065], %swap3A_1068 {strides = array<i32>} : memref<16x112xi32, #tpu.memory_space<vmem>>, vector<1x16xi32>,
      %add3A_1069 = arith.constant 640 : i32
      %add3A_1070 = vector.broadcast %add3A_1069 : i32 to vector<16xi32>
      %add3A_1071 = arith.addi %add3A_973, %add3A_1070 : vector<16xi32>
      %swap3A_1072 = arith.constant 5 : i32
      %swap3A_1073 = arith.index_cast %swap3A_1072 : i32 to index
      %swap3A_1074 = arith.constant 48 : index
      %swap3A_1075 = tpu.vector_load %arg8[%swap3A_1073, %swap3A_1074] {strides = array<i32>} : memref<16x112xi32, #tpu.memory_space<vmem>>, vector<1x16xi32>,
      %swap3A_1076 = vector.shape_cast %swap3A_1075 : vector<1x16xi32> to vector<16xi32>
      %swap3A_1077 = vector.shape_cast %add3A_1071 : vector<16xi32> to vector<1x16xi32>
      tpu.vector_store %arg8[%swap3A_1073, %swap3A_1074], %swap3A_1077 {strides = array<i32>} : memref<16x112xi32, #tpu.memory_space<vmem>>, vector<1x16xi32>,
      %mul3A_1078 = arith.constant 100352 : i32
      %mul3A_1079 = arith.muli %add3A_9, %mul3A_1078 : i32
      %add3A_1080 = vector.broadcast %mul3A_1079 : i32 to vector<16xi32>
      %add3A_1081 = arith.addi %add3A_1071, %add3A_1080 : vector<16xi32>
      %swap3A_1082 = arith.constant 5 : i32
      %swap3A_1083 = arith.index_cast %swap3A_1082 : i32 to index
      %swap3A_1084 = arith.constant 48 : index
      %swap3A_1085 = tpu.vector_load %arg7[%swap3A_1083, %swap3A_1084] {strides = array<i32>} : memref<16x112xi32, #tpu.memory_space<vmem>>, vector<1x16xi32>,
      %swap3A_1086 = vector.shape_cast %swap3A_1085 : vector<1x16xi32> to vector<16xi32>
      %swap3A_1087 = vector.shape_cast %add3A_1081 : vector<16xi32> to vector<1x16xi32>
      tpu.vector_store %arg7[%swap3A_1083, %swap3A_1084], %swap3A_1087 {strides = array<i32>} : memref<16x112xi32, #tpu.memory_space<vmem>>, vector<1x16xi32>,
      %add3A_1088 = arith.constant 768 : i32
      %add3A_1089 = vector.broadcast %add3A_1088 : i32 to vector<16xi32>
      %add3A_1090 = arith.addi %add3A_973, %add3A_1089 : vector<16xi32>
      %swap3A_1091 = arith.constant 6 : i32
      %swap3A_1092 = arith.index_cast %swap3A_1091 : i32 to index
      %swap3A_1093 = arith.constant 48 : index
      %swap3A_1094 = tpu.vector_load %arg8[%swap3A_1092, %swap3A_1093] {strides = array<i32>} : memref<16x112xi32, #tpu.memory_space<vmem>>, vector<1x16xi32>,
      %swap3A_1095 = vector.shape_cast %swap3A_1094 : vector<1x16xi32> to vector<16xi32>
      %swap3A_1096 = vector.shape_cast %add3A_1090 : vector<16xi32> to vector<1x16xi32>
      tpu.vector_store %arg8[%swap3A_1092, %swap3A_1093], %swap3A_1096 {strides = array<i32>} : memref<16x112xi32, #tpu.memory_space<vmem>>, vector<1x16xi32>,
      %mul3A_1097 = arith.constant 100352 : i32
      %mul3A_1098 = arith.muli %add3A_9, %mul3A_1097 : i32
      %add3A_1099 = vector.broadcast %mul3A_1098 : i32 to vector<16xi32>
      %add3A_1100 = arith.addi %add3A_1090, %add3A_1099 : vector<16xi32>
      %swap3A_1101 = arith.constant 6 : i32
      %swap3A_1102 = arith.index_cast %swap3A_1101 : i32 to index
      %swap3A_1103 = arith.constant 48 : index
      %swap3A_1104 = tpu.vector_load %arg7[%swap3A_1102, %swap3A_1103] {strides = array<i32>} : memref<16x112xi32, #tpu.memory_space<vmem>>, vector<1x16xi32>,
      %swap3A_1105 = vector.shape_cast %swap3A_1104 : vector<1x16xi32> to vector<16xi32>
      %swap3A_1106 = vector.shape_cast %add3A_1100 : vector<16xi32> to vector<1x16xi32>
      tpu.vector_store %arg7[%swap3A_1102, %swap3A_1103], %swap3A_1106 {strides = array<i32>} : memref<16x112xi32, #tpu.memory_space<vmem>>, vector<1x16xi32>,
      %add3A_1107 = arith.constant 896 : i32
      %add3A_1108 = vector.broadcast %add3A_1107 : i32 to vector<16xi32>
      %add3A_1109 = arith.addi %add3A_973, %add3A_1108 : vector<16xi32>
      %swap3A_1110 = arith.constant 7 : i32
      %swap3A_1111 = arith.index_cast %swap3A_1110 : i32 to index
      %swap3A_1112 = arith.constant 48 : index
      %swap3A_1113 = tpu.vector_load %arg8[%swap3A_1111, %swap3A_1112] {strides = array<i32>} : memref<16x112xi32, #tpu.memory_space<vmem>>, vector<1x16xi32>,
      %swap3A_1114 = vector.shape_cast %swap3A_1113 : vector<1x16xi32> to vector<16xi32>
      %swap3A_1115 = vector.shape_cast %add3A_1109 : vector<16xi32> to vector<1x16xi32>
      tpu.vector_store %arg8[%swap3A_1111, %swap3A_1112], %swap3A_1115 {strides = array<i32>} : memref<16x112xi32, #tpu.memory_space<vmem>>, vector<1x16xi32>,
      %mul3A_1116 = arith.constant 100352 : i32
      %mul3A_1117 = arith.muli %add3A_9, %mul3A_1116 : i32
      %add3A_1118 = vector.broadcast %mul3A_1117 : i32 to vector<16xi32>
      %add3A_1119 = arith.addi %add3A_1109, %add3A_1118 : vector<16xi32>
      %swap3A_1120 = arith.constant 7 : i32
      %swap3A_1121 = arith.index_cast %swap3A_1120 : i32 to index
      %swap3A_1122 = arith.constant 48 : index
      %swap3A_1123 = tpu.vector_load %arg7[%swap3A_1121, %swap3A_1122] {strides = array<i32>} : memref<16x112xi32, #tpu.memory_space<vmem>>, vector<1x16xi32>,
      %swap3A_1124 = vector.shape_cast %swap3A_1123 : vector<1x16xi32> to vector<16xi32>
      %swap3A_1125 = vector.shape_cast %add3A_1119 : vector<16xi32> to vector<1x16xi32>
      tpu.vector_store %arg7[%swap3A_1121, %swap3A_1122], %swap3A_1125 {strides = array<i32>} : memref<16x112xi32, #tpu.memory_space<vmem>>, vector<1x16xi32>,
      %add3A_1126 = arith.constant 1024 : i32
      %add3A_1127 = vector.broadcast %add3A_1126 : i32 to vector<16xi32>
      %add3A_1128 = arith.addi %add3A_973, %add3A_1127 : vector<16xi32>
      %swap3A_1129 = arith.constant 8 : i32
      %swap3A_1130 = arith.index_cast %swap3A_1129 : i32 to index
      %swap3A_1131 = arith.constant 48 : index
      %swap3A_1132 = tpu.vector_load %arg8[%swap3A_1130, %swap3A_1131] {strides = array<i32>} : memref<16x112xi32, #tpu.memory_space<vmem>>, vector<1x16xi32>,
      %swap3A_1133 = vector.shape_cast %swap3A_1132 : vector<1x16xi32> to vector<16xi32>
      %swap3A_1134 = vector.shape_cast %add3A_1128 : vector<16xi32> to vector<1x16xi32>
      tpu.vector_store %arg8[%swap3A_1130, %swap3A_1131], %swap3A_1134 {strides = array<i32>} : memref<16x112xi32, #tpu.memory_space<vmem>>, vector<1x16xi32>,
      %mul3A_1135 = arith.constant 100352 : i32
      %mul3A_1136 = arith.muli %add3A_9, %mul3A_1135 : i32
      %add3A_1137 = vector.broadcast %mul3A_1136 : i32 to vector<16xi32>
      %add3A_1138 = arith.addi %add3A_1128, %add3A_1137 : vector<16xi32>
      %swap3A_1139 = arith.constant 8 : i32
      %swap3A_1140 = arith.index_cast %swap3A_1139 : i32 to index
      %swap3A_1141 = arith.constant 48 : index
      %swap3A_1142 = tpu.vector_load %arg7[%swap3A_1140, %swap3A_1141] {strides = array<i32>} : memref<16x112xi32, #tpu.memory_space<vmem>>, vector<1x16xi32>,
      %swap3A_1143 = vector.shape_cast %swap3A_1142 : vector<1x16xi32> to vector<16xi32>
      %swap3A_1144 = vector.shape_cast %add3A_1138 : vector<16xi32> to vector<1x16xi32>
      tpu.vector_store %arg7[%swap3A_1140, %swap3A_1141], %swap3A_1144 {strides = array<i32>} : memref<16x112xi32, #tpu.memory_space<vmem>>, vector<1x16xi32>,
      %add3A_1145 = arith.constant 1152 : i32
      %add3A_1146 = vector.broadcast %add3A_1145 : i32 to vector<16xi32>
      %add3A_1147 = arith.addi %add3A_973, %add3A_1146 : vector<16xi32>
      %swap3A_1148 = arith.constant 9 : i32
      %swap3A_1149 = arith.index_cast %swap3A_1148 : i32 to index
      %swap3A_1150 = arith.constant 48 : index
      %swap3A_1151 = tpu.vector_load %arg8[%swap3A_1149, %swap3A_1150] {strides = array<i32>} : memref<16x112xi32, #tpu.memory_space<vmem>>, vector<1x16xi32>,
      %swap3A_1152 = vector.shape_cast %swap3A_1151 : vector<1x16xi32> to vector<16xi32>
      %swap3A_1153 = vector.shape_cast %add3A_1147 : vector<16xi32> to vector<1x16xi32>
      tpu.vector_store %arg8[%swap3A_1149, %swap3A_1150], %swap3A_1153 {strides = array<i32>} : memref<16x112xi32, #tpu.memory_space<vmem>>, vector<1x16xi32>,
      %mul3A_1154 = arith.constant 100352 : i32
      %mul3A_1155 = arith.muli %add3A_9, %mul3A_1154 : i32
      %add3A_1156 = vector.broadcast %mul3A_1155 : i32 to vector<16xi32>
      %add3A_1157 = arith.addi %add3A_1147, %add3A_1156 : vector<16xi32>
      %swap3A_1158 = arith.constant 9 : i32
      %swap3A_1159 = arith.index_cast %swap3A_1158 : i32 to index
      %swap3A_1160 = arith.constant 48 : index
      %swap3A_1161 = tpu.vector_load %arg7[%swap3A_1159, %swap3A_1160] {strides = array<i32>} : memref<16x112xi32, #tpu.memory_space<vmem>>, vector<1x16xi32>,
      %swap3A_1162 = vector.shape_cast %swap3A_1161 : vector<1x16xi32> to vector<16xi32>
      %swap3A_1163 = vector.shape_cast %add3A_1157 : vector<16xi32> to vector<1x16xi32>
      tpu.vector_store %arg7[%swap3A_1159, %swap3A_1160], %swap3A_1163 {strides = array<i32>} : memref<16x112xi32, #tpu.memory_space<vmem>>, vector<1x16xi32>,
      %add3A_1164 = arith.constant 1280 : i32
      %add3A_1165 = vector.broadcast %add3A_1164 : i32 to vector<16xi32>
      %add3A_1166 = arith.addi %add3A_973, %add3A_1165 : vector<16xi32>
      %swap3A_1167 = arith.constant 10 : i32
      %swap3A_1168 = arith.index_cast %swap3A_1167 : i32 to index
      %swap3A_1169 = arith.constant 48 : index
      %swap3A_1170 = tpu.vector_load %arg8[%swap3A_1168, %swap3A_1169] {strides = array<i32>} : memref<16x112xi32, #tpu.memory_space<vmem>>, vector<1x16xi32>,
      %swap3A_1171 = vector.shape_cast %swap3A_1170 : vector<1x16xi32> to vector<16xi32>
      %swap3A_1172 = vector.shape_cast %add3A_1166 : vector<16xi32> to vector<1x16xi32>
      tpu.vector_store %arg8[%swap3A_1168, %swap3A_1169], %swap3A_1172 {strides = array<i32>} : memref<16x112xi32, #tpu.memory_space<vmem>>, vector<1x16xi32>,
      %mul3A_1173 = arith.constant 100352 : i32
      %mul3A_1174 = arith.muli %add3A_9, %mul3A_1173 : i32
      %add3A_1175 = vector.broadcast %mul3A_1174 : i32 to vector<16xi32>
      %add3A_1176 = arith.addi %add3A_1166, %add3A_1175 : vector<16xi32>
      %swap3A_1177 = arith.constant 10 : i32
      %swap3A_1178 = arith.index_cast %swap3A_1177 : i32 to index
      %swap3A_1179 = arith.constant 48 : index
      %swap3A_1180 = tpu.vector_load %arg7[%swap3A_1178, %swap3A_1179] {strides = array<i32>} : memref<16x112xi32, #tpu.memory_space<vmem>>, vector<1x16xi32>,
      %swap3A_1181 = vector.shape_cast %swap3A_1180 : vector<1x16xi32> to vector<16xi32>
      %swap3A_1182 = vector.shape_cast %add3A_1176 : vector<16xi32> to vector<1x16xi32>
      tpu.vector_store %arg7[%swap3A_1178, %swap3A_1179], %swap3A_1182 {strides = array<i32>} : memref<16x112xi32, #tpu.memory_space<vmem>>, vector<1x16xi32>,
      %add3A_1183 = arith.constant 1408 : i32
      %add3A_1184 = vector.broadcast %add3A_1183 : i32 to vector<16xi32>
      %add3A_1185 = arith.addi %add3A_973, %add3A_1184 : vector<16xi32>
      %swap3A_1186 = arith.constant 11 : i32
      %swap3A_1187 = arith.index_cast %swap3A_1186 : i32 to index
      %swap3A_1188 = arith.constant 48 : index
      %swap3A_1189 = tpu.vector_load %arg8[%swap3A_1187, %swap3A_1188] {strides = array<i32>} : memref<16x112xi32, #tpu.memory_space<vmem>>, vector<1x16xi32>,
      %swap3A_1190 = vector.shape_cast %swap3A_1189 : vector<1x16xi32> to vector<16xi32>
      %swap3A_1191 = vector.shape_cast %add3A_1185 : vector<16xi32> to vector<1x16xi32>
      tpu.vector_store %arg8[%swap3A_1187, %swap3A_1188], %swap3A_1191 {strides = array<i32>} : memref<16x112xi32, #tpu.memory_space<vmem>>, vector<1x16xi32>,
      %mul3A_1192 = arith.constant 100352 : i32
      %mul3A_1193 = arith.muli %add3A_9, %mul3A_1192 : i32
      %add3A_1194 = vector.broadcast %mul3A_1193 : i32 to vector<16xi32>
      %add3A_1195 = arith.addi %add3A_1185, %add3A_1194 : vector<16xi32>
      %swap3A_1196 = arith.constant 11 : i32
      %swap3A_1197 = arith.index_cast %swap3A_1196 : i32 to index
      %swap3A_1198 = arith.constant 48 : index
      %swap3A_1199 = tpu.vector_load %arg7[%swap3A_1197, %swap3A_1198] {strides = array<i32>} : memref<16x112xi32, #tpu.memory_space<vmem>>, vector<1x16xi32>,
      %swap3A_1200 = vector.shape_cast %swap3A_1199 : vector<1x16xi32> to vector<16xi32>
      %swap3A_1201 = vector.shape_cast %add3A_1195 : vector<16xi32> to vector<1x16xi32>
      tpu.vector_store %arg7[%swap3A_1197, %swap3A_1198], %swap3A_1201 {strides = array<i32>} : memref<16x112xi32, #tpu.memory_space<vmem>>, vector<1x16xi32>,
      %add3A_1202 = arith.constant 1536 : i32
      %add3A_1203 = vector.broadcast %add3A_1202 : i32 to vector<16xi32>
      %add3A_1204 = arith.addi %add3A_973, %add3A_1203 : vector<16xi32>
      %swap3A_1205 = arith.constant 12 : i32
      %swap3A_1206 = arith.index_cast %swap3A_1205 : i32 to index
      %swap3A_1207 = arith.constant 48 : index
      %swap3A_1208 = tpu.vector_load %arg8[%swap3A_1206, %swap3A_1207] {strides = array<i32>} : memref<16x112xi32, #tpu.memory_space<vmem>>, vector<1x16xi32>,
      %swap3A_1209 = vector.shape_cast %swap3A_1208 : vector<1x16xi32> to vector<16xi32>
      %swap3A_1210 = vector.shape_cast %add3A_1204 : vector<16xi32> to vector<1x16xi32>
      tpu.vector_store %arg8[%swap3A_1206, %swap3A_1207], %swap3A_1210 {strides = array<i32>} : memref<16x112xi32, #tpu.memory_space<vmem>>, vector<1x16xi32>,
      %mul3A_1211 = arith.constant 100352 : i32
      %mul3A_1212 = arith.muli %add3A_9, %mul3A_1211 : i32
      %add3A_1213 = vector.broadcast %mul3A_1212 : i32 to vector<16xi32>
      %add3A_1214 = arith.addi %add3A_1204, %add3A_1213 : vector<16xi32>
      %swap3A_1215 = arith.constant 12 : i32
      %swap3A_1216 = arith.index_cast %swap3A_1215 : i32 to index
      %swap3A_1217 = arith.constant 48 : index
      %swap3A_1218 = tpu.vector_load %arg7[%swap3A_1216, %swap3A_1217] {strides = array<i32>} : memref<16x112xi32, #tpu.memory_space<vmem>>, vector<1x16xi32>,
      %swap3A_1219 = vector.shape_cast %swap3A_1218 : vector<1x16xi32> to vector<16xi32>
      %swap3A_1220 = vector.shape_cast %add3A_1214 : vector<16xi32> to vector<1x16xi32>
      tpu.vector_store %arg7[%swap3A_1216, %swap3A_1217], %swap3A_1220 {strides = array<i32>} : memref<16x112xi32, #tpu.memory_space<vmem>>, vector<1x16xi32>,
      %add3A_1221 = arith.constant 1664 : i32
      %add3A_1222 = vector.broadcast %add3A_1221 : i32 to vector<16xi32>
      %add3A_1223 = arith.addi %add3A_973, %add3A_1222 : vector<16xi32>
      %swap3A_1224 = arith.constant 13 : i32
      %swap3A_1225 = arith.index_cast %swap3A_1224 : i32 to index
      %swap3A_1226 = arith.constant 48 : index
      %swap3A_1227 = tpu.vector_load %arg8[%swap3A_1225, %swap3A_1226] {strides = array<i32>} : memref<16x112xi32, #tpu.memory_space<vmem>>, vector<1x16xi32>,
      %swap3A_1228 = vector.shape_cast %swap3A_1227 : vector<1x16xi32> to vector<16xi32>
      %swap3A_1229 = vector.shape_cast %add3A_1223 : vector<16xi32> to vector<1x16xi32>
      tpu.vector_store %arg8[%swap3A_1225, %swap3A_1226], %swap3A_1229 {strides = array<i32>} : memref<16x112xi32, #tpu.memory_space<vmem>>, vector<1x16xi32>,
      %mul3A_1230 = arith.constant 100352 : i32
      %mul3A_1231 = arith.muli %add3A_9, %mul3A_1230 : i32
      %add3A_1232 = vector.broadcast %mul3A_1231 : i32 to vector<16xi32>
      %add3A_1233 = arith.addi %add3A_1223, %add3A_1232 : vector<16xi32>
      %swap3A_1234 = arith.constant 13 : i32
      %swap3A_1235 = arith.index_cast %swap3A_1234 : i32 to index
      %swap3A_1236 = arith.constant 48 : index
      %swap3A_1237 = tpu.vector_load %arg7[%swap3A_1235, %swap3A_1236] {strides = array<i32>} : memref<16x112xi32, #tpu.memory_space<vmem>>, vector<1x16xi32>,
      %swap3A_1238 = vector.shape_cast %swap3A_1237 : vector<1x16xi32> to vector<16xi32>
      %swap3A_1239 = vector.shape_cast %add3A_1233 : vector<16xi32> to vector<1x16xi32>
      tpu.vector_store %arg7[%swap3A_1235, %swap3A_1236], %swap3A_1239 {strides = array<i32>} : memref<16x112xi32, #tpu.memory_space<vmem>>, vector<1x16xi32>,
      %add3A_1240 = arith.constant 1792 : i32
      %add3A_1241 = vector.broadcast %add3A_1240 : i32 to vector<16xi32>
      %add3A_1242 = arith.addi %add3A_973, %add3A_1241 : vector<16xi32>
      %swap3A_1243 = arith.constant 14 : i32
      %swap3A_1244 = arith.index_cast %swap3A_1243 : i32 to index
      %swap3A_1245 = arith.constant 48 : index
      %swap3A_1246 = tpu.vector_load %arg8[%swap3A_1244, %swap3A_1245] {strides = array<i32>} : memref<16x112xi32, #tpu.memory_space<vmem>>, vector<1x16xi32>,
      %swap3A_1247 = vector.shape_cast %swap3A_1246 : vector<1x16xi32> to vector<16xi32>
      %swap3A_1248 = vector.shape_cast %add3A_1242 : vector<16xi32> to vector<1x16xi32>
      tpu.vector_store %arg8[%swap3A_1244, %swap3A_1245], %swap3A_1248 {strides = array<i32>} : memref<16x112xi32, #tpu.memory_space<vmem>>, vector<1x16xi32>,
      %mul3A_1249 = arith.constant 100352 : i32
      %mul3A_1250 = arith.muli %add3A_9, %mul3A_1249 : i32
      %add3A_1251 = vector.broadcast %mul3A_1250 : i32 to vector<16xi32>
      %add3A_1252 = arith.addi %add3A_1242, %add3A_1251 : vector<16xi32>
      %swap3A_1253 = arith.constant 14 : i32
      %swap3A_1254 = arith.index_cast %swap3A_1253 : i32 to index
      %swap3A_1255 = arith.constant 48 : index
      %swap3A_1256 = tpu.vector_load %arg7[%swap3A_1254, %swap3A_1255] {strides = array<i32>} : memref<16x112xi32, #tpu.memory_space<vmem>>, vector<1x16xi32>,
      %swap3A_1257 = vector.shape_cast %swap3A_1256 : vector<1x16xi32> to vector<16xi32>
      %swap3A_1258 = vector.shape_cast %add3A_1252 : vector<16xi32> to vector<1x16xi32>
      tpu.vector_store %arg7[%swap3A_1254, %swap3A_1255], %swap3A_1258 {strides = array<i32>} : memref<16x112xi32, #tpu.memory_space<vmem>>, vector<1x16xi32>,
      %add3A_1259 = arith.constant 1920 : i32
      %add3A_1260 = vector.broadcast %add3A_1259 : i32 to vector<16xi32>
      %add3A_1261 = arith.addi %add3A_973, %add3A_1260 : vector<16xi32>
      %swap3A_1262 = arith.constant 15 : i32
      %swap3A_1263 = arith.index_cast %swap3A_1262 : i32 to index
      %swap3A_1264 = arith.constant 48 : index
      %swap3A_1265 = tpu.vector_load %arg8[%swap3A_1263, %swap3A_1264] {strides = array<i32>} : memref<16x112xi32, #tpu.memory_space<vmem>>, vector<1x16xi32>,
      %swap3A_1266 = vector.shape_cast %swap3A_1265 : vector<1x16xi32> to vector<16xi32>
      %swap3A_1267 = vector.shape_cast %add3A_1261 : vector<16xi32> to vector<1x16xi32>
      tpu.vector_store %arg8[%swap3A_1263, %swap3A_1264], %swap3A_1267 {strides = array<i32>} : memref<16x112xi32, #tpu.memory_space<vmem>>, vector<1x16xi32>,
      %mul3A_1268 = arith.constant 100352 : i32
      %mul3A_1269 = arith.muli %add3A_9, %mul3A_1268 : i32
      %add3A_1270 = vector.broadcast %mul3A_1269 : i32 to vector<16xi32>
      %add3A_1271 = arith.addi %add3A_1261, %add3A_1270 : vector<16xi32>
      %swap3A_1272 = arith.constant 15 : i32
      %swap3A_1273 = arith.index_cast %swap3A_1272 : i32 to index
      %swap3A_1274 = arith.constant 48 : index
      %swap3A_1275 = tpu.vector_load %arg7[%swap3A_1273, %swap3A_1274] {strides = array<i32>} : memref<16x112xi32, #tpu.memory_space<vmem>>, vector<1x16xi32>,
      %swap3A_1276 = vector.shape_cast %swap3A_1275 : vector<1x16xi32> to vector<16xi32>
      %swap3A_1277 = vector.shape_cast %add3A_1271 : vector<16xi32> to vector<1x16xi32>
      tpu.vector_store %arg7[%swap3A_1273, %swap3A_1274], %swap3A_1277 {strides = array<i32>} : memref<16x112xi32, #tpu.memory_space<vmem>>, vector<1x16xi32>,
      %get3A_1278 = arith.index_cast %scan3A_8 : i32 to index
      %get3A_1279 = arith.constant 64 : index
      %get3A_1280 = tpu.vector_load %arg6[%get3A_1278, %get3A_1279] {strides = array<i32>} : memref<32x112xi32, #tpu.memory_space<vmem>>, vector<1x16xi32>,
      %get3A_1281 = vector.shape_cast %get3A_1280 : vector<1x16xi32> to vector<16xi32>
      %shift_right_arithmetic3A_1282 = arith.constant 7 : i32
      %shift_right_arithmetic3A_1283 = vector.broadcast %shift_right_arithmetic3A_1282 : i32 to vector<16xi32>
      %shift_right_arithmetic3A_1284 = arith.shrsi %get3A_1281, %shift_right_arithmetic3A_1283 : vector<16xi32>
      %mul3A_1285 = arith.constant 2048 : i32
      %mul3A_1286 = vector.broadcast %mul3A_1285 : i32 to vector<16xi32>
      %mul3A_1287 = arith.muli %shift_right_arithmetic3A_1284, %mul3A_1286 : vector<16xi32>
      %and3A_1288 = arith.constant 127 : i32
      %and3A_1289 = vector.broadcast %and3A_1288 : i32 to vector<16xi32>
      %and3A_1290 = arith.andi %get3A_1281, %and3A_1289 : vector<16xi32>
      %add3A_1291 = arith.addi %mul3A_1287, %and3A_1290 : vector<16xi32>
      %add3A_1292 = arith.constant 0 : i32
      %add3A_1293 = vector.broadcast %add3A_1292 : i32 to vector<16xi32>
      %add3A_1294 = arith.addi %add3A_1291, %add3A_1293 : vector<16xi32>
      %swap3A_1295 = arith.constant 0 : i32
      %swap3A_1296 = arith.index_cast %swap3A_1295 : i32 to index
      %swap3A_1297 = arith.constant 64 : index
      %swap3A_1298 = tpu.vector_load %arg8[%swap3A_1296, %swap3A_1297] {strides = array<i32>} : memref<16x112xi32, #tpu.memory_space<vmem>>, vector<1x16xi32>,
      %swap3A_1299 = vector.shape_cast %swap3A_1298 : vector<1x16xi32> to vector<16xi32>
      %swap3A_1300 = vector.shape_cast %add3A_1294 : vector<16xi32> to vector<1x16xi32>
      tpu.vector_store %arg8[%swap3A_1296, %swap3A_1297], %swap3A_1300 {strides = array<i32>} : memref<16x112xi32, #tpu.memory_space<vmem>>, vector<1x16xi32>,
      %mul3A_1301 = arith.constant 100352 : i32
      %mul3A_1302 = arith.muli %add3A_9, %mul3A_1301 : i32
      %add3A_1303 = vector.broadcast %mul3A_1302 : i32 to vector<16xi32>
      %add3A_1304 = arith.addi %add3A_1294, %add3A_1303 : vector<16xi32>
      %swap3A_1305 = arith.constant 0 : i32
      %swap3A_1306 = arith.index_cast %swap3A_1305 : i32 to index
      %swap3A_1307 = arith.constant 64 : index
      %swap3A_1308 = tpu.vector_load %arg7[%swap3A_1306, %swap3A_1307] {strides = array<i32>} : memref<16x112xi32, #tpu.memory_space<vmem>>, vector<1x16xi32>,
      %swap3A_1309 = vector.shape_cast %swap3A_1308 : vector<1x16xi32> to vector<16xi32>
      %swap3A_1310 = vector.shape_cast %add3A_1304 : vector<16xi32> to vector<1x16xi32>
      tpu.vector_store %arg7[%swap3A_1306, %swap3A_1307], %swap3A_1310 {strides = array<i32>} : memref<16x112xi32, #tpu.memory_space<vmem>>, vector<1x16xi32>,
      %add3A_1311 = arith.constant 128 : i32
      %add3A_1312 = vector.broadcast %add3A_1311 : i32 to vector<16xi32>
      %add3A_1313 = arith.addi %add3A_1291, %add3A_1312 : vector<16xi32>
      %swap3A_1314 = arith.constant 1 : i32
      %swap3A_1315 = arith.index_cast %swap3A_1314 : i32 to index
      %swap3A_1316 = arith.constant 64 : index
      %swap3A_1317 = tpu.vector_load %arg8[%swap3A_1315, %swap3A_1316] {strides = array<i32>} : memref<16x112xi32, #tpu.memory_space<vmem>>, vector<1x16xi32>,
      %swap3A_1318 = vector.shape_cast %swap3A_1317 : vector<1x16xi32> to vector<16xi32>
      %swap3A_1319 = vector.shape_cast %add3A_1313 : vector<16xi32> to vector<1x16xi32>
      tpu.vector_store %arg8[%swap3A_1315, %swap3A_1316], %swap3A_1319 {strides = array<i32>} : memref<16x112xi32, #tpu.memory_space<vmem>>, vector<1x16xi32>,
      %mul3A_1320 = arith.constant 100352 : i32
      %mul3A_1321 = arith.muli %add3A_9, %mul3A_1320 : i32
      %add3A_1322 = vector.broadcast %mul3A_1321 : i32 to vector<16xi32>
      %add3A_1323 = arith.addi %add3A_1313, %add3A_1322 : vector<16xi32>
      %swap3A_1324 = arith.constant 1 : i32
      %swap3A_1325 = arith.index_cast %swap3A_1324 : i32 to index
      %swap3A_1326 = arith.constant 64 : index
      %swap3A_1327 = tpu.vector_load %arg7[%swap3A_1325, %swap3A_1326] {strides = array<i32>} : memref<16x112xi32, #tpu.memory_space<vmem>>, vector<1x16xi32>,
      %swap3A_1328 = vector.shape_cast %swap3A_1327 : vector<1x16xi32> to vector<16xi32>
      %swap3A_1329 = vector.shape_cast %add3A_1323 : vector<16xi32> to vector<1x16xi32>
      tpu.vector_store %arg7[%swap3A_1325, %swap3A_1326], %swap3A_1329 {strides = array<i32>} : memref<16x112xi32, #tpu.memory_space<vmem>>, vector<1x16xi32>,
      %add3A_1330 = arith.constant 256 : i32
      %add3A_1331 = vector.broadcast %add3A_1330 : i32 to vector<16xi32>
      %add3A_1332 = arith.addi %add3A_1291, %add3A_1331 : vector<16xi32>
      %swap3A_1333 = arith.constant 2 : i32
      %swap3A_1334 = arith.index_cast %swap3A_1333 : i32 to index
      %swap3A_1335 = arith.constant 64 : index
      %swap3A_1336 = tpu.vector_load %arg8[%swap3A_1334, %swap3A_1335] {strides = array<i32>} : memref<16x112xi32, #tpu.memory_space<vmem>>, vector<1x16xi32>,
      %swap3A_1337 = vector.shape_cast %swap3A_1336 : vector<1x16xi32> to vector<16xi32>
      %swap3A_1338 = vector.shape_cast %add3A_1332 : vector<16xi32> to vector<1x16xi32>
      tpu.vector_store %arg8[%swap3A_1334, %swap3A_1335], %swap3A_1338 {strides = array<i32>} : memref<16x112xi32, #tpu.memory_space<vmem>>, vector<1x16xi32>,
      %mul3A_1339 = arith.constant 100352 : i32
      %mul3A_1340 = arith.muli %add3A_9, %mul3A_1339 : i32
      %add3A_1341 = vector.broadcast %mul3A_1340 : i32 to vector<16xi32>
      %add3A_1342 = arith.addi %add3A_1332, %add3A_1341 : vector<16xi32>
      %swap3A_1343 = arith.constant 2 : i32
      %swap3A_1344 = arith.index_cast %swap3A_1343 : i32 to index
      %swap3A_1345 = arith.constant 64 : index
      %swap3A_1346 = tpu.vector_load %arg7[%swap3A_1344, %swap3A_1345] {strides = array<i32>} : memref<16x112xi32, #tpu.memory_space<vmem>>, vector<1x16xi32>,
      %swap3A_1347 = vector.shape_cast %swap3A_1346 : vector<1x16xi32> to vector<16xi32>
      %swap3A_1348 = vector.shape_cast %add3A_1342 : vector<16xi32> to vector<1x16xi32>
      tpu.vector_store %arg7[%swap3A_1344, %swap3A_1345], %swap3A_1348 {strides = array<i32>} : memref<16x112xi32, #tpu.memory_space<vmem>>, vector<1x16xi32>,
      %add3A_1349 = arith.constant 384 : i32
      %add3A_1350 = vector.broadcast %add3A_1349 : i32 to vector<16xi32>
      %add3A_1351 = arith.addi %add3A_1291, %add3A_1350 : vector<16xi32>
      %swap3A_1352 = arith.constant 3 : i32
      %swap3A_1353 = arith.index_cast %swap3A_1352 : i32 to index
      %swap3A_1354 = arith.constant 64 : index
      %swap3A_1355 = tpu.vector_load %arg8[%swap3A_1353, %swap3A_1354] {strides = array<i32>} : memref<16x112xi32, #tpu.memory_space<vmem>>, vector<1x16xi32>,
      %swap3A_1356 = vector.shape_cast %swap3A_1355 : vector<1x16xi32> to vector<16xi32>
      %swap3A_1357 = vector.shape_cast %add3A_1351 : vector<16xi32> to vector<1x16xi32>
      tpu.vector_store %arg8[%swap3A_1353, %swap3A_1354], %swap3A_1357 {strides = array<i32>} : memref<16x112xi32, #tpu.memory_space<vmem>>, vector<1x16xi32>,
      %mul3A_1358 = arith.constant 100352 : i32
      %mul3A_1359 = arith.muli %add3A_9, %mul3A_1358 : i32
      %add3A_1360 = vector.broadcast %mul3A_1359 : i32 to vector<16xi32>
      %add3A_1361 = arith.addi %add3A_1351, %add3A_1360 : vector<16xi32>
      %swap3A_1362 = arith.constant 3 : i32
      %swap3A_1363 = arith.index_cast %swap3A_1362 : i32 to index
      %swap3A_1364 = arith.constant 64 : index
      %swap3A_1365 = tpu.vector_load %arg7[%swap3A_1363, %swap3A_1364] {strides = array<i32>} : memref<16x112xi32, #tpu.memory_space<vmem>>, vector<1x16xi32>,
      %swap3A_1366 = vector.shape_cast %swap3A_1365 : vector<1x16xi32> to vector<16xi32>
      %swap3A_1367 = vector.shape_cast %add3A_1361 : vector<16xi32> to vector<1x16xi32>
      tpu.vector_store %arg7[%swap3A_1363, %swap3A_1364], %swap3A_1367 {strides = array<i32>} : memref<16x112xi32, #tpu.memory_space<vmem>>, vector<1x16xi32>,
      %add3A_1368 = arith.constant 512 : i32
      %add3A_1369 = vector.broadcast %add3A_1368 : i32 to vector<16xi32>
      %add3A_1370 = arith.addi %add3A_1291, %add3A_1369 : vector<16xi32>
      %swap3A_1371 = arith.constant 4 : i32
      %swap3A_1372 = arith.index_cast %swap3A_1371 : i32 to index
      %swap3A_1373 = arith.constant 64 : index
      %swap3A_1374 = tpu.vector_load %arg8[%swap3A_1372, %swap3A_1373] {strides = array<i32>} : memref<16x112xi32, #tpu.memory_space<vmem>>, vector<1x16xi32>,
      %swap3A_1375 = vector.shape_cast %swap3A_1374 : vector<1x16xi32> to vector<16xi32>
      %swap3A_1376 = vector.shape_cast %add3A_1370 : vector<16xi32> to vector<1x16xi32>
      tpu.vector_store %arg8[%swap3A_1372, %swap3A_1373], %swap3A_1376 {strides = array<i32>} : memref<16x112xi32, #tpu.memory_space<vmem>>, vector<1x16xi32>,
      %mul3A_1377 = arith.constant 100352 : i32
      %mul3A_1378 = arith.muli %add3A_9, %mul3A_1377 : i32
      %add3A_1379 = vector.broadcast %mul3A_1378 : i32 to vector<16xi32>
      %add3A_1380 = arith.addi %add3A_1370, %add3A_1379 : vector<16xi32>
      %swap3A_1381 = arith.constant 4 : i32
      %swap3A_1382 = arith.index_cast %swap3A_1381 : i32 to index
      %swap3A_1383 = arith.constant 64 : index
      %swap3A_1384 = tpu.vector_load %arg7[%swap3A_1382, %swap3A_1383] {strides = array<i32>} : memref<16x112xi32, #tpu.memory_space<vmem>>, vector<1x16xi32>,
      %swap3A_1385 = vector.shape_cast %swap3A_1384 : vector<1x16xi32> to vector<16xi32>
      %swap3A_1386 = vector.shape_cast %add3A_1380 : vector<16xi32> to vector<1x16xi32>
      tpu.vector_store %arg7[%swap3A_1382, %swap3A_1383], %swap3A_1386 {strides = array<i32>} : memref<16x112xi32, #tpu.memory_space<vmem>>, vector<1x16xi32>,
      %add3A_1387 = arith.constant 640 : i32
      %add3A_1388 = vector.broadcast %add3A_1387 : i32 to vector<16xi32>
      %add3A_1389 = arith.addi %add3A_1291, %add3A_1388 : vector<16xi32>
      %swap3A_1390 = arith.constant 5 : i32
      %swap3A_1391 = arith.index_cast %swap3A_1390 : i32 to index
      %swap3A_1392 = arith.constant 64 : index
      %swap3A_1393 = tpu.vector_load %arg8[%swap3A_1391, %swap3A_1392] {strides = array<i32>} : memref<16x112xi32, #tpu.memory_space<vmem>>, vector<1x16xi32>,
      %swap3A_1394 = vector.shape_cast %swap3A_1393 : vector<1x16xi32> to vector<16xi32>
      %swap3A_1395 = vector.shape_cast %add3A_1389 : vector<16xi32> to vector<1x16xi32>
      tpu.vector_store %arg8[%swap3A_1391, %swap3A_1392], %swap3A_1395 {strides = array<i32>} : memref<16x112xi32, #tpu.memory_space<vmem>>, vector<1x16xi32>,
      %mul3A_1396 = arith.constant 100352 : i32
      %mul3A_1397 = arith.muli %add3A_9, %mul3A_1396 : i32
      %add3A_1398 = vector.broadcast %mul3A_1397 : i32 to vector<16xi32>
      %add3A_1399 = arith.addi %add3A_1389, %add3A_1398 : vector<16xi32>
      %swap3A_1400 = arith.constant 5 : i32
      %swap3A_1401 = arith.index_cast %swap3A_1400 : i32 to index
      %swap3A_1402 = arith.constant 64 : index
      %swap3A_1403 = tpu.vector_load %arg7[%swap3A_1401, %swap3A_1402] {strides = array<i32>} : memref<16x112xi32, #tpu.memory_space<vmem>>, vector<1x16xi32>,
      %swap3A_1404 = vector.shape_cast %swap3A_1403 : vector<1x16xi32> to vector<16xi32>
      %swap3A_1405 = vector.shape_cast %add3A_1399 : vector<16xi32> to vector<1x16xi32>
      tpu.vector_store %arg7[%swap3A_1401, %swap3A_1402], %swap3A_1405 {strides = array<i32>} : memref<16x112xi32, #tpu.memory_space<vmem>>, vector<1x16xi32>,
      %add3A_1406 = arith.constant 768 : i32
      %add3A_1407 = vector.broadcast %add3A_1406 : i32 to vector<16xi32>
      %add3A_1408 = arith.addi %add3A_1291, %add3A_1407 : vector<16xi32>
      %swap3A_1409 = arith.constant 6 : i32
      %swap3A_1410 = arith.index_cast %swap3A_1409 : i32 to index
      %swap3A_1411 = arith.constant 64 : index
      %swap3A_1412 = tpu.vector_load %arg8[%swap3A_1410, %swap3A_1411] {strides = array<i32>} : memref<16x112xi32, #tpu.memory_space<vmem>>, vector<1x16xi32>,
      %swap3A_1413 = vector.shape_cast %swap3A_1412 : vector<1x16xi32> to vector<16xi32>
      %swap3A_1414 = vector.shape_cast %add3A_1408 : vector<16xi32> to vector<1x16xi32>
      tpu.vector_store %arg8[%swap3A_1410, %swap3A_1411], %swap3A_1414 {strides = array<i32>} : memref<16x112xi32, #tpu.memory_space<vmem>>, vector<1x16xi32>,
      %mul3A_1415 = arith.constant 100352 : i32
      %mul3A_1416 = arith.muli %add3A_9, %mul3A_1415 : i32
      %add3A_1417 = vector.broadcast %mul3A_1416 : i32 to vector<16xi32>
      %add3A_1418 = arith.addi %add3A_1408, %add3A_1417 : vector<16xi32>
      %swap3A_1419 = arith.constant 6 : i32
      %swap3A_1420 = arith.index_cast %swap3A_1419 : i32 to index
      %swap3A_1421 = arith.constant 64 : index
      %swap3A_1422 = tpu.vector_load %arg7[%swap3A_1420, %swap3A_1421] {strides = array<i32>} : memref<16x112xi32, #tpu.memory_space<vmem>>, vector<1x16xi32>,
      %swap3A_1423 = vector.shape_cast %swap3A_1422 : vector<1x16xi32> to vector<16xi32>
      %swap3A_1424 = vector.shape_cast %add3A_1418 : vector<16xi32> to vector<1x16xi32>
      tpu.vector_store %arg7[%swap3A_1420, %swap3A_1421], %swap3A_1424 {strides = array<i32>} : memref<16x112xi32, #tpu.memory_space<vmem>>, vector<1x16xi32>,
      %add3A_1425 = arith.constant 896 : i32
      %add3A_1426 = vector.broadcast %add3A_1425 : i32 to vector<16xi32>
      %add3A_1427 = arith.addi %add3A_1291, %add3A_1426 : vector<16xi32>
      %swap3A_1428 = arith.constant 7 : i32
      %swap3A_1429 = arith.index_cast %swap3A_1428 : i32 to index
      %swap3A_1430 = arith.constant 64 : index
      %swap3A_1431 = tpu.vector_load %arg8[%swap3A_1429, %swap3A_1430] {strides = array<i32>} : memref<16x112xi32, #tpu.memory_space<vmem>>, vector<1x16xi32>,
      %swap3A_1432 = vector.shape_cast %swap3A_1431 : vector<1x16xi32> to vector<16xi32>
      %swap3A_1433 = vector.shape_cast %add3A_1427 : vector<16xi32> to vector<1x16xi32>
      tpu.vector_store %arg8[%swap3A_1429, %swap3A_1430], %swap3A_1433 {strides = array<i32>} : memref<16x112xi32, #tpu.memory_space<vmem>>, vector<1x16xi32>,
      %mul3A_1434 = arith.constant 100352 : i32
      %mul3A_1435 = arith.muli %add3A_9, %mul3A_1434 : i32
      %add3A_1436 = vector.broadcast %mul3A_1435 : i32 to vector<16xi32>
      %add3A_1437 = arith.addi %add3A_1427, %add3A_1436 : vector<16xi32>
      %swap3A_1438 = arith.constant 7 : i32
      %swap3A_1439 = arith.index_cast %swap3A_1438 : i32 to index
      %swap3A_1440 = arith.constant 64 : index
      %swap3A_1441 = tpu.vector_load %arg7[%swap3A_1439, %swap3A_1440] {strides = array<i32>} : memref<16x112xi32, #tpu.memory_space<vmem>>, vector<1x16xi32>,
      %swap3A_1442 = vector.shape_cast %swap3A_1441 : vector<1x16xi32> to vector<16xi32>
      %swap3A_1443 = vector.shape_cast %add3A_1437 : vector<16xi32> to vector<1x16xi32>
      tpu.vector_store %arg7[%swap3A_1439, %swap3A_1440], %swap3A_1443 {strides = array<i32>} : memref<16x112xi32, #tpu.memory_space<vmem>>, vector<1x16xi32>,
      %add3A_1444 = arith.constant 1024 : i32
      %add3A_1445 = vector.broadcast %add3A_1444 : i32 to vector<16xi32>
      %add3A_1446 = arith.addi %add3A_1291, %add3A_1445 : vector<16xi32>
      %swap3A_1447 = arith.constant 8 : i32
      %swap3A_1448 = arith.index_cast %swap3A_1447 : i32 to index
      %swap3A_1449 = arith.constant 64 : index
      %swap3A_1450 = tpu.vector_load %arg8[%swap3A_1448, %swap3A_1449] {strides = array<i32>} : memref<16x112xi32, #tpu.memory_space<vmem>>, vector<1x16xi32>,
      %swap3A_1451 = vector.shape_cast %swap3A_1450 : vector<1x16xi32> to vector<16xi32>
      %swap3A_1452 = vector.shape_cast %add3A_1446 : vector<16xi32> to vector<1x16xi32>
      tpu.vector_store %arg8[%swap3A_1448, %swap3A_1449], %swap3A_1452 {strides = array<i32>} : memref<16x112xi32, #tpu.memory_space<vmem>>, vector<1x16xi32>,
      %mul3A_1453 = arith.constant 100352 : i32
      %mul3A_1454 = arith.muli %add3A_9, %mul3A_1453 : i32
      %add3A_1455 = vector.broadcast %mul3A_1454 : i32 to vector<16xi32>
      %add3A_1456 = arith.addi %add3A_1446, %add3A_1455 : vector<16xi32>
      %swap3A_1457 = arith.constant 8 : i32
      %swap3A_1458 = arith.index_cast %swap3A_1457 : i32 to index
      %swap3A_1459 = arith.constant 64 : index
      %swap3A_1460 = tpu.vector_load %arg7[%swap3A_1458, %swap3A_1459] {strides = array<i32>} : memref<16x112xi32, #tpu.memory_space<vmem>>, vector<1x16xi32>,
      %swap3A_1461 = vector.shape_cast %swap3A_1460 : vector<1x16xi32> to vector<16xi32>
      %swap3A_1462 = vector.shape_cast %add3A_1456 : vector<16xi32> to vector<1x16xi32>
      tpu.vector_store %arg7[%swap3A_1458, %swap3A_1459], %swap3A_1462 {strides = array<i32>} : memref<16x112xi32, #tpu.memory_space<vmem>>, vector<1x16xi32>,
      %add3A_1463 = arith.constant 1152 : i32
      %add3A_1464 = vector.broadcast %add3A_1463 : i32 to vector<16xi32>
      %add3A_1465 = arith.addi %add3A_1291, %add3A_1464 : vector<16xi32>
      %swap3A_1466 = arith.constant 9 : i32
      %swap3A_1467 = arith.index_cast %swap3A_1466 : i32 to index
      %swap3A_1468 = arith.constant 64 : index
      %swap3A_1469 = tpu.vector_load %arg8[%swap3A_1467, %swap3A_1468] {strides = array<i32>} : memref<16x112xi32, #tpu.memory_space<vmem>>, vector<1x16xi32>,
      %swap3A_1470 = vector.shape_cast %swap3A_1469 : vector<1x16xi32> to vector<16xi32>
      %swap3A_1471 = vector.shape_cast %add3A_1465 : vector<16xi32> to vector<1x16xi32>
      tpu.vector_store %arg8[%swap3A_1467, %swap3A_1468], %swap3A_1471 {strides = array<i32>} : memref<16x112xi32, #tpu.memory_space<vmem>>, vector<1x16xi32>,
      %mul3A_1472 = arith.constant 100352 : i32
      %mul3A_1473 = arith.muli %add3A_9, %mul3A_1472 : i32
      %add3A_1474 = vector.broadcast %mul3A_1473 : i32 to vector<16xi32>
      %add3A_1475 = arith.addi %add3A_1465, %add3A_1474 : vector<16xi32>
      %swap3A_1476 = arith.constant 9 : i32
      %swap3A_1477 = arith.index_cast %swap3A_1476 : i32 to index
      %swap3A_1478 = arith.constant 64 : index
      %swap3A_1479 = tpu.vector_load %arg7[%swap3A_1477, %swap3A_1478] {strides = array<i32>} : memref<16x112xi32, #tpu.memory_space<vmem>>, vector<1x16xi32>,
      %swap3A_1480 = vector.shape_cast %swap3A_1479 : vector<1x16xi32> to vector<16xi32>
      %swap3A_1481 = vector.shape_cast %add3A_1475 : vector<16xi32> to vector<1x16xi32>
      tpu.vector_store %arg7[%swap3A_1477, %swap3A_1478], %swap3A_1481 {strides = array<i32>} : memref<16x112xi32, #tpu.memory_space<vmem>>, vector<1x16xi32>,
      %add3A_1482 = arith.constant 1280 : i32
      %add3A_1483 = vector.broadcast %add3A_1482 : i32 to vector<16xi32>
      %add3A_1484 = arith.addi %add3A_1291, %add3A_1483 : vector<16xi32>
      %swap3A_1485 = arith.constant 10 : i32
      %swap3A_1486 = arith.index_cast %swap3A_1485 : i32 to index
      %swap3A_1487 = arith.constant 64 : index
      %swap3A_1488 = tpu.vector_load %arg8[%swap3A_1486, %swap3A_1487] {strides = array<i32>} : memref<16x112xi32, #tpu.memory_space<vmem>>, vector<1x16xi32>,
      %swap3A_1489 = vector.shape_cast %swap3A_1488 : vector<1x16xi32> to vector<16xi32>
      %swap3A_1490 = vector.shape_cast %add3A_1484 : vector<16xi32> to vector<1x16xi32>
      tpu.vector_store %arg8[%swap3A_1486, %swap3A_1487], %swap3A_1490 {strides = array<i32>} : memref<16x112xi32, #tpu.memory_space<vmem>>, vector<1x16xi32>,
      %mul3A_1491 = arith.constant 100352 : i32
      %mul3A_1492 = arith.muli %add3A_9, %mul3A_1491 : i32
      %add3A_1493 = vector.broadcast %mul3A_1492 : i32 to vector<16xi32>
      %add3A_1494 = arith.addi %add3A_1484, %add3A_1493 : vector<16xi32>
      %swap3A_1495 = arith.constant 10 : i32
      %swap3A_1496 = arith.index_cast %swap3A_1495 : i32 to index
      %swap3A_1497 = arith.constant 64 : index
      %swap3A_1498 = tpu.vector_load %arg7[%swap3A_1496, %swap3A_1497] {strides = array<i32>} : memref<16x112xi32, #tpu.memory_space<vmem>>, vector<1x16xi32>,
      %swap3A_1499 = vector.shape_cast %swap3A_1498 : vector<1x16xi32> to vector<16xi32>
      %swap3A_1500 = vector.shape_cast %add3A_1494 : vector<16xi32> to vector<1x16xi32>
      tpu.vector_store %arg7[%swap3A_1496, %swap3A_1497], %swap3A_1500 {strides = array<i32>} : memref<16x112xi32, #tpu.memory_space<vmem>>, vector<1x16xi32>,
      %add3A_1501 = arith.constant 1408 : i32
      %add3A_1502 = vector.broadcast %add3A_1501 : i32 to vector<16xi32>
      %add3A_1503 = arith.addi %add3A_1291, %add3A_1502 : vector<16xi32>
      %swap3A_1504 = arith.constant 11 : i32
      %swap3A_1505 = arith.index_cast %swap3A_1504 : i32 to index
      %swap3A_1506 = arith.constant 64 : index
      %swap3A_1507 = tpu.vector_load %arg8[%swap3A_1505, %swap3A_1506] {strides = array<i32>} : memref<16x112xi32, #tpu.memory_space<vmem>>, vector<1x16xi32>,
      %swap3A_1508 = vector.shape_cast %swap3A_1507 : vector<1x16xi32> to vector<16xi32>
      %swap3A_1509 = vector.shape_cast %add3A_1503 : vector<16xi32> to vector<1x16xi32>
      tpu.vector_store %arg8[%swap3A_1505, %swap3A_1506], %swap3A_1509 {strides = array<i32>} : memref<16x112xi32, #tpu.memory_space<vmem>>, vector<1x16xi32>,
      %mul3A_1510 = arith.constant 100352 : i32
      %mul3A_1511 = arith.muli %add3A_9, %mul3A_1510 : i32
      %add3A_1512 = vector.broadcast %mul3A_1511 : i32 to vector<16xi32>
      %add3A_1513 = arith.addi %add3A_1503, %add3A_1512 : vector<16xi32>
      %swap3A_1514 = arith.constant 11 : i32
      %swap3A_1515 = arith.index_cast %swap3A_1514 : i32 to index
      %swap3A_1516 = arith.constant 64 : index
      %swap3A_1517 = tpu.vector_load %arg7[%swap3A_1515, %swap3A_1516] {strides = array<i32>} : memref<16x112xi32, #tpu.memory_space<vmem>>, vector<1x16xi32>,
      %swap3A_1518 = vector.shape_cast %swap3A_1517 : vector<1x16xi32> to vector<16xi32>
      %swap3A_1519 = vector.shape_cast %add3A_1513 : vector<16xi32> to vector<1x16xi32>
      tpu.vector_store %arg7[%swap3A_1515, %swap3A_1516], %swap3A_1519 {strides = array<i32>} : memref<16x112xi32, #tpu.memory_space<vmem>>, vector<1x16xi32>,
      %add3A_1520 = arith.constant 1536 : i32
      %add3A_1521 = vector.broadcast %add3A_1520 : i32 to vector<16xi32>
      %add3A_1522 = arith.addi %add3A_1291, %add3A_1521 : vector<16xi32>
      %swap3A_1523 = arith.constant 12 : i32
      %swap3A_1524 = arith.index_cast %swap3A_1523 : i32 to index
      %swap3A_1525 = arith.constant 64 : index
      %swap3A_1526 = tpu.vector_load %arg8[%swap3A_1524, %swap3A_1525] {strides = array<i32>} : memref<16x112xi32, #tpu.memory_space<vmem>>, vector<1x16xi32>,
      %swap3A_1527 = vector.shape_cast %swap3A_1526 : vector<1x16xi32> to vector<16xi32>
      %swap3A_1528 = vector.shape_cast %add3A_1522 : vector<16xi32> to vector<1x16xi32>
      tpu.vector_store %arg8[%swap3A_1524, %swap3A_1525], %swap3A_1528 {strides = array<i32>} : memref<16x112xi32, #tpu.memory_space<vmem>>, vector<1x16xi32>,
      %mul3A_1529 = arith.constant 100352 : i32
      %mul3A_1530 = arith.muli %add3A_9, %mul3A_1529 : i32
      %add3A_1531 = vector.broadcast %mul3A_1530 : i32 to vector<16xi32>
      %add3A_1532 = arith.addi %add3A_1522, %add3A_1531 : vector<16xi32>
      %swap3A_1533 = arith.constant 12 : i32
      %swap3A_1534 = arith.index_cast %swap3A_1533 : i32 to index
      %swap3A_1535 = arith.constant 64 : index
      %swap3A_1536 = tpu.vector_load %arg7[%swap3A_1534, %swap3A_1535] {strides = array<i32>} : memref<16x112xi32, #tpu.memory_space<vmem>>, vector<1x16xi32>,
      %swap3A_1537 = vector.shape_cast %swap3A_1536 : vector<1x16xi32> to vector<16xi32>
      %swap3A_1538 = vector.shape_cast %add3A_1532 : vector<16xi32> to vector<1x16xi32>
      tpu.vector_store %arg7[%swap3A_1534, %swap3A_1535], %swap3A_1538 {strides = array<i32>} : memref<16x112xi32, #tpu.memory_space<vmem>>, vector<1x16xi32>,
      %add3A_1539 = arith.constant 1664 : i32
      %add3A_1540 = vector.broadcast %add3A_1539 : i32 to vector<16xi32>
      %add3A_1541 = arith.addi %add3A_1291, %add3A_1540 : vector<16xi32>
      %swap3A_1542 = arith.constant 13 : i32
      %swap3A_1543 = arith.index_cast %swap3A_1542 : i32 to index
      %swap3A_1544 = arith.constant 64 : index
      %swap3A_1545 = tpu.vector_load %arg8[%swap3A_1543, %swap3A_1544] {strides = array<i32>} : memref<16x112xi32, #tpu.memory_space<vmem>>, vector<1x16xi32>,
      %swap3A_1546 = vector.shape_cast %swap3A_1545 : vector<1x16xi32> to vector<16xi32>
      %swap3A_1547 = vector.shape_cast %add3A_1541 : vector<16xi32> to vector<1x16xi32>
      tpu.vector_store %arg8[%swap3A_1543, %swap3A_1544], %swap3A_1547 {strides = array<i32>} : memref<16x112xi32, #tpu.memory_space<vmem>>, vector<1x16xi32>,
      %mul3A_1548 = arith.constant 100352 : i32
      %mul3A_1549 = arith.muli %add3A_9, %mul3A_1548 : i32
      %add3A_1550 = vector.broadcast %mul3A_1549 : i32 to vector<16xi32>
      %add3A_1551 = arith.addi %add3A_1541, %add3A_1550 : vector<16xi32>
      %swap3A_1552 = arith.constant 13 : i32
      %swap3A_1553 = arith.index_cast %swap3A_1552 : i32 to index
      %swap3A_1554 = arith.constant 64 : index
      %swap3A_1555 = tpu.vector_load %arg7[%swap3A_1553, %swap3A_1554] {strides = array<i32>} : memref<16x112xi32, #tpu.memory_space<vmem>>, vector<1x16xi32>,
      %swap3A_1556 = vector.shape_cast %swap3A_1555 : vector<1x16xi32> to vector<16xi32>
      %swap3A_1557 = vector.shape_cast %add3A_1551 : vector<16xi32> to vector<1x16xi32>
      tpu.vector_store %arg7[%swap3A_1553, %swap3A_1554], %swap3A_1557 {strides = array<i32>} : memref<16x112xi32, #tpu.memory_space<vmem>>, vector<1x16xi32>,
      %add3A_1558 = arith.constant 1792 : i32
      %add3A_1559 = vector.broadcast %add3A_1558 : i32 to vector<16xi32>
      %add3A_1560 = arith.addi %add3A_1291, %add3A_1559 : vector<16xi32>
      %swap3A_1561 = arith.constant 14 : i32
      %swap3A_1562 = arith.index_cast %swap3A_1561 : i32 to index
      %swap3A_1563 = arith.constant 64 : index
      %swap3A_1564 = tpu.vector_load %arg8[%swap3A_1562, %swap3A_1563] {strides = array<i32>} : memref<16x112xi32, #tpu.memory_space<vmem>>, vector<1x16xi32>,
      %swap3A_1565 = vector.shape_cast %swap3A_1564 : vector<1x16xi32> to vector<16xi32>
      %swap3A_1566 = vector.shape_cast %add3A_1560 : vector<16xi32> to vector<1x16xi32>
      tpu.vector_store %arg8[%swap3A_1562, %swap3A_1563], %swap3A_1566 {strides = array<i32>} : memref<16x112xi32, #tpu.memory_space<vmem>>, vector<1x16xi32>,
      %mul3A_1567 = arith.constant 100352 : i32
      %mul3A_1568 = arith.muli %add3A_9, %mul3A_1567 : i32
      %add3A_1569 = vector.broadcast %mul3A_1568 : i32 to vector<16xi32>
      %add3A_1570 = arith.addi %add3A_1560, %add3A_1569 : vector<16xi32>
      %swap3A_1571 = arith.constant 14 : i32
      %swap3A_1572 = arith.index_cast %swap3A_1571 : i32 to index
      %swap3A_1573 = arith.constant 64 : index
      %swap3A_1574 = tpu.vector_load %arg7[%swap3A_1572, %swap3A_1573] {strides = array<i32>} : memref<16x112xi32, #tpu.memory_space<vmem>>, vector<1x16xi32>,
      %swap3A_1575 = vector.shape_cast %swap3A_1574 : vector<1x16xi32> to vector<16xi32>
      %swap3A_1576 = vector.shape_cast %add3A_1570 : vector<16xi32> to vector<1x16xi32>
      tpu.vector_store %arg7[%swap3A_1572, %swap3A_1573], %swap3A_1576 {strides = array<i32>} : memref<16x112xi32, #tpu.memory_space<vmem>>, vector<1x16xi32>,
      %add3A_1577 = arith.constant 1920 : i32
      %add3A_1578 = vector.broadcast %add3A_1577 : i32 to vector<16xi32>
      %add3A_1579 = arith.addi %add3A_1291, %add3A_1578 : vector<16xi32>
      %swap3A_1580 = arith.constant 15 : i32
      %swap3A_1581 = arith.index_cast %swap3A_1580 : i32 to index
      %swap3A_1582 = arith.constant 64 : index
      %swap3A_1583 = tpu.vector_load %arg8[%swap3A_1581, %swap3A_1582] {strides = array<i32>} : memref<16x112xi32, #tpu.memory_space<vmem>>, vector<1x16xi32>,
      %swap3A_1584 = vector.shape_cast %swap3A_1583 : vector<1x16xi32> to vector<16xi32>
      %swap3A_1585 = vector.shape_cast %add3A_1579 : vector<16xi32> to vector<1x16xi32>
      tpu.vector_store %arg8[%swap3A_1581, %swap3A_1582], %swap3A_1585 {strides = array<i32>} : memref<16x112xi32, #tpu.memory_space<vmem>>, vector<1x16xi32>,
      %mul3A_1586 = arith.constant 100352 : i32
      %mul3A_1587 = arith.muli %add3A_9, %mul3A_1586 : i32
      %add3A_1588 = vector.broadcast %mul3A_1587 : i32 to vector<16xi32>
      %add3A_1589 = arith.addi %add3A_1579, %add3A_1588 : vector<16xi32>
      %swap3A_1590 = arith.constant 15 : i32
      %swap3A_1591 = arith.index_cast %swap3A_1590 : i32 to index
      %swap3A_1592 = arith.constant 64 : index
      %swap3A_1593 = tpu.vector_load %arg7[%swap3A_1591, %swap3A_1592] {strides = array<i32>} : memref<16x112xi32, #tpu.memory_space<vmem>>, vector<1x16xi32>,
      %swap3A_1594 = vector.shape_cast %swap3A_1593 : vector<1x16xi32> to vector<16xi32>
      %swap3A_1595 = vector.shape_cast %add3A_1589 : vector<16xi32> to vector<1x16xi32>
      tpu.vector_store %arg7[%swap3A_1591, %swap3A_1592], %swap3A_1595 {strides = array<i32>} : memref<16x112xi32, #tpu.memory_space<vmem>>, vector<1x16xi32>,
      %get3A_1596 = arith.index_cast %scan3A_8 : i32 to index
      %get3A_1597 = arith.constant 80 : index
      %get3A_1598 = tpu.vector_load %arg6[%get3A_1596, %get3A_1597] {strides = array<i32>} : memref<32x112xi32, #tpu.memory_space<vmem>>, vector<1x16xi32>,
      %get3A_1599 = vector.shape_cast %get3A_1598 : vector<1x16xi32> to vector<16xi32>
      %shift_right_arithmetic3A_1600 = arith.constant 7 : i32
      %shift_right_arithmetic3A_1601 = vector.broadcast %shift_right_arithmetic3A_1600 : i32 to vector<16xi32>
      %shift_right_arithmetic3A_1602 = arith.shrsi %get3A_1599, %shift_right_arithmetic3A_1601 : vector<16xi32>
      %mul3A_1603 = arith.constant 2048 : i32
      %mul3A_1604 = vector.broadcast %mul3A_1603 : i32 to vector<16xi32>
      %mul3A_1605 = arith.muli %shift_right_arithmetic3A_1602, %mul3A_1604 : vector<16xi32>
      %and3A_1606 = arith.constant 127 : i32
      %and3A_1607 = vector.broadcast %and3A_1606 : i32 to vector<16xi32>
      %and3A_1608 = arith.andi %get3A_1599, %and3A_1607 : vector<16xi32>
      %add3A_1609 = arith.addi %mul3A_1605, %and3A_1608 : vector<16xi32>
      %add3A_1610 = arith.constant 0 : i32
      %add3A_1611 = vector.broadcast %add3A_1610 : i32 to vector<16xi32>
      %add3A_1612 = arith.addi %add3A_1609, %add3A_1611 : vector<16xi32>
      %swap3A_1613 = arith.constant 0 : i32
      %swap3A_1614 = arith.index_cast %swap3A_1613 : i32 to index
      %swap3A_1615 = arith.constant 80 : index
      %swap3A_1616 = tpu.vector_load %arg8[%swap3A_1614, %swap3A_1615] {strides = array<i32>} : memref<16x112xi32, #tpu.memory_space<vmem>>, vector<1x16xi32>,
      %swap3A_1617 = vector.shape_cast %swap3A_1616 : vector<1x16xi32> to vector<16xi32>
      %swap3A_1618 = vector.shape_cast %add3A_1612 : vector<16xi32> to vector<1x16xi32>
      tpu.vector_store %arg8[%swap3A_1614, %swap3A_1615], %swap3A_1618 {strides = array<i32>} : memref<16x112xi32, #tpu.memory_space<vmem>>, vector<1x16xi32>,
      %mul3A_1619 = arith.constant 100352 : i32
      %mul3A_1620 = arith.muli %add3A_9, %mul3A_1619 : i32
      %add3A_1621 = vector.broadcast %mul3A_1620 : i32 to vector<16xi32>
      %add3A_1622 = arith.addi %add3A_1612, %add3A_1621 : vector<16xi32>
      %swap3A_1623 = arith.constant 0 : i32
      %swap3A_1624 = arith.index_cast %swap3A_1623 : i32 to index
      %swap3A_1625 = arith.constant 80 : index
      %swap3A_1626 = tpu.vector_load %arg7[%swap3A_1624, %swap3A_1625] {strides = array<i32>} : memref<16x112xi32, #tpu.memory_space<vmem>>, vector<1x16xi32>,
      %swap3A_1627 = vector.shape_cast %swap3A_1626 : vector<1x16xi32> to vector<16xi32>
      %swap3A_1628 = vector.shape_cast %add3A_1622 : vector<16xi32> to vector<1x16xi32>
      tpu.vector_store %arg7[%swap3A_1624, %swap3A_1625], %swap3A_1628 {strides = array<i32>} : memref<16x112xi32, #tpu.memory_space<vmem>>, vector<1x16xi32>,
      %add3A_1629 = arith.constant 128 : i32
      %add3A_1630 = vector.broadcast %add3A_1629 : i32 to vector<16xi32>
      %add3A_1631 = arith.addi %add3A_1609, %add3A_1630 : vector<16xi32>
      %swap3A_1632 = arith.constant 1 : i32
      %swap3A_1633 = arith.index_cast %swap3A_1632 : i32 to index
      %swap3A_1634 = arith.constant 80 : index
      %swap3A_1635 = tpu.vector_load %arg8[%swap3A_1633, %swap3A_1634] {strides = array<i32>} : memref<16x112xi32, #tpu.memory_space<vmem>>, vector<1x16xi32>,
      %swap3A_1636 = vector.shape_cast %swap3A_1635 : vector<1x16xi32> to vector<16xi32>
      %swap3A_1637 = vector.shape_cast %add3A_1631 : vector<16xi32> to vector<1x16xi32>
      tpu.vector_store %arg8[%swap3A_1633, %swap3A_1634], %swap3A_1637 {strides = array<i32>} : memref<16x112xi32, #tpu.memory_space<vmem>>, vector<1x16xi32>,
      %mul3A_1638 = arith.constant 100352 : i32
      %mul3A_1639 = arith.muli %add3A_9, %mul3A_1638 : i32
      %add3A_1640 = vector.broadcast %mul3A_1639 : i32 to vector<16xi32>
      %add3A_1641 = arith.addi %add3A_1631, %add3A_1640 : vector<16xi32>
      %swap3A_1642 = arith.constant 1 : i32
      %swap3A_1643 = arith.index_cast %swap3A_1642 : i32 to index
      %swap3A_1644 = arith.constant 80 : index
      %swap3A_1645 = tpu.vector_load %arg7[%swap3A_1643, %swap3A_1644] {strides = array<i32>} : memref<16x112xi32, #tpu.memory_space<vmem>>, vector<1x16xi32>,
      %swap3A_1646 = vector.shape_cast %swap3A_1645 : vector<1x16xi32> to vector<16xi32>
      %swap3A_1647 = vector.shape_cast %add3A_1641 : vector<16xi32> to vector<1x16xi32>
      tpu.vector_store %arg7[%swap3A_1643, %swap3A_1644], %swap3A_1647 {strides = array<i32>} : memref<16x112xi32, #tpu.memory_space<vmem>>, vector<1x16xi32>,
      %add3A_1648 = arith.constant 256 : i32
      %add3A_1649 = vector.broadcast %add3A_1648 : i32 to vector<16xi32>
      %add3A_1650 = arith.addi %add3A_1609, %add3A_1649 : vector<16xi32>
      %swap3A_1651 = arith.constant 2 : i32
      %swap3A_1652 = arith.index_cast %swap3A_1651 : i32 to index
      %swap3A_1653 = arith.constant 80 : index
      %swap3A_1654 = tpu.vector_load %arg8[%swap3A_1652, %swap3A_1653] {strides = array<i32>} : memref<16x112xi32, #tpu.memory_space<vmem>>, vector<1x16xi32>,
      %swap3A_1655 = vector.shape_cast %swap3A_1654 : vector<1x16xi32> to vector<16xi32>
      %swap3A_1656 = vector.shape_cast %add3A_1650 : vector<16xi32> to vector<1x16xi32>
      tpu.vector_store %arg8[%swap3A_1652, %swap3A_1653], %swap3A_1656 {strides = array<i32>} : memref<16x112xi32, #tpu.memory_space<vmem>>, vector<1x16xi32>,
      %mul3A_1657 = arith.constant 100352 : i32
      %mul3A_1658 = arith.muli %add3A_9, %mul3A_1657 : i32
      %add3A_1659 = vector.broadcast %mul3A_1658 : i32 to vector<16xi32>
      %add3A_1660 = arith.addi %add3A_1650, %add3A_1659 : vector<16xi32>
      %swap3A_1661 = arith.constant 2 : i32
      %swap3A_1662 = arith.index_cast %swap3A_1661 : i32 to index
      %swap3A_1663 = arith.constant 80 : index
      %swap3A_1664 = tpu.vector_load %arg7[%swap3A_1662, %swap3A_1663] {strides = array<i32>} : memref<16x112xi32, #tpu.memory_space<vmem>>, vector<1x16xi32>,
      %swap3A_1665 = vector.shape_cast %swap3A_1664 : vector<1x16xi32> to vector<16xi32>
      %swap3A_1666 = vector.shape_cast %add3A_1660 : vector<16xi32> to vector<1x16xi32>
      tpu.vector_store %arg7[%swap3A_1662, %swap3A_1663], %swap3A_1666 {strides = array<i32>} : memref<16x112xi32, #tpu.memory_space<vmem>>, vector<1x16xi32>,
      %add3A_1667 = arith.constant 384 : i32
      %add3A_1668 = vector.broadcast %add3A_1667 : i32 to vector<16xi32>
      %add3A_1669 = arith.addi %add3A_1609, %add3A_1668 : vector<16xi32>
      %swap3A_1670 = arith.constant 3 : i32
      %swap3A_1671 = arith.index_cast %swap3A_1670 : i32 to index
      %swap3A_1672 = arith.constant 80 : index
      %swap3A_1673 = tpu.vector_load %arg8[%swap3A_1671, %swap3A_1672] {strides = array<i32>} : memref<16x112xi32, #tpu.memory_space<vmem>>, vector<1x16xi32>,
      %swap3A_1674 = vector.shape_cast %swap3A_1673 : vector<1x16xi32> to vector<16xi32>
      %swap3A_1675 = vector.shape_cast %add3A_1669 : vector<16xi32> to vector<1x16xi32>
      tpu.vector_store %arg8[%swap3A_1671, %swap3A_1672], %swap3A_1675 {strides = array<i32>} : memref<16x112xi32, #tpu.memory_space<vmem>>, vector<1x16xi32>,
      %mul3A_1676 = arith.constant 100352 : i32
      %mul3A_1677 = arith.muli %add3A_9, %mul3A_1676 : i32
      %add3A_1678 = vector.broadcast %mul3A_1677 : i32 to vector<16xi32>
      %add3A_1679 = arith.addi %add3A_1669, %add3A_1678 : vector<16xi32>
      %swap3A_1680 = arith.constant 3 : i32
      %swap3A_1681 = arith.index_cast %swap3A_1680 : i32 to index
      %swap3A_1682 = arith.constant 80 : index
      %swap3A_1683 = tpu.vector_load %arg7[%swap3A_1681, %swap3A_1682] {strides = array<i32>} : memref<16x112xi32, #tpu.memory_space<vmem>>, vector<1x16xi32>,
      %swap3A_1684 = vector.shape_cast %swap3A_1683 : vector<1x16xi32> to vector<16xi32>
      %swap3A_1685 = vector.shape_cast %add3A_1679 : vector<16xi32> to vector<1x16xi32>
      tpu.vector_store %arg7[%swap3A_1681, %swap3A_1682], %swap3A_1685 {strides = array<i32>} : memref<16x112xi32, #tpu.memory_space<vmem>>, vector<1x16xi32>,
      %add3A_1686 = arith.constant 512 : i32
      %add3A_1687 = vector.broadcast %add3A_1686 : i32 to vector<16xi32>
      %add3A_1688 = arith.addi %add3A_1609, %add3A_1687 : vector<16xi32>
      %swap3A_1689 = arith.constant 4 : i32
      %swap3A_1690 = arith.index_cast %swap3A_1689 : i32 to index
      %swap3A_1691 = arith.constant 80 : index
      %swap3A_1692 = tpu.vector_load %arg8[%swap3A_1690, %swap3A_1691] {strides = array<i32>} : memref<16x112xi32, #tpu.memory_space<vmem>>, vector<1x16xi32>,
      %swap3A_1693 = vector.shape_cast %swap3A_1692 : vector<1x16xi32> to vector<16xi32>
      %swap3A_1694 = vector.shape_cast %add3A_1688 : vector<16xi32> to vector<1x16xi32>
      tpu.vector_store %arg8[%swap3A_1690, %swap3A_1691], %swap3A_1694 {strides = array<i32>} : memref<16x112xi32, #tpu.memory_space<vmem>>, vector<1x16xi32>,
      %mul3A_1695 = arith.constant 100352 : i32
      %mul3A_1696 = arith.muli %add3A_9, %mul3A_1695 : i32
      %add3A_1697 = vector.broadcast %mul3A_1696 : i32 to vector<16xi32>
      %add3A_1698 = arith.addi %add3A_1688, %add3A_1697 : vector<16xi32>
      %swap3A_1699 = arith.constant 4 : i32
      %swap3A_1700 = arith.index_cast %swap3A_1699 : i32 to index
      %swap3A_1701 = arith.constant 80 : index
      %swap3A_1702 = tpu.vector_load %arg7[%swap3A_1700, %swap3A_1701] {strides = array<i32>} : memref<16x112xi32, #tpu.memory_space<vmem>>, vector<1x16xi32>,
      %swap3A_1703 = vector.shape_cast %swap3A_1702 : vector<1x16xi32> to vector<16xi32>
      %swap3A_1704 = vector.shape_cast %add3A_1698 : vector<16xi32> to vector<1x16xi32>
      tpu.vector_store %arg7[%swap3A_1700, %swap3A_1701], %swap3A_1704 {strides = array<i32>} : memref<16x112xi32, #tpu.memory_space<vmem>>, vector<1x16xi32>,
      %add3A_1705 = arith.constant 640 : i32
      %add3A_1706 = vector.broadcast %add3A_1705 : i32 to vector<16xi32>
      %add3A_1707 = arith.addi %add3A_1609, %add3A_1706 : vector<16xi32>
      %swap3A_1708 = arith.constant 5 : i32
      %swap3A_1709 = arith.index_cast %swap3A_1708 : i32 to index
      %swap3A_1710 = arith.constant 80 : index
      %swap3A_1711 = tpu.vector_load %arg8[%swap3A_1709, %swap3A_1710] {strides = array<i32>} : memref<16x112xi32, #tpu.memory_space<vmem>>, vector<1x16xi32>,
      %swap3A_1712 = vector.shape_cast %swap3A_1711 : vector<1x16xi32> to vector<16xi32>
      %swap3A_1713 = vector.shape_cast %add3A_1707 : vector<16xi32> to vector<1x16xi32>
      tpu.vector_store %arg8[%swap3A_1709, %swap3A_1710], %swap3A_1713 {strides = array<i32>} : memref<16x112xi32, #tpu.memory_space<vmem>>, vector<1x16xi32>,
      %mul3A_1714 = arith.constant 100352 : i32
      %mul3A_1715 = arith.muli %add3A_9, %mul3A_1714 : i32
      %add3A_1716 = vector.broadcast %mul3A_1715 : i32 to vector<16xi32>
      %add3A_1717 = arith.addi %add3A_1707, %add3A_1716 : vector<16xi32>
      %swap3A_1718 = arith.constant 5 : i32
      %swap3A_1719 = arith.index_cast %swap3A_1718 : i32 to index
      %swap3A_1720 = arith.constant 80 : index
      %swap3A_1721 = tpu.vector_load %arg7[%swap3A_1719, %swap3A_1720] {strides = array<i32>} : memref<16x112xi32, #tpu.memory_space<vmem>>, vector<1x16xi32>,
      %swap3A_1722 = vector.shape_cast %swap3A_1721 : vector<1x16xi32> to vector<16xi32>
      %swap3A_1723 = vector.shape_cast %add3A_1717 : vector<16xi32> to vector<1x16xi32>
      tpu.vector_store %arg7[%swap3A_1719, %swap3A_1720], %swap3A_1723 {strides = array<i32>} : memref<16x112xi32, #tpu.memory_space<vmem>>, vector<1x16xi32>,
      %add3A_1724 = arith.constant 768 : i32
      %add3A_1725 = vector.broadcast %add3A_1724 : i32 to vector<16xi32>
      %add3A_1726 = arith.addi %add3A_1609, %add3A_1725 : vector<16xi32>
      %swap3A_1727 = arith.constant 6 : i32
      %swap3A_1728 = arith.index_cast %swap3A_1727 : i32 to index
      %swap3A_1729 = arith.constant 80 : index
      %swap3A_1730 = tpu.vector_load %arg8[%swap3A_1728, %swap3A_1729] {strides = array<i32>} : memref<16x112xi32, #tpu.memory_space<vmem>>, vector<1x16xi32>,
      %swap3A_1731 = vector.shape_cast %swap3A_1730 : vector<1x16xi32> to vector<16xi32>
      %swap3A_1732 = vector.shape_cast %add3A_1726 : vector<16xi32> to vector<1x16xi32>
      tpu.vector_store %arg8[%swap3A_1728, %swap3A_1729], %swap3A_1732 {strides = array<i32>} : memref<16x112xi32, #tpu.memory_space<vmem>>, vector<1x16xi32>,
      %mul3A_1733 = arith.constant 100352 : i32
      %mul3A_1734 = arith.muli %add3A_9, %mul3A_1733 : i32
      %add3A_1735 = vector.broadcast %mul3A_1734 : i32 to vector<16xi32>
      %add3A_1736 = arith.addi %add3A_1726, %add3A_1735 : vector<16xi32>
      %swap3A_1737 = arith.constant 6 : i32
      %swap3A_1738 = arith.index_cast %swap3A_1737 : i32 to index
      %swap3A_1739 = arith.constant 80 : index
      %swap3A_1740 = tpu.vector_load %arg7[%swap3A_1738, %swap3A_1739] {strides = array<i32>} : memref<16x112xi32, #tpu.memory_space<vmem>>, vector<1x16xi32>,
      %swap3A_1741 = vector.shape_cast %swap3A_1740 : vector<1x16xi32> to vector<16xi32>
      %swap3A_1742 = vector.shape_cast %add3A_1736 : vector<16xi32> to vector<1x16xi32>
      tpu.vector_store %arg7[%swap3A_1738, %swap3A_1739], %swap3A_1742 {strides = array<i32>} : memref<16x112xi32, #tpu.memory_space<vmem>>, vector<1x16xi32>,
      %add3A_1743 = arith.constant 896 : i32
      %add3A_1744 = vector.broadcast %add3A_1743 : i32 to vector<16xi32>
      %add3A_1745 = arith.addi %add3A_1609, %add3A_1744 : vector<16xi32>
      %swap3A_1746 = arith.constant 7 : i32
      %swap3A_1747 = arith.index_cast %swap3A_1746 : i32 to index
      %swap3A_1748 = arith.constant 80 : index
      %swap3A_1749 = tpu.vector_load %arg8[%swap3A_1747, %swap3A_1748] {strides = array<i32>} : memref<16x112xi32, #tpu.memory_space<vmem>>, vector<1x16xi32>,
      %swap3A_1750 = vector.shape_cast %swap3A_1749 : vector<1x16xi32> to vector<16xi32>
      %swap3A_1751 = vector.shape_cast %add3A_1745 : vector<16xi32> to vector<1x16xi32>
      tpu.vector_store %arg8[%swap3A_1747, %swap3A_1748], %swap3A_1751 {strides = array<i32>} : memref<16x112xi32, #tpu.memory_space<vmem>>, vector<1x16xi32>,
      %mul3A_1752 = arith.constant 100352 : i32
      %mul3A_1753 = arith.muli %add3A_9, %mul3A_1752 : i32
      %add3A_1754 = vector.broadcast %mul3A_1753 : i32 to vector<16xi32>
      %add3A_1755 = arith.addi %add3A_1745, %add3A_1754 : vector<16xi32>
      %swap3A_1756 = arith.constant 7 : i32
      %swap3A_1757 = arith.index_cast %swap3A_1756 : i32 to index
      %swap3A_1758 = arith.constant 80 : index
      %swap3A_1759 = tpu.vector_load %arg7[%swap3A_1757, %swap3A_1758] {strides = array<i32>} : memref<16x112xi32, #tpu.memory_space<vmem>>, vector<1x16xi32>,
      %swap3A_1760 = vector.shape_cast %swap3A_1759 : vector<1x16xi32> to vector<16xi32>
      %swap3A_1761 = vector.shape_cast %add3A_1755 : vector<16xi32> to vector<1x16xi32>
      tpu.vector_store %arg7[%swap3A_1757, %swap3A_1758], %swap3A_1761 {strides = array<i32>} : memref<16x112xi32, #tpu.memory_space<vmem>>, vector<1x16xi32>,
      %add3A_1762 = arith.constant 1024 : i32
      %add3A_1763 = vector.broadcast %add3A_1762 : i32 to vector<16xi32>
      %add3A_1764 = arith.addi %add3A_1609, %add3A_1763 : vector<16xi32>
      %swap3A_1765 = arith.constant 8 : i32
      %swap3A_1766 = arith.index_cast %swap3A_1765 : i32 to index
      %swap3A_1767 = arith.constant 80 : index
      %swap3A_1768 = tpu.vector_load %arg8[%swap3A_1766, %swap3A_1767] {strides = array<i32>} : memref<16x112xi32, #tpu.memory_space<vmem>>, vector<1x16xi32>,
      %swap3A_1769 = vector.shape_cast %swap3A_1768 : vector<1x16xi32> to vector<16xi32>
      %swap3A_1770 = vector.shape_cast %add3A_1764 : vector<16xi32> to vector<1x16xi32>
      tpu.vector_store %arg8[%swap3A_1766, %swap3A_1767], %swap3A_1770 {strides = array<i32>} : memref<16x112xi32, #tpu.memory_space<vmem>>, vector<1x16xi32>,
      %mul3A_1771 = arith.constant 100352 : i32
      %mul3A_1772 = arith.muli %add3A_9, %mul3A_1771 : i32
      %add3A_1773 = vector.broadcast %mul3A_1772 : i32 to vector<16xi32>
      %add3A_1774 = arith.addi %add3A_1764, %add3A_1773 : vector<16xi32>
      %swap3A_1775 = arith.constant 8 : i32
      %swap3A_1776 = arith.index_cast %swap3A_1775 : i32 to index
      %swap3A_1777 = arith.constant 80 : index
      %swap3A_1778 = tpu.vector_load %arg7[%swap3A_1776, %swap3A_1777] {strides = array<i32>} : memref<16x112xi32, #tpu.memory_space<vmem>>, vector<1x16xi32>,
      %swap3A_1779 = vector.shape_cast %swap3A_1778 : vector<1x16xi32> to vector<16xi32>
      %swap3A_1780 = vector.shape_cast %add3A_1774 : vector<16xi32> to vector<1x16xi32>
      tpu.vector_store %arg7[%swap3A_1776, %swap3A_1777], %swap3A_1780 {strides = array<i32>} : memref<16x112xi32, #tpu.memory_space<vmem>>, vector<1x16xi32>,
      %add3A_1781 = arith.constant 1152 : i32
      %add3A_1782 = vector.broadcast %add3A_1781 : i32 to vector<16xi32>
      %add3A_1783 = arith.addi %add3A_1609, %add3A_1782 : vector<16xi32>
      %swap3A_1784 = arith.constant 9 : i32
      %swap3A_1785 = arith.index_cast %swap3A_1784 : i32 to index
      %swap3A_1786 = arith.constant 80 : index
      %swap3A_1787 = tpu.vector_load %arg8[%swap3A_1785, %swap3A_1786] {strides = array<i32>} : memref<16x112xi32, #tpu.memory_space<vmem>>, vector<1x16xi32>,
      %swap3A_1788 = vector.shape_cast %swap3A_1787 : vector<1x16xi32> to vector<16xi32>
      %swap3A_1789 = vector.shape_cast %add3A_1783 : vector<16xi32> to vector<1x16xi32>
      tpu.vector_store %arg8[%swap3A_1785, %swap3A_1786], %swap3A_1789 {strides = array<i32>} : memref<16x112xi32, #tpu.memory_space<vmem>>, vector<1x16xi32>,
      %mul3A_1790 = arith.constant 100352 : i32
      %mul3A_1791 = arith.muli %add3A_9, %mul3A_1790 : i32
      %add3A_1792 = vector.broadcast %mul3A_1791 : i32 to vector<16xi32>
      %add3A_1793 = arith.addi %add3A_1783, %add3A_1792 : vector<16xi32>
      %swap3A_1794 = arith.constant 9 : i32
      %swap3A_1795 = arith.index_cast %swap3A_1794 : i32 to index
      %swap3A_1796 = arith.constant 80 : index
      %swap3A_1797 = tpu.vector_load %arg7[%swap3A_1795, %swap3A_1796] {strides = array<i32>} : memref<16x112xi32, #tpu.memory_space<vmem>>, vector<1x16xi32>,
      %swap3A_1798 = vector.shape_cast %swap3A_1797 : vector<1x16xi32> to vector<16xi32>
      %swap3A_1799 = vector.shape_cast %add3A_1793 : vector<16xi32> to vector<1x16xi32>
      tpu.vector_store %arg7[%swap3A_1795, %swap3A_1796], %swap3A_1799 {strides = array<i32>} : memref<16x112xi32, #tpu.memory_space<vmem>>, vector<1x16xi32>,
      %add3A_1800 = arith.constant 1280 : i32
      %add3A_1801 = vector.broadcast %add3A_1800 : i32 to vector<16xi32>
      %add3A_1802 = arith.addi %add3A_1609, %add3A_1801 : vector<16xi32>
      %swap3A_1803 = arith.constant 10 : i32
      %swap3A_1804 = arith.index_cast %swap3A_1803 : i32 to index
      %swap3A_1805 = arith.constant 80 : index
      %swap3A_1806 = tpu.vector_load %arg8[%swap3A_1804, %swap3A_1805] {strides = array<i32>} : memref<16x112xi32, #tpu.memory_space<vmem>>, vector<1x16xi32>,
      %swap3A_1807 = vector.shape_cast %swap3A_1806 : vector<1x16xi32> to vector<16xi32>
      %swap3A_1808 = vector.shape_cast %add3A_1802 : vector<16xi32> to vector<1x16xi32>
      tpu.vector_store %arg8[%swap3A_1804, %swap3A_1805], %swap3A_1808 {strides = array<i32>} : memref<16x112xi32, #tpu.memory_space<vmem>>, vector<1x16xi32>,
      %mul3A_1809 = arith.constant 100352 : i32
      %mul3A_1810 = arith.muli %add3A_9, %mul3A_1809 : i32
      %add3A_1811 = vector.broadcast %mul3A_1810 : i32 to vector<16xi32>
      %add3A_1812 = arith.addi %add3A_1802, %add3A_1811 : vector<16xi32>
      %swap3A_1813 = arith.constant 10 : i32
      %swap3A_1814 = arith.index_cast %swap3A_1813 : i32 to index
      %swap3A_1815 = arith.constant 80 : index
      %swap3A_1816 = tpu.vector_load %arg7[%swap3A_1814, %swap3A_1815] {strides = array<i32>} : memref<16x112xi32, #tpu.memory_space<vmem>>, vector<1x16xi32>,
      %swap3A_1817 = vector.shape_cast %swap3A_1816 : vector<1x16xi32> to vector<16xi32>
      %swap3A_1818 = vector.shape_cast %add3A_1812 : vector<16xi32> to vector<1x16xi32>
      tpu.vector_store %arg7[%swap3A_1814, %swap3A_1815], %swap3A_1818 {strides = array<i32>} : memref<16x112xi32, #tpu.memory_space<vmem>>, vector<1x16xi32>,
      %add3A_1819 = arith.constant 1408 : i32
      %add3A_1820 = vector.broadcast %add3A_1819 : i32 to vector<16xi32>
      %add3A_1821 = arith.addi %add3A_1609, %add3A_1820 : vector<16xi32>
      %swap3A_1822 = arith.constant 11 : i32
      %swap3A_1823 = arith.index_cast %swap3A_1822 : i32 to index
      %swap3A_1824 = arith.constant 80 : index
      %swap3A_1825 = tpu.vector_load %arg8[%swap3A_1823, %swap3A_1824] {strides = array<i32>} : memref<16x112xi32, #tpu.memory_space<vmem>>, vector<1x16xi32>,
      %swap3A_1826 = vector.shape_cast %swap3A_1825 : vector<1x16xi32> to vector<16xi32>
      %swap3A_1827 = vector.shape_cast %add3A_1821 : vector<16xi32> to vector<1x16xi32>
      tpu.vector_store %arg8[%swap3A_1823, %swap3A_1824], %swap3A_1827 {strides = array<i32>} : memref<16x112xi32, #tpu.memory_space<vmem>>, vector<1x16xi32>,
      %mul3A_1828 = arith.constant 100352 : i32
      %mul3A_1829 = arith.muli %add3A_9, %mul3A_1828 : i32
      %add3A_1830 = vector.broadcast %mul3A_1829 : i32 to vector<16xi32>
      %add3A_1831 = arith.addi %add3A_1821, %add3A_1830 : vector<16xi32>
      %swap3A_1832 = arith.constant 11 : i32
      %swap3A_1833 = arith.index_cast %swap3A_1832 : i32 to index
      %swap3A_1834 = arith.constant 80 : index
      %swap3A_1835 = tpu.vector_load %arg7[%swap3A_1833, %swap3A_1834] {strides = array<i32>} : memref<16x112xi32, #tpu.memory_space<vmem>>, vector<1x16xi32>,
      %swap3A_1836 = vector.shape_cast %swap3A_1835 : vector<1x16xi32> to vector<16xi32>
      %swap3A_1837 = vector.shape_cast %add3A_1831 : vector<16xi32> to vector<1x16xi32>
      tpu.vector_store %arg7[%swap3A_1833, %swap3A_1834], %swap3A_1837 {strides = array<i32>} : memref<16x112xi32, #tpu.memory_space<vmem>>, vector<1x16xi32>,
      %add3A_1838 = arith.constant 1536 : i32
      %add3A_1839 = vector.broadcast %add3A_1838 : i32 to vector<16xi32>
      %add3A_1840 = arith.addi %add3A_1609, %add3A_1839 : vector<16xi32>
      %swap3A_1841 = arith.constant 12 : i32
      %swap3A_1842 = arith.index_cast %swap3A_1841 : i32 to index
      %swap3A_1843 = arith.constant 80 : index
      %swap3A_1844 = tpu.vector_load %arg8[%swap3A_1842, %swap3A_1843] {strides = array<i32>} : memref<16x112xi32, #tpu.memory_space<vmem>>, vector<1x16xi32>,
      %swap3A_1845 = vector.shape_cast %swap3A_1844 : vector<1x16xi32> to vector<16xi32>
      %swap3A_1846 = vector.shape_cast %add3A_1840 : vector<16xi32> to vector<1x16xi32>
      tpu.vector_store %arg8[%swap3A_1842, %swap3A_1843], %swap3A_1846 {strides = array<i32>} : memref<16x112xi32, #tpu.memory_space<vmem>>, vector<1x16xi32>,
      %mul3A_1847 = arith.constant 100352 : i32
      %mul3A_1848 = arith.muli %add3A_9, %mul3A_1847 : i32
      %add3A_1849 = vector.broadcast %mul3A_1848 : i32 to vector<16xi32>
      %add3A_1850 = arith.addi %add3A_1840, %add3A_1849 : vector<16xi32>
      %swap3A_1851 = arith.constant 12 : i32
      %swap3A_1852 = arith.index_cast %swap3A_1851 : i32 to index
      %swap3A_1853 = arith.constant 80 : index
      %swap3A_1854 = tpu.vector_load %arg7[%swap3A_1852, %swap3A_1853] {strides = array<i32>} : memref<16x112xi32, #tpu.memory_space<vmem>>, vector<1x16xi32>,
      %swap3A_1855 = vector.shape_cast %swap3A_1854 : vector<1x16xi32> to vector<16xi32>
      %swap3A_1856 = vector.shape_cast %add3A_1850 : vector<16xi32> to vector<1x16xi32>
      tpu.vector_store %arg7[%swap3A_1852, %swap3A_1853], %swap3A_1856 {strides = array<i32>} : memref<16x112xi32, #tpu.memory_space<vmem>>, vector<1x16xi32>,
      %add3A_1857 = arith.constant 1664 : i32
      %add3A_1858 = vector.broadcast %add3A_1857 : i32 to vector<16xi32>
      %add3A_1859 = arith.addi %add3A_1609, %add3A_1858 : vector<16xi32>
      %swap3A_1860 = arith.constant 13 : i32
      %swap3A_1861 = arith.index_cast %swap3A_1860 : i32 to index
      %swap3A_1862 = arith.constant 80 : index
      %swap3A_1863 = tpu.vector_load %arg8[%swap3A_1861, %swap3A_1862] {strides = array<i32>} : memref<16x112xi32, #tpu.memory_space<vmem>>, vector<1x16xi32>,
      %swap3A_1864 = vector.shape_cast %swap3A_1863 : vector<1x16xi32> to vector<16xi32>
      %swap3A_1865 = vector.shape_cast %add3A_1859 : vector<16xi32> to vector<1x16xi32>
      tpu.vector_store %arg8[%swap3A_1861, %swap3A_1862], %swap3A_1865 {strides = array<i32>} : memref<16x112xi32, #tpu.memory_space<vmem>>, vector<1x16xi32>,
      %mul3A_1866 = arith.constant 100352 : i32
      %mul3A_1867 = arith.muli %add3A_9, %mul3A_1866 : i32
      %add3A_1868 = vector.broadcast %mul3A_1867 : i32 to vector<16xi32>
      %add3A_1869 = arith.addi %add3A_1859, %add3A_1868 : vector<16xi32>
      %swap3A_1870 = arith.constant 13 : i32
      %swap3A_1871 = arith.index_cast %swap3A_1870 : i32 to index
      %swap3A_1872 = arith.constant 80 : index
      %swap3A_1873 = tpu.vector_load %arg7[%swap3A_1871, %swap3A_1872] {strides = array<i32>} : memref<16x112xi32, #tpu.memory_space<vmem>>, vector<1x16xi32>,
      %swap3A_1874 = vector.shape_cast %swap3A_1873 : vector<1x16xi32> to vector<16xi32>
      %swap3A_1875 = vector.shape_cast %add3A_1869 : vector<16xi32> to vector<1x16xi32>
      tpu.vector_store %arg7[%swap3A_1871, %swap3A_1872], %swap3A_1875 {strides = array<i32>} : memref<16x112xi32, #tpu.memory_space<vmem>>, vector<1x16xi32>,
      %add3A_1876 = arith.constant 1792 : i32
      %add3A_1877 = vector.broadcast %add3A_1876 : i32 to vector<16xi32>
      %add3A_1878 = arith.addi %add3A_1609, %add3A_1877 : vector<16xi32>
      %swap3A_1879 = arith.constant 14 : i32
      %swap3A_1880 = arith.index_cast %swap3A_1879 : i32 to index
      %swap3A_1881 = arith.constant 80 : index
      %swap3A_1882 = tpu.vector_load %arg8[%swap3A_1880, %swap3A_1881] {strides = array<i32>} : memref<16x112xi32, #tpu.memory_space<vmem>>, vector<1x16xi32>,
      %swap3A_1883 = vector.shape_cast %swap3A_1882 : vector<1x16xi32> to vector<16xi32>
      %swap3A_1884 = vector.shape_cast %add3A_1878 : vector<16xi32> to vector<1x16xi32>
      tpu.vector_store %arg8[%swap3A_1880, %swap3A_1881], %swap3A_1884 {strides = array<i32>} : memref<16x112xi32, #tpu.memory_space<vmem>>, vector<1x16xi32>,
      %mul3A_1885 = arith.constant 100352 : i32
      %mul3A_1886 = arith.muli %add3A_9, %mul3A_1885 : i32
      %add3A_1887 = vector.broadcast %mul3A_1886 : i32 to vector<16xi32>
      %add3A_1888 = arith.addi %add3A_1878, %add3A_1887 : vector<16xi32>
      %swap3A_1889 = arith.constant 14 : i32
      %swap3A_1890 = arith.index_cast %swap3A_1889 : i32 to index
      %swap3A_1891 = arith.constant 80 : index
      %swap3A_1892 = tpu.vector_load %arg7[%swap3A_1890, %swap3A_1891] {strides = array<i32>} : memref<16x112xi32, #tpu.memory_space<vmem>>, vector<1x16xi32>,
      %swap3A_1893 = vector.shape_cast %swap3A_1892 : vector<1x16xi32> to vector<16xi32>
      %swap3A_1894 = vector.shape_cast %add3A_1888 : vector<16xi32> to vector<1x16xi32>
      tpu.vector_store %arg7[%swap3A_1890, %swap3A_1891], %swap3A_1894 {strides = array<i32>} : memref<16x112xi32, #tpu.memory_space<vmem>>, vector<1x16xi32>,
      %add3A_1895 = arith.constant 1920 : i32
      %add3A_1896 = vector.broadcast %add3A_1895 : i32 to vector<16xi32>
      %add3A_1897 = arith.addi %add3A_1609, %add3A_1896 : vector<16xi32>
      %swap3A_1898 = arith.constant 15 : i32
      %swap3A_1899 = arith.index_cast %swap3A_1898 : i32 to index
      %swap3A_1900 = arith.constant 80 : index
      %swap3A_1901 = tpu.vector_load %arg8[%swap3A_1899, %swap3A_1900] {strides = array<i32>} : memref<16x112xi32, #tpu.memory_space<vmem>>, vector<1x16xi32>,
      %swap3A_1902 = vector.shape_cast %swap3A_1901 : vector<1x16xi32> to vector<16xi32>
      %swap3A_1903 = vector.shape_cast %add3A_1897 : vector<16xi32> to vector<1x16xi32>
      tpu.vector_store %arg8[%swap3A_1899, %swap3A_1900], %swap3A_1903 {strides = array<i32>} : memref<16x112xi32, #tpu.memory_space<vmem>>, vector<1x16xi32>,
      %mul3A_1904 = arith.constant 100352 : i32
      %mul3A_1905 = arith.muli %add3A_9, %mul3A_1904 : i32
      %add3A_1906 = vector.broadcast %mul3A_1905 : i32 to vector<16xi32>
      %add3A_1907 = arith.addi %add3A_1897, %add3A_1906 : vector<16xi32>
      %swap3A_1908 = arith.constant 15 : i32
      %swap3A_1909 = arith.index_cast %swap3A_1908 : i32 to index
      %swap3A_1910 = arith.constant 80 : index
      %swap3A_1911 = tpu.vector_load %arg7[%swap3A_1909, %swap3A_1910] {strides = array<i32>} : memref<16x112xi32, #tpu.memory_space<vmem>>, vector<1x16xi32>,
      %swap3A_1912 = vector.shape_cast %swap3A_1911 : vector<1x16xi32> to vector<16xi32>
      %swap3A_1913 = vector.shape_cast %add3A_1907 : vector<16xi32> to vector<1x16xi32>
      tpu.vector_store %arg7[%swap3A_1909, %swap3A_1910], %swap3A_1913 {strides = array<i32>} : memref<16x112xi32, #tpu.memory_space<vmem>>, vector<1x16xi32>,
      %get3A_1914 = arith.index_cast %scan3A_8 : i32 to index
      %get3A_1915 = arith.constant 96 : index
      %get3A_1916 = tpu.vector_load %arg6[%get3A_1914, %get3A_1915] {strides = array<i32>} : memref<32x112xi32, #tpu.memory_space<vmem>>, vector<1x16xi32>,
      %get3A_1917 = vector.shape_cast %get3A_1916 : vector<1x16xi32> to vector<16xi32>
      %shift_right_arithmetic3A_1918 = arith.constant 7 : i32
      %shift_right_arithmetic3A_1919 = vector.broadcast %shift_right_arithmetic3A_1918 : i32 to vector<16xi32>
      %shift_right_arithmetic3A_1920 = arith.shrsi %get3A_1917, %shift_right_arithmetic3A_1919 : vector<16xi32>
      %mul3A_1921 = arith.constant 2048 : i32
      %mul3A_1922 = vector.broadcast %mul3A_1921 : i32 to vector<16xi32>
      %mul3A_1923 = arith.muli %shift_right_arithmetic3A_1920, %mul3A_1922 : vector<16xi32>
      %and3A_1924 = arith.constant 127 : i32
      %and3A_1925 = vector.broadcast %and3A_1924 : i32 to vector<16xi32>
      %and3A_1926 = arith.andi %get3A_1917, %and3A_1925 : vector<16xi32>
      %add3A_1927 = arith.addi %mul3A_1923, %and3A_1926 : vector<16xi32>
      %add3A_1928 = arith.constant 0 : i32
      %add3A_1929 = vector.broadcast %add3A_1928 : i32 to vector<16xi32>
      %add3A_1930 = arith.addi %add3A_1927, %add3A_1929 : vector<16xi32>
      %swap3A_1931 = arith.constant 0 : i32
      %swap3A_1932 = arith.index_cast %swap3A_1931 : i32 to index
      %swap3A_1933 = arith.constant 96 : index
      %swap3A_1934 = tpu.vector_load %arg8[%swap3A_1932, %swap3A_1933] {strides = array<i32>} : memref<16x112xi32, #tpu.memory_space<vmem>>, vector<1x16xi32>,
      %swap3A_1935 = vector.shape_cast %swap3A_1934 : vector<1x16xi32> to vector<16xi32>
      %swap3A_1936 = vector.shape_cast %add3A_1930 : vector<16xi32> to vector<1x16xi32>
      tpu.vector_store %arg8[%swap3A_1932, %swap3A_1933], %swap3A_1936 {strides = array<i32>} : memref<16x112xi32, #tpu.memory_space<vmem>>, vector<1x16xi32>,
      %mul3A_1937 = arith.constant 100352 : i32
      %mul3A_1938 = arith.muli %add3A_9, %mul3A_1937 : i32
      %add3A_1939 = vector.broadcast %mul3A_1938 : i32 to vector<16xi32>
      %add3A_1940 = arith.addi %add3A_1930, %add3A_1939 : vector<16xi32>
      %swap3A_1941 = arith.constant 0 : i32
      %swap3A_1942 = arith.index_cast %swap3A_1941 : i32 to index
      %swap3A_1943 = arith.constant 96 : index
      %swap3A_1944 = tpu.vector_load %arg7[%swap3A_1942, %swap3A_1943] {strides = array<i32>} : memref<16x112xi32, #tpu.memory_space<vmem>>, vector<1x16xi32>,
      %swap3A_1945 = vector.shape_cast %swap3A_1944 : vector<1x16xi32> to vector<16xi32>
      %swap3A_1946 = vector.shape_cast %add3A_1940 : vector<16xi32> to vector<1x16xi32>
      tpu.vector_store %arg7[%swap3A_1942, %swap3A_1943], %swap3A_1946 {strides = array<i32>} : memref<16x112xi32, #tpu.memory_space<vmem>>, vector<1x16xi32>,
      %add3A_1947 = arith.constant 128 : i32
      %add3A_1948 = vector.broadcast %add3A_1947 : i32 to vector<16xi32>
      %add3A_1949 = arith.addi %add3A_1927, %add3A_1948 : vector<16xi32>
      %swap3A_1950 = arith.constant 1 : i32
      %swap3A_1951 = arith.index_cast %swap3A_1950 : i32 to index
      %swap3A_1952 = arith.constant 96 : index
      %swap3A_1953 = tpu.vector_load %arg8[%swap3A_1951, %swap3A_1952] {strides = array<i32>} : memref<16x112xi32, #tpu.memory_space<vmem>>, vector<1x16xi32>,
      %swap3A_1954 = vector.shape_cast %swap3A_1953 : vector<1x16xi32> to vector<16xi32>
      %swap3A_1955 = vector.shape_cast %add3A_1949 : vector<16xi32> to vector<1x16xi32>
      tpu.vector_store %arg8[%swap3A_1951, %swap3A_1952], %swap3A_1955 {strides = array<i32>} : memref<16x112xi32, #tpu.memory_space<vmem>>, vector<1x16xi32>,
      %mul3A_1956 = arith.constant 100352 : i32
      %mul3A_1957 = arith.muli %add3A_9, %mul3A_1956 : i32
      %add3A_1958 = vector.broadcast %mul3A_1957 : i32 to vector<16xi32>
      %add3A_1959 = arith.addi %add3A_1949, %add3A_1958 : vector<16xi32>
      %swap3A_1960 = arith.constant 1 : i32
      %swap3A_1961 = arith.index_cast %swap3A_1960 : i32 to index
      %swap3A_1962 = arith.constant 96 : index
      %swap3A_1963 = tpu.vector_load %arg7[%swap3A_1961, %swap3A_1962] {strides = array<i32>} : memref<16x112xi32, #tpu.memory_space<vmem>>, vector<1x16xi32>,
      %swap3A_1964 = vector.shape_cast %swap3A_1963 : vector<1x16xi32> to vector<16xi32>
      %swap3A_1965 = vector.shape_cast %add3A_1959 : vector<16xi32> to vector<1x16xi32>
      tpu.vector_store %arg7[%swap3A_1961, %swap3A_1962], %swap3A_1965 {strides = array<i32>} : memref<16x112xi32, #tpu.memory_space<vmem>>, vector<1x16xi32>,
      %add3A_1966 = arith.constant 256 : i32
      %add3A_1967 = vector.broadcast %add3A_1966 : i32 to vector<16xi32>
      %add3A_1968 = arith.addi %add3A_1927, %add3A_1967 : vector<16xi32>
      %swap3A_1969 = arith.constant 2 : i32
      %swap3A_1970 = arith.index_cast %swap3A_1969 : i32 to index
      %swap3A_1971 = arith.constant 96 : index
      %swap3A_1972 = tpu.vector_load %arg8[%swap3A_1970, %swap3A_1971] {strides = array<i32>} : memref<16x112xi32, #tpu.memory_space<vmem>>, vector<1x16xi32>,
      %swap3A_1973 = vector.shape_cast %swap3A_1972 : vector<1x16xi32> to vector<16xi32>
      %swap3A_1974 = vector.shape_cast %add3A_1968 : vector<16xi32> to vector<1x16xi32>
      tpu.vector_store %arg8[%swap3A_1970, %swap3A_1971], %swap3A_1974 {strides = array<i32>} : memref<16x112xi32, #tpu.memory_space<vmem>>, vector<1x16xi32>,
      %mul3A_1975 = arith.constant 100352 : i32
      %mul3A_1976 = arith.muli %add3A_9, %mul3A_1975 : i32
      %add3A_1977 = vector.broadcast %mul3A_1976 : i32 to vector<16xi32>
      %add3A_1978 = arith.addi %add3A_1968, %add3A_1977 : vector<16xi32>
      %swap3A_1979 = arith.constant 2 : i32
      %swap3A_1980 = arith.index_cast %swap3A_1979 : i32 to index
      %swap3A_1981 = arith.constant 96 : index
      %swap3A_1982 = tpu.vector_load %arg7[%swap3A_1980, %swap3A_1981] {strides = array<i32>} : memref<16x112xi32, #tpu.memory_space<vmem>>, vector<1x16xi32>,
      %swap3A_1983 = vector.shape_cast %swap3A_1982 : vector<1x16xi32> to vector<16xi32>
      %swap3A_1984 = vector.shape_cast %add3A_1978 : vector<16xi32> to vector<1x16xi32>
      tpu.vector_store %arg7[%swap3A_1980, %swap3A_1981], %swap3A_1984 {strides = array<i32>} : memref<16x112xi32, #tpu.memory_space<vmem>>, vector<1x16xi32>,
      %add3A_1985 = arith.constant 384 : i32
      %add3A_1986 = vector.broadcast %add3A_1985 : i32 to vector<16xi32>
      %add3A_1987 = arith.addi %add3A_1927, %add3A_1986 : vector<16xi32>
      %swap3A_1988 = arith.constant 3 : i32
      %swap3A_1989 = arith.index_cast %swap3A_1988 : i32 to index
      %swap3A_1990 = arith.constant 96 : index
      %swap3A_1991 = tpu.vector_load %arg8[%swap3A_1989, %swap3A_1990] {strides = array<i32>} : memref<16x112xi32, #tpu.memory_space<vmem>>, vector<1x16xi32>,
      %swap3A_1992 = vector.shape_cast %swap3A_1991 : vector<1x16xi32> to vector<16xi32>
      %swap3A_1993 = vector.shape_cast %add3A_1987 : vector<16xi32> to vector<1x16xi32>
      tpu.vector_store %arg8[%swap3A_1989, %swap3A_1990], %swap3A_1993 {strides = array<i32>} : memref<16x112xi32, #tpu.memory_space<vmem>>, vector<1x16xi32>,
      %mul3A_1994 = arith.constant 100352 : i32
      %mul3A_1995 = arith.muli %add3A_9, %mul3A_1994 : i32
      %add3A_1996 = vector.broadcast %mul3A_1995 : i32 to vector<16xi32>
      %add3A_1997 = arith.addi %add3A_1987, %add3A_1996 : vector<16xi32>
      %swap3A_1998 = arith.constant 3 : i32
      %swap3A_1999 = arith.index_cast %swap3A_1998 : i32 to index
      %swap3A_2000 = arith.constant 96 : index
      %swap3A_2001 = tpu.vector_load %arg7[%swap3A_1999, %swap3A_2000] {strides = array<i32>} : memref<16x112xi32, #tpu.memory_space<vmem>>, vector<1x16xi32>,
      %swap3A_2002 = vector.shape_cast %swap3A_2001 : vector<1x16xi32> to vector<16xi32>
      %swap3A_2003 = vector.shape_cast %add3A_1997 : vector<16xi32> to vector<1x16xi32>
      tpu.vector_store %arg7[%swap3A_1999, %swap3A_2000], %swap3A_2003 {strides = array<i32>} : memref<16x112xi32, #tpu.memory_space<vmem>>, vector<1x16xi32>,
      %add3A_2004 = arith.constant 512 : i32
      %add3A_2005 = vector.broadcast %add3A_2004 : i32 to vector<16xi32>
      %add3A_2006 = arith.addi %add3A_1927, %add3A_2005 : vector<16xi32>
      %swap3A_2007 = arith.constant 4 : i32
      %swap3A_2008 = arith.index_cast %swap3A_2007 : i32 to index
      %swap3A_2009 = arith.constant 96 : index
      %swap3A_2010 = tpu.vector_load %arg8[%swap3A_2008, %swap3A_2009] {strides = array<i32>} : memref<16x112xi32, #tpu.memory_space<vmem>>, vector<1x16xi32>,
      %swap3A_2011 = vector.shape_cast %swap3A_2010 : vector<1x16xi32> to vector<16xi32>
      %swap3A_2012 = vector.shape_cast %add3A_2006 : vector<16xi32> to vector<1x16xi32>
      tpu.vector_store %arg8[%swap3A_2008, %swap3A_2009], %swap3A_2012 {strides = array<i32>} : memref<16x112xi32, #tpu.memory_space<vmem>>, vector<1x16xi32>,
      %mul3A_2013 = arith.constant 100352 : i32
      %mul3A_2014 = arith.muli %add3A_9, %mul3A_2013 : i32
      %add3A_2015 = vector.broadcast %mul3A_2014 : i32 to vector<16xi32>
      %add3A_2016 = arith.addi %add3A_2006, %add3A_2015 : vector<16xi32>
      %swap3A_2017 = arith.constant 4 : i32
      %swap3A_2018 = arith.index_cast %swap3A_2017 : i32 to index
      %swap3A_2019 = arith.constant 96 : index
      %swap3A_2020 = tpu.vector_load %arg7[%swap3A_2018, %swap3A_2019] {strides = array<i32>} : memref<16x112xi32, #tpu.memory_space<vmem>>, vector<1x16xi32>,
      %swap3A_2021 = vector.shape_cast %swap3A_2020 : vector<1x16xi32> to vector<16xi32>
      %swap3A_2022 = vector.shape_cast %add3A_2016 : vector<16xi32> to vector<1x16xi32>
      tpu.vector_store %arg7[%swap3A_2018, %swap3A_2019], %swap3A_2022 {strides = array<i32>} : memref<16x112xi32, #tpu.memory_space<vmem>>, vector<1x16xi32>,
      %add3A_2023 = arith.constant 640 : i32
      %add3A_2024 = vector.broadcast %add3A_2023 : i32 to vector<16xi32>
      %add3A_2025 = arith.addi %add3A_1927, %add3A_2024 : vector<16xi32>
      %swap3A_2026 = arith.constant 5 : i32
      %swap3A_2027 = arith.index_cast %swap3A_2026 : i32 to index
      %swap3A_2028 = arith.constant 96 : index
      %swap3A_2029 = tpu.vector_load %arg8[%swap3A_2027, %swap3A_2028] {strides = array<i32>} : memref<16x112xi32, #tpu.memory_space<vmem>>, vector<1x16xi32>,
      %swap3A_2030 = vector.shape_cast %swap3A_2029 : vector<1x16xi32> to vector<16xi32>
      %swap3A_2031 = vector.shape_cast %add3A_2025 : vector<16xi32> to vector<1x16xi32>
      tpu.vector_store %arg8[%swap3A_2027, %swap3A_2028], %swap3A_2031 {strides = array<i32>} : memref<16x112xi32, #tpu.memory_space<vmem>>, vector<1x16xi32>,
      %mul3A_2032 = arith.constant 100352 : i32
      %mul3A_2033 = arith.muli %add3A_9, %mul3A_2032 : i32
      %add3A_2034 = vector.broadcast %mul3A_2033 : i32 to vector<16xi32>
      %add3A_2035 = arith.addi %add3A_2025, %add3A_2034 : vector<16xi32>
      %swap3A_2036 = arith.constant 5 : i32
      %swap3A_2037 = arith.index_cast %swap3A_2036 : i32 to index
      %swap3A_2038 = arith.constant 96 : index
      %swap3A_2039 = tpu.vector_load %arg7[%swap3A_2037, %swap3A_2038] {strides = array<i32>} : memref<16x112xi32, #tpu.memory_space<vmem>>, vector<1x16xi32>,
      %swap3A_2040 = vector.shape_cast %swap3A_2039 : vector<1x16xi32> to vector<16xi32>
      %swap3A_2041 = vector.shape_cast %add3A_2035 : vector<16xi32> to vector<1x16xi32>
      tpu.vector_store %arg7[%swap3A_2037, %swap3A_2038], %swap3A_2041 {strides = array<i32>} : memref<16x112xi32, #tpu.memory_space<vmem>>, vector<1x16xi32>,
      %add3A_2042 = arith.constant 768 : i32
      %add3A_2043 = vector.broadcast %add3A_2042 : i32 to vector<16xi32>
      %add3A_2044 = arith.addi %add3A_1927, %add3A_2043 : vector<16xi32>
      %swap3A_2045 = arith.constant 6 : i32
      %swap3A_2046 = arith.index_cast %swap3A_2045 : i32 to index
      %swap3A_2047 = arith.constant 96 : index
      %swap3A_2048 = tpu.vector_load %arg8[%swap3A_2046, %swap3A_2047] {strides = array<i32>} : memref<16x112xi32, #tpu.memory_space<vmem>>, vector<1x16xi32>,
      %swap3A_2049 = vector.shape_cast %swap3A_2048 : vector<1x16xi32> to vector<16xi32>
      %swap3A_2050 = vector.shape_cast %add3A_2044 : vector<16xi32> to vector<1x16xi32>
      tpu.vector_store %arg8[%swap3A_2046, %swap3A_2047], %swap3A_2050 {strides = array<i32>} : memref<16x112xi32, #tpu.memory_space<vmem>>, vector<1x16xi32>,
      %mul3A_2051 = arith.constant 100352 : i32
      %mul3A_2052 = arith.muli %add3A_9, %mul3A_2051 : i32
      %add3A_2053 = vector.broadcast %mul3A_2052 : i32 to vector<16xi32>
      %add3A_2054 = arith.addi %add3A_2044, %add3A_2053 : vector<16xi32>
      %swap3A_2055 = arith.constant 6 : i32
      %swap3A_2056 = arith.index_cast %swap3A_2055 : i32 to index
      %swap3A_2057 = arith.constant 96 : index
      %swap3A_2058 = tpu.vector_load %arg7[%swap3A_2056, %swap3A_2057] {strides = array<i32>} : memref<16x112xi32, #tpu.memory_space<vmem>>, vector<1x16xi32>,
      %swap3A_2059 = vector.shape_cast %swap3A_2058 : vector<1x16xi32> to vector<16xi32>
      %swap3A_2060 = vector.shape_cast %add3A_2054 : vector<16xi32> to vector<1x16xi32>
      tpu.vector_store %arg7[%swap3A_2056, %swap3A_2057], %swap3A_2060 {strides = array<i32>} : memref<16x112xi32, #tpu.memory_space<vmem>>, vector<1x16xi32>,
      %add3A_2061 = arith.constant 896 : i32
      %add3A_2062 = vector.broadcast %add3A_2061 : i32 to vector<16xi32>
      %add3A_2063 = arith.addi %add3A_1927, %add3A_2062 : vector<16xi32>
      %swap3A_2064 = arith.constant 7 : i32
      %swap3A_2065 = arith.index_cast %swap3A_2064 : i32 to index
      %swap3A_2066 = arith.constant 96 : index
      %swap3A_2067 = tpu.vector_load %arg8[%swap3A_2065, %swap3A_2066] {strides = array<i32>} : memref<16x112xi32, #tpu.memory_space<vmem>>, vector<1x16xi32>,
      %swap3A_2068 = vector.shape_cast %swap3A_2067 : vector<1x16xi32> to vector<16xi32>
      %swap3A_2069 = vector.shape_cast %add3A_2063 : vector<16xi32> to vector<1x16xi32>
      tpu.vector_store %arg8[%swap3A_2065, %swap3A_2066], %swap3A_2069 {strides = array<i32>} : memref<16x112xi32, #tpu.memory_space<vmem>>, vector<1x16xi32>,
      %mul3A_2070 = arith.constant 100352 : i32
      %mul3A_2071 = arith.muli %add3A_9, %mul3A_2070 : i32
      %add3A_2072 = vector.broadcast %mul3A_2071 : i32 to vector<16xi32>
      %add3A_2073 = arith.addi %add3A_2063, %add3A_2072 : vector<16xi32>
      %swap3A_2074 = arith.constant 7 : i32
      %swap3A_2075 = arith.index_cast %swap3A_2074 : i32 to index
      %swap3A_2076 = arith.constant 96 : index
      %swap3A_2077 = tpu.vector_load %arg7[%swap3A_2075, %swap3A_2076] {strides = array<i32>} : memref<16x112xi32, #tpu.memory_space<vmem>>, vector<1x16xi32>,
      %swap3A_2078 = vector.shape_cast %swap3A_2077 : vector<1x16xi32> to vector<16xi32>
      %swap3A_2079 = vector.shape_cast %add3A_2073 : vector<16xi32> to vector<1x16xi32>
      tpu.vector_store %arg7[%swap3A_2075, %swap3A_2076], %swap3A_2079 {strides = array<i32>} : memref<16x112xi32, #tpu.memory_space<vmem>>, vector<1x16xi32>,
      %add3A_2080 = arith.constant 1024 : i32
      %add3A_2081 = vector.broadcast %add3A_2080 : i32 to vector<16xi32>
      %add3A_2082 = arith.addi %add3A_1927, %add3A_2081 : vector<16xi32>
      %swap3A_2083 = arith.constant 8 : i32
      %swap3A_2084 = arith.index_cast %swap3A_2083 : i32 to index
      %swap3A_2085 = arith.constant 96 : index
      %swap3A_2086 = tpu.vector_load %arg8[%swap3A_2084, %swap3A_2085] {strides = array<i32>} : memref<16x112xi32, #tpu.memory_space<vmem>>, vector<1x16xi32>,
      %swap3A_2087 = vector.shape_cast %swap3A_2086 : vector<1x16xi32> to vector<16xi32>
      %swap3A_2088 = vector.shape_cast %add3A_2082 : vector<16xi32> to vector<1x16xi32>
      tpu.vector_store %arg8[%swap3A_2084, %swap3A_2085], %swap3A_2088 {strides = array<i32>} : memref<16x112xi32, #tpu.memory_space<vmem>>, vector<1x16xi32>,
      %mul3A_2089 = arith.constant 100352 : i32
      %mul3A_2090 = arith.muli %add3A_9, %mul3A_2089 : i32
      %add3A_2091 = vector.broadcast %mul3A_2090 : i32 to vector<16xi32>
      %add3A_2092 = arith.addi %add3A_2082, %add3A_2091 : vector<16xi32>
      %swap3A_2093 = arith.constant 8 : i32
      %swap3A_2094 = arith.index_cast %swap3A_2093 : i32 to index
      %swap3A_2095 = arith.constant 96 : index
      %swap3A_2096 = tpu.vector_load %arg7[%swap3A_2094, %swap3A_2095] {strides = array<i32>} : memref<16x112xi32, #tpu.memory_space<vmem>>, vector<1x16xi32>,
      %swap3A_2097 = vector.shape_cast %swap3A_2096 : vector<1x16xi32> to vector<16xi32>
      %swap3A_2098 = vector.shape_cast %add3A_2092 : vector<16xi32> to vector<1x16xi32>
      tpu.vector_store %arg7[%swap3A_2094, %swap3A_2095], %swap3A_2098 {strides = array<i32>} : memref<16x112xi32, #tpu.memory_space<vmem>>, vector<1x16xi32>,
      %add3A_2099 = arith.constant 1152 : i32
      %add3A_2100 = vector.broadcast %add3A_2099 : i32 to vector<16xi32>
      %add3A_2101 = arith.addi %add3A_1927, %add3A_2100 : vector<16xi32>
      %swap3A_2102 = arith.constant 9 : i32
      %swap3A_2103 = arith.index_cast %swap3A_2102 : i32 to index
      %swap3A_2104 = arith.constant 96 : index
      %swap3A_2105 = tpu.vector_load %arg8[%swap3A_2103, %swap3A_2104] {strides = array<i32>} : memref<16x112xi32, #tpu.memory_space<vmem>>, vector<1x16xi32>,
      %swap3A_2106 = vector.shape_cast %swap3A_2105 : vector<1x16xi32> to vector<16xi32>
      %swap3A_2107 = vector.shape_cast %add3A_2101 : vector<16xi32> to vector<1x16xi32>
      tpu.vector_store %arg8[%swap3A_2103, %swap3A_2104], %swap3A_2107 {strides = array<i32>} : memref<16x112xi32, #tpu.memory_space<vmem>>, vector<1x16xi32>,
      %mul3A_2108 = arith.constant 100352 : i32
      %mul3A_2109 = arith.muli %add3A_9, %mul3A_2108 : i32
      %add3A_2110 = vector.broadcast %mul3A_2109 : i32 to vector<16xi32>
      %add3A_2111 = arith.addi %add3A_2101, %add3A_2110 : vector<16xi32>
      %swap3A_2112 = arith.constant 9 : i32
      %swap3A_2113 = arith.index_cast %swap3A_2112 : i32 to index
      %swap3A_2114 = arith.constant 96 : index
      %swap3A_2115 = tpu.vector_load %arg7[%swap3A_2113, %swap3A_2114] {strides = array<i32>} : memref<16x112xi32, #tpu.memory_space<vmem>>, vector<1x16xi32>,
      %swap3A_2116 = vector.shape_cast %swap3A_2115 : vector<1x16xi32> to vector<16xi32>
      %swap3A_2117 = vector.shape_cast %add3A_2111 : vector<16xi32> to vector<1x16xi32>
      tpu.vector_store %arg7[%swap3A_2113, %swap3A_2114], %swap3A_2117 {strides = array<i32>} : memref<16x112xi32, #tpu.memory_space<vmem>>, vector<1x16xi32>,
      %add3A_2118 = arith.constant 1280 : i32
      %add3A_2119 = vector.broadcast %add3A_2118 : i32 to vector<16xi32>
      %add3A_2120 = arith.addi %add3A_1927, %add3A_2119 : vector<16xi32>
      %swap3A_2121 = arith.constant 10 : i32
      %swap3A_2122 = arith.index_cast %swap3A_2121 : i32 to index
      %swap3A_2123 = arith.constant 96 : index
      %swap3A_2124 = tpu.vector_load %arg8[%swap3A_2122, %swap3A_2123] {strides = array<i32>} : memref<16x112xi32, #tpu.memory_space<vmem>>, vector<1x16xi32>,
      %swap3A_2125 = vector.shape_cast %swap3A_2124 : vector<1x16xi32> to vector<16xi32>
      %swap3A_2126 = vector.shape_cast %add3A_2120 : vector<16xi32> to vector<1x16xi32>
      tpu.vector_store %arg8[%swap3A_2122, %swap3A_2123], %swap3A_2126 {strides = array<i32>} : memref<16x112xi32, #tpu.memory_space<vmem>>, vector<1x16xi32>,
      %mul3A_2127 = arith.constant 100352 : i32
      %mul3A_2128 = arith.muli %add3A_9, %mul3A_2127 : i32
      %add3A_2129 = vector.broadcast %mul3A_2128 : i32 to vector<16xi32>
      %add3A_2130 = arith.addi %add3A_2120, %add3A_2129 : vector<16xi32>
      %swap3A_2131 = arith.constant 10 : i32
      %swap3A_2132 = arith.index_cast %swap3A_2131 : i32 to index
      %swap3A_2133 = arith.constant 96 : index
      %swap3A_2134 = tpu.vector_load %arg7[%swap3A_2132, %swap3A_2133] {strides = array<i32>} : memref<16x112xi32, #tpu.memory_space<vmem>>, vector<1x16xi32>,
      %swap3A_2135 = vector.shape_cast %swap3A_2134 : vector<1x16xi32> to vector<16xi32>
      %swap3A_2136 = vector.shape_cast %add3A_2130 : vector<16xi32> to vector<1x16xi32>
      tpu.vector_store %arg7[%swap3A_2132, %swap3A_2133], %swap3A_2136 {strides = array<i32>} : memref<16x112xi32, #tpu.memory_space<vmem>>, vector<1x16xi32>,
      %add3A_2137 = arith.constant 1408 : i32
      %add3A_2138 = vector.broadcast %add3A_2137 : i32 to vector<16xi32>
      %add3A_2139 = arith.addi %add3A_1927, %add3A_2138 : vector<16xi32>
      %swap3A_2140 = arith.constant 11 : i32
      %swap3A_2141 = arith.index_cast %swap3A_2140 : i32 to index
      %swap3A_2142 = arith.constant 96 : index
      %swap3A_2143 = tpu.vector_load %arg8[%swap3A_2141, %swap3A_2142] {strides = array<i32>} : memref<16x112xi32, #tpu.memory_space<vmem>>, vector<1x16xi32>,
      %swap3A_2144 = vector.shape_cast %swap3A_2143 : vector<1x16xi32> to vector<16xi32>
      %swap3A_2145 = vector.shape_cast %add3A_2139 : vector<16xi32> to vector<1x16xi32>
      tpu.vector_store %arg8[%swap3A_2141, %swap3A_2142], %swap3A_2145 {strides = array<i32>} : memref<16x112xi32, #tpu.memory_space<vmem>>, vector<1x16xi32>,
      %mul3A_2146 = arith.constant 100352 : i32
      %mul3A_2147 = arith.muli %add3A_9, %mul3A_2146 : i32
      %add3A_2148 = vector.broadcast %mul3A_2147 : i32 to vector<16xi32>
      %add3A_2149 = arith.addi %add3A_2139, %add3A_2148 : vector<16xi32>
      %swap3A_2150 = arith.constant 11 : i32
      %swap3A_2151 = arith.index_cast %swap3A_2150 : i32 to index
      %swap3A_2152 = arith.constant 96 : index
      %swap3A_2153 = tpu.vector_load %arg7[%swap3A_2151, %swap3A_2152] {strides = array<i32>} : memref<16x112xi32, #tpu.memory_space<vmem>>, vector<1x16xi32>,
      %swap3A_2154 = vector.shape_cast %swap3A_2153 : vector<1x16xi32> to vector<16xi32>
      %swap3A_2155 = vector.shape_cast %add3A_2149 : vector<16xi32> to vector<1x16xi32>
      tpu.vector_store %arg7[%swap3A_2151, %swap3A_2152], %swap3A_2155 {strides = array<i32>} : memref<16x112xi32, #tpu.memory_space<vmem>>, vector<1x16xi32>,
      %add3A_2156 = arith.constant 1536 : i32
      %add3A_2157 = vector.broadcast %add3A_2156 : i32 to vector<16xi32>
      %add3A_2158 = arith.addi %add3A_1927, %add3A_2157 : vector<16xi32>
      %swap3A_2159 = arith.constant 12 : i32
      %swap3A_2160 = arith.index_cast %swap3A_2159 : i32 to index
      %swap3A_2161 = arith.constant 96 : index
      %swap3A_2162 = tpu.vector_load %arg8[%swap3A_2160, %swap3A_2161] {strides = array<i32>} : memref<16x112xi32, #tpu.memory_space<vmem>>, vector<1x16xi32>,
      %swap3A_2163 = vector.shape_cast %swap3A_2162 : vector<1x16xi32> to vector<16xi32>
      %swap3A_2164 = vector.shape_cast %add3A_2158 : vector<16xi32> to vector<1x16xi32>
      tpu.vector_store %arg8[%swap3A_2160, %swap3A_2161], %swap3A_2164 {strides = array<i32>} : memref<16x112xi32, #tpu.memory_space<vmem>>, vector<1x16xi32>,
      %mul3A_2165 = arith.constant 100352 : i32
      %mul3A_2166 = arith.muli %add3A_9, %mul3A_2165 : i32
      %add3A_2167 = vector.broadcast %mul3A_2166 : i32 to vector<16xi32>
      %add3A_2168 = arith.addi %add3A_2158, %add3A_2167 : vector<16xi32>
      %swap3A_2169 = arith.constant 12 : i32
      %swap3A_2170 = arith.index_cast %swap3A_2169 : i32 to index
      %swap3A_2171 = arith.constant 96 : index
      %swap3A_2172 = tpu.vector_load %arg7[%swap3A_2170, %swap3A_2171] {strides = array<i32>} : memref<16x112xi32, #tpu.memory_space<vmem>>, vector<1x16xi32>,
      %swap3A_2173 = vector.shape_cast %swap3A_2172 : vector<1x16xi32> to vector<16xi32>
      %swap3A_2174 = vector.shape_cast %add3A_2168 : vector<16xi32> to vector<1x16xi32>
      tpu.vector_store %arg7[%swap3A_2170, %swap3A_2171], %swap3A_2174 {strides = array<i32>} : memref<16x112xi32, #tpu.memory_space<vmem>>, vector<1x16xi32>,
      %add3A_2175 = arith.constant 1664 : i32
      %add3A_2176 = vector.broadcast %add3A_2175 : i32 to vector<16xi32>
      %add3A_2177 = arith.addi %add3A_1927, %add3A_2176 : vector<16xi32>
      %swap3A_2178 = arith.constant 13 : i32
      %swap3A_2179 = arith.index_cast %swap3A_2178 : i32 to index
      %swap3A_2180 = arith.constant 96 : index
      %swap3A_2181 = tpu.vector_load %arg8[%swap3A_2179, %swap3A_2180] {strides = array<i32>} : memref<16x112xi32, #tpu.memory_space<vmem>>, vector<1x16xi32>,
      %swap3A_2182 = vector.shape_cast %swap3A_2181 : vector<1x16xi32> to vector<16xi32>
      %swap3A_2183 = vector.shape_cast %add3A_2177 : vector<16xi32> to vector<1x16xi32>
      tpu.vector_store %arg8[%swap3A_2179, %swap3A_2180], %swap3A_2183 {strides = array<i32>} : memref<16x112xi32, #tpu.memory_space<vmem>>, vector<1x16xi32>,
      %mul3A_2184 = arith.constant 100352 : i32
      %mul3A_2185 = arith.muli %add3A_9, %mul3A_2184 : i32
      %add3A_2186 = vector.broadcast %mul3A_2185 : i32 to vector<16xi32>
      %add3A_2187 = arith.addi %add3A_2177, %add3A_2186 : vector<16xi32>
      %swap3A_2188 = arith.constant 13 : i32
      %swap3A_2189 = arith.index_cast %swap3A_2188 : i32 to index
      %swap3A_2190 = arith.constant 96 : index
      %swap3A_2191 = tpu.vector_load %arg7[%swap3A_2189, %swap3A_2190] {strides = array<i32>} : memref<16x112xi32, #tpu.memory_space<vmem>>, vector<1x16xi32>,
      %swap3A_2192 = vector.shape_cast %swap3A_2191 : vector<1x16xi32> to vector<16xi32>
      %swap3A_2193 = vector.shape_cast %add3A_2187 : vector<16xi32> to vector<1x16xi32>
      tpu.vector_store %arg7[%swap3A_2189, %swap3A_2190], %swap3A_2193 {strides = array<i32>} : memref<16x112xi32, #tpu.memory_space<vmem>>, vector<1x16xi32>,
      %add3A_2194 = arith.constant 1792 : i32
      %add3A_2195 = vector.broadcast %add3A_2194 : i32 to vector<16xi32>
      %add3A_2196 = arith.addi %add3A_1927, %add3A_2195 : vector<16xi32>
      %swap3A_2197 = arith.constant 14 : i32
      %swap3A_2198 = arith.index_cast %swap3A_2197 : i32 to index
      %swap3A_2199 = arith.constant 96 : index
      %swap3A_2200 = tpu.vector_load %arg8[%swap3A_2198, %swap3A_2199] {strides = array<i32>} : memref<16x112xi32, #tpu.memory_space<vmem>>, vector<1x16xi32>,
      %swap3A_2201 = vector.shape_cast %swap3A_2200 : vector<1x16xi32> to vector<16xi32>
      %swap3A_2202 = vector.shape_cast %add3A_2196 : vector<16xi32> to vector<1x16xi32>
      tpu.vector_store %arg8[%swap3A_2198, %swap3A_2199], %swap3A_2202 {strides = array<i32>} : memref<16x112xi32, #tpu.memory_space<vmem>>, vector<1x16xi32>,
      %mul3A_2203 = arith.constant 100352 : i32
      %mul3A_2204 = arith.muli %add3A_9, %mul3A_2203 : i32
      %add3A_2205 = vector.broadcast %mul3A_2204 : i32 to vector<16xi32>
      %add3A_2206 = arith.addi %add3A_2196, %add3A_2205 : vector<16xi32>
      %swap3A_2207 = arith.constant 14 : i32
      %swap3A_2208 = arith.index_cast %swap3A_2207 : i32 to index
      %swap3A_2209 = arith.constant 96 : index
      %swap3A_2210 = tpu.vector_load %arg7[%swap3A_2208, %swap3A_2209] {strides = array<i32>} : memref<16x112xi32, #tpu.memory_space<vmem>>, vector<1x16xi32>,
      %swap3A_2211 = vector.shape_cast %swap3A_2210 : vector<1x16xi32> to vector<16xi32>
      %swap3A_2212 = vector.shape_cast %add3A_2206 : vector<16xi32> to vector<1x16xi32>
      tpu.vector_store %arg7[%swap3A_2208, %swap3A_2209], %swap3A_2212 {strides = array<i32>} : memref<16x112xi32, #tpu.memory_space<vmem>>, vector<1x16xi32>,
      %add3A_2213 = arith.constant 1920 : i32
      %add3A_2214 = vector.broadcast %add3A_2213 : i32 to vector<16xi32>
      %add3A_2215 = arith.addi %add3A_1927, %add3A_2214 : vector<16xi32>
      %swap3A_2216 = arith.constant 15 : i32
      %swap3A_2217 = arith.index_cast %swap3A_2216 : i32 to index
      %swap3A_2218 = arith.constant 96 : index
      %swap3A_2219 = tpu.vector_load %arg8[%swap3A_2217, %swap3A_2218] {strides = array<i32>} : memref<16x112xi32, #tpu.memory_space<vmem>>, vector<1x16xi32>,
      %swap3A_2220 = vector.shape_cast %swap3A_2219 : vector<1x16xi32> to vector<16xi32>
      %swap3A_2221 = vector.shape_cast %add3A_2215 : vector<16xi32> to vector<1x16xi32>
      tpu.vector_store %arg8[%swap3A_2217, %swap3A_2218], %swap3A_2221 {strides = array<i32>} : memref<16x112xi32, #tpu.memory_space<vmem>>, vector<1x16xi32>,
      %mul3A_2222 = arith.constant 100352 : i32
      %mul3A_2223 = arith.muli %add3A_9, %mul3A_2222 : i32
      %add3A_2224 = vector.broadcast %mul3A_2223 : i32 to vector<16xi32>
      %add3A_2225 = arith.addi %add3A_2215, %add3A_2224 : vector<16xi32>
      %swap3A_2226 = arith.constant 15 : i32
      %swap3A_2227 = arith.index_cast %swap3A_2226 : i32 to index
      %swap3A_2228 = arith.constant 96 : index
      %swap3A_2229 = tpu.vector_load %arg7[%swap3A_2227, %swap3A_2228] {strides = array<i32>} : memref<16x112xi32, #tpu.memory_space<vmem>>, vector<1x16xi32>,
      %swap3A_2230 = vector.shape_cast %swap3A_2229 : vector<1x16xi32> to vector<16xi32>
      %swap3A_2231 = vector.shape_cast %add3A_2225 : vector<16xi32> to vector<1x16xi32>
      tpu.vector_store %arg7[%swap3A_2227, %swap3A_2228], %swap3A_2231 {strides = array<i32>} : memref<16x112xi32, #tpu.memory_space<vmem>>, vector<1x16xi32>,
      %dma_start3A = arith.constant 0 : i32
      %dma_start3A_2232 = arith.constant 0 : i32
      %dma_start3A_2233 = arith.constant 0 : i32
      %dma_start3A_2234 = tpu.memref_slice %arg9[%dma_start3A_2232, %dma_start3A_2233] : memref<16x112xf32, #tpu.memory_space<vmem>> -> memref<1x112xf32, #tpu.memory_space<vmem>>
      %dma_start3A_2235 = tpu.memref_squeeze %dma_start3A_2234 : memref<1x112xf32, #tpu.memory_space<vmem>> -> memref<112xf32, #tpu.memory_space<vmem>>
      %dma_start3A_2236 = arith.constant 0 : i32
      %dma_start3A_2237 = tpu.memref_slice %arg7[%dma_start3A, %dma_start3A_2236] : memref<16x112xi32, #tpu.memory_space<vmem>> -> memref<1x112xi32, #tpu.memory_space<vmem>>
      %dma_start3A_2238 = tpu.memref_squeeze %dma_start3A_2237 : memref<1x112xi32, #tpu.memory_space<vmem>> -> memref<112xi32, #tpu.memory_space<vmem>>
      %dma_start3A_2239 = arith.constant 0 : i32
      %dma_start3A_2240 = tpu.memref_slice %arg3[%dma_start3A_2239] : memref<102760448xf32, #tpu.memory_space<hbm>> -> memref<102760448xf32, #tpu.memory_space<hbm>>
      tpu.enqueue_indirect_dma source(%dma_start3A_2240 : memref<102760448xf32, #tpu.memory_space<hbm>>) target(%dma_start3A_2235 : memref<112xf32, #tpu.memory_space<vmem>>) offsets(%dma_start3A_2238 : memref<112xi32, #tpu.memory_space<vmem>>) semaphore(%arg10 : memref<!tpu.dma_semaphore, #tpu.memory_space<semaphore_mem>>)
      %dma_start3A_2241 = arith.constant 1 : i32
      %dma_start3A_2242 = arith.constant 1 : i32
      %dma_start3A_2243 = arith.constant 0 : i32
      %dma_start3A_2244 = tpu.memref_slice %arg9[%dma_start3A_2242, %dma_start3A_2243] : memref<16x112xf32, #tpu.memory_space<vmem>> -> memref<1x112xf32, #tpu.memory_space<vmem>>
      %dma_start3A_2245 = tpu.memref_squeeze %dma_start3A_2244 : memref<1x112xf32, #tpu.memory_space<vmem>> -> memref<112xf32, #tpu.memory_space<vmem>>
      %dma_start3A_2246 = arith.constant 0 : i32
      %dma_start3A_2247 = tpu.memref_slice %arg7[%dma_start3A_2241, %dma_start3A_2246] : memref<16x112xi32, #tpu.memory_space<vmem>> -> memref<1x112xi32, #tpu.memory_space<vmem>>
      %dma_start3A_2248 = tpu.memref_squeeze %dma_start3A_2247 : memref<1x112xi32, #tpu.memory_space<vmem>> -> memref<112xi32, #tpu.memory_space<vmem>>
      %dma_start3A_2249 = arith.constant 0 : i32
      %dma_start3A_2250 = tpu.memref_slice %arg3[%dma_start3A_2249] : memref<102760448xf32, #tpu.memory_space<hbm>> -> memref<102760448xf32, #tpu.memory_space<hbm>>
      tpu.enqueue_indirect_dma source(%dma_start3A_2250 : memref<102760448xf32, #tpu.memory_space<hbm>>) target(%dma_start3A_2245 : memref<112xf32, #tpu.memory_space<vmem>>) offsets(%dma_start3A_2248 : memref<112xi32, #tpu.memory_space<vmem>>) semaphore(%arg10 : memref<!tpu.dma_semaphore, #tpu.memory_space<semaphore_mem>>)
      %dma_start3A_2251 = arith.constant 2 : i32
      %dma_start3A_2252 = arith.constant 2 : i32
      %dma_start3A_2253 = arith.constant 0 : i32
      %dma_start3A_2254 = tpu.memref_slice %arg9[%dma_start3A_2252, %dma_start3A_2253] : memref<16x112xf32, #tpu.memory_space<vmem>> -> memref<1x112xf32, #tpu.memory_space<vmem>>
      %dma_start3A_2255 = tpu.memref_squeeze %dma_start3A_2254 : memref<1x112xf32, #tpu.memory_space<vmem>> -> memref<112xf32, #tpu.memory_space<vmem>>
      %dma_start3A_2256 = arith.constant 0 : i32
      %dma_start3A_2257 = tpu.memref_slice %arg7[%dma_start3A_2251, %dma_start3A_2256] : memref<16x112xi32, #tpu.memory_space<vmem>> -> memref<1x112xi32, #tpu.memory_space<vmem>>
      %dma_start3A_2258 = tpu.memref_squeeze %dma_start3A_2257 : memref<1x112xi32, #tpu.memory_space<vmem>> -> memref<112xi32, #tpu.memory_space<vmem>>
      %dma_start3A_2259 = arith.constant 0 : i32
      %dma_start3A_2260 = tpu.memref_slice %arg3[%dma_start3A_2259] : memref<102760448xf32, #tpu.memory_space<hbm>> -> memref<102760448xf32, #tpu.memory_space<hbm>>
      tpu.enqueue_indirect_dma source(%dma_start3A_2260 : memref<102760448xf32, #tpu.memory_space<hbm>>) target(%dma_start3A_2255 : memref<112xf32, #tpu.memory_space<vmem>>) offsets(%dma_start3A_2258 : memref<112xi32, #tpu.memory_space<vmem>>) semaphore(%arg10 : memref<!tpu.dma_semaphore, #tpu.memory_space<semaphore_mem>>)
      %dma_start3A_2261 = arith.constant 3 : i32
      %dma_start3A_2262 = arith.constant 3 : i32
      %dma_start3A_2263 = arith.constant 0 : i32
      %dma_start3A_2264 = tpu.memref_slice %arg9[%dma_start3A_2262, %dma_start3A_2263] : memref<16x112xf32, #tpu.memory_space<vmem>> -> memref<1x112xf32, #tpu.memory_space<vmem>>
      %dma_start3A_2265 = tpu.memref_squeeze %dma_start3A_2264 : memref<1x112xf32, #tpu.memory_space<vmem>> -> memref<112xf32, #tpu.memory_space<vmem>>
      %dma_start3A_2266 = arith.constant 0 : i32
      %dma_start3A_2267 = tpu.memref_slice %arg7[%dma_start3A_2261, %dma_start3A_2266] : memref<16x112xi32, #tpu.memory_space<vmem>> -> memref<1x112xi32, #tpu.memory_space<vmem>>
      %dma_start3A_2268 = tpu.memref_squeeze %dma_start3A_2267 : memref<1x112xi32, #tpu.memory_space<vmem>> -> memref<112xi32, #tpu.memory_space<vmem>>
      %dma_start3A_2269 = arith.constant 0 : i32
      %dma_start3A_2270 = tpu.memref_slice %arg3[%dma_start3A_2269] : memref<102760448xf32, #tpu.memory_space<hbm>> -> memref<102760448xf32, #tpu.memory_space<hbm>>
      tpu.enqueue_indirect_dma source(%dma_start3A_2270 : memref<102760448xf32, #tpu.memory_space<hbm>>) target(%dma_start3A_2265 : memref<112xf32, #tpu.memory_space<vmem>>) offsets(%dma_start3A_2268 : memref<112xi32, #tpu.memory_space<vmem>>) semaphore(%arg10 : memref<!tpu.dma_semaphore, #tpu.memory_space<semaphore_mem>>)
      %dma_start3A_2271 = arith.constant 4 : i32
      %dma_start3A_2272 = arith.constant 4 : i32
      %dma_start3A_2273 = arith.constant 0 : i32
      %dma_start3A_2274 = tpu.memref_slice %arg9[%dma_start3A_2272, %dma_start3A_2273] : memref<16x112xf32, #tpu.memory_space<vmem>> -> memref<1x112xf32, #tpu.memory_space<vmem>>
      %dma_start3A_2275 = tpu.memref_squeeze %dma_start3A_2274 : memref<1x112xf32, #tpu.memory_space<vmem>> -> memref<112xf32, #tpu.memory_space<vmem>>
      %dma_start3A_2276 = arith.constant 0 : i32
      %dma_start3A_2277 = tpu.memref_slice %arg7[%dma_start3A_2271, %dma_start3A_2276] : memref<16x112xi32, #tpu.memory_space<vmem>> -> memref<1x112xi32, #tpu.memory_space<vmem>>
      %dma_start3A_2278 = tpu.memref_squeeze %dma_start3A_2277 : memref<1x112xi32, #tpu.memory_space<vmem>> -> memref<112xi32, #tpu.memory_space<vmem>>
      %dma_start3A_2279 = arith.constant 0 : i32
      %dma_start3A_2280 = tpu.memref_slice %arg3[%dma_start3A_2279] : memref<102760448xf32, #tpu.memory_space<hbm>> -> memref<102760448xf32, #tpu.memory_space<hbm>>
      tpu.enqueue_indirect_dma source(%dma_start3A_2280 : memref<102760448xf32, #tpu.memory_space<hbm>>) target(%dma_start3A_2275 : memref<112xf32, #tpu.memory_space<vmem>>) offsets(%dma_start3A_2278 : memref<112xi32, #tpu.memory_space<vmem>>) semaphore(%arg10 : memref<!tpu.dma_semaphore, #tpu.memory_space<semaphore_mem>>)
      %dma_start3A_2281 = arith.constant 5 : i32
      %dma_start3A_2282 = arith.constant 5 : i32
      %dma_start3A_2283 = arith.constant 0 : i32
      %dma_start3A_2284 = tpu.memref_slice %arg9[%dma_start3A_2282, %dma_start3A_2283] : memref<16x112xf32, #tpu.memory_space<vmem>> -> memref<1x112xf32, #tpu.memory_space<vmem>>
      %dma_start3A_2285 = tpu.memref_squeeze %dma_start3A_2284 : memref<1x112xf32, #tpu.memory_space<vmem>> -> memref<112xf32, #tpu.memory_space<vmem>>
      %dma_start3A_2286 = arith.constant 0 : i32
      %dma_start3A_2287 = tpu.memref_slice %arg7[%dma_start3A_2281, %dma_start3A_2286] : memref<16x112xi32, #tpu.memory_space<vmem>> -> memref<1x112xi32, #tpu.memory_space<vmem>>
      %dma_start3A_2288 = tpu.memref_squeeze %dma_start3A_2287 : memref<1x112xi32, #tpu.memory_space<vmem>> -> memref<112xi32, #tpu.memory_space<vmem>>
      %dma_start3A_2289 = arith.constant 0 : i32
      %dma_start3A_2290 = tpu.memref_slice %arg3[%dma_start3A_2289] : memref<102760448xf32, #tpu.memory_space<hbm>> -> memref<102760448xf32, #tpu.memory_space<hbm>>
      tpu.enqueue_indirect_dma source(%dma_start3A_2290 : memref<102760448xf32, #tpu.memory_space<hbm>>) target(%dma_start3A_2285 : memref<112xf32, #tpu.memory_space<vmem>>) offsets(%dma_start3A_2288 : memref<112xi32, #tpu.memory_space<vmem>>) semaphore(%arg10 : memref<!tpu.dma_semaphore, #tpu.memory_space<semaphore_mem>>)
      %dma_start3A_2291 = arith.constant 6 : i32
      %dma_start3A_2292 = arith.constant 6 : i32
      %dma_start3A_2293 = arith.constant 0 : i32
      %dma_start3A_2294 = tpu.memref_slice %arg9[%dma_start3A_2292, %dma_start3A_2293] : memref<16x112xf32, #tpu.memory_space<vmem>> -> memref<1x112xf32, #tpu.memory_space<vmem>>
      %dma_start3A_2295 = tpu.memref_squeeze %dma_start3A_2294 : memref<1x112xf32, #tpu.memory_space<vmem>> -> memref<112xf32, #tpu.memory_space<vmem>>
      %dma_start3A_2296 = arith.constant 0 : i32
      %dma_start3A_2297 = tpu.memref_slice %arg7[%dma_start3A_2291, %dma_start3A_2296] : memref<16x112xi32, #tpu.memory_space<vmem>> -> memref<1x112xi32, #tpu.memory_space<vmem>>
      %dma_start3A_2298 = tpu.memref_squeeze %dma_start3A_2297 : memref<1x112xi32, #tpu.memory_space<vmem>> -> memref<112xi32, #tpu.memory_space<vmem>>
      %dma_start3A_2299 = arith.constant 0 : i32
      %dma_start3A_2300 = tpu.memref_slice %arg3[%dma_start3A_2299] : memref<102760448xf32, #tpu.memory_space<hbm>> -> memref<102760448xf32, #tpu.memory_space<hbm>>
      tpu.enqueue_indirect_dma source(%dma_start3A_2300 : memref<102760448xf32, #tpu.memory_space<hbm>>) target(%dma_start3A_2295 : memref<112xf32, #tpu.memory_space<vmem>>) offsets(%dma_start3A_2298 : memref<112xi32, #tpu.memory_space<vmem>>) semaphore(%arg10 : memref<!tpu.dma_semaphore, #tpu.memory_space<semaphore_mem>>)
      %dma_start3A_2301 = arith.constant 7 : i32
      %dma_start3A_2302 = arith.constant 7 : i32
      %dma_start3A_2303 = arith.constant 0 : i32
      %dma_start3A_2304 = tpu.memref_slice %arg9[%dma_start3A_2302, %dma_start3A_2303] : memref<16x112xf32, #tpu.memory_space<vmem>> -> memref<1x112xf32, #tpu.memory_space<vmem>>
      %dma_start3A_2305 = tpu.memref_squeeze %dma_start3A_2304 : memref<1x112xf32, #tpu.memory_space<vmem>> -> memref<112xf32, #tpu.memory_space<vmem>>
      %dma_start3A_2306 = arith.constant 0 : i32
      %dma_start3A_2307 = tpu.memref_slice %arg7[%dma_start3A_2301, %dma_start3A_2306] : memref<16x112xi32, #tpu.memory_space<vmem>> -> memref<1x112xi32, #tpu.memory_space<vmem>>
      %dma_start3A_2308 = tpu.memref_squeeze %dma_start3A_2307 : memref<1x112xi32, #tpu.memory_space<vmem>> -> memref<112xi32, #tpu.memory_space<vmem>>
      %dma_start3A_2309 = arith.constant 0 : i32
      %dma_start3A_2310 = tpu.memref_slice %arg3[%dma_start3A_2309] : memref<102760448xf32, #tpu.memory_space<hbm>> -> memref<102760448xf32, #tpu.memory_space<hbm>>
      tpu.enqueue_indirect_dma source(%dma_start3A_2310 : memref<102760448xf32, #tpu.memory_space<hbm>>) target(%dma_start3A_2305 : memref<112xf32, #tpu.memory_space<vmem>>) offsets(%dma_start3A_2308 : memref<112xi32, #tpu.memory_space<vmem>>) semaphore(%arg10 : memref<!tpu.dma_semaphore, #tpu.memory_space<semaphore_mem>>)
      %dma_start3A_2311 = arith.constant 8 : i32
      %dma_start3A_2312 = arith.constant 8 : i32
      %dma_start3A_2313 = arith.constant 0 : i32
      %dma_start3A_2314 = tpu.memref_slice %arg9[%dma_start3A_2312, %dma_start3A_2313] : memref<16x112xf32, #tpu.memory_space<vmem>> -> memref<1x112xf32, #tpu.memory_space<vmem>>
      %dma_start3A_2315 = tpu.memref_squeeze %dma_start3A_2314 : memref<1x112xf32, #tpu.memory_space<vmem>> -> memref<112xf32, #tpu.memory_space<vmem>>
      %dma_start3A_2316 = arith.constant 0 : i32
      %dma_start3A_2317 = tpu.memref_slice %arg7[%dma_start3A_2311, %dma_start3A_2316] : memref<16x112xi32, #tpu.memory_space<vmem>> -> memref<1x112xi32, #tpu.memory_space<vmem>>
      %dma_start3A_2318 = tpu.memref_squeeze %dma_start3A_2317 : memref<1x112xi32, #tpu.memory_space<vmem>> -> memref<112xi32, #tpu.memory_space<vmem>>
      %dma_start3A_2319 = arith.constant 0 : i32
      %dma_start3A_2320 = tpu.memref_slice %arg3[%dma_start3A_2319] : memref<102760448xf32, #tpu.memory_space<hbm>> -> memref<102760448xf32, #tpu.memory_space<hbm>>
      tpu.enqueue_indirect_dma source(%dma_start3A_2320 : memref<102760448xf32, #tpu.memory_space<hbm>>) target(%dma_start3A_2315 : memref<112xf32, #tpu.memory_space<vmem>>) offsets(%dma_start3A_2318 : memref<112xi32, #tpu.memory_space<vmem>>) semaphore(%arg10 : memref<!tpu.dma_semaphore, #tpu.memory_space<semaphore_mem>>)
      %dma_start3A_2321 = arith.constant 9 : i32
      %dma_start3A_2322 = arith.constant 9 : i32
      %dma_start3A_2323 = arith.constant 0 : i32
      %dma_start3A_2324 = tpu.memref_slice %arg9[%dma_start3A_2322, %dma_start3A_2323] : memref<16x112xf32, #tpu.memory_space<vmem>> -> memref<1x112xf32, #tpu.memory_space<vmem>>
      %dma_start3A_2325 = tpu.memref_squeeze %dma_start3A_2324 : memref<1x112xf32, #tpu.memory_space<vmem>> -> memref<112xf32, #tpu.memory_space<vmem>>
      %dma_start3A_2326 = arith.constant 0 : i32
      %dma_start3A_2327 = tpu.memref_slice %arg7[%dma_start3A_2321, %dma_start3A_2326] : memref<16x112xi32, #tpu.memory_space<vmem>> -> memref<1x112xi32, #tpu.memory_space<vmem>>
      %dma_start3A_2328 = tpu.memref_squeeze %dma_start3A_2327 : memref<1x112xi32, #tpu.memory_space<vmem>> -> memref<112xi32, #tpu.memory_space<vmem>>
      %dma_start3A_2329 = arith.constant 0 : i32
      %dma_start3A_2330 = tpu.memref_slice %arg3[%dma_start3A_2329] : memref<102760448xf32, #tpu.memory_space<hbm>> -> memref<102760448xf32, #tpu.memory_space<hbm>>
      tpu.enqueue_indirect_dma source(%dma_start3A_2330 : memref<102760448xf32, #tpu.memory_space<hbm>>) target(%dma_start3A_2325 : memref<112xf32, #tpu.memory_space<vmem>>) offsets(%dma_start3A_2328 : memref<112xi32, #tpu.memory_space<vmem>>) semaphore(%arg10 : memref<!tpu.dma_semaphore, #tpu.memory_space<semaphore_mem>>)
      %dma_start3A_2331 = arith.constant 10 : i32
      %dma_start3A_2332 = arith.constant 10 : i32
      %dma_start3A_2333 = arith.constant 0 : i32
      %dma_start3A_2334 = tpu.memref_slice %arg9[%dma_start3A_2332, %dma_start3A_2333] : memref<16x112xf32, #tpu.memory_space<vmem>> -> memref<1x112xf32, #tpu.memory_space<vmem>>
      %dma_start3A_2335 = tpu.memref_squeeze %dma_start3A_2334 : memref<1x112xf32, #tpu.memory_space<vmem>> -> memref<112xf32, #tpu.memory_space<vmem>>
      %dma_start3A_2336 = arith.constant 0 : i32
      %dma_start3A_2337 = tpu.memref_slice %arg7[%dma_start3A_2331, %dma_start3A_2336] : memref<16x112xi32, #tpu.memory_space<vmem>> -> memref<1x112xi32, #tpu.memory_space<vmem>>
      %dma_start3A_2338 = tpu.memref_squeeze %dma_start3A_2337 : memref<1x112xi32, #tpu.memory_space<vmem>> -> memref<112xi32, #tpu.memory_space<vmem>>
      %dma_start3A_2339 = arith.constant 0 : i32
      %dma_start3A_2340 = tpu.memref_slice %arg3[%dma_start3A_2339] : memref<102760448xf32, #tpu.memory_space<hbm>> -> memref<102760448xf32, #tpu.memory_space<hbm>>
      tpu.enqueue_indirect_dma source(%dma_start3A_2340 : memref<102760448xf32, #tpu.memory_space<hbm>>) target(%dma_start3A_2335 : memref<112xf32, #tpu.memory_space<vmem>>) offsets(%dma_start3A_2338 : memref<112xi32, #tpu.memory_space<vmem>>) semaphore(%arg10 : memref<!tpu.dma_semaphore, #tpu.memory_space<semaphore_mem>>)
      %dma_start3A_2341 = arith.constant 11 : i32
      %dma_start3A_2342 = arith.constant 11 : i32
      %dma_start3A_2343 = arith.constant 0 : i32
      %dma_start3A_2344 = tpu.memref_slice %arg9[%dma_start3A_2342, %dma_start3A_2343] : memref<16x112xf32, #tpu.memory_space<vmem>> -> memref<1x112xf32, #tpu.memory_space<vmem>>
      %dma_start3A_2345 = tpu.memref_squeeze %dma_start3A_2344 : memref<1x112xf32, #tpu.memory_space<vmem>> -> memref<112xf32, #tpu.memory_space<vmem>>
      %dma_start3A_2346 = arith.constant 0 : i32
      %dma_start3A_2347 = tpu.memref_slice %arg7[%dma_start3A_2341, %dma_start3A_2346] : memref<16x112xi32, #tpu.memory_space<vmem>> -> memref<1x112xi32, #tpu.memory_space<vmem>>
      %dma_start3A_2348 = tpu.memref_squeeze %dma_start3A_2347 : memref<1x112xi32, #tpu.memory_space<vmem>> -> memref<112xi32, #tpu.memory_space<vmem>>
      %dma_start3A_2349 = arith.constant 0 : i32
      %dma_start3A_2350 = tpu.memref_slice %arg3[%dma_start3A_2349] : memref<102760448xf32, #tpu.memory_space<hbm>> -> memref<102760448xf32, #tpu.memory_space<hbm>>
      tpu.enqueue_indirect_dma source(%dma_start3A_2350 : memref<102760448xf32, #tpu.memory_space<hbm>>) target(%dma_start3A_2345 : memref<112xf32, #tpu.memory_space<vmem>>) offsets(%dma_start3A_2348 : memref<112xi32, #tpu.memory_space<vmem>>) semaphore(%arg10 : memref<!tpu.dma_semaphore, #tpu.memory_space<semaphore_mem>>)
      %dma_start3A_2351 = arith.constant 12 : i32
      %dma_start3A_2352 = arith.constant 12 : i32
      %dma_start3A_2353 = arith.constant 0 : i32
      %dma_start3A_2354 = tpu.memref_slice %arg9[%dma_start3A_2352, %dma_start3A_2353] : memref<16x112xf32, #tpu.memory_space<vmem>> -> memref<1x112xf32, #tpu.memory_space<vmem>>
      %dma_start3A_2355 = tpu.memref_squeeze %dma_start3A_2354 : memref<1x112xf32, #tpu.memory_space<vmem>> -> memref<112xf32, #tpu.memory_space<vmem>>
      %dma_start3A_2356 = arith.constant 0 : i32
      %dma_start3A_2357 = tpu.memref_slice %arg7[%dma_start3A_2351, %dma_start3A_2356] : memref<16x112xi32, #tpu.memory_space<vmem>> -> memref<1x112xi32, #tpu.memory_space<vmem>>
      %dma_start3A_2358 = tpu.memref_squeeze %dma_start3A_2357 : memref<1x112xi32, #tpu.memory_space<vmem>> -> memref<112xi32, #tpu.memory_space<vmem>>
      %dma_start3A_2359 = arith.constant 0 : i32
      %dma_start3A_2360 = tpu.memref_slice %arg3[%dma_start3A_2359] : memref<102760448xf32, #tpu.memory_space<hbm>> -> memref<102760448xf32, #tpu.memory_space<hbm>>
      tpu.enqueue_indirect_dma source(%dma_start3A_2360 : memref<102760448xf32, #tpu.memory_space<hbm>>) target(%dma_start3A_2355 : memref<112xf32, #tpu.memory_space<vmem>>) offsets(%dma_start3A_2358 : memref<112xi32, #tpu.memory_space<vmem>>) semaphore(%arg10 : memref<!tpu.dma_semaphore, #tpu.memory_space<semaphore_mem>>)
      %dma_start3A_2361 = arith.constant 13 : i32
      %dma_start3A_2362 = arith.constant 13 : i32
      %dma_start3A_2363 = arith.constant 0 : i32
      %dma_start3A_2364 = tpu.memref_slice %arg9[%dma_start3A_2362, %dma_start3A_2363] : memref<16x112xf32, #tpu.memory_space<vmem>> -> memref<1x112xf32, #tpu.memory_space<vmem>>
      %dma_start3A_2365 = tpu.memref_squeeze %dma_start3A_2364 : memref<1x112xf32, #tpu.memory_space<vmem>> -> memref<112xf32, #tpu.memory_space<vmem>>
      %dma_start3A_2366 = arith.constant 0 : i32
      %dma_start3A_2367 = tpu.memref_slice %arg7[%dma_start3A_2361, %dma_start3A_2366] : memref<16x112xi32, #tpu.memory_space<vmem>> -> memref<1x112xi32, #tpu.memory_space<vmem>>
      %dma_start3A_2368 = tpu.memref_squeeze %dma_start3A_2367 : memref<1x112xi32, #tpu.memory_space<vmem>> -> memref<112xi32, #tpu.memory_space<vmem>>
      %dma_start3A_2369 = arith.constant 0 : i32
      %dma_start3A_2370 = tpu.memref_slice %arg3[%dma_start3A_2369] : memref<102760448xf32, #tpu.memory_space<hbm>> -> memref<102760448xf32, #tpu.memory_space<hbm>>
      tpu.enqueue_indirect_dma source(%dma_start3A_2370 : memref<102760448xf32, #tpu.memory_space<hbm>>) target(%dma_start3A_2365 : memref<112xf32, #tpu.memory_space<vmem>>) offsets(%dma_start3A_2368 : memref<112xi32, #tpu.memory_space<vmem>>) semaphore(%arg10 : memref<!tpu.dma_semaphore, #tpu.memory_space<semaphore_mem>>)
      %dma_start3A_2371 = arith.constant 14 : i32
      %dma_start3A_2372 = arith.constant 14 : i32
      %dma_start3A_2373 = arith.constant 0 : i32
      %dma_start3A_2374 = tpu.memref_slice %arg9[%dma_start3A_2372, %dma_start3A_2373] : memref<16x112xf32, #tpu.memory_space<vmem>> -> memref<1x112xf32, #tpu.memory_space<vmem>>
      %dma_start3A_2375 = tpu.memref_squeeze %dma_start3A_2374 : memref<1x112xf32, #tpu.memory_space<vmem>> -> memref<112xf32, #tpu.memory_space<vmem>>
      %dma_start3A_2376 = arith.constant 0 : i32
      %dma_start3A_2377 = tpu.memref_slice %arg7[%dma_start3A_2371, %dma_start3A_2376] : memref<16x112xi32, #tpu.memory_space<vmem>> -> memref<1x112xi32, #tpu.memory_space<vmem>>
      %dma_start3A_2378 = tpu.memref_squeeze %dma_start3A_2377 : memref<1x112xi32, #tpu.memory_space<vmem>> -> memref<112xi32, #tpu.memory_space<vmem>>
      %dma_start3A_2379 = arith.constant 0 : i32
      %dma_start3A_2380 = tpu.memref_slice %arg3[%dma_start3A_2379] : memref<102760448xf32, #tpu.memory_space<hbm>> -> memref<102760448xf32, #tpu.memory_space<hbm>>
      tpu.enqueue_indirect_dma source(%dma_start3A_2380 : memref<102760448xf32, #tpu.memory_space<hbm>>) target(%dma_start3A_2375 : memref<112xf32, #tpu.memory_space<vmem>>) offsets(%dma_start3A_2378 : memref<112xi32, #tpu.memory_space<vmem>>) semaphore(%arg10 : memref<!tpu.dma_semaphore, #tpu.memory_space<semaphore_mem>>)
      %dma_start3A_2381 = arith.constant 15 : i32
      %dma_start3A_2382 = arith.constant 15 : i32
      %dma_start3A_2383 = arith.constant 0 : i32
      %dma_start3A_2384 = tpu.memref_slice %arg9[%dma_start3A_2382, %dma_start3A_2383] : memref<16x112xf32, #tpu.memory_space<vmem>> -> memref<1x112xf32, #tpu.memory_space<vmem>>
      %dma_start3A_2385 = tpu.memref_squeeze %dma_start3A_2384 : memref<1x112xf32, #tpu.memory_space<vmem>> -> memref<112xf32, #tpu.memory_space<vmem>>
      %dma_start3A_2386 = arith.constant 0 : i32
      %dma_start3A_2387 = tpu.memref_slice %arg7[%dma_start3A_2381, %dma_start3A_2386] : memref<16x112xi32, #tpu.memory_space<vmem>> -> memref<1x112xi32, #tpu.memory_space<vmem>>
      %dma_start3A_2388 = tpu.memref_squeeze %dma_start3A_2387 : memref<1x112xi32, #tpu.memory_space<vmem>> -> memref<112xi32, #tpu.memory_space<vmem>>
      %dma_start3A_2389 = arith.constant 0 : i32
      %dma_start3A_2390 = tpu.memref_slice %arg3[%dma_start3A_2389] : memref<102760448xf32, #tpu.memory_space<hbm>> -> memref<102760448xf32, #tpu.memory_space<hbm>>
      tpu.enqueue_indirect_dma source(%dma_start3A_2390 : memref<102760448xf32, #tpu.memory_space<hbm>>) target(%dma_start3A_2385 : memref<112xf32, #tpu.memory_space<vmem>>) offsets(%dma_start3A_2388 : memref<112xi32, #tpu.memory_space<vmem>>) semaphore(%arg10 : memref<!tpu.dma_semaphore, #tpu.memory_space<semaphore_mem>>)
      %dma_wait3A = arith.constant 0 : i32
      %dma_wait3A_2391 = arith.constant 0 : i32
      %dma_wait3A_2392 = arith.constant 0 : i32
      %dma_wait3A_2393 = tpu.memref_slice %arg9[%dma_wait3A_2391, %dma_wait3A_2392] : memref<16x112xf32, #tpu.memory_space<vmem>> -> memref<1x112xf32, #tpu.memory_space<vmem>>
      %dma_wait3A_2394 = tpu.memref_squeeze %dma_wait3A_2393 : memref<1x112xf32, #tpu.memory_space<vmem>> -> memref<112xf32, #tpu.memory_space<vmem>>
      %dma_wait3A_2395 = arith.constant 0 : i32
      %dma_wait3A_2396 = tpu.memref_slice %arg7[%dma_wait3A, %dma_wait3A_2395] : memref<16x112xi32, #tpu.memory_space<vmem>> -> memref<1x112xi32, #tpu.memory_space<vmem>>
      %dma_wait3A_2397 = tpu.memref_squeeze %dma_wait3A_2396 : memref<1x112xi32, #tpu.memory_space<vmem>> -> memref<112xi32, #tpu.memory_space<vmem>>
      %dma_wait3A_2398 = arith.constant 0 : i32
      %dma_wait3A_2399 = tpu.memref_slice %arg3[%dma_wait3A_2398] : memref<102760448xf32, #tpu.memory_space<hbm>> -> memref<102760448xf32, #tpu.memory_space<hbm>>
      tpu.wait_indirect_dma semaphore(%arg10 : memref<!tpu.dma_semaphore, #tpu.memory_space<semaphore_mem>>) src(%dma_wait3A_2399 : memref<102760448xf32, #tpu.memory_space<hbm>>) dst(%dma_wait3A_2394 : memref<112xf32, #tpu.memory_space<vmem>>)
      %dma_wait3A_2400 = arith.constant 1 : i32
      %dma_wait3A_2401 = arith.constant 1 : i32
      %dma_wait3A_2402 = arith.constant 0 : i32
      %dma_wait3A_2403 = tpu.memref_slice %arg9[%dma_wait3A_2401, %dma_wait3A_2402] : memref<16x112xf32, #tpu.memory_space<vmem>> -> memref<1x112xf32, #tpu.memory_space<vmem>>
      %dma_wait3A_2404 = tpu.memref_squeeze %dma_wait3A_2403 : memref<1x112xf32, #tpu.memory_space<vmem>> -> memref<112xf32, #tpu.memory_space<vmem>>
      %dma_wait3A_2405 = arith.constant 0 : i32
      %dma_wait3A_2406 = tpu.memref_slice %arg7[%dma_wait3A_2400, %dma_wait3A_2405] : memref<16x112xi32, #tpu.memory_space<vmem>> -> memref<1x112xi32, #tpu.memory_space<vmem>>
      %dma_wait3A_2407 = tpu.memref_squeeze %dma_wait3A_2406 : memref<1x112xi32, #tpu.memory_space<vmem>> -> memref<112xi32, #tpu.memory_space<vmem>>
      %dma_wait3A_2408 = arith.constant 0 : i32
      %dma_wait3A_2409 = tpu.memref_slice %arg3[%dma_wait3A_2408] : memref<102760448xf32, #tpu.memory_space<hbm>> -> memref<102760448xf32, #tpu.memory_space<hbm>>
      tpu.wait_indirect_dma semaphore(%arg10 : memref<!tpu.dma_semaphore, #tpu.memory_space<semaphore_mem>>) src(%dma_wait3A_2409 : memref<102760448xf32, #tpu.memory_space<hbm>>) dst(%dma_wait3A_2404 : memref<112xf32, #tpu.memory_space<vmem>>)
      %dma_wait3A_2410 = arith.constant 2 : i32
      %dma_wait3A_2411 = arith.constant 2 : i32
      %dma_wait3A_2412 = arith.constant 0 : i32
      %dma_wait3A_2413 = tpu.memref_slice %arg9[%dma_wait3A_2411, %dma_wait3A_2412] : memref<16x112xf32, #tpu.memory_space<vmem>> -> memref<1x112xf32, #tpu.memory_space<vmem>>
      %dma_wait3A_2414 = tpu.memref_squeeze %dma_wait3A_2413 : memref<1x112xf32, #tpu.memory_space<vmem>> -> memref<112xf32, #tpu.memory_space<vmem>>
      %dma_wait3A_2415 = arith.constant 0 : i32
      %dma_wait3A_2416 = tpu.memref_slice %arg7[%dma_wait3A_2410, %dma_wait3A_2415] : memref<16x112xi32, #tpu.memory_space<vmem>> -> memref<1x112xi32, #tpu.memory_space<vmem>>
      %dma_wait3A_2417 = tpu.memref_squeeze %dma_wait3A_2416 : memref<1x112xi32, #tpu.memory_space<vmem>> -> memref<112xi32, #tpu.memory_space<vmem>>
      %dma_wait3A_2418 = arith.constant 0 : i32
      %dma_wait3A_2419 = tpu.memref_slice %arg3[%dma_wait3A_2418] : memref<102760448xf32, #tpu.memory_space<hbm>> -> memref<102760448xf32, #tpu.memory_space<hbm>>
      tpu.wait_indirect_dma semaphore(%arg10 : memref<!tpu.dma_semaphore, #tpu.memory_space<semaphore_mem>>) src(%dma_wait3A_2419 : memref<102760448xf32, #tpu.memory_space<hbm>>) dst(%dma_wait3A_2414 : memref<112xf32, #tpu.memory_space<vmem>>)
      %dma_wait3A_2420 = arith.constant 3 : i32
      %dma_wait3A_2421 = arith.constant 3 : i32
      %dma_wait3A_2422 = arith.constant 0 : i32
      %dma_wait3A_2423 = tpu.memref_slice %arg9[%dma_wait3A_2421, %dma_wait3A_2422] : memref<16x112xf32, #tpu.memory_space<vmem>> -> memref<1x112xf32, #tpu.memory_space<vmem>>
      %dma_wait3A_2424 = tpu.memref_squeeze %dma_wait3A_2423 : memref<1x112xf32, #tpu.memory_space<vmem>> -> memref<112xf32, #tpu.memory_space<vmem>>
      %dma_wait3A_2425 = arith.constant 0 : i32
      %dma_wait3A_2426 = tpu.memref_slice %arg7[%dma_wait3A_2420, %dma_wait3A_2425] : memref<16x112xi32, #tpu.memory_space<vmem>> -> memref<1x112xi32, #tpu.memory_space<vmem>>
      %dma_wait3A_2427 = tpu.memref_squeeze %dma_wait3A_2426 : memref<1x112xi32, #tpu.memory_space<vmem>> -> memref<112xi32, #tpu.memory_space<vmem>>
      %dma_wait3A_2428 = arith.constant 0 : i32
      %dma_wait3A_2429 = tpu.memref_slice %arg3[%dma_wait3A_2428] : memref<102760448xf32, #tpu.memory_space<hbm>> -> memref<102760448xf32, #tpu.memory_space<hbm>>
      tpu.wait_indirect_dma semaphore(%arg10 : memref<!tpu.dma_semaphore, #tpu.memory_space<semaphore_mem>>) src(%dma_wait3A_2429 : memref<102760448xf32, #tpu.memory_space<hbm>>) dst(%dma_wait3A_2424 : memref<112xf32, #tpu.memory_space<vmem>>)
      %dma_wait3A_2430 = arith.constant 4 : i32
      %dma_wait3A_2431 = arith.constant 4 : i32
      %dma_wait3A_2432 = arith.constant 0 : i32
      %dma_wait3A_2433 = tpu.memref_slice %arg9[%dma_wait3A_2431, %dma_wait3A_2432] : memref<16x112xf32, #tpu.memory_space<vmem>> -> memref<1x112xf32, #tpu.memory_space<vmem>>
      %dma_wait3A_2434 = tpu.memref_squeeze %dma_wait3A_2433 : memref<1x112xf32, #tpu.memory_space<vmem>> -> memref<112xf32, #tpu.memory_space<vmem>>
      %dma_wait3A_2435 = arith.constant 0 : i32
      %dma_wait3A_2436 = tpu.memref_slice %arg7[%dma_wait3A_2430, %dma_wait3A_2435] : memref<16x112xi32, #tpu.memory_space<vmem>> -> memref<1x112xi32, #tpu.memory_space<vmem>>
      %dma_wait3A_2437 = tpu.memref_squeeze %dma_wait3A_2436 : memref<1x112xi32, #tpu.memory_space<vmem>> -> memref<112xi32, #tpu.memory_space<vmem>>
      %dma_wait3A_2438 = arith.constant 0 : i32
      %dma_wait3A_2439 = tpu.memref_slice %arg3[%dma_wait3A_2438] : memref<102760448xf32, #tpu.memory_space<hbm>> -> memref<102760448xf32, #tpu.memory_space<hbm>>
      tpu.wait_indirect_dma semaphore(%arg10 : memref<!tpu.dma_semaphore, #tpu.memory_space<semaphore_mem>>) src(%dma_wait3A_2439 : memref<102760448xf32, #tpu.memory_space<hbm>>) dst(%dma_wait3A_2434 : memref<112xf32, #tpu.memory_space<vmem>>)
      %dma_wait3A_2440 = arith.constant 5 : i32
      %dma_wait3A_2441 = arith.constant 5 : i32
      %dma_wait3A_2442 = arith.constant 0 : i32
      %dma_wait3A_2443 = tpu.memref_slice %arg9[%dma_wait3A_2441, %dma_wait3A_2442] : memref<16x112xf32, #tpu.memory_space<vmem>> -> memref<1x112xf32, #tpu.memory_space<vmem>>
      %dma_wait3A_2444 = tpu.memref_squeeze %dma_wait3A_2443 : memref<1x112xf32, #tpu.memory_space<vmem>> -> memref<112xf32, #tpu.memory_space<vmem>>
      %dma_wait3A_2445 = arith.constant 0 : i32
      %dma_wait3A_2446 = tpu.memref_slice %arg7[%dma_wait3A_2440, %dma_wait3A_2445] : memref<16x112xi32, #tpu.memory_space<vmem>> -> memref<1x112xi32, #tpu.memory_space<vmem>>
      %dma_wait3A_2447 = tpu.memref_squeeze %dma_wait3A_2446 : memref<1x112xi32, #tpu.memory_space<vmem>> -> memref<112xi32, #tpu.memory_space<vmem>>
      %dma_wait3A_2448 = arith.constant 0 : i32
      %dma_wait3A_2449 = tpu.memref_slice %arg3[%dma_wait3A_2448] : memref<102760448xf32, #tpu.memory_space<hbm>> -> memref<102760448xf32, #tpu.memory_space<hbm>>
      tpu.wait_indirect_dma semaphore(%arg10 : memref<!tpu.dma_semaphore, #tpu.memory_space<semaphore_mem>>) src(%dma_wait3A_2449 : memref<102760448xf32, #tpu.memory_space<hbm>>) dst(%dma_wait3A_2444 : memref<112xf32, #tpu.memory_space<vmem>>)
      %dma_wait3A_2450 = arith.constant 6 : i32
      %dma_wait3A_2451 = arith.constant 6 : i32
      %dma_wait3A_2452 = arith.constant 0 : i32
      %dma_wait3A_2453 = tpu.memref_slice %arg9[%dma_wait3A_2451, %dma_wait3A_2452] : memref<16x112xf32, #tpu.memory_space<vmem>> -> memref<1x112xf32, #tpu.memory_space<vmem>>
      %dma_wait3A_2454 = tpu.memref_squeeze %dma_wait3A_2453 : memref<1x112xf32, #tpu.memory_space<vmem>> -> memref<112xf32, #tpu.memory_space<vmem>>
      %dma_wait3A_2455 = arith.constant 0 : i32
      %dma_wait3A_2456 = tpu.memref_slice %arg7[%dma_wait3A_2450, %dma_wait3A_2455] : memref<16x112xi32, #tpu.memory_space<vmem>> -> memref<1x112xi32, #tpu.memory_space<vmem>>
      %dma_wait3A_2457 = tpu.memref_squeeze %dma_wait3A_2456 : memref<1x112xi32, #tpu.memory_space<vmem>> -> memref<112xi32, #tpu.memory_space<vmem>>
      %dma_wait3A_2458 = arith.constant 0 : i32
      %dma_wait3A_2459 = tpu.memref_slice %arg3[%dma_wait3A_2458] : memref<102760448xf32, #tpu.memory_space<hbm>> -> memref<102760448xf32, #tpu.memory_space<hbm>>
      tpu.wait_indirect_dma semaphore(%arg10 : memref<!tpu.dma_semaphore, #tpu.memory_space<semaphore_mem>>) src(%dma_wait3A_2459 : memref<102760448xf32, #tpu.memory_space<hbm>>) dst(%dma_wait3A_2454 : memref<112xf32, #tpu.memory_space<vmem>>)
      %dma_wait3A_2460 = arith.constant 7 : i32
      %dma_wait3A_2461 = arith.constant 7 : i32
      %dma_wait3A_2462 = arith.constant 0 : i32
      %dma_wait3A_2463 = tpu.memref_slice %arg9[%dma_wait3A_2461, %dma_wait3A_2462] : memref<16x112xf32, #tpu.memory_space<vmem>> -> memref<1x112xf32, #tpu.memory_space<vmem>>
      %dma_wait3A_2464 = tpu.memref_squeeze %dma_wait3A_2463 : memref<1x112xf32, #tpu.memory_space<vmem>> -> memref<112xf32, #tpu.memory_space<vmem>>
      %dma_wait3A_2465 = arith.constant 0 : i32
      %dma_wait3A_2466 = tpu.memref_slice %arg7[%dma_wait3A_2460, %dma_wait3A_2465] : memref<16x112xi32, #tpu.memory_space<vmem>> -> memref<1x112xi32, #tpu.memory_space<vmem>>
      %dma_wait3A_2467 = tpu.memref_squeeze %dma_wait3A_2466 : memref<1x112xi32, #tpu.memory_space<vmem>> -> memref<112xi32, #tpu.memory_space<vmem>>
      %dma_wait3A_2468 = arith.constant 0 : i32
      %dma_wait3A_2469 = tpu.memref_slice %arg3[%dma_wait3A_2468] : memref<102760448xf32, #tpu.memory_space<hbm>> -> memref<102760448xf32, #tpu.memory_space<hbm>>
      tpu.wait_indirect_dma semaphore(%arg10 : memref<!tpu.dma_semaphore, #tpu.memory_space<semaphore_mem>>) src(%dma_wait3A_2469 : memref<102760448xf32, #tpu.memory_space<hbm>>) dst(%dma_wait3A_2464 : memref<112xf32, #tpu.memory_space<vmem>>)
      %dma_wait3A_2470 = arith.constant 8 : i32
      %dma_wait3A_2471 = arith.constant 8 : i32
      %dma_wait3A_2472 = arith.constant 0 : i32
      %dma_wait3A_2473 = tpu.memref_slice %arg9[%dma_wait3A_2471, %dma_wait3A_2472] : memref<16x112xf32, #tpu.memory_space<vmem>> -> memref<1x112xf32, #tpu.memory_space<vmem>>
      %dma_wait3A_2474 = tpu.memref_squeeze %dma_wait3A_2473 : memref<1x112xf32, #tpu.memory_space<vmem>> -> memref<112xf32, #tpu.memory_space<vmem>>
      %dma_wait3A_2475 = arith.constant 0 : i32
      %dma_wait3A_2476 = tpu.memref_slice %arg7[%dma_wait3A_2470, %dma_wait3A_2475] : memref<16x112xi32, #tpu.memory_space<vmem>> -> memref<1x112xi32, #tpu.memory_space<vmem>>
      %dma_wait3A_2477 = tpu.memref_squeeze %dma_wait3A_2476 : memref<1x112xi32, #tpu.memory_space<vmem>> -> memref<112xi32, #tpu.memory_space<vmem>>
      %dma_wait3A_2478 = arith.constant 0 : i32
      %dma_wait3A_2479 = tpu.memref_slice %arg3[%dma_wait3A_2478] : memref<102760448xf32, #tpu.memory_space<hbm>> -> memref<102760448xf32, #tpu.memory_space<hbm>>
      tpu.wait_indirect_dma semaphore(%arg10 : memref<!tpu.dma_semaphore, #tpu.memory_space<semaphore_mem>>) src(%dma_wait3A_2479 : memref<102760448xf32, #tpu.memory_space<hbm>>) dst(%dma_wait3A_2474 : memref<112xf32, #tpu.memory_space<vmem>>)
      %dma_wait3A_2480 = arith.constant 9 : i32
      %dma_wait3A_2481 = arith.constant 9 : i32
      %dma_wait3A_2482 = arith.constant 0 : i32
      %dma_wait3A_2483 = tpu.memref_slice %arg9[%dma_wait3A_2481, %dma_wait3A_2482] : memref<16x112xf32, #tpu.memory_space<vmem>> -> memref<1x112xf32, #tpu.memory_space<vmem>>
      %dma_wait3A_2484 = tpu.memref_squeeze %dma_wait3A_2483 : memref<1x112xf32, #tpu.memory_space<vmem>> -> memref<112xf32, #tpu.memory_space<vmem>>
      %dma_wait3A_2485 = arith.constant 0 : i32
      %dma_wait3A_2486 = tpu.memref_slice %arg7[%dma_wait3A_2480, %dma_wait3A_2485] : memref<16x112xi32, #tpu.memory_space<vmem>> -> memref<1x112xi32, #tpu.memory_space<vmem>>
      %dma_wait3A_2487 = tpu.memref_squeeze %dma_wait3A_2486 : memref<1x112xi32, #tpu.memory_space<vmem>> -> memref<112xi32, #tpu.memory_space<vmem>>
      %dma_wait3A_2488 = arith.constant 0 : i32
      %dma_wait3A_2489 = tpu.memref_slice %arg3[%dma_wait3A_2488] : memref<102760448xf32, #tpu.memory_space<hbm>> -> memref<102760448xf32, #tpu.memory_space<hbm>>
      tpu.wait_indirect_dma semaphore(%arg10 : memref<!tpu.dma_semaphore, #tpu.memory_space<semaphore_mem>>) src(%dma_wait3A_2489 : memref<102760448xf32, #tpu.memory_space<hbm>>) dst(%dma_wait3A_2484 : memref<112xf32, #tpu.memory_space<vmem>>)
      %dma_wait3A_2490 = arith.constant 10 : i32
      %dma_wait3A_2491 = arith.constant 10 : i32
      %dma_wait3A_2492 = arith.constant 0 : i32
      %dma_wait3A_2493 = tpu.memref_slice %arg9[%dma_wait3A_2491, %dma_wait3A_2492] : memref<16x112xf32, #tpu.memory_space<vmem>> -> memref<1x112xf32, #tpu.memory_space<vmem>>
      %dma_wait3A_2494 = tpu.memref_squeeze %dma_wait3A_2493 : memref<1x112xf32, #tpu.memory_space<vmem>> -> memref<112xf32, #tpu.memory_space<vmem>>
      %dma_wait3A_2495 = arith.constant 0 : i32
      %dma_wait3A_2496 = tpu.memref_slice %arg7[%dma_wait3A_2490, %dma_wait3A_2495] : memref<16x112xi32, #tpu.memory_space<vmem>> -> memref<1x112xi32, #tpu.memory_space<vmem>>
      %dma_wait3A_2497 = tpu.memref_squeeze %dma_wait3A_2496 : memref<1x112xi32, #tpu.memory_space<vmem>> -> memref<112xi32, #tpu.memory_space<vmem>>
      %dma_wait3A_2498 = arith.constant 0 : i32
      %dma_wait3A_2499 = tpu.memref_slice %arg3[%dma_wait3A_2498] : memref<102760448xf32, #tpu.memory_space<hbm>> -> memref<102760448xf32, #tpu.memory_space<hbm>>
      tpu.wait_indirect_dma semaphore(%arg10 : memref<!tpu.dma_semaphore, #tpu.memory_space<semaphore_mem>>) src(%dma_wait3A_2499 : memref<102760448xf32, #tpu.memory_space<hbm>>) dst(%dma_wait3A_2494 : memref<112xf32, #tpu.memory_space<vmem>>)
      %dma_wait3A_2500 = arith.constant 11 : i32
      %dma_wait3A_2501 = arith.constant 11 : i32
      %dma_wait3A_2502 = arith.constant 0 : i32
      %dma_wait3A_2503 = tpu.memref_slice %arg9[%dma_wait3A_2501, %dma_wait3A_2502] : memref<16x112xf32, #tpu.memory_space<vmem>> -> memref<1x112xf32, #tpu.memory_space<vmem>>
      %dma_wait3A_2504 = tpu.memref_squeeze %dma_wait3A_2503 : memref<1x112xf32, #tpu.memory_space<vmem>> -> memref<112xf32, #tpu.memory_space<vmem>>
      %dma_wait3A_2505 = arith.constant 0 : i32
      %dma_wait3A_2506 = tpu.memref_slice %arg7[%dma_wait3A_2500, %dma_wait3A_2505] : memref<16x112xi32, #tpu.memory_space<vmem>> -> memref<1x112xi32, #tpu.memory_space<vmem>>
      %dma_wait3A_2507 = tpu.memref_squeeze %dma_wait3A_2506 : memref<1x112xi32, #tpu.memory_space<vmem>> -> memref<112xi32, #tpu.memory_space<vmem>>
      %dma_wait3A_2508 = arith.constant 0 : i32
      %dma_wait3A_2509 = tpu.memref_slice %arg3[%dma_wait3A_2508] : memref<102760448xf32, #tpu.memory_space<hbm>> -> memref<102760448xf32, #tpu.memory_space<hbm>>
      tpu.wait_indirect_dma semaphore(%arg10 : memref<!tpu.dma_semaphore, #tpu.memory_space<semaphore_mem>>) src(%dma_wait3A_2509 : memref<102760448xf32, #tpu.memory_space<hbm>>) dst(%dma_wait3A_2504 : memref<112xf32, #tpu.memory_space<vmem>>)
      %dma_wait3A_2510 = arith.constant 12 : i32
      %dma_wait3A_2511 = arith.constant 12 : i32
      %dma_wait3A_2512 = arith.constant 0 : i32
      %dma_wait3A_2513 = tpu.memref_slice %arg9[%dma_wait3A_2511, %dma_wait3A_2512] : memref<16x112xf32, #tpu.memory_space<vmem>> -> memref<1x112xf32, #tpu.memory_space<vmem>>
      %dma_wait3A_2514 = tpu.memref_squeeze %dma_wait3A_2513 : memref<1x112xf32, #tpu.memory_space<vmem>> -> memref<112xf32, #tpu.memory_space<vmem>>
      %dma_wait3A_2515 = arith.constant 0 : i32
      %dma_wait3A_2516 = tpu.memref_slice %arg7[%dma_wait3A_2510, %dma_wait3A_2515] : memref<16x112xi32, #tpu.memory_space<vmem>> -> memref<1x112xi32, #tpu.memory_space<vmem>>
      %dma_wait3A_2517 = tpu.memref_squeeze %dma_wait3A_2516 : memref<1x112xi32, #tpu.memory_space<vmem>> -> memref<112xi32, #tpu.memory_space<vmem>>
      %dma_wait3A_2518 = arith.constant 0 : i32
      %dma_wait3A_2519 = tpu.memref_slice %arg3[%dma_wait3A_2518] : memref<102760448xf32, #tpu.memory_space<hbm>> -> memref<102760448xf32, #tpu.memory_space<hbm>>
      tpu.wait_indirect_dma semaphore(%arg10 : memref<!tpu.dma_semaphore, #tpu.memory_space<semaphore_mem>>) src(%dma_wait3A_2519 : memref<102760448xf32, #tpu.memory_space<hbm>>) dst(%dma_wait3A_2514 : memref<112xf32, #tpu.memory_space<vmem>>)
      %dma_wait3A_2520 = arith.constant 13 : i32
      %dma_wait3A_2521 = arith.constant 13 : i32
      %dma_wait3A_2522 = arith.constant 0 : i32
      %dma_wait3A_2523 = tpu.memref_slice %arg9[%dma_wait3A_2521, %dma_wait3A_2522] : memref<16x112xf32, #tpu.memory_space<vmem>> -> memref<1x112xf32, #tpu.memory_space<vmem>>
      %dma_wait3A_2524 = tpu.memref_squeeze %dma_wait3A_2523 : memref<1x112xf32, #tpu.memory_space<vmem>> -> memref<112xf32, #tpu.memory_space<vmem>>
      %dma_wait3A_2525 = arith.constant 0 : i32
      %dma_wait3A_2526 = tpu.memref_slice %arg7[%dma_wait3A_2520, %dma_wait3A_2525] : memref<16x112xi32, #tpu.memory_space<vmem>> -> memref<1x112xi32, #tpu.memory_space<vmem>>
      %dma_wait3A_2527 = tpu.memref_squeeze %dma_wait3A_2526 : memref<1x112xi32, #tpu.memory_space<vmem>> -> memref<112xi32, #tpu.memory_space<vmem>>
      %dma_wait3A_2528 = arith.constant 0 : i32
      %dma_wait3A_2529 = tpu.memref_slice %arg3[%dma_wait3A_2528] : memref<102760448xf32, #tpu.memory_space<hbm>> -> memref<102760448xf32, #tpu.memory_space<hbm>>
      tpu.wait_indirect_dma semaphore(%arg10 : memref<!tpu.dma_semaphore, #tpu.memory_space<semaphore_mem>>) src(%dma_wait3A_2529 : memref<102760448xf32, #tpu.memory_space<hbm>>) dst(%dma_wait3A_2524 : memref<112xf32, #tpu.memory_space<vmem>>)
      %dma_wait3A_2530 = arith.constant 14 : i32
      %dma_wait3A_2531 = arith.constant 14 : i32
      %dma_wait3A_2532 = arith.constant 0 : i32
      %dma_wait3A_2533 = tpu.memref_slice %arg9[%dma_wait3A_2531, %dma_wait3A_2532] : memref<16x112xf32, #tpu.memory_space<vmem>> -> memref<1x112xf32, #tpu.memory_space<vmem>>
      %dma_wait3A_2534 = tpu.memref_squeeze %dma_wait3A_2533 : memref<1x112xf32, #tpu.memory_space<vmem>> -> memref<112xf32, #tpu.memory_space<vmem>>
      %dma_wait3A_2535 = arith.constant 0 : i32
      %dma_wait3A_2536 = tpu.memref_slice %arg7[%dma_wait3A_2530, %dma_wait3A_2535] : memref<16x112xi32, #tpu.memory_space<vmem>> -> memref<1x112xi32, #tpu.memory_space<vmem>>
      %dma_wait3A_2537 = tpu.memref_squeeze %dma_wait3A_2536 : memref<1x112xi32, #tpu.memory_space<vmem>> -> memref<112xi32, #tpu.memory_space<vmem>>
      %dma_wait3A_2538 = arith.constant 0 : i32
      %dma_wait3A_2539 = tpu.memref_slice %arg3[%dma_wait3A_2538] : memref<102760448xf32, #tpu.memory_space<hbm>> -> memref<102760448xf32, #tpu.memory_space<hbm>>
      tpu.wait_indirect_dma semaphore(%arg10 : memref<!tpu.dma_semaphore, #tpu.memory_space<semaphore_mem>>) src(%dma_wait3A_2539 : memref<102760448xf32, #tpu.memory_space<hbm>>) dst(%dma_wait3A_2534 : memref<112xf32, #tpu.memory_space<vmem>>)
      %dma_wait3A_2540 = arith.constant 15 : i32
      %dma_wait3A_2541 = arith.constant 15 : i32
      %dma_wait3A_2542 = arith.constant 0 : i32
      %dma_wait3A_2543 = tpu.memref_slice %arg9[%dma_wait3A_2541, %dma_wait3A_2542] : memref<16x112xf32, #tpu.memory_space<vmem>> -> memref<1x112xf32, #tpu.memory_space<vmem>>
      %dma_wait3A_2544 = tpu.memref_squeeze %dma_wait3A_2543 : memref<1x112xf32, #tpu.memory_space<vmem>> -> memref<112xf32, #tpu.memory_space<vmem>>
      %dma_wait3A_2545 = arith.constant 0 : i32
      %dma_wait3A_2546 = tpu.memref_slice %arg7[%dma_wait3A_2540, %dma_wait3A_2545] : memref<16x112xi32, #tpu.memory_space<vmem>> -> memref<1x112xi32, #tpu.memory_space<vmem>>
      %dma_wait3A_2547 = tpu.memref_squeeze %dma_wait3A_2546 : memref<1x112xi32, #tpu.memory_space<vmem>> -> memref<112xi32, #tpu.memory_space<vmem>>
      %dma_wait3A_2548 = arith.constant 0 : i32
      %dma_wait3A_2549 = tpu.memref_slice %arg3[%dma_wait3A_2548] : memref<102760448xf32, #tpu.memory_space<hbm>> -> memref<102760448xf32, #tpu.memory_space<hbm>>
      tpu.wait_indirect_dma semaphore(%arg10 : memref<!tpu.dma_semaphore, #tpu.memory_space<semaphore_mem>>) src(%dma_wait3A_2549 : memref<102760448xf32, #tpu.memory_space<hbm>>) dst(%dma_wait3A_2544 : memref<112xf32, #tpu.memory_space<vmem>>)
      "tpu.region"() ({
        %run_scoped3A = tpu.sem_alloc : memref<!tpu.dma_semaphore, #tpu.memory_space<semaphore_mem>>
        %dma_start3A_2550 = arith.constant 0 : i32
        %dma_start3A_2551 = arith.constant 0 : i32
        %dma_start3A_2552 = tpu.memref_slice %arg4[%add3A_9, %dma_start3A_2550, %dma_start3A_2551] : memref<1024x16x112xf32, #tpu.memory_space<hbm>> -> memref<1x16x112xf32, #tpu.memory_space<hbm>>
        %dma_start3A_2553 = tpu.memref_squeeze %dma_start3A_2552 : memref<1x16x112xf32, #tpu.memory_space<hbm>> -> memref<16x112xf32, #tpu.memory_space<hbm>>
        %dma_start3A_2554 = arith.constant 0 : i32
        %dma_start3A_2555 = arith.constant 0 : i32
        %dma_start3A_2556 = tpu.memref_slice %arg4[%add3A_9, %dma_start3A_2554, %dma_start3A_2555] : memref<1024x16x112xf32, #tpu.memory_space<hbm>> -> memref<1x16x112xf32, #tpu.memory_space<hbm>>
        %dma_start3A_2557 = tpu.memref_squeeze %dma_start3A_2556 : memref<1x16x112xf32, #tpu.memory_space<hbm>> -> memref<16x112xf32, #tpu.memory_space<hbm>>
        tpu.enqueue_dma source(%arg9 : memref<16x112xf32, #tpu.memory_space<vmem>>) target(%dma_start3A_2557 : memref<16x112xf32, #tpu.memory_space<hbm>>) target_semaphore(%run_scoped3A : memref<!tpu.dma_semaphore, #tpu.memory_space<semaphore_mem>>)
        %dma_wait3A_2558 = arith.constant 0 : i32
        %dma_wait3A_2559 = arith.constant 0 : i32
        %dma_wait3A_2560 = tpu.memref_slice %arg4[%add3A_9, %dma_wait3A_2558, %dma_wait3A_2559] : memref<1024x16x112xf32, #tpu.memory_space<hbm>> -> memref<1x16x112xf32, #tpu.memory_space<hbm>>
        %dma_wait3A_2561 = tpu.memref_squeeze %dma_wait3A_2560 : memref<1x16x112xf32, #tpu.memory_space<hbm>> -> memref<16x112xf32, #tpu.memory_space<hbm>>
        %dma_wait3A_2562 = arith.constant 0 : i32
        %dma_wait3A_2563 = arith.constant 0 : i32
        %dma_wait3A_2564 = tpu.memref_slice %arg4[%add3A_9, %dma_wait3A_2562, %dma_wait3A_2563] : memref<1024x16x112xf32, #tpu.memory_space<hbm>> -> memref<1x16x112xf32, #tpu.memory_space<hbm>>
        %dma_wait3A_2565 = tpu.memref_squeeze %dma_wait3A_2564 : memref<1x16x112xf32, #tpu.memory_space<hbm>> -> memref<16x112xf32, #tpu.memory_space<hbm>>
        tpu.wait_dma2 semaphore(%run_scoped3A : memref<!tpu.dma_semaphore, #tpu.memory_space<semaphore_mem>>) src(%arg9 : memref<16x112xf32, #tpu.memory_space<vmem>>) dst(%dma_wait3A_2565 : memref<16x112xf32, #tpu.memory_space<hbm>>)
        tpu.yield
      }) : () -> ()
      "tpu.region"() ({
        %run_scoped3A = tpu.sem_alloc : memref<!tpu.dma_semaphore, #tpu.memory_space<semaphore_mem>>
        %dma_start3A_2550 = arith.constant 0 : i32
        %dma_start3A_2551 = arith.constant 0 : i32
        %dma_start3A_2552 = tpu.memref_slice %arg5[%add3A_9, %dma_start3A_2550, %dma_start3A_2551] : memref<1024x16x112xi32, #tpu.memory_space<hbm>> -> memref<1x16x112xi32, #tpu.memory_space<hbm>>
        %dma_start3A_2553 = tpu.memref_squeeze %dma_start3A_2552 : memref<1x16x112xi32, #tpu.memory_space<hbm>> -> memref<16x112xi32, #tpu.memory_space<hbm>>
        %dma_start3A_2554 = arith.constant 0 : i32
        %dma_start3A_2555 = arith.constant 0 : i32
        %dma_start3A_2556 = tpu.memref_slice %arg5[%add3A_9, %dma_start3A_2554, %dma_start3A_2555] : memref<1024x16x112xi32, #tpu.memory_space<hbm>> -> memref<1x16x112xi32, #tpu.memory_space<hbm>>
        %dma_start3A_2557 = tpu.memref_squeeze %dma_start3A_2556 : memref<1x16x112xi32, #tpu.memory_space<hbm>> -> memref<16x112xi32, #tpu.memory_space<hbm>>
        tpu.enqueue_dma source(%arg8 : memref<16x112xi32, #tpu.memory_space<vmem>>) target(%dma_start3A_2557 : memref<16x112xi32, #tpu.memory_space<hbm>>) target_semaphore(%run_scoped3A : memref<!tpu.dma_semaphore, #tpu.memory_space<semaphore_mem>>)
        %dma_wait3A_2558 = arith.constant 0 : i32
        %dma_wait3A_2559 = arith.constant 0 : i32
        %dma_wait3A_2560 = tpu.memref_slice %arg5[%add3A_9, %dma_wait3A_2558, %dma_wait3A_2559] : memref<1024x16x112xi32, #tpu.memory_space<hbm>> -> memref<1x16x112xi32, #tpu.memory_space<hbm>>
        %dma_wait3A_2561 = tpu.memref_squeeze %dma_wait3A_2560 : memref<1x16x112xi32, #tpu.memory_space<hbm>> -> memref<16x112xi32, #tpu.memory_space<hbm>>
        %dma_wait3A_2562 = arith.constant 0 : i32
        %dma_wait3A_2563 = arith.constant 0 : i32
        %dma_wait3A_2564 = tpu.memref_slice %arg5[%add3A_9, %dma_wait3A_2562, %dma_wait3A_2563] : memref<1024x16x112xi32, #tpu.memory_space<hbm>> -> memref<1x16x112xi32, #tpu.memory_space<hbm>>
        %dma_wait3A_2565 = tpu.memref_squeeze %dma_wait3A_2564 : memref<1x16x112xi32, #tpu.memory_space<hbm>> -> memref<16x112xi32, #tpu.memory_space<hbm>>
        tpu.wait_dma2 semaphore(%run_scoped3A : memref<!tpu.dma_semaphore, #tpu.memory_space<semaphore_mem>>) src(%arg8 : memref<16x112xi32, #tpu.memory_space<vmem>>) dst(%dma_wait3A_2565 : memref<16x112xi32, #tpu.memory_space<hbm>>)
        tpu.yield
      }) : () -> ()
    }
    %scan3A_7 = arith.constant 32 : i32
    return
  }
}

module attributes {stable_mosaic.version = 14 : i64} {
  func.func @_k2_body(%arg0: i32, %arg1: memref<256x6272xf32, #tpu.memory_space<vmem>>, %arg2: memref<256x112xi32, #tpu.memory_space<vmem>>, %arg3: memref<256x6272xf32, #tpu.memory_space<vmem>>) attributes {dimension_semantics = [#tpu.dimension_semantics<arbitrary>], iteration_bounds = array<i64: 4>, scalar_prefetch = 0 : i64, scratch_operands = 1 : i64, tpu.core_type = #tpu.core_type<tc>, window_params = [{transform_indices = @transform_0, window_bounds = array<i64: 256, 6272>}, {transform_indices = @transform_1, window_bounds = array<i64: 256, 112>}]} {
    %get3A = arith.constant 0 : index
    %get3A_0 = arith.constant 0 : index
    %get3A_1 = vector.load %arg1[%get3A, %get3A_0] : memref<256x6272xf32, #tpu.memory_space<vmem>>, vector<256x6272xf32>
    %swap3A = arith.constant 0 : index
    %swap3A_2 = arith.constant 0 : index
    %swap3A_3 = vector.load %arg3[%swap3A, %swap3A_2] : memref<256x6272xf32, #tpu.memory_space<vmem>>, vector<256x6272xf32>
    tpu.vector_store %arg3[%swap3A, %swap3A_2], %get3A_1 {strides = array<i32>} : memref<256x6272xf32, #tpu.memory_space<vmem>>, vector<256x6272xf32>,
    %iota3A = tpu.iota {dimensions = array<i32: 1>} : vector<256x6272xi32>
    %iota3A_4 = tpu.iota {dimensions = array<i32: 1>} : vector<256x112xi32>
    %broadcast_in_dim3A = arith.constant 0 : i32
    %broadcast_in_dim3A_5 = vector.broadcast %broadcast_in_dim3A : i32 to vector<256x112xi32>
    %scan3A = arith.constant 0 : i32
    %scan3A_6 = arith.constant 112 : i32
    %scan3A_7 = arith.addi %scan3A, %scan3A_6 : i32
    %scan3A_8 = arith.constant 1 : i32
    %scan3A_9 = scf.for %scan3A_14 = %scan3A to %scan3A_7 step %scan3A_8 iter_args(%scan3A_15 = %broadcast_in_dim3A_5) -> (vector<256x112xi32>)  : i32 {
      %get3A_16 = arith.constant 0 : index
      %get3A_17 = arith.constant 0 : index
      %get3A_18 = vector.load %arg3[%get3A_16, %get3A_17] : memref<256x6272xf32, #tpu.memory_space<vmem>>, vector<256x6272xf32>
      %argmax3A = tpu.reduce_index %get3A_18 {axis = 1 : i32, kind = #tpu.reduction_kind<arg_max>} : vector<256x6272xf32> -> vector<256xi32>
      %broadcast_in_dim3A_19 = vector.shape_cast %argmax3A : vector<256xi32> to vector<256x1xi32>
      %eq3A = vector.broadcast %broadcast_in_dim3A_19 : vector<256x1xi32> to vector<256x6272xi32>
      %eq3A_20 = arith.cmpi eq, %iota3A, %eq3A : vector<256x6272xi32>
      %jit3A = arith.constant -3.000000e+38 : f32
      %broadcast_in_dim3A_21 = vector.broadcast %jit3A : f32 to vector<256x6272xf32>
      %select_n3A = arith.select %eq3A_20, %broadcast_in_dim3A_21, %get3A_18 : vector<256x6272xi1>, vector<256x6272xf32>
      %swap3A_22 = arith.constant 0 : index
      %swap3A_23 = arith.constant 0 : index
      %swap3A_24 = vector.load %arg3[%swap3A_22, %swap3A_23] : memref<256x6272xf32, #tpu.memory_space<vmem>>, vector<256x6272xf32>
      tpu.vector_store %arg3[%swap3A_22, %swap3A_23], %select_n3A {strides = array<i32>} : memref<256x6272xf32, #tpu.memory_space<vmem>>, vector<256x6272xf32>,
      %eq3A_25 = vector.broadcast %scan3A_14 : i32 to vector<256x112xi32>
      %eq3A_26 = arith.cmpi eq, %iota3A_4, %eq3A_25 : vector<256x112xi32>
      %broadcast_in_dim3A_27 = vector.shape_cast %argmax3A : vector<256xi32> to vector<256x1xi32>
      %broadcast_in_dim3A_28 = vector.shape_cast %broadcast_in_dim3A_27 : vector<256x1xi32> to vector<256x1xi32>
      %broadcast_in_dim3A_29 = vector.broadcast %broadcast_in_dim3A_28 : vector<256x1xi32> to vector<256x112xi32>
      %select_n3A_30 = arith.select %eq3A_26, %broadcast_in_dim3A_29, %scan3A_15 : vector<256x112xi1>, vector<256x112xi32>
      scf.yield %select_n3A_30 : vector<256x112xi32>
    }
    %scan3A_10 = arith.constant 112 : i32
    %swap3A_11 = arith.constant 0 : index
    %swap3A_12 = arith.constant 0 : index
    %swap3A_13 = vector.load %arg2[%swap3A_11, %swap3A_12] : memref<256x112xi32, #tpu.memory_space<vmem>>, vector<256x112xi32>
    tpu.vector_store %arg2[%swap3A_11, %swap3A_12], %scan3A_9 {strides = array<i32>} : memref<256x112xi32, #tpu.memory_space<vmem>>, vector<256x112xi32>,
    return
  }
  func.func @transform_0(%arg0: i32) -> (i32, i32) {
    %c0_i32 = arith.constant 0 : i32
    %c0_i32_0 = arith.constant 0 : i32
    return %arg0, %c0_i32 : i32, i32
  }
  func.func @transform_1(%arg0: i32) -> (i32, i32) {
    %c0_i32 = arith.constant 0 : i32
    %c0_i32_0 = arith.constant 0 : i32
    return %arg0, %c0_i32 : i32, i32
  }
}

module attributes {stable_mosaic.version = 14 : i64} {
  func.func @_k1_body(%arg0: i32, %arg1: memref<1024x128xf32, #tpu.memory_space<vmem>>, %arg2: memref<2048x128xf32, #tpu.memory_space<vmem>>, %arg3: memref<1024x2048xf32, #tpu.memory_space<vmem>>, %arg4: memref<1024x128xf32, #tpu.memory_space<vmem>>) attributes {dimension_semantics = [#tpu.dimension_semantics<arbitrary>], iteration_bounds = array<i64: 49>, scalar_prefetch = 0 : i64, scratch_operands = 0 : i64, tpu.core_type = #tpu.core_type<tc>, window_params = [{pipeline_mode = #tpu.pipeline_mode<synchronous>, transform_indices = @transform_0, window_bounds = array<i64: 1024, 128>}, {transform_indices = @transform_1, window_bounds = array<i64: 2048, 128>}, {transform_indices = @transform_2, window_bounds = array<i64: 1024, 2048>}, {transform_indices = @transform_3, window_bounds = array<i64: 1024, 128>}]} {
    %get3A = arith.constant 0 : index
    %get3A_0 = arith.constant 0 : index
    %get3A_1 = vector.load %arg1[%get3A, %get3A_0] : memref<1024x128xf32, #tpu.memory_space<vmem>>, vector<1024x128xf32>
    %get3A_2 = arith.constant 0 : index
    %get3A_3 = arith.constant 0 : index
    %get3A_4 = vector.load %arg2[%get3A_2, %get3A_3] : memref<2048x128xf32, #tpu.memory_space<vmem>>, vector<2048x128xf32>
    %dot_general3A = arith.constant dense<0.000000e+00> : vector<1024x2048xf32>
    %dot_general3A_5 = tpu.matmul %get3A_1, %get3A_4, %dot_general3A {dimension_numbers = #tpu.dot_dimension_numbers<[1], [1], [0], [0], [0, 0, 1, 0], [], []>, transpose_lhs_hint = false} : vector<1024x128xf32>, vector<2048x128xf32>, vector<1024x2048xf32> -> vector<1024x2048xf32>
    %iota3A = tpu.iota {dimensions = array<i32: 1>} : vector<1024x2048xi32>
    %mul3A = arith.constant 2048 : i32
    %mul3A_6 = arith.muli %arg0, %mul3A : i32
    %add3A = vector.broadcast %mul3A_6 : i32 to vector<1024x2048xi32>
    %add3A_7 = arith.addi %iota3A, %add3A : vector<1024x2048xi32>
    %lt3A = arith.constant 100000 : i32
    %lt3A_8 = vector.broadcast %lt3A : i32 to vector<1024x2048xi32>
    %lt3A_9 = arith.cmpi slt, %add3A_7, %lt3A_8 : vector<1024x2048xi32>
    %jit3A = arith.constant -3.000000e+38 : f32
    %broadcast_in_dim3A = vector.broadcast %jit3A : f32 to vector<1024x2048xf32>
    %select_n3A = arith.select %lt3A_9, %dot_general3A_5, %broadcast_in_dim3A : vector<1024x2048xi1>, vector<1024x2048xf32>
    %swap3A = arith.constant 0 : index
    %swap3A_10 = arith.constant 0 : index
    %swap3A_11 = vector.load %arg3[%swap3A, %swap3A_10] : memref<1024x2048xf32, #tpu.memory_space<vmem>>, vector<1024x2048xf32>
    tpu.vector_store %arg3[%swap3A, %swap3A_10], %select_n3A {strides = array<i32>} : memref<1024x2048xf32, #tpu.memory_space<vmem>>, vector<1024x2048xf32>,
    %slice3A = vector.extract_strided_slice %select_n3A {offsets = [0, 0], sizes = [1024, 128], strides = [1, 1]} : vector<1024x2048xf32> to vector<1024x128xf32>
    %slice3A_12 = vector.extract_strided_slice %select_n3A {offsets = [0, 128], sizes = [1024, 128], strides = [1, 1]} : vector<1024x2048xf32> to vector<1024x128xf32>
    %max3A = arith.maximumf %slice3A, %slice3A_12 : vector<1024x128xf32>
    %slice3A_13 = vector.extract_strided_slice %select_n3A {offsets = [0, 256], sizes = [1024, 128], strides = [1, 1]} : vector<1024x2048xf32> to vector<1024x128xf32>
    %max3A_14 = arith.maximumf %max3A, %slice3A_13 : vector<1024x128xf32>
    %slice3A_15 = vector.extract_strided_slice %select_n3A {offsets = [0, 384], sizes = [1024, 128], strides = [1, 1]} : vector<1024x2048xf32> to vector<1024x128xf32>
    %max3A_16 = arith.maximumf %max3A_14, %slice3A_15 : vector<1024x128xf32>
    %slice3A_17 = vector.extract_strided_slice %select_n3A {offsets = [0, 512], sizes = [1024, 128], strides = [1, 1]} : vector<1024x2048xf32> to vector<1024x128xf32>
    %max3A_18 = arith.maximumf %max3A_16, %slice3A_17 : vector<1024x128xf32>
    %slice3A_19 = vector.extract_strided_slice %select_n3A {offsets = [0, 640], sizes = [1024, 128], strides = [1, 1]} : vector<1024x2048xf32> to vector<1024x128xf32>
    %max3A_20 = arith.maximumf %max3A_18, %slice3A_19 : vector<1024x128xf32>
    %slice3A_21 = vector.extract_strided_slice %select_n3A {offsets = [0, 768], sizes = [1024, 128], strides = [1, 1]} : vector<1024x2048xf32> to vector<1024x128xf32>
    %max3A_22 = arith.maximumf %max3A_20, %slice3A_21 : vector<1024x128xf32>
    %slice3A_23 = vector.extract_strided_slice %select_n3A {offsets = [0, 896], sizes = [1024, 128], strides = [1, 1]} : vector<1024x2048xf32> to vector<1024x128xf32>
    %max3A_24 = arith.maximumf %max3A_22, %slice3A_23 : vector<1024x128xf32>
    %slice3A_25 = vector.extract_strided_slice %select_n3A {offsets = [0, 1024], sizes = [1024, 128], strides = [1, 1]} : vector<1024x2048xf32> to vector<1024x128xf32>
    %max3A_26 = arith.maximumf %max3A_24, %slice3A_25 : vector<1024x128xf32>
    %slice3A_27 = vector.extract_strided_slice %select_n3A {offsets = [0, 1152], sizes = [1024, 128], strides = [1, 1]} : vector<1024x2048xf32> to vector<1024x128xf32>
    %max3A_28 = arith.maximumf %max3A_26, %slice3A_27 : vector<1024x128xf32>
    %slice3A_29 = vector.extract_strided_slice %select_n3A {offsets = [0, 1280], sizes = [1024, 128], strides = [1, 1]} : vector<1024x2048xf32> to vector<1024x128xf32>
    %max3A_30 = arith.maximumf %max3A_28, %slice3A_29 : vector<1024x128xf32>
    %slice3A_31 = vector.extract_strided_slice %select_n3A {offsets = [0, 1408], sizes = [1024, 128], strides = [1, 1]} : vector<1024x2048xf32> to vector<1024x128xf32>
    %max3A_32 = arith.maximumf %max3A_30, %slice3A_31 : vector<1024x128xf32>
    %slice3A_33 = vector.extract_strided_slice %select_n3A {offsets = [0, 1536], sizes = [1024, 128], strides = [1, 1]} : vector<1024x2048xf32> to vector<1024x128xf32>
    %max3A_34 = arith.maximumf %max3A_32, %slice3A_33 : vector<1024x128xf32>
    %slice3A_35 = vector.extract_strided_slice %select_n3A {offsets = [0, 1664], sizes = [1024, 128], strides = [1, 1]} : vector<1024x2048xf32> to vector<1024x128xf32>
    %max3A_36 = arith.maximumf %max3A_34, %slice3A_35 : vector<1024x128xf32>
    %slice3A_37 = vector.extract_strided_slice %select_n3A {offsets = [0, 1792], sizes = [1024, 128], strides = [1, 1]} : vector<1024x2048xf32> to vector<1024x128xf32>
    %max3A_38 = arith.maximumf %max3A_36, %slice3A_37 : vector<1024x128xf32>
    %slice3A_39 = vector.extract_strided_slice %select_n3A {offsets = [0, 1920], sizes = [1024, 128], strides = [1, 1]} : vector<1024x2048xf32> to vector<1024x128xf32>
    %max3A_40 = arith.maximumf %max3A_38, %slice3A_39 : vector<1024x128xf32>
    %swap3A_41 = arith.constant 0 : index
    %swap3A_42 = arith.constant 0 : index
    %swap3A_43 = vector.load %arg4[%swap3A_41, %swap3A_42] : memref<1024x128xf32, #tpu.memory_space<vmem>>, vector<1024x128xf32>
    tpu.vector_store %arg4[%swap3A_41, %swap3A_42], %max3A_40 {strides = array<i32>} : memref<1024x128xf32, #tpu.memory_space<vmem>>, vector<1024x128xf32>,
    return
  }
  func.func @transform_0(%arg0: i32) -> (i32, i32) {
    %c0_i32 = arith.constant 0 : i32
    %c0_i32_0 = arith.constant 0 : i32
    %c0_i32_1 = arith.constant 0 : i32
    return %c0_i32, %c0_i32_0 : i32, i32
  }
  func.func @transform_1(%arg0: i32) -> (i32, i32) {
    %c0_i32 = arith.constant 0 : i32
    %c0_i32_0 = arith.constant 0 : i32
    return %arg0, %c0_i32 : i32, i32
  }
  func.func @transform_2(%arg0: i32) -> (i32, i32) {
    %c0_i32 = arith.constant 0 : i32
    %c0_i32_0 = arith.constant 0 : i32
    return %c0_i32, %arg0 : i32, i32
  }
  func.func @transform_3(%arg0: i32) -> (i32, i32) {
    %c0_i32 = arith.constant 0 : i32
    %c0_i32_0 = arith.constant 0 : i32
    return %c0_i32, %arg0 : i32, i32
  }
}

module attributes {stable_mosaic.version = 14 : i64} {
  func.func @_k4_body(%arg0: i32, %arg1: memref<128x1792xf32, #tpu.memory_space<vmem>>, %arg2: memref<128x1792xi32, #tpu.memory_space<vmem>>, %arg3: memref<128x112xf32, #tpu.memory_space<vmem>>, %arg4: memref<128x112xi32, #tpu.memory_space<vmem>>, %arg5: memref<128x1792xf32, #tpu.memory_space<vmem>>) attributes {dimension_semantics = [#tpu.dimension_semantics<arbitrary>], iteration_bounds = array<i64: 8>, scalar_prefetch = 0 : i64, scratch_operands = 1 : i64, tpu.core_type = #tpu.core_type<tc>, window_params = [{transform_indices = @transform_0, window_bounds = array<i64: 128, 1792>}, {transform_indices = @transform_1, window_bounds = array<i64: 128, 1792>}, {transform_indices = @transform_2, window_bounds = array<i64: 128, 112>}, {transform_indices = @transform_3, window_bounds = array<i64: 128, 112>}]} {
    %get3A = arith.constant 0 : index
    %get3A_0 = arith.constant 0 : index
    %get3A_1 = vector.load %arg1[%get3A, %get3A_0] : memref<128x1792xf32, #tpu.memory_space<vmem>>, vector<128x1792xf32>
    %swap3A = arith.constant 0 : index
    %swap3A_2 = arith.constant 0 : index
    %swap3A_3 = vector.load %arg5[%swap3A, %swap3A_2] : memref<128x1792xf32, #tpu.memory_space<vmem>>, vector<128x1792xf32>
    tpu.vector_store %arg5[%swap3A, %swap3A_2], %get3A_1 {strides = array<i32>} : memref<128x1792xf32, #tpu.memory_space<vmem>>, vector<128x1792xf32>,
    %get3A_4 = arith.constant 0 : index
    %get3A_5 = arith.constant 0 : index
    %get3A_6 = vector.load %arg2[%get3A_4, %get3A_5] : memref<128x1792xi32, #tpu.memory_space<vmem>>, vector<128x1792xi32>
    %iota3A = tpu.iota {dimensions = array<i32: 1>} : vector<128x112xi32>
    %broadcast_in_dim3A = arith.constant 0.000000e+00 : f32
    %broadcast_in_dim3A_7 = vector.broadcast %broadcast_in_dim3A : f32 to vector<128x112xf32>
    %broadcast_in_dim3A_8 = arith.constant 0 : i32
    %broadcast_in_dim3A_9 = vector.broadcast %broadcast_in_dim3A_8 : i32 to vector<128x112xi32>
    %scan3A = arith.constant 0 : i32
    %scan3A_10 = arith.constant 100 : i32
    %scan3A_11 = arith.addi %scan3A, %scan3A_10 : i32
    %scan3A_12 = arith.constant 1 : i32
    %scan3A_13:2 = scf.for %scan3A_21 = %scan3A to %scan3A_11 step %scan3A_12 iter_args(%scan3A_22 = %broadcast_in_dim3A_7, %scan3A_23 = %broadcast_in_dim3A_9) -> (vector<128x112xf32>, vector<128x112xi32>)  : i32 {
      %get3A_24 = arith.constant 0 : index
      %get3A_25 = arith.constant 0 : index
      %get3A_26 = vector.load %arg5[%get3A_24, %get3A_25] : memref<128x1792xf32, #tpu.memory_space<vmem>>, vector<128x1792xf32>
      %reduce_max3A = arith.constant dense<0xFF800000> : vector<128xf32>
      %reduce_max3A_27 = vector.multi_reduction <maximumf>, %get3A_26, %reduce_max3A [1] : vector<128x1792xf32> to vector<128xf32>
      %broadcast_in_dim3A_28 = vector.shape_cast %reduce_max3A_27 : vector<128xf32> to vector<128x1xf32>
      %eq3A = vector.broadcast %broadcast_in_dim3A_28 : vector<128x1xf32> to vector<128x1792xf32>
      %eq3A_29 = arith.cmpf oeq, %get3A_26, %eq3A : vector<128x1792xf32>
      %jit3A = arith.constant 1073741824 : i32
      %broadcast_in_dim3A_30 = vector.broadcast %jit3A : i32 to vector<128x1792xi32>
      %select_n3A = arith.select %eq3A_29, %get3A_6, %broadcast_in_dim3A_30 : vector<128x1792xi1>, vector<128x1792xi32>
      %reduce_min3A = arith.constant dense<2147483647> : vector<128xi32>
      %reduce_min3A_31 = vector.multi_reduction <minsi>, %select_n3A, %reduce_min3A [1] : vector<128x1792xi32> to vector<128xi32>
      %broadcast_in_dim3A_32 = vector.shape_cast %reduce_min3A_31 : vector<128xi32> to vector<128x1xi32>
      %eq3A_33 = vector.broadcast %broadcast_in_dim3A_32 : vector<128x1xi32> to vector<128x1792xi32>
      %eq3A_34 = arith.cmpi eq, %select_n3A, %eq3A_33 : vector<128x1792xi32>
      %jit3A_35 = arith.constant -3.000000e+38 : f32
      %broadcast_in_dim3A_36 = vector.broadcast %jit3A_35 : f32 to vector<128x1792xf32>
      %select_n3A_37 = arith.select %eq3A_34, %broadcast_in_dim3A_36, %get3A_26 : vector<128x1792xi1>, vector<128x1792xf32>
      %swap3A_38 = arith.constant 0 : index
      %swap3A_39 = arith.constant 0 : index
      %swap3A_40 = vector.load %arg5[%swap3A_38, %swap3A_39] : memref<128x1792xf32, #tpu.memory_space<vmem>>, vector<128x1792xf32>
      tpu.vector_store %arg5[%swap3A_38, %swap3A_39], %select_n3A_37 {strides = array<i32>} : memref<128x1792xf32, #tpu.memory_space<vmem>>, vector<128x1792xf32>,
      %eq3A_41 = vector.broadcast %scan3A_21 : i32 to vector<128x112xi32>
      %eq3A_42 = arith.cmpi eq, %iota3A, %eq3A_41 : vector<128x112xi32>
      %broadcast_in_dim3A_43 = vector.shape_cast %broadcast_in_dim3A_28 : vector<128x1xf32> to vector<128x1xf32>
      %broadcast_in_dim3A_44 = vector.broadcast %broadcast_in_dim3A_43 : vector<128x1xf32> to vector<128x112xf32>
      %select_n3A_45 = arith.select %eq3A_42, %broadcast_in_dim3A_44, %scan3A_22 : vector<128x112xi1>, vector<128x112xf32>
      %eq3A_46 = vector.broadcast %scan3A_21 : i32 to vector<128x112xi32>
      %eq3A_47 = arith.cmpi eq, %iota3A, %eq3A_46 : vector<128x112xi32>
      %broadcast_in_dim3A_48 = vector.shape_cast %broadcast_in_dim3A_32 : vector<128x1xi32> to vector<128x1xi32>
      %broadcast_in_dim3A_49 = vector.broadcast %broadcast_in_dim3A_48 : vector<128x1xi32> to vector<128x112xi32>
      %select_n3A_50 = arith.select %eq3A_47, %broadcast_in_dim3A_49, %scan3A_23 : vector<128x112xi1>, vector<128x112xi32>
      scf.yield %select_n3A_45, %select_n3A_50 : vector<128x112xf32>, vector<128x112xi32>
    }
    %scan3A_14 = arith.constant 100 : i32
    %swap3A_15 = arith.constant 0 : index
    %swap3A_16 = arith.constant 0 : index
    %swap3A_17 = vector.load %arg3[%swap3A_15, %swap3A_16] : memref<128x112xf32, #tpu.memory_space<vmem>>, vector<128x112xf32>
    tpu.vector_store %arg3[%swap3A_15, %swap3A_16], %scan3A_13#0 {strides = array<i32>} : memref<128x112xf32, #tpu.memory_space<vmem>>, vector<128x112xf32>,
    %swap3A_18 = arith.constant 0 : index
    %swap3A_19 = arith.constant 0 : index
    %swap3A_20 = vector.load %arg4[%swap3A_18, %swap3A_19] : memref<128x112xi32, #tpu.memory_space<vmem>>, vector<128x112xi32>
    tpu.vector_store %arg4[%swap3A_18, %swap3A_19], %scan3A_13#1 {strides = array<i32>} : memref<128x112xi32, #tpu.memory_space<vmem>>, vector<128x112xi32>,
    return
  }
  func.func @transform_0(%arg0: i32) -> (i32, i32) {
    %c0_i32 = arith.constant 0 : i32
    %c0_i32_0 = arith.constant 0 : i32
    return %arg0, %c0_i32 : i32, i32
  }
  func.func @transform_1(%arg0: i32) -> (i32, i32) {
    %c0_i32 = arith.constant 0 : i32
    %c0_i32_0 = arith.constant 0 : i32
    return %arg0, %c0_i32 : i32, i32
  }
  func.func @transform_2(%arg0: i32) -> (i32, i32) {
    %c0_i32 = arith.constant 0 : i32
    %c0_i32_0 = arith.constant 0 : i32
    return %arg0, %c0_i32 : i32, i32
  }
  func.func @transform_3(%arg0: i32) -> (i32, i32) {
    %c0_i32 = arith.constant 0 : i32
    %c0_i32_0 = arith.constant 0 : i32
    return %arg0, %c0_i32 : i32, i32
  }
}

</mosaic_0001>

<sc_bundles>
// kernel: kernel.6.cloned.1.call-start
scs
__scs_entry_jumppad:
0x0: {  	(pc) =	sbr.rel $0x88, $3  }
0x1: {  	(tag) =	ssettag $0x0;
	lr =	simm.s32 $0x1  }
0x2: {  	[smem:$0x3F9E] =	sst lr;
	_ =	strace $0xD0000000  }
0x3: {  	_ = 	snop  }
0x4: {  	_ = 	snop  }
0x5: {  	_ = 	snop  }
0x6: {  	_ = 	snop  }
0x7: {  	_ = 	snop  }
__scs_overlays_trampoline_lowered:
0x8: {  	[smem:$0x3FAD] =	sst s0  }
0x9: {  	[smem:$0x3FAE] =	sst s1  }
0xa: {  	[smem:$0x3FAF] =	sst s2  }
0xb: {  	[smem:$0x3FB0] =	sst s3  }
0xc: {  	[smem:$0x3FB1] =	sst s4  }
0xd: {  	[smem:$0x3FB2] =	sst s5  }
0xe: {  	[smem:$0x3FB3] =	sst s6  }
0xf: {  	[smem:$0x3FB4] =	sst s7  }
0x10: {  	[smem:$0x3FB5] =	sst s8  }
0x11: {  	[smem:$0x3FB6] =	sst s9;
	s0 =	simm.s32 @!p0 $0x0  }
0x12: {  	s1 =	sld [smem:$0x3F9C];
	s0 =	simm.s32 @p0 $0x1  }
0x13: {  	[smem:$0x3FB7] =	sst s0;
	s0 =	simm.s32 @!p1 $0x0  }
0x14: {  	s2 =	sld [smem:$0x3F9B];
	s0 =	simm.s32 @p1 $0x1  }
0x15: {  	[smem:$0x3FB8] =	sst s0;
	s0 =	simm.s32 @!p2 $0x0  }
0x16: {  	s3 =	sld [smem:$0x3FDB];
	s0 =	simm.s32 @p2 $0x1  }
0x17: {  	s4 =	simm.s32 $0x1BF5;
	[smem:$0x3FBA] =	sst s0  }
0x18: {  	s0 =	sld [smem:$0x3F9D];
	_ =	swait.ge [sflag:s4], $0x0  }
0x19: {  	s7 =	sld [smem:$0x3F9E]  }
0x1a: {  	s8 =	sadd.s32 $0xFFFFE003, lr  }
0x1b: {  	s9 =	sadd.s32 $0xFFFFFEF7, lr;
	s5 =	simm.s32 $0xFFFFFFFF;
	p2 =	slt.u32 s8, $0xFFFFF086  }
0x1c: {  	p1 =	slt.u32 s9, $0xF7A;
	s5 =	simm.s32 @!p2 $0x0  }
0x1d: {  	s5 =	simm.s32 @p1 $0x1;
	p0 =	seq.s32 s7, s2  }
0x1e: {  	s7 =	smul.u32 @!p0 $0xF7A, s2;
	p2 =	seq.s32 @!p0 s5, $0x0  }
0x1f: {  	s9 =	smul.u32 $0xF7A, s1;
	s8 =	simm.s32 @!p0 $0x1BF5;
	p2 =	por !p2, p0  }
0x20: {  	[sflag:s8] =	ssyncset.s32 @!p0 $0xFFFFF086;
	s6 =	sadd.s32 @!p0 s3, s7;
	s7 =	simm.s32 @!p0 $0x108  }
0x21: {  	s3 =	sadd.s32 s3, s9;
	s6 =	sadd.s32 @!p0 $0x88, s6;
	s7 =	simm.s32 @p2 $0x1082  }
0x22: {  	[simem:s7], [sflag:s8] =	dma.local @!p0 [hbm:s6], $0xF7A  }
0x23: {  	s9 =	sor.u32 $0xD0000000, s2;
	s6 =	simm.s32 $0x108;
	_ =	swait.ge @!p0 [sflag:s8], $0x0  }
0x24: {  	s3 =	sadd.s32 $0x88, s3;
	s6 =	simm.s32 @!p1 $0x1082;
	[sflag:s4] =	ssyncset.s32 $0xFFFFF086  }
0x25: {  	[simem:s6], [sflag:s4] =	dma.local [hbm:s3], $0xF7A  }
0x26: {  	[smem:$0x3F9E] =	sst s1;
	(tag) =	ssettag s2;
	_ =	strace s9  }
0x27: {  	s1 =	sld [smem:$0x3FAE]  }
0x28: {  	s2 =	sld [smem:$0x3FAF]  }
0x29: {  	s4 =	sld [smem:$0x3FB1]  }
0x2a: {  	p0 =	seq.s32 s5, $0x0;
	s5 =	sld [smem:$0x3FB2]  }
0x2b: {  	s6 =	sld [smem:$0x3FB3]  }
0x2c: {  	s7 =	sld [smem:$0x3FB4]  }
0x2d: {  	s3 =	simm.s32 $0x108;
	s8 =	sld [smem:$0x3FB5]  }
0x2e: {  	s3 =	simm.s32 @!p0 $0x1082;
	s9 =	sld [smem:$0x3FB6]  }
0x2f: {  	lr =	sadd.s32 s0, s3;
	s0 =	sld [smem:$0x3FAD]  }
0x30: {  	s3 =	sld [smem:$0x3FB0]  }
0x31: {  	[smem:$0x3FB9] =	sst s10  }
0x32: {  	s10 =	sld [smem:$0x3FB7];
	_ =	sdelay $0x3  }
0x33: {  	p0 =	seq.s32 s10, $0x1;
	s10 =	sld [smem:$0x3FB9];
	_ =	sdelay $0x3  }
0x34: {  	[smem:$0x3FB9] =	sst s10  }
0x35: {  	s10 =	sld [smem:$0x3FB8];
	_ =	sdelay $0x3  }
0x36: {  	p1 =	seq.s32 s10, $0x1;
	s10 =	sld [smem:$0x3FB9];
	_ =	sdelay $0x3  }
0x37: {  	[smem:$0x3FB9] =	sst s10  }
0x38: {  	s10 =	sld [smem:$0x3FBA]  }
0x39: {  	_ = 	snop;
	(pc) =	sbr.ind lr, $3  }
0x3a: {  	_ = 	snop  }
0x3b: {  	_ = 	snop  }
0x3c: {  	p2 =	seq.s32 s10, $0x1;
	s10 =	sld [smem:$0x3FB9]  }
0x3d: {  	_ =	shalt  }
0x3e: {  	_ =	shalt  }
0x3f: {  	_ =	shalt  }
0x40: {  	_ =	shalt  }
0x41: {  	_ =	shalt  }
0x42: {  	_ =	shalt  }
0x43: {  	_ =	shalt  }
0x44: {  	_ =	shalt  }
0x45: {  	_ =	shalt  }
0x46: {  	_ =	shalt  }
0x47: {  	_ =	shalt  }
0x48: {  	_ =	shalt  }
0x49: {  	_ =	shalt  }
0x4a: {  	_ =	shalt  }
0x4b: {  	_ =	shalt  }
0x4c: {  	_ =	shalt  }
0x4d: {  	_ =	shalt  }
0x4e: {  	_ =	shalt  }
0x4f: {  	_ =	shalt  }
0x50: {  	_ =	shalt  }
0x51: {  	_ =	shalt  }
0x52: {  	_ =	shalt  }
0x53: {  	_ =	shalt  }
0x54: {  	_ =	shalt  }
0x55: {  	_ =	shalt  }
0x56: {  	_ =	shalt  }
0x57: {  	_ =	shalt  }
0x58: {  	_ =	shalt  }
0x59: {  	_ =	shalt  }
0x5a: {  	_ =	shalt  }
0x5b: {  	_ =	shalt  }
0x5c: {  	_ =	shalt  }
0x5d: {  	_ =	shalt  }
0x5e: {  	_ =	shalt  }
0x5f: {  	_ =	shalt  }
0x60: {  	_ =	shalt  }
0x61: {  	_ =	shalt  }
0x62: {  	_ =	shalt  }
0x63: {  	_ =	shalt  }
0x64: {  	_ =	shalt  }
0x65: {  	_ =	shalt  }
0x66: {  	_ =	shalt  }
0x67: {  	_ =	shalt  }
0x68: {  	_ =	shalt  }
0x69: {  	_ =	shalt  }
0x6a: {  	_ =	shalt  }
0x6b: {  	_ =	shalt  }
0x6c: {  	_ =	shalt  }
0x6d: {  	_ =	shalt  }
0x6e: {  	_ =	shalt  }
0x6f: {  	_ =	shalt  }
0x70: {  	_ =	shalt  }
0x71: {  	_ =	shalt  }
0x72: {  	_ =	shalt  }
0x73: {  	_ =	shalt  }
0x74: {  	_ =	shalt  }
0x75: {  	_ =	shalt  }
0x76: {  	_ =	shalt  }
0x77: {  	_ =	shalt  }
0x78: {  	_ =	shalt  }
0x79: {  	_ =	shalt  }
0x7a: {  	_ =	shalt  }
0x7b: {  	_ =	shalt  }
0x7c: {  	_ =	shalt  }
0x7d: {  	_ =	shalt  }
0x7e: {  	_ =	shalt  }
0x7f: {  	_ =	shalt  }
0x80: {  	_ =	shalt  }
0x81: {  	_ =	shalt  }
0x82: {  	_ =	shalt  }
0x83: {  	_ =	shalt  }
0x84: {  	_ =	shalt  }
0x85: {  	_ =	shalt  }
0x86: {  	_ =	shalt  }
0x87: {  	_ =	shalt  }
.Lfunc_end0:
.L_simem_size_0:
called_computation.1_lowered:
.L_overlay_start_0:
0x88: {  	s2 =	sld [smem:$0x3FD9]  }
0x89: {  	s3 =	sld [smem:$0x3FFE];
	_ =	sdelay $0x1  }
0x8a: {  	s1 =	srdreg.scid  }
0x8b: {  	s0 =	sand.u32 $0x1, s1  }
0x8c: {  	s16 =	sshll.u32 s0, $0xA;
	s2 =	sadd.s32 s3, s2  }
0x8d: {  	s2 =	sadd.s32 s2, s16  }
0x8e: {  	[smem:$0x3FC5] =	sst s2  }
0x8f: {  	_ = 	snop  }
0x90: {  	(tm) =	ssettm $0x1  }
0x91: {  	s17 =	sld [smem:$0x3FFB];
	_ =	sdelay $0x3  }
0x92: {  	_ =	strace s17  }
0x93: {  	s2 =	sld [smem:$0x3FFC];
	_ =	sdelay $0x3  }
0x94: {  	_ =	strace s2  }
0x95: {  	s2 =	sld [smem:$0x3FFD];
	_ =	sdelay $0x3  }
0x96: {  	_ =	strace s2  }
0x97: {  	_ =	strace $0x8FFFFFFF  }
0x98: {  	s18 =	sld [smem:$0x3FDB];
	_ =	sdelay $0x1  }
0x99: {  	s19 =	simm.s32 $_scs_section_size  }
0x9a: {  	s4 =	simm.s32 $_size__tile_overlayer_lowered;
	s5 =	simm.s32 $_tile_overlayer_lowered  }
0x9b: {  	s22 =	simm.s32 $0x1BFF;
	s21 =	sshll.u32 s5, $0x1;
	s2 =	sadd.s32 s19, s18  }
0x9c: {  	s6 =	simm.s32 $0x0;
	s20 =	sshll.u32 s4, $0x1;
	s4 =	sadd.s32 s21, s2  }
0x9d: {  	[timem:s6], [sflag:s22] =	dma.local [hbm:s4], s20  }
0x9e: {  	_ =	swait.ge [sflag:s22], s20  }
0x9f: {  	s3 =	ssub.s32 $0x0, s20;
	[sflag:s22] =	ssyncset.done $0x0  }
0xa0: {  	[sflag:s22] =	ssyncadd.s32 s3;
	_ =	sdelay $0x1  }
0xa1: {  	s23 =	simm.s32 $0x1B8B  }
0xa2: {  	_ =	swait.ge [sflag:s23], $0x1  }
0xa3: {  	[sflag:s23] =	ssyncset.done $0x0  }
0xa4: {  	s25 =	simm.s32 $0x1B8E;
	s24 =	sld [smem:$0x3FFE];
	[sflag:s23] =	ssyncadd.s32 $0xFFFFFFFF  }
0xa5: {  	s26 =	simm.s32 $execute0_lowered;
	[smem:$0x3FD2] =	sst s25  }
0xa6: {  	s4 =	sshll.u32 s26, $0x1;
	_ =	strace $0x80000049;
	[dreg:$0x1] =	wrdreg $0xFFFFFFFF  }
0xa7: {  	s28 =	simm.s32 $_size_execute0_lowered;
	s2 =	sadd.s32 s2, s4;
	[dreg:$0x0] =	wrdreg $0x0  }
0xa8: {  	s4 =	sshll.u32 s28, $0x1;
	[dreg:$0x2] =	wrdreg s2  }
0xa9: {  	[dreg:$0x3] =	wrdreg s4  }
0xaa: {  	[dreg:$0x4] =	wrdreg $0xC0  }
0xab: {  	_ =	task [dreg:s6], $0x5FFFF  }
0xac: {  	[dreg:$0x1] =	wrdreg $0xFFFFFFFF  }
0xad: {  	[dreg:$0x0] =	wrdreg $0x60  }
0xae: {  	[dreg:$0x2] =	wrdreg s24  }
0xaf: {  	[dreg:$0x3] =	wrdreg $0x9  }
0xb0: {  	_ =	task.clear_ibuf [dreg:s6], $0x4FFFF;
	_ =	strace $0x90000049  }
0xb1: {  	s29 =	simm.s32 $0x9;
	_ =	strace $0x8000004B  }
0xb2: {  	_ =	swait.ge [sflag:s29], $0x1  }
0xb3: {  	[sflag:s29] =	ssyncadd.s32 $0xFFFFFFFF  }
0xb4: {  	_ =	strace $0x9000004B  }
0xb5: {  	_ =	sfence  }
0xb6: {  	s30 =	sld [smem:$0x0];
	_ =	sdelay $0x2  }
0xb7: {  	s31 =	sshll.u32 s1, $0xD;
	s1 =	sshrl.u32 s1, $0x2  }
0xb8: {  	s3 =	sand.u32 $0x4000, s31;
	s1 =	sadd.s32 s1, s30  }
0xb9: {  	s0 =	sor.u32 s3, s0;
	s1 =	sshll.u32 s1, $0x11  }
0xba: {  	s0 =	sor.u32 s1, s0  }
0xbb: {  	s0 =	sadd.s32 $0x8F2B, s0  }
0xbc: {  	[sflag:s0] =	ssyncadd.remote.s32 $0x1  }
0xbd: {  	_ =	sfence.sel $0xFFFF  }
0xbe: {  	[dreg:$0x0] =	wrdreg $0xFFFFFFFF;
	(pc) =	sbr.abs _section_cstart, $3  }
0xbf: {  	[dreg:$0x1] =	wrdreg $0xFFFFFFFF  }
0xc0: {  	_ =	task.clear_ibuf [dreg:s6], $0x2FFFF;
	_ =	strace $0x9FFFFFFF  }
0xc1: {  	(tm) =	ssettm $0x7FFFFFFF  }
tec
execute0_lowered:
.L_overlay_start_1:
0x0: {  	(tag) =	ssettag $0x1  }
0x1: {  	s2 =	srdreg.scid  }
0x2: {  	s0 =	rddreg [dreg:$0x0];
	s5 =	sand.u32 $0x1, s2;
	s2 =	simm.s32 $0x0  }
0x3: {  	s10 =	simm.s32 $0x1000;
	[smem:$0x7FF] =	sst s2  }
0x4: {  	s11 =	simm.s32 $0x1080;
	_ =	strace $0x8000004A;
	[dreg:$0x4] =	wrdreg s10  }
0x5: {  	s12 =	simm.s32 $0x2080;
	[dreg:$0x5] =	wrdreg s11  }
0x6: {  	s1 =	stileid.u32;
	s13 =	simm.s32 $0x1100;
	[dreg:$0x6] =	wrdreg s12  }
0x7: {  	s14 =	simm.s32 $0x2100;
	s16 =	simm.s32 $0x1180;
	[dreg:$0x7] =	wrdreg s13  }
0x8: {  	s17 =	simm.s32 $0x2180;
	s18 =	simm.s32 $0x1200;
	[dreg:$0x8] =	wrdreg s14  }
0x9: {  	s19 =	simm.s32 $0x2200;
	s21 =	simm.s32 $0x1280;
	[dreg:$0x9] =	wrdreg s16  }
0xa: {  	s22 =	simm.s32 $0x2280;
	s24 =	simm.s32 $0x1300;
	[dreg:$0xa] =	wrdreg s17  }
0xb: {  	s26 =	simm.s32 $0x2300;
	s30 =	simm.s32 $0x1380;
	[dreg:$0xb] =	wrdreg s18  }
0xc: {  	s31 =	simm.s32 $0x2380;
	s28 =	simm.s32 $0x1800;
	[dreg:$0xc] =	wrdreg s19  }
0xd: {  	s29 =	simm.s32 $0x0;
	s3 =	sshll.u32 s1, $0xE;
	[dreg:$0xd] =	wrdreg s21  }
0xe: {  	s9 =	sshll.u32 s1, $0xA;
	s20 =	smul.u32 $0x620000, s1;
	[dreg:$0xe] =	wrdreg s22  }
0xf: {  	s3 =	sadd.s32 s3, s0;
	s4 =	sshll.u32 s5, $0xD;
	[dreg:$0xf] =	wrdreg s24  }
0x10: {  	s6 =	sshll.u32 s5, $0x9;
	s15 =	ssub.s32 $0x2, s5;
	[dreg:$0x10] =	wrdreg s26  }
0x11: {  	s8 =	smul.u32 $0x310000, s5;
	s3 =	sadd.s32 s4, s3;
	[dreg:$0x11] =	wrdreg s30  }
0x12: {  	s7 =	sshrl.u32 s15, $0x1;
	[dreg:$0x12] =	wrdreg s31;
	s10 =	simm.s32 $0x1400  }
0x13: {  	s11 =	simm.s32 $0x2400;
	s12 =	simm.s32 $0x1480;
	s13 =	simm.s32 $0x2480  }
0x14: {  	s14 =	simm.s32 $0x1500;
	s16 =	simm.s32 $0x1580;
	s17 =	simm.s32 $0x2580  }
0x15: {  	s18 =	simm.s32 $0x1600;
	s19 =	simm.s32 $0x2600;
	s21 =	simm.s32 $0x2680  }
0x16: {  	s22 =	simm.s32 $0x1700;
	s24 =	simm.s32 $0x1780;
	s26 =	simm.s32 $0x1  }
0x17: {  	s4 =	sadd.s32 $0x45600, s3;
	s3 =	sadd.s32 $0x5600, s3;
	s25 =	sadd.s32 s8, s20  }
0x18: {  	s8 =	simm.s32 $0x70;
	s20 =	simm.s32 $0x1680;
	[dreg:$0x2] =	wrdreg s4  }
0x19: {  	[dreg:$0x3] =	wrdreg s3;
	s4 =	sor.u32 s6, s9;
	s3 =	sadd.s32 $0xE8D600, s0  }
0x1a: {  	s6 =	ssub.s32 s15, s7;
	[dreg:$0x15] =	wrdreg s25;
	s7 =	simm.s32 $0x2  }
0x1b: {  	s9 =	simm.s32 $0x2000;
	s4 =	sadd.s32 s4, s0;
	s23 =	smax.u32 s6, $0x1  }
0x1c: {  	s15 =	simm.s32 $0x2500;
	s4 =	sadd.s32 $0x1600, s4;
	[dreg:$0x14] =	wrdreg s23  }
0x1d: {  	s25 =	simm.s32 $0x2780;
	s23 =	simm.s32 $0x2700;
	[dreg:$0x13] =	wrdreg s4  }
.LBB2_1:
0x1e: {  	s0 =	rddreg [dreg:$0x13]  }
0x1f: {  	[tilespmem:s2], [sflag:$0x2] =	stream.linear.gather [hbm4b:s0+s2], $0x1000, $0x38;
	[tilespmem:$0x2800] =	vst v63  }
0x20: {  	_ =	swait.ge [sflag:s7], $0x1000  }
0x21: {  	s30 =	simm.s32 $0x30;
	[sflag:s7] =	ssyncset.done $0x0  }
0x22: {  	s0 =	simm.s32 $0x0;
	s31 =	rddreg [dreg:$0x15];
	[sflag:s7] =	ssyncadd.s32 $0xFFFFF000  }
.LBB2_2:
0x23: {  	v0 =	vld [tilespmem:s30+$0xFFFFFFD0];
	_ =	sdelay $0x4  }
0x24: {  	v1 =	vshll.u32 v0, $0x4  }
0x25: {  	v0 =	vand.u32 $0x7F, v0;
	v1 =	vand.u32 $0xFFFFF800, v1  }
0x26: {  	v0 =	vor.u32 v0, v1  }
0x27: {  	[tilespmem:$0x1800] =	vst v0;
	v1 =	vadd.s32 s31, v0  }
0x28: {  	v20 =	vor.u32 $0x80, v0;
	[tilespmem:$0x1000] =	vst v1  }
0x29: {  	v21 =	vor.u32 $0x100, v0;
	[tilespmem:$0x1880] =	vst v20  }
0x2a: {  	v22 =	vor.u32 $0x180, v0;
	[tilespmem:$0x1900] =	vst v21  }
0x2b: {  	v23 =	vor.u32 $0x200, v0;
	[tilespmem:$0x1980] =	vst v22  }
0x2c: {  	v24 =	vor.u32 $0x280, v0;
	[tilespmem:$0x1A00] =	vst v23  }
0x2d: {  	v25 =	vor.u32 $0x300, v0;
	[tilespmem:$0x1A80] =	vst v24  }
0x2e: {  	v26 =	vor.u32 $0x380, v0;
	[tilespmem:$0x1B00] =	vst v25  }
0x2f: {  	v27 =	vor.u32 $0x400, v0;
	[tilespmem:$0x1B80] =	vst v26  }
0x30: {  	v28 =	vor.u32 $0x480, v0;
	[tilespmem:$0x1C00] =	vst v27  }
0x31: {  	v29 =	vor.u32 $0x500, v0;
	[tilespmem:$0x1C80] =	vst v28  }
0x32: {  	v30 =	vor.u32 $0x580, v0;
	[tilespmem:$0x1D00] =	vst v29  }
0x33: {  	v31 =	vor.u32 $0x600, v0;
	[tilespmem:$0x1D80] =	vst v30  }
0x34: {  	v32 =	vor.u32 $0x680, v0;
	[tilespmem:$0x1E00] =	vst v31  }
0x35: {  	v33 =	vor.u32 $0x700, v0;
	[tilespmem:$0x1E80] =	vst v32  }
0x36: {  	v0 =	vor.u32 $0x780, v0;
	[tilespmem:$0x1F00] =	vst v33  }
0x37: {  	v1 =	vadd.s32 s31, v20;
	[tilespmem:$0x1F80] =	vst v0  }
0x38: {  	v0 =	vadd.s32 s31, v0;
	[tilespmem:$0x1080] =	vst v1  }
0x39: {  	v1 =	vadd.s32 s31, v21;
	[tilespmem:$0x1780] =	vst v0  }
0x3a: {  	[tilespmem:$0x1100] =	vst v1;
	v1 =	vadd.s32 s31, v22  }
0x3b: {  	[tilespmem:$0x1180] =	vst v1;
	v1 =	vadd.s32 s31, v23  }
0x3c: {  	[tilespmem:$0x1200] =	vst v1;
	v1 =	vadd.s32 s31, v24  }
0x3d: {  	[tilespmem:$0x1280] =	vst v1;
	v1 =	vadd.s32 s31, v25  }
0x3e: {  	[tilespmem:$0x1300] =	vst v1;
	v1 =	vadd.s32 s31, v26  }
0x3f: {  	[tilespmem:$0x1380] =	vst v1;
	v1 =	vadd.s32 s31, v27  }
0x40: {  	[tilespmem:$0x1400] =	vst v1;
	v1 =	vadd.s32 s31, v28  }
0x41: {  	[tilespmem:$0x1480] =	vst v1;
	v1 =	vadd.s32 s31, v29  }
0x42: {  	[tilespmem:$0x1500] =	vst v1;
	v1 =	vadd.s32 s31, v30  }
0x43: {  	[tilespmem:$0x1580] =	vst v1;
	v1 =	vadd.s32 s31, v31  }
0x44: {  	[tilespmem:$0x1600] =	vst v1;
	v1 =	vadd.s32 s31, v32  }
0x45: {  	[tilespmem:$0x1680] =	vst v1;
	v1 =	vadd.s32 s31, v33  }
0x46: {  	[tilespmem:$0x1700] =	vst v1  }
0x47: {  	v0 =	vld [tilespmem:s30+$0xFFFFFFE0];
	_ =	sdelay $0x4  }
0x48: {  	v34 =	vshll.u32 v0, $0x4  }
0x49: {  	v0 =	vand.u32 $0x7F, v0;
	v1 =	vand.u32 $0xFFFFF800, v34  }
0x4a: {  	v0 =	vor.u32 v0, v1  }
0x4b: {  	[tilespmem:$0x1810] =	vst v0;
	v1 =	vadd.s32 s31, v0  }
0x4c: {  	v35 =	vor.u32 $0x80, v0;
	[tilespmem:$0x1010] =	vst v1  }
0x4d: {  	v36 =	vor.u32 $0x100, v0;
	[tilespmem:$0x1890] =	vst v35  }
0x4e: {  	v37 =	vor.u32 $0x180, v0;
	[tilespmem:$0x1910] =	vst v36  }
0x4f: {  	v38 =	vor.u32 $0x200, v0;
	[tilespmem:$0x1990] =	vst v37  }
0x50: {  	v39 =	vor.u32 $0x280, v0;
	[tilespmem:$0x1A10] =	vst v38  }
0x51: {  	v40 =	vor.u32 $0x300, v0;
	[tilespmem:$0x1A90] =	vst v39  }
0x52: {  	v41 =	vor.u32 $0x380, v0;
	[tilespmem:$0x1B10] =	vst v40  }
0x53: {  	v42 =	vor.u32 $0x400, v0;
	[tilespmem:$0x1B90] =	vst v41  }
0x54: {  	v43 =	vor.u32 $0x480, v0;
	[tilespmem:$0x1C10] =	vst v42  }
0x55: {  	v44 =	vor.u32 $0x500, v0;
	[tilespmem:$0x1C90] =	vst v43  }
0x56: {  	v45 =	vor.u32 $0x580, v0;
	[tilespmem:$0x1D10] =	vst v44  }
0x57: {  	v46 =	vor.u32 $0x600, v0;
	[tilespmem:$0x1D90] =	vst v45  }
0x58: {  	v47 =	vor.u32 $0x680, v0;
	[tilespmem:$0x1E10] =	vst v46  }
0x59: {  	v48 =	vor.u32 $0x700, v0;
	[tilespmem:$0x1E90] =	vst v47  }
0x5a: {  	v0 =	vor.u32 $0x780, v0;
	[tilespmem:$0x1F10] =	vst v48  }
0x5b: {  	v1 =	vadd.s32 s31, v35;
	[tilespmem:$0x1F90] =	vst v0  }
0x5c: {  	v0 =	vadd.s32 s31, v0;
	[tilespmem:$0x1090] =	vst v1  }
0x5d: {  	v1 =	vadd.s32 s31, v36;
	[tilespmem:$0x1790] =	vst v0  }
0x5e: {  	[tilespmem:$0x1110] =	vst v1;
	v1 =	vadd.s32 s31, v37  }
0x5f: {  	[tilespmem:$0x1190] =	vst v1;
	v1 =	vadd.s32 s31, v38  }
0x60: {  	[tilespmem:$0x1210] =	vst v1;
	v1 =	vadd.s32 s31, v39  }
0x61: {  	[tilespmem:$0x1290] =	vst v1;
	v1 =	vadd.s32 s31, v40  }
0x62: {  	[tilespmem:$0x1310] =	vst v1;
	v1 =	vadd.s32 s31, v41  }
0x63: {  	[tilespmem:$0x1390] =	vst v1;
	v1 =	vadd.s32 s31, v42  }
0x64: {  	[tilespmem:$0x1410] =	vst v1;
	v1 =	vadd.s32 s31, v43  }
0x65: {  	[tilespmem:$0x1490] =	vst v1;
	v1 =	vadd.s32 s31, v44  }
0x66: {  	[tilespmem:$0x1510] =	vst v1;
	v1 =	vadd.s32 s31, v45  }
0x67: {  	[tilespmem:$0x1590] =	vst v1;
	v1 =	vadd.s32 s31, v46  }
0x68: {  	[tilespmem:$0x1610] =	vst v1;
	v1 =	vadd.s32 s31, v47  }
0x69: {  	[tilespmem:$0x1690] =	vst v1;
	v1 =	vadd.s32 s31, v48  }
0x6a: {  	[tilespmem:$0x1710] =	vst v1  }
0x6b: {  	v0 =	vld [tilespmem:s30+$0xFFFFFFF0];
	_ =	sdelay $0x4  }
0x6c: {  	v49 =	vshll.u32 v0, $0x4  }
0x6d: {  	v0 =	vand.u32 $0x7F, v0;
	v1 =	vand.u32 $0xFFFFF800, v49  }
0x6e: {  	v0 =	vor.u32 v0, v1  }
0x6f: {  	[tilespmem:$0x1820] =	vst v0;
	v1 =	vadd.s32 s31, v0  }
0x70: {  	v50 =	vor.u32 $0x80, v0;
	[tilespmem:$0x1020] =	vst v1  }
0x71: {  	v51 =	vor.u32 $0x100, v0;
	[tilespmem:$0x18A0] =	vst v50  }
0x72: {  	v52 =	vor.u32 $0x180, v0;
	[tilespmem:$0x1920] =	vst v51  }
0x73: {  	v53 =	vor.u32 $0x200, v0;
	[tilespmem:$0x19A0] =	vst v52  }
0x74: {  	v54 =	vor.u32 $0x280, v0;
	[tilespmem:$0x1A20] =	vst v53  }
0x75: {  	v55 =	vor.u32 $0x300, v0;
	[tilespmem:$0x1AA0] =	vst v54  }
0x76: {  	v56 =	vor.u32 $0x380, v0;
	[tilespmem:$0x1B20] =	vst v55  }
0x77: {  	v57 =	vor.u32 $0x400, v0;
	[tilespmem:$0x1BA0] =	vst v56  }
0x78: {  	v58 =	vor.u32 $0x480, v0;
	[tilespmem:$0x1C20] =	vst v57  }
0x79: {  	v59 =	vor.u32 $0x500, v0;
	[tilespmem:$0x1CA0] =	vst v58  }
0x7a: {  	v60 =	vor.u32 $0x580, v0;
	[tilespmem:$0x1D20] =	vst v59  }
0x7b: {  	v61 =	vor.u32 $0x600, v0;
	[tilespmem:$0x1DA0] =	vst v60  }
0x7c: {  	v62 =	vor.u32 $0x680, v0;
	[tilespmem:$0x1E20] =	vst v61  }
0x7d: {  	v63 =	vor.u32 $0x700, v0;
	[tilespmem:$0x1EA0] =	vst v62  }
0x7e: {  	v0 =	vor.u32 $0x780, v0;
	[tilespmem:$0x1F20] =	vst v63  }
0x7f: {  	v1 =	vadd.s32 s31, v50;
	[tilespmem:$0x1FA0] =	vst v0  }
0x80: {  	v0 =	vadd.s32 s31, v0;
	[tilespmem:$0x10A0] =	vst v1  }
0x81: {  	v1 =	vadd.s32 s31, v51;
	[tilespmem:$0x17A0] =	vst v0  }
0x82: {  	[tilespmem:$0x1120] =	vst v1;
	v1 =	vadd.s32 s31, v52  }
0x83: {  	[tilespmem:$0x11A0] =	vst v1;
	v1 =	vadd.s32 s31, v53  }
0x84: {  	[tilespmem:$0x1220] =	vst v1;
	v1 =	vadd.s32 s31, v54  }
0x85: {  	[tilespmem:$0x12A0] =	vst v1;
	v1 =	vadd.s32 s31, v55  }
0x86: {  	[tilespmem:$0x1320] =	vst v1;
	v1 =	vadd.s32 s31, v56  }
0x87: {  	[tilespmem:$0x13A0] =	vst v1;
	v1 =	vadd.s32 s31, v57  }
0x88: {  	[tilespmem:$0x1420] =	vst v1;
	v1 =	vadd.s32 s31, v58  }
0x89: {  	[tilespmem:$0x14A0] =	vst v1;
	v1 =	vadd.s32 s31, v59  }
0x8a: {  	[tilespmem:$0x1520] =	vst v1;
	v1 =	vadd.s32 s31, v60  }
0x8b: {  	[tilespmem:$0x15A0] =	vst v1;
	v1 =	vadd.s32 s31, v61  }
0x8c: {  	[tilespmem:$0x1620] =	vst v1;
	v1 =	vadd.s32 s31, v62  }
0x8d: {  	[tilespmem:$0x16A0] =	vst v1;
	v1 =	vadd.s32 s31, v63  }
0x8e: {  	[tilespmem:$0x1720] =	vst v1  }
0x8f: {  	v0 =	vld [tilespmem:s30+$0x0];
	_ =	sdelay $0x4  }
0x90: {  	v4 =	vshll.u32 v0, $0x4  }
0x91: {  	v0 =	vand.u32 $0x7F, v0;
	v1 =	vand.u32 $0xFFFFF800, v4  }
0x92: {  	v0 =	vor.u32 v0, v1  }
0x93: {  	[tilespmem:$0x1830] =	vst v0;
	v1 =	vadd.s32 s31, v0  }
0x94: {  	v5 =	vor.u32 $0x80, v0;
	[tilespmem:$0x1030] =	vst v1  }
0x95: {  	v6 =	vor.u32 $0x100, v0;
	[tilespmem:$0x18B0] =	vst v5  }
0x96: {  	v7 =	vor.u32 $0x180, v0;
	[tilespmem:$0x1930] =	vst v6  }
0x97: {  	v8 =	vor.u32 $0x200, v0;
	[tilespmem:$0x19B0] =	vst v7  }
0x98: {  	v9 =	vor.u32 $0x280, v0;
	[tilespmem:$0x1A30] =	vst v8  }
0x99: {  	v10 =	vor.u32 $0x300, v0;
	[tilespmem:$0x1AB0] =	vst v9  }
0x9a: {  	v11 =	vor.u32 $0x380, v0;
	[tilespmem:$0x1B30] =	vst v10  }
0x9b: {  	v12 =	vor.u32 $0x400, v0;
	[tilespmem:$0x1BB0] =	vst v11  }
0x9c: {  	v13 =	vor.u32 $0x480, v0;
	[tilespmem:$0x1C30] =	vst v12  }
0x9d: {  	v14 =	vor.u32 $0x500, v0;
	[tilespmem:$0x1CB0] =	vst v13  }
0x9e: {  	v15 =	vor.u32 $0x580, v0;
	[tilespmem:$0x1D30] =	vst v14  }
0x9f: {  	v16 =	vor.u32 $0x600, v0;
	[tilespmem:$0x1DB0] =	vst v15  }
0xa0: {  	v17 =	vor.u32 $0x680, v0;
	[tilespmem:$0x1E30] =	vst v16  }
0xa1: {  	v18 =	vor.u32 $0x700, v0;
	[tilespmem:$0x1EB0] =	vst v17  }
0xa2: {  	v0 =	vor.u32 $0x780, v0;
	[tilespmem:$0x1F30] =	vst v18  }
0xa3: {  	v1 =	vadd.s32 s31, v5;
	[tilespmem:$0x1FB0] =	vst v0  }
0xa4: {  	v0 =	vadd.s32 s31, v0;
	[tilespmem:$0x10B0] =	vst v1  }
0xa5: {  	v1 =	vadd.s32 s31, v6;
	[tilespmem:$0x17B0] =	vst v0  }
0xa6: {  	[tilespmem:$0x1130] =	vst v1;
	v1 =	vadd.s32 s31, v7  }
0xa7: {  	[tilespmem:$0x11B0] =	vst v1;
	v1 =	vadd.s32 s31, v8  }
0xa8: {  	[tilespmem:$0x1230] =	vst v1;
	v1 =	vadd.s32 s31, v9  }
0xa9: {  	[tilespmem:$0x12B0] =	vst v1;
	v1 =	vadd.s32 s31, v10  }
0xaa: {  	[tilespmem:$0x1330] =	vst v1;
	v1 =	vadd.s32 s31, v11  }
0xab: {  	[tilespmem:$0x13B0] =	vst v1;
	v1 =	vadd.s32 s31, v12  }
0xac: {  	[tilespmem:$0x1430] =	vst v1;
	v1 =	vadd.s32 s31, v13  }
0xad: {  	[tilespmem:$0x14B0] =	vst v1;
	v1 =	vadd.s32 s31, v14  }
0xae: {  	[tilespmem:$0x1530] =	vst v1;
	v1 =	vadd.s32 s31, v15  }
0xaf: {  	[tilespmem:$0x15B0] =	vst v1;
	v1 =	vadd.s32 s31, v16  }
0xb0: {  	[tilespmem:$0x1630] =	vst v1;
	v1 =	vadd.s32 s31, v17  }
0xb1: {  	[tilespmem:$0x16B0] =	vst v1;
	v1 =	vadd.s32 s31, v18  }
0xb2: {  	[tilespmem:$0x1730] =	vst v1  }
0xb3: {  	v0 =	vld [tilespmem:s30+$0x10];
	_ =	sdelay $0x4  }
0xb4: {  	v19 =	vshll.u32 v0, $0x4  }
0xb5: {  	v0 =	vand.u32 $0x7F, v0;
	v1 =	vand.u32 $0xFFFFF800, v19  }
0xb6: {  	v0 =	vor.u32 v0, v1  }
0xb7: {  	[tilespmem:$0x1840] =	vst v0;
	v1 =	vadd.s32 s31, v0  }
0xb8: {  	v20 =	vor.u32 $0x80, v0;
	[tilespmem:$0x1040] =	vst v1  }
0xb9: {  	v21 =	vor.u32 $0x100, v0;
	[tilespmem:$0x18C0] =	vst v20  }
0xba: {  	v22 =	vor.u32 $0x180, v0;
	[tilespmem:$0x1940] =	vst v21  }
0xbb: {  	v23 =	vor.u32 $0x200, v0;
	[tilespmem:$0x19C0] =	vst v22  }
0xbc: {  	v24 =	vor.u32 $0x280, v0;
	[tilespmem:$0x1A40] =	vst v23  }
0xbd: {  	v25 =	vor.u32 $0x300, v0;
	[tilespmem:$0x1AC0] =	vst v24  }
0xbe: {  	v26 =	vor.u32 $0x380, v0;
	[tilespmem:$0x1B40] =	vst v25  }
0xbf: {  	v27 =	vor.u32 $0x400, v0;
	[tilespmem:$0x1BC0] =	vst v26  }
0xc0: {  	v28 =	vor.u32 $0x480, v0;
	[tilespmem:$0x1C40] =	vst v27  }
0xc1: {  	v29 =	vor.u32 $0x500, v0;
	[tilespmem:$0x1CC0] =	vst v28  }
0xc2: {  	v30 =	vor.u32 $0x580, v0;
	[tilespmem:$0x1D40] =	vst v29  }
0xc3: {  	v31 =	vor.u32 $0x600, v0;
	[tilespmem:$0x1DC0] =	vst v30  }
0xc4: {  	v32 =	vor.u32 $0x680, v0;
	[tilespmem:$0x1E40] =	vst v31  }
0xc5: {  	v33 =	vor.u32 $0x700, v0;
	[tilespmem:$0x1EC0] =	vst v32  }
0xc6: {  	v0 =	vor.u32 $0x780, v0;
	[tilespmem:$0x1F40] =	vst v33  }
0xc7: {  	v1 =	vadd.s32 s31, v20;
	[tilespmem:$0x1FC0] =	vst v0  }
0xc8: {  	v0 =	vadd.s32 s31, v0;
	[tilespmem:$0x10C0] =	vst v1  }
0xc9: {  	v1 =	vadd.s32 s31, v21;
	[tilespmem:$0x17C0] =	vst v0  }
0xca: {  	[tilespmem:$0x1140] =	vst v1;
	v1 =	vadd.s32 s31, v22  }
0xcb: {  	[tilespmem:$0x11C0] =	vst v1;
	v1 =	vadd.s32 s31, v23  }
0xcc: {  	[tilespmem:$0x1240] =	vst v1;
	v1 =	vadd.s32 s31, v24  }
0xcd: {  	[tilespmem:$0x12C0] =	vst v1;
	v1 =	vadd.s32 s31, v25  }
0xce: {  	[tilespmem:$0x1340] =	vst v1;
	v1 =	vadd.s32 s31, v26  }
0xcf: {  	[tilespmem:$0x13C0] =	vst v1;
	v1 =	vadd.s32 s31, v27  }
0xd0: {  	[tilespmem:$0x1440] =	vst v1;
	v1 =	vadd.s32 s31, v28  }
0xd1: {  	[tilespmem:$0x14C0] =	vst v1;
	v1 =	vadd.s32 s31, v29  }
0xd2: {  	[tilespmem:$0x1540] =	vst v1;
	v1 =	vadd.s32 s31, v30  }
0xd3: {  	[tilespmem:$0x15C0] =	vst v1;
	v1 =	vadd.s32 s31, v31  }
0xd4: {  	[tilespmem:$0x1640] =	vst v1;
	v1 =	vadd.s32 s31, v32  }
0xd5: {  	[tilespmem:$0x16C0] =	vst v1;
	v1 =	vadd.s32 s31, v33  }
0xd6: {  	[tilespmem:$0x1740] =	vst v1  }
0xd7: {  	v0 =	vld [tilespmem:s30+$0x20];
	_ =	sdelay $0x4  }
0xd8: {  	v34 =	vshll.u32 v0, $0x4  }
0xd9: {  	v0 =	vand.u32 $0x7F, v0;
	v1 =	vand.u32 $0xFFFFF800, v34  }
0xda: {  	v0 =	vor.u32 v0, v1  }
0xdb: {  	[tilespmem:$0x1850] =	vst v0;
	v1 =	vadd.s32 s31, v0  }
0xdc: {  	v35 =	vor.u32 $0x80, v0;
	[tilespmem:$0x1050] =	vst v1  }
0xdd: {  	v36 =	vor.u32 $0x100, v0;
	[tilespmem:$0x18D0] =	vst v35  }
0xde: {  	v37 =	vor.u32 $0x180, v0;
	[tilespmem:$0x1950] =	vst v36  }
0xdf: {  	v38 =	vor.u32 $0x200, v0;
	[tilespmem:$0x19D0] =	vst v37  }
0xe0: {  	v39 =	vor.u32 $0x280, v0;
	[tilespmem:$0x1A50] =	vst v38  }
0xe1: {  	v40 =	vor.u32 $0x300, v0;
	[tilespmem:$0x1AD0] =	vst v39  }
0xe2: {  	v41 =	vor.u32 $0x380, v0;
	[tilespmem:$0x1B50] =	vst v40  }
0xe3: {  	v42 =	vor.u32 $0x400, v0;
	[tilespmem:$0x1BD0] =	vst v41  }
0xe4: {  	v43 =	vor.u32 $0x480, v0;
	[tilespmem:$0x1C50] =	vst v42  }
0xe5: {  	v44 =	vor.u32 $0x500, v0;
	[tilespmem:$0x1CD0] =	vst v43  }
0xe6: {  	v45 =	vor.u32 $0x580, v0;
	[tilespmem:$0x1D50] =	vst v44  }
0xe7: {  	v46 =	vor.u32 $0x600, v0;
	[tilespmem:$0x1DD0] =	vst v45  }
0xe8: {  	v47 =	vor.u32 $0x680, v0;
	[tilespmem:$0x1E50] =	vst v46  }
0xe9: {  	v48 =	vor.u32 $0x700, v0;
	[tilespmem:$0x1ED0] =	vst v47  }
0xea: {  	v0 =	vor.u32 $0x780, v0;
	[tilespmem:$0x1F50] =	vst v48  }
0xeb: {  	v1 =	vadd.s32 s31, v35;
	[tilespmem:$0x1FD0] =	vst v0  }
0xec: {  	v0 =	vadd.s32 s31, v0;
	[tilespmem:$0x10D0] =	vst v1  }
0xed: {  	v1 =	vadd.s32 s31, v36;
	[tilespmem:$0x17D0] =	vst v0  }
0xee: {  	[tilespmem:$0x1150] =	vst v1;
	v1 =	vadd.s32 s31, v37  }
0xef: {  	[tilespmem:$0x11D0] =	vst v1;
	v1 =	vadd.s32 s31, v38  }
0xf0: {  	[tilespmem:$0x1250] =	vst v1;
	v1 =	vadd.s32 s31, v39  }
0xf1: {  	[tilespmem:$0x12D0] =	vst v1;
	v1 =	vadd.s32 s31, v40  }
0xf2: {  	[tilespmem:$0x1350] =	vst v1;
	v1 =	vadd.s32 s31, v41  }
0xf3: {  	[tilespmem:$0x13D0] =	vst v1;
	v1 =	vadd.s32 s31, v42  }
0xf4: {  	[tilespmem:$0x1450] =	vst v1;
	v1 =	vadd.s32 s31, v43  }
0xf5: {  	[tilespmem:$0x14D0] =	vst v1;
	v1 =	vadd.s32 s31, v44  }
0xf6: {  	[tilespmem:$0x1550] =	vst v1;
	v1 =	vadd.s32 s31, v45  }
0xf7: {  	[tilespmem:$0x15D0] =	vst v1;
	v1 =	vadd.s32 s31, v46  }
0xf8: {  	[tilespmem:$0x1650] =	vst v1;
	v1 =	vadd.s32 s31, v47  }
0xf9: {  	[tilespmem:$0x16D0] =	vst v1;
	v1 =	vadd.s32 s31, v48  }
0xfa: {  	[tilespmem:$0x1750] =	vst v1  }
0xfb: {  	v0 =	vld [tilespmem:s30+$0x30];
	_ =	sdelay $0x4  }
0xfc: {  	v49 =	vshll.u32 v0, $0x4  }
0xfd: {  	v0 =	vand.u32 $0x7F, v0;
	v1 =	vand.u32 $0xFFFFF800, v49  }
0xfe: {  	v0 =	vor.u32 v0, v1  }
0xff: {  	[tilespmem:$0x1860] =	vst v0;
	v1 =	vadd.s32 s31, v0  }
0x100: {  	v50 =	vor.u32 $0x80, v0;
	[tilespmem:$0x1060] =	vst v1  }
0x101: {  	v51 =	vor.u32 $0x100, v0;
	[tilespmem:$0x18E0] =	vst v50  }
0x102: {  	v52 =	vor.u32 $0x180, v0;
	[tilespmem:$0x1960] =	vst v51  }
0x103: {  	v53 =	vor.u32 $0x200, v0;
	[tilespmem:$0x19E0] =	vst v52  }
0x104: {  	v54 =	vor.u32 $0x280, v0;
	[tilespmem:$0x1A60] =	vst v53  }
0x105: {  	v55 =	vor.u32 $0x300, v0;
	[tilespmem:$0x1AE0] =	vst v54  }
0x106: {  	v56 =	vor.u32 $0x380, v0;
	[tilespmem:$0x1B60] =	vst v55  }
0x107: {  	v57 =	vor.u32 $0x400, v0;
	[tilespmem:$0x1BE0] =	vst v56  }
0x108: {  	v58 =	vor.u32 $0x480, v0;
	[tilespmem:$0x1C60] =	vst v57  }
0x109: {  	v59 =	vor.u32 $0x500, v0;
	[tilespmem:$0x1CE0] =	vst v58  }
0x10a: {  	v60 =	vor.u32 $0x580, v0;
	[tilespmem:$0x1D60] =	vst v59  }
0x10b: {  	v61 =	vor.u32 $0x600, v0;
	[tilespmem:$0x1DE0] =	vst v60  }
0x10c: {  	v62 =	vor.u32 $0x680, v0;
	[tilespmem:$0x1E60] =	vst v61  }
0x10d: {  	v63 =	vor.u32 $0x700, v0;
	[tilespmem:$0x1EE0] =	vst v62  }
0x10e: {  	v0 =	vor.u32 $0x780, v0;
	[tilespmem:$0x1F60] =	vst v63  }
0x10f: {  	v1 =	vadd.s32 s31, v50;
	[tilespmem:$0x1FE0] =	vst v0  }
0x110: {  	v0 =	vadd.s32 s31, v0;
	[tilespmem:$0x10E0] =	vst v1  }
0x111: {  	v1 =	vadd.s32 s31, v51;
	[tilespmem:$0x17E0] =	vst v0  }
0x112: {  	[tilespmem:$0x1160] =	vst v1;
	v1 =	vadd.s32 s31, v52  }
0x113: {  	[tilespmem:$0x11E0] =	vst v1;
	v1 =	vadd.s32 s31, v53  }
0x114: {  	[tilespmem:$0x1260] =	vst v1;
	v1 =	vadd.s32 s31, v54  }
0x115: {  	[tilespmem:$0x12E0] =	vst v1;
	v1 =	vadd.s32 s31, v55  }
0x116: {  	[tilespmem:$0x1360] =	vst v1;
	v1 =	vadd.s32 s31, v56  }
0x117: {  	[tilespmem:$0x13E0] =	vst v1;
	v1 =	vadd.s32 s31, v57  }
0x118: {  	[tilespmem:$0x1460] =	vst v1;
	v1 =	vadd.s32 s31, v58  }
0x119: {  	[tilespmem:$0x14E0] =	vst v1;
	v1 =	vadd.s32 s31, v59  }
0x11a: {  	[tilespmem:$0x1560] =	vst v1;
	v1 =	vadd.s32 s31, v60  }
0x11b: {  	s1 =	rddreg [dreg:$0x4];
	[tilespmem:$0x15E0] =	vst v1;
	v1 =	vadd.s32 s31, v61  }
0x11c: {  	s4 =	rddreg [dreg:$0x5];
	[tilespmem:$0x1660] =	vst v1;
	v1 =	vadd.s32 s31, v62  }
0x11d: {  	s5 =	rddreg [dreg:$0x6];
	[tilespmem:$0x16E0] =	vst v1;
	v1 =	vadd.s32 s31, v63  }
0x11e: {  	s6 =	rddreg [dreg:$0xa];
	[tilespmem:$0x1760] =	vst v1  }
0x11f: {  	[tilespmem:s9], [sflag:$0x1] =	stream.indirect.gather [hbm4b:s3+s8], $0x1, s1, s8, $0xb8;
	[tilespmem:$0x2800] =	vst v63  }
0x120: {  	s1 =	rddreg [dreg:$0x7]  }
0x121: {  	[tilespmem:s5], [sflag:$0x1] =	stream.indirect.gather [hbm4b:s3+s8], $0x1, s4, s8, $0xb8;
	[tilespmem:$0x2800] =	vst v63  }
0x122: {  	s4 =	rddreg [dreg:$0x8]  }
0x123: {  	s5 =	rddreg [dreg:$0x9]  }
0x124: {  	[tilespmem:s4], [sflag:$0x1] =	stream.indirect.gather [hbm4b:s3+s8], $0x1, s1, s8, $0xb8;
	[tilespmem:$0x2800] =	vst v63  }
0x125: {  	s1 =	rddreg [dreg:$0xb]  }
0x126: {  	s4 =	rddreg [dreg:$0xc]  }
0x127: {  	[tilespmem:s6], [sflag:$0x1] =	stream.indirect.gather [hbm4b:s3+s8], $0x1, s5, s8, $0xb8;
	[tilespmem:$0x2800] =	vst v63  }
0x128: {  	s5 =	rddreg [dreg:$0xd]  }
0x129: {  	s6 =	rddreg [dreg:$0xe]  }
0x12a: {  	[tilespmem:s4], [sflag:$0x1] =	stream.indirect.gather [hbm4b:s3+s8], $0x1, s1, s8, $0xb8;
	[tilespmem:$0x2800] =	vst v63  }
0x12b: {  	s1 =	rddreg [dreg:$0xf]  }
0x12c: {  	s4 =	rddreg [dreg:$0x10]  }
0x12d: {  	[tilespmem:s6], [sflag:$0x1] =	stream.indirect.gather [hbm4b:s3+s8], $0x1, s5, s8, $0xb8;
	[tilespmem:$0x2800] =	vst v63  }
0x12e: {  	s5 =	rddreg [dreg:$0x11]  }
0x12f: {  	[tilespmem:s4], [sflag:$0x1] =	stream.indirect.gather [hbm4b:s3+s8], $0x1, s1, s8, $0xb8;
	[tilespmem:$0x2800] =	vst v63  }
0x130: {  	s6 =	rddreg [dreg:$0x12]  }
0x131: {  	[tilespmem:s6], [sflag:$0x1] =	stream.indirect.gather [hbm4b:s3+s8], $0x1, s5, s8, $0xb8;
	[tilespmem:$0x2800] =	vst v63  }
0x132: {  	_ = 	snop  }
0x133: {  	[tilespmem:s11], [sflag:$0x1] =	stream.indirect.gather [hbm4b:s3+s8], $0x1, s10, s8, $0xb8;
	[tilespmem:$0x2800] =	vst v63  }
0x134: {  	_ = 	snop  }
0x135: {  	[tilespmem:s13], [sflag:$0x1] =	stream.indirect.gather [hbm4b:s3+s8], $0x1, s12, s8, $0xb8;
	[tilespmem:$0x2800] =	vst v63  }
0x136: {  	_ = 	snop  }
0x137: {  	[tilespmem:s15], [sflag:$0x1] =	stream.indirect.gather [hbm4b:s3+s8], $0x1, s14, s8, $0xb8;
	[tilespmem:$0x2800] =	vst v63  }
0x138: {  	_ = 	snop  }
0x139: {  	[tilespmem:s17], [sflag:$0x1] =	stream.indirect.gather [hbm4b:s3+s8], $0x1, s16, s8, $0xb8;
	[tilespmem:$0x2800] =	vst v63  }
0x13a: {  	_ = 	snop  }
0x13b: {  	[tilespmem:s19], [sflag:$0x1] =	stream.indirect.gather [hbm4b:s3+s8], $0x1, s18, s8, $0xb8;
	[tilespmem:$0x2800] =	vst v63  }
0x13c: {  	_ = 	snop  }
0x13d: {  	[tilespmem:s21], [sflag:$0x1] =	stream.indirect.gather [hbm4b:s3+s8], $0x1, s20, s8, $0xb8;
	[tilespmem:$0x2800] =	vst v63  }
0x13e: {  	_ = 	snop  }
0x13f: {  	[tilespmem:s23], [sflag:$0x1] =	stream.indirect.gather [hbm4b:s3+s8], $0x1, s22, s8, $0xb8;
	[tilespmem:$0x2800] =	vst v63  }
0x140: {  	_ = 	snop  }
0x141: {  	[tilespmem:s25], [sflag:$0x1] =	stream.indirect.gather [hbm4b:s3+s8], $0x1, s24, s8, $0xb8;
	[tilespmem:$0x2800] =	vst v63  }
0x142: {  	_ =	swait.ge [sflag:s26], $0x70  }
0x143: {  	[sflag:s26] =	ssyncset.done $0x0  }
0x144: {  	[sflag:s26] =	ssyncadd.s32 $0xFFFFFF90  }
0x145: {  	_ =	swait.ge [sflag:s26], $0x70  }
0x146: {  	[sflag:s26] =	ssyncset.done $0x0  }
0x147: {  	[sflag:s26] =	ssyncadd.s32 $0xFFFFFF90  }
0x148: {  	_ =	swait.ge [sflag:s26], $0x70  }
0x149: {  	[sflag:s26] =	ssyncset.done $0x0  }
0x14a: {  	[sflag:s26] =	ssyncadd.s32 $0xFFFFFF90  }
0x14b: {  	_ =	swait.ge [sflag:s26], $0x70  }
0x14c: {  	[sflag:s26] =	ssyncset.done $0x0  }
0x14d: {  	[sflag:s26] =	ssyncadd.s32 $0xFFFFFF90  }
0x14e: {  	_ =	swait.ge [sflag:s26], $0x70  }
0x14f: {  	[sflag:s26] =	ssyncset.done $0x0  }
0x150: {  	[sflag:s26] =	ssyncadd.s32 $0xFFFFFF90  }
0x151: {  	_ =	swait.ge [sflag:s26], $0x70  }
0x152: {  	[sflag:s26] =	ssyncset.done $0x0  }
0x153: {  	[sflag:s26] =	ssyncadd.s32 $0xFFFFFF90  }
0x154: {  	_ =	swait.ge [sflag:s26], $0x70  }
0x155: {  	[sflag:s26] =	ssyncset.done $0x0  }
0x156: {  	[sflag:s26] =	ssyncadd.s32 $0xFFFFFF90  }
0x157: {  	_ =	swait.ge [sflag:s26], $0x70  }
0x158: {  	[sflag:s26] =	ssyncset.done $0x0  }
0x159: {  	[sflag:s26] =	ssyncadd.s32 $0xFFFFFF90  }
0x15a: {  	_ =	swait.ge [sflag:s26], $0x70  }
0x15b: {  	[sflag:s26] =	ssyncset.done $0x0  }
0x15c: {  	[sflag:s26] =	ssyncadd.s32 $0xFFFFFF90  }
0x15d: {  	_ =	swait.ge [sflag:s26], $0x70  }
0x15e: {  	[sflag:s26] =	ssyncset.done $0x0  }
0x15f: {  	[sflag:s26] =	ssyncadd.s32 $0xFFFFFF90  }
0x160: {  	_ =	swait.ge [sflag:s26], $0x70  }
0x161: {  	[sflag:s26] =	ssyncset.done $0x0  }
0x162: {  	[sflag:s26] =	ssyncadd.s32 $0xFFFFFF90  }
0x163: {  	_ =	swait.ge [sflag:s26], $0x70  }
0x164: {  	[sflag:s26] =	ssyncset.done $0x0  }
0x165: {  	[sflag:s26] =	ssyncadd.s32 $0xFFFFFF90  }
0x166: {  	_ =	swait.ge [sflag:s26], $0x70  }
0x167: {  	[sflag:s26] =	ssyncset.done $0x0  }
0x168: {  	[sflag:s26] =	ssyncadd.s32 $0xFFFFFF90  }
0x169: {  	_ =	swait.ge [sflag:s26], $0x70  }
0x16a: {  	[sflag:s26] =	ssyncset.done $0x0  }
0x16b: {  	[sflag:s26] =	ssyncadd.s32 $0xFFFFFF90  }
0x16c: {  	_ =	swait.ge [sflag:s26], $0x70  }
0x16d: {  	[sflag:s26] =	ssyncset.done $0x0  }
0x16e: {  	[sflag:s26] =	ssyncadd.s32 $0xFFFFFF90  }
0x16f: {  	_ =	swait.ge [sflag:s26], $0x70  }
0x170: {  	s5 =	rddreg [dreg:$0x3];
	[sflag:s26] =	ssyncset.done $0x0  }
0x171: {  	[sflag:s26] =	ssyncadd.s32 $0xFFFFFF90;
	s1 =	sadd.s32 s0, s5  }
0x172: {  	[hbm4b:s1+s2] =	stream.linear.scatter [tilespmem:s9], [sflag:$0x2], $0x800, $0x38;
	[tilespmem:$0x2800] =	vst v63  }
0x173: {  	_ =	swait.ge [sflag:s7], $0x800  }
0x174: {  	p0 =	sne.s32 s0, $0x1F00;
	s6 =	rddreg [dreg:$0x2];
	[sflag:s7] =	ssyncset.done $0x0  }
.Ltmp0:
0x175: {  	[sflag:s7] =	ssyncadd.s32 $0xFFFFF800;
	s1 =	sadd.s32 s0, s6;
	(pc) =	sbr.rel @p0 .LBB2_2-.Ltmp0, $4  }
0x176: {  	[hbm4b:s1+s2] =	stream.linear.scatter [tilespmem:s28], [sflag:$0x2], $0x800, $0x38;
	[tilespmem:$0x2800] =	vst v63  }
0x177: {  	_ =	swait.ge [sflag:s7], $0x800  }
0x178: {  	s30 =	sadd.s32 $0x80, s30;
	[sflag:s7] =	ssyncset.done $0x0  }
0x179: {  	s31 =	sadd.s32 $0x18800, s31;
	s0 =	sadd.s32 $0x100, s0;
	[sflag:s7] =	ssyncadd.s32 $0xFFFFF800  }
0x17a: {  	s29 =	sadd.s32 $0x1, s29;
	s0 =	rddreg [dreg:$0x14]  }
0x17b: {  	p0 =	sne.s32 s29, s0  }
.Ltmp1:
0x17c: {  	_ = 	snop;
	(pc) =	sbr.rel @p0 .LBB2_1-.Ltmp1, $1  }
0x17d: {  	_ =	sdelay $0x3  }
0x17e: {  	_ =	sfence.sel $0x180000  }
0x17f: {  	[bflag:$0x0] =	sbarrier.arrive $0xFFFF  }
0x180: {  	_ =	strace $0x9000004A  }
0x181: {  	s0 =	stileid.u32;
	[bflag:$0x2] =	sbarrier.arrive $0xFFFF  }
0x182: {  	p0 =	sne.s32 s0, $0x0;
	s0 =	rddreg [dreg:$0x1]  }
0x183: {  	s0 =	sadd.s32 @!p0 $0x100000, s0  }
0x184: {  	[sflag:s0] =	ssyncadd.tile.s32 @!p0 $0x1;
	_ =	shalt  }
.Lfunc_end2:
_tile_overlayer_lowered:
.L_overlay_start_2:
0x185: {  	(tag) =	ssettag $0x2  }
0x186: {  	s0 =	rddreg [dreg:$0x0];
	s2 =	stileid.u32  }
0x187: {  	s1 =	rddreg [dreg:$0x1];
	p0 =	sne.s32 s2, $0x0  }
0x188: {  	s3 =	rddreg [dreg:$0x2];
	[bflag:$0x3] =	sbarrier.arrive $0xFFFF;
	s2 =	simm.s32 @!p0 $0x1C02  }
0x189: {  	[timem:s3], [sflag:s2] =	dma.local @!p0 [hbm:s0], s1  }
0x18a: {  	s0 =	simm.s32 @!p0 $0x2  }
0x18b: {  	_ =	swait.ge @!p0 [sflag:s0], s1  }
0x18c: {  	s1 =	ssub.s32 @!p0 $0x0, s1;
	[sflag:s0] =	ssyncset.done @!p0 $0x0  }
0x18d: {  	[sflag:s0] =	ssyncadd.s32 @!p0 s1  }
0x18e: {  	[bflag:$0x3] =	sbarrier.arrive $0xFFFF  }
0x18f: {  	_ =	shalt  }

// kernel: sparse-core-data-format-call.cloned.1.call-start
scs
called_computation_lowered:
.L_overlay_start_0:
0x0: {  	s1 =	sld [smem:$0x3FD9]  }
0x1: {  	s2 =	sld [smem:$0x3FFE];
	_ =	sdelay $0x1  }
0x2: {  	s3 =	srdreg.scid  }
0x3: {  	s0 =	sand.u32 $0x1, s3  }
0x4: {  	s17 =	sshll.u32 s0, $0xA;
	s1 =	sadd.s32 s2, s1  }
0x5: {  	s1 =	sadd.s32 s1, s17  }
0x6: {  	[smem:$0x3FC5] =	sst s1  }
0x7: {  	_ = 	snop  }
0x8: {  	(tm) =	ssettm $0x1  }
0x9: {  	s18 =	sld [smem:$0x3FFB];
	_ =	sdelay $0x3  }
0xa: {  	_ =	strace s18  }
0xb: {  	s1 =	sld [smem:$0x3FFC];
	_ =	sdelay $0x3  }
0xc: {  	_ =	strace s1  }
0xd: {  	s1 =	sld [smem:$0x3FFD];
	_ =	sdelay $0x3  }
0xe: {  	_ =	strace s1  }
0xf: {  	_ =	strace $0x8FFFFFFF  }
0x10: {  	s19 =	sld [smem:$0x3FDB];
	_ =	sdelay $0x1  }
0x11: {  	s20 =	simm.s32 $_scs_section_size  }
0x12: {  	s4 =	simm.s32 $_size__tile_overlayer_lowered;
	s5 =	simm.s32 $_tile_overlayer_lowered  }
0x13: {  	s23 =	simm.s32 $0x1BFF;
	s22 =	sshll.u32 s5, $0x1;
	s1 =	sadd.s32 s20, s19  }
0x14: {  	s6 =	simm.s32 $0x0;
	s21 =	sshll.u32 s4, $0x1;
	s4 =	sadd.s32 s22, s1  }
0x15: {  	[timem:s6], [sflag:s23] =	dma.local [hbm:s4], s21  }
0x16: {  	_ =	swait.ge [sflag:s23], s21  }
0x17: {  	s2 =	ssub.s32 $0x0, s21;
	[sflag:s23] =	ssyncset.done $0x0  }
0x18: {  	[sflag:s23] =	ssyncadd.s32 s2;
	_ =	sdelay $0x1  }
0x19: {  	s24 =	simm.s32 $0x1B8B  }
0x1a: {  	_ =	swait.ge [sflag:s24], $0x1  }
0x1b: {  	[sflag:s24] =	ssyncset.done $0x0  }
0x1c: {  	s26 =	simm.s32 $0x1B8E;
	s25 =	sld [smem:$0x3FFE];
	[sflag:s24] =	ssyncadd.s32 $0xFFFFFFFF  }
0x1d: {  	s27 =	simm.s32 $execute0_lowered;
	[smem:$0x3FD2] =	sst s26  }
0x1e: {  	s4 =	sshll.u32 s27, $0x1;
	_ =	strace $0x80000046;
	[dreg:$0x1] =	wrdreg $0xFFFFFFFF  }
0x1f: {  	s28 =	simm.s32 $_size_execute0_lowered;
	s1 =	sadd.s32 s1, s4;
	[dreg:$0x0] =	wrdreg $0x0  }
0x20: {  	s4 =	sshll.u32 s28, $0x1;
	[dreg:$0x2] =	wrdreg s1  }
0x21: {  	[dreg:$0x3] =	wrdreg s4  }
0x22: {  	[dreg:$0x4] =	wrdreg $0xC0  }
0x23: {  	_ =	task [dreg:s6], $0x5FFFF  }
0x24: {  	[dreg:$0x1] =	wrdreg $0xFFFFFFFF  }
0x25: {  	[dreg:$0x0] =	wrdreg $0x60  }
0x26: {  	[dreg:$0x2] =	wrdreg s25  }
0x27: {  	[dreg:$0x3] =	wrdreg $0x9  }
0x28: {  	_ =	task.clear_ibuf [dreg:s6], $0x4FFFF;
	_ =	strace $0x90000046  }
0x29: {  	s29 =	simm.s32 $0x9;
	_ =	strace $0x80000048  }
0x2a: {  	_ =	swait.ge [sflag:s29], $0x1  }
0x2b: {  	[sflag:s29] =	ssyncadd.s32 $0xFFFFFFFF  }
0x2c: {  	_ =	strace $0x90000048  }
0x2d: {  	_ =	sfence  }
0x2e: {  	s30 =	sld [smem:$0x0];
	_ =	sdelay $0x2  }
0x2f: {  	s31 =	sshll.u32 s3, $0xD;
	s3 =	sshrl.u32 s3, $0x2  }
0x30: {  	s2 =	sand.u32 $0x4000, s31;
	s1 =	sadd.s32 s3, s30  }
0x31: {  	s0 =	sor.u32 s2, s0;
	s1 =	sshll.u32 s1, $0x11  }
0x32: {  	s0 =	sor.u32 s1, s0  }
0x33: {  	s0 =	sadd.s32 $0x8F2B, s0  }
0x34: {  	[sflag:s0] =	ssyncadd.remote.s32 $0x1  }
0x35: {  	_ =	sfence.sel $0xFFFF  }
0x36: {  	[dreg:$0x0] =	wrdreg $0xFFFFFFFF;
	(pc) =	sbr.abs _section_cstart, $3  }
0x37: {  	[dreg:$0x1] =	wrdreg $0xFFFFFFFF  }
0x38: {  	_ =	task.clear_ibuf [dreg:s6], $0x2FFFF;
	_ =	strace $0x9FFFFFFF  }
0x39: {  	(tm) =	ssettm $0x7FFFFFFF  }
tec
execute0_lowered:
.L_overlay_start_1:
0x0: {  	(tag) =	ssettag $0x1  }
0x1: {  	s1 =	rddreg [dreg:$0x0]  }
0x2: {  	s0 =	rddreg [dreg:$0x1]  }
0x3: {  	_ =	strace $0x80000047;
	s4 =	srdreg.scid;
	s6 =	simm.s32 $0x2  }
0x4: {  	s11 =	simm.s32 $0x0;
	p0 =	por $0x0, $0x0;
	s7 =	simm.s32 $0x18800  }
.Ltmp0:
0x5: {  	s12 =	simm.s32 $0x0;
	s9 =	simm.s32 $0x0;
	(pc) =	sbr.rel .LBB1_1-.Ltmp0, $4  }
0x6: {  	s2 =	sadd.s32 $0x24D600, s1;
	s3 =	sadd.s32 $0xE8D600, s1;
	s5 =	sshll.u32 s4, $0x4  }
0x7: {  	s1 =	stileid.u32;
	s4 =	simm.s32 $0x1;
	s5 =	sand.u32 $0x10, s5  }
0x8: {  	s8 =	simm.s32 $0x0;
	[sflag:s4] =	ssyncpa.u1 $0x0;
	s5 =	sor.u32 s1, s5  }
0x9: {  	[sflag:s6] =	ssyncpa.u1 $0x0;
	s6 =	simm.s32 $0x800;
	s10 =	smov.u32 s5  }
.LBB1_7:
0xa: {  	s13 =	sadd.s32 $0x10, s9  }
0xb: {  	s11 =	sadd.s32 $0x20, s10;
	s15 =	smov.u32 s10;
	p2 =	sgt.s32 s13, $0x30F  }
0xc: {  	p1 =	slt.u32 s8, $0x2;
	s15 =	smov.u32 @p2 s11  }
0xd: {  	s8 =	sadd.s32 $0x1, s8;
	s13 =	simm.s32 @p2 $0x0;
	p2 =	sgt.s32 s15, $0x7F  }
0xe: {  	s15 =	smov.u32 @p2 s5;
	p2 =	sne.s32 s8, $0xC6  }
.Ltmp1:
0xf: {  	_ = 	snop;
	(pc) =	sbr.rel @!p2 .LBB1_8-.Ltmp1, $4  }
0x10: {  	s14 =	simm.s32 @!p1 $0x2  }
0x11: {  	s12 =	smov.u32 s10;
	_ =	swait.ge @!p1 [sflag:s14], $0x4000  }
0x12: {  	p0 =	por !p0, !p0;
	s11 =	smov.u32 s9;
	[sflag:s14] =	ssyncset.done @!p1 $0x0  }
0x13: {  	s9 =	smov.u32 s13;
	[sflag:s14] =	ssyncadd.s32 @!p1 $0xFFFFC000;
	s10 =	smov.u32 s15  }
.LBB1_1:
0x14: {  	p1 =	sgt.u32 s8, $0xC3  }
0x15: {  	s13 =	smul.u32 @!p1 $0x18800, s10  }
0x16: {  	s14 =	sxor.u32 @!p1 $0xFFFFFFFF, s8  }
0x17: {  	s15 =	sshll.u32 @!p1 s9, $0x7;
	s14 =	sshll.u32 @!p1 s14, $0xE;
	s13 =	sadd.s32 @!p1 s2, s13  }
0x18: {  	s14 =	sand.u32 @!p1 $0x4000, s14;
	s13 =	sadd.s32 @!p1 s15, s13;
	s15 =	simm.s32 @!p1 $0x0  }
0x19: {  	[tilespmem:s14], [sflag:$0x1] =	stream.linear.gather @!p1 [hbm4b:s13+s15], $0x4000, $0x38;
	[tilespmem:$0x10000] =	vst v63  }
0x1a: {  	p1 =	seq.s32 s8, $0x0  }
0x1b: {  	p2 =	seq.s32 @!p1 s8, $0xC5  }
0x1c: {  	p1 =	por p1, p2  }
.Ltmp2:
0x1d: {  	_ = 	snop;
	(pc) =	sbr.rel @p1 .LBB1_7-.Ltmp2, $1  }
0x1e: {  	_ =	sdelay $0x3  }
0x1f: {  	s13 =	simm.s32 $0x1;
	_ =	swait.ge [sflag:s4], $0x4000;
	s16 =	sshll.u32 s8, $0xE  }
0x20: {  	s13 =	simm.s32 @!p0 $0x0;
	[sflag:s4] =	ssyncset.done $0x0;
	s31 =	sand.u32 $0x4000, s16  }
0x21: {  	s16 =	simm.s32 $0x0;
	s13 =	sshll.u32 s13, $0xE;
	[sflag:s4] =	ssyncadd.s32 $0xFFFFC000  }
0x22: {  	s14 =	sor.u32 $0x8040, s13;
	s15 =	sor.u32 $0x40, s13;
	s13 =	sor.u32 $0x8000, s31  }
.LBB1_3:
0x23: {  	v0 =	vmov s15;
	_ =	sdelay $0x3  }
0x24: {  	s18 =	simm.s32 $0x0  }
0x25: {  	v6 =	vld.idx.msk [tilespmem:v0+s18+$0x30 ss:$0x1], $0xffff  }
0x26: {  	v7 =	vld.idx.msk [tilespmem:v0+s18+$0xFFFFFFC0 ss:$0x1], $0xffff  }
0x27: {  	v5 =	vld.idx.msk [tilespmem:v0+s18+$0xFFFFFFD0 ss:$0x1], $0xffff  }
0x28: {  	v4 =	vld.idx.msk [tilespmem:v0+s18+$0xFFFFFFE0 ss:$0x1], $0xffff  }
0x29: {  	v3 =	vld.idx.msk [tilespmem:v0+s18+$0xFFFFFFF0 ss:$0x1], $0xffff  }
0x2a: {  	v1 =	vld.idx.msk [tilespmem:v0+s18+$0x0 ss:$0x1], $0xffff  }
0x2b: {  	v2 =	vld.idx.msk [tilespmem:v0+s18+$0x10 ss:$0x1], $0xffff;
	[tilespmem:s14+$0x30] =	vst v6  }
0x2c: {  	s17 =	simm.s32 $0x80;
	s19 =	simm.s32 $0x400;
	[tilespmem:s14+$0xFFFFFFC0] =	vst v7;
	v6 =	vld.idx.msk [tilespmem:v0+s18+$0x20 ss:$0x1], $0xffff;
	s18 =	smov.u32 s14  }
.LBB1_4:
0x2d: {  	p1 =	sne.s32 s19, $0xE00;
	v7 =	vld.idx.msk [tilespmem:v0+s17+$0x30 ss:$0x1], $0xffff;
	[tilespmem:s18+$0xFFFFFFD0] =	vst v5  }
0x2e: {  	v8 =	vld.idx.msk [tilespmem:v0+s17+$0xFFFFFFC0 ss:$0x1], $0xffff;
	[tilespmem:s18+$0xFFFFFFE0] =	vst v4  }
0x2f: {  	v5 =	vld.idx.msk [tilespmem:v0+s17+$0xFFFFFFD0 ss:$0x1], $0xffff;
	[tilespmem:s18+$0xFFFFFFF0] =	vst v3  }
.Ltmp3:
0x30: {  	v4 =	vld.idx.msk [tilespmem:v0+s17+$0xFFFFFFE0 ss:$0x1], $0xffff;
	[tilespmem:s18+$0x0] =	vst v1;
	(pc) =	sbr.rel @p1 .LBB1_4-.Ltmp3, $4  }
0x31: {  	v3 =	vld.idx.msk [tilespmem:v0+s17+$0xFFFFFFF0 ss:$0x1], $0xffff;
	[tilespmem:s18+$0x10] =	vst v2  }
0x32: {  	v1 =	vld.idx.msk [tilespmem:v0+s17+$0x0 ss:$0x1], $0xffff;
	[tilespmem:s18+$0x20] =	vst v6;
	s18 =	sadd.s32 $0x800, s18  }
0x33: {  	v2 =	vld.idx.msk [tilespmem:v0+s17+$0x10 ss:$0x1], $0xffff;
	[tilespmem:s18+$0x30] =	vst v7  }
0x34: {  	[tilespmem:s18+$0xFFFFFFC0] =	vst v8;
	v6 =	vld.idx.msk [tilespmem:v0+s17+$0x20 ss:$0x1], $0xffff;
	s17 =	sshra.s32 s19, $0x2;
	s19 =	sadd.s32 $0x200, s19  }
0x35: {  	_ =	sdelay $0x2  }
0x36: {  	[tilespmem:s18+$0xFFFFFFD0] =	vst v5  }
0x37: {  	v56 =	vld.idx.msk [tilespmem:v0+s17+$0x30 ss:$0x1], $0xffff;
	[tilespmem:s18+$0xFFFFFFE0] =	vst v4  }
0x38: {  	v57 =	vld.idx.msk [tilespmem:v0+s17+$0xFFFFFFC0 ss:$0x1], $0xffff;
	[tilespmem:s18+$0xFFFFFFF0] =	vst v3  }
0x39: {  	v58 =	vld.idx.msk [tilespmem:v0+s17+$0xFFFFFFD0 ss:$0x1], $0xffff;
	[tilespmem:s18+$0x0] =	vst v1  }
0x3a: {  	v59 =	vld.idx.msk [tilespmem:v0+s17+$0xFFFFFFE0 ss:$0x1], $0xffff;
	[tilespmem:s18+$0x10] =	vst v2  }
0x3b: {  	v60 =	vld.idx.msk [tilespmem:v0+s17+$0xFFFFFFF0 ss:$0x1], $0xffff;
	s31 =	sadd.s32 $0x800, s18;
	[tilespmem:s18+$0x20] =	vst v6  }
0x3c: {  	v61 =	vld.idx.msk [tilespmem:v0+s17+$0x0 ss:$0x1], $0xffff;
	[tilespmem:s31+$0x30] =	vst v56  }
0x3d: {  	v62 =	vld.idx.msk [tilespmem:v0+s17+$0x10 ss:$0x1], $0xffff;
	s16 =	sadd.s32 $0x1, s16;
	[tilespmem:s31+$0xFFFFFFC0] =	vst v57  }
0x3e: {  	v63 =	vld.idx.msk [tilespmem:v0+s17+$0x20 ss:$0x1], $0xffff;
	p1 =	sne.s32 s16, $0x10;
	[tilespmem:s31+$0xFFFFFFD0] =	vst v58  }
.Ltmp4:
0x3f: {  	[tilespmem:s31+$0xFFFFFFE0] =	vst v59;
	(pc) =	sbr.rel @p1 .LBB1_3-.Ltmp4, $4  }
0x40: {  	[tilespmem:s31+$0xFFFFFFF0] =	vst v60  }
0x41: {  	[tilespmem:s31+$0x0] =	vst v61  }
0x42: {  	[tilespmem:s31+$0x10] =	vst v62  }
0x43: {  	s14 =	sadd.s32 $0x80, s14;
	s15 =	sadd.s32 $0x400, s15;
	[tilespmem:s31+$0x20] =	vst v63  }
0x44: {  	s11 =	sand.u32 $0x1FFFFFF, s11  }
0x45: {  	s14 =	smulhi.u32 $0x14E5E0B, s11;
	_ =	sdelay $0x1  }
0x46: {  	s12 =	smul.u32 $0x18800, s12;
	s14 =	sshrl.u32 s14, $0x2  }
0x47: {  	s14 =	smul.u32 $0x310, s14  }
.Ltmp5:
0x48: {  	_ = 	snop;
	(pc) =	sbr.rel .LBB1_7-.Ltmp5, $4  }
0x49: {  	s11 =	ssub.s32 s11, s14  }
0x4a: {  	s12 =	sadd.s32 s3, s12;
	s11 =	sshll.u32 s11, $0x4  }
0x4b: {  	s11 =	sadd.s32 s11, s12  }
0x4c: {  	[hbm4b:s11+s6] =	stream.strided.scatter [tilespmem:s13], [sflag:$0x2], $0x4000, s7, s6, $0x38;
	[tilespmem:$0x10000] =	vst v63  }
.LBB1_8:
0x4d: {  	_ =	sfence.sel $0x180000  }
0x4e: {  	s2 =	simm.s32 $0x1;
	[bflag:$0x0] =	sbarrier.arrive $0xFFFF  }
0x4f: {  	s31 =	simm.s32 $0x2;
	[sflag:s2] =	ssyncpa.u1 $0x1  }
0x50: {  	[sflag:s31] =	ssyncpa.u1 $0x1  }
0x51: {  	p0 =	sne.s32 s1, $0x0;
	_ =	strace $0x90000047  }
0x52: {  	s0 =	sadd.s32 @!p0 $0x100000, s0;
	[bflag:$0x2] =	sbarrier.arrive $0xFFFF  }
0x53: {  	[sflag:s0] =	ssyncadd.tile.s32 @!p0 $0x1;
	_ =	shalt  }
.Lfunc_end1:
_tile_overlayer_lowered:
.L_overlay_start_2:
0x54: {  	(tag) =	ssettag $0x2  }
0x55: {  	s0 =	rddreg [dreg:$0x0];
	s2 =	stileid.u32  }
0x56: {  	s1 =	rddreg [dreg:$0x1];
	p0 =	sne.s32 s2, $0x0  }
0x57: {  	s3 =	rddreg [dreg:$0x2];
	[bflag:$0x3] =	sbarrier.arrive $0xFFFF;
	s2 =	simm.s32 @!p0 $0x1C01  }
0x58: {  	[timem:s3], [sflag:s2] =	dma.local @!p0 [hbm:s0], s1  }
0x59: {  	s0 =	simm.s32 @!p0 $0x1  }
0x5a: {  	_ =	swait.ge @!p0 [sflag:s0], s1  }
0x5b: {  	s1 =	ssub.s32 @!p0 $0x0, s1;
	[sflag:s0] =	ssyncset.done @!p0 $0x0  }
0x5c: {  	[sflag:s0] =	ssyncadd.s32 @!p0 s1  }
0x5d: {  	[bflag:$0x3] =	sbarrier.arrive $0xFFFF  }
0x5e: {  	_ =	shalt  }

</sc_bundles>
